<compile_context>
chip_gen: v7x
topology: tpu7x:2x2x1
jax: 0.10.2.dev20260603
libtpu: 0.0.44.dev20260713+nightly
codegen_flags: <defaults>
</compile_context>

<pallas_src>
import functools

import jax
import jax.numpy as jnp
from jax import lax
from jax.experimental import pallas as pl
from jax.experimental.pallas import tpu as pltpu
from jax.experimental.pallas import tpu_sc as plsc

N = 10000
E = 320000
D = 128
G = 64
NC, NS, L = 2, 16, 16
NW = NC * NS
NPAD = 10240
EPW = NPAD
EPAD = NW * EPW
CH = 128
NCHUNK = EPW // CH
RCH = 128
CPS = NPAD // RCH // NS
BLK = 1000
NBLK = N // BLK
W16 = 16

def _mesh():
    return plsc.VectorSubcoreMesh(
        core_axis_name="c", subcore_axis_name="s", num_cores=NC, num_subcores=NS)


NBUF = 2
SEGF = 20
NSEGF = NCHUNK // SEGF
ZCH = NPAD // CH // NS


def _feat_body(g_hbm, eidx_hbm, zeros_hbm, part_hbm, acc, ebuf, rows,
               gs0, gs1, ss0, ss1):
    gs = (gs0, gs1)
    ss = (ss0, ss1)
    c = lax.axis_index("c")
    s = lax.axis_index("s")
    wid = s * NC + c

    pltpu.sync_copy(zeros_hbm, rows.at[0])
    for k in range(ZCH):
        row0 = (s * ZCH + k) * CH
        pltpu.sync_copy(rows.at[0], acc.at[pl.ds(row0, CH)])
    plsc.subcore_barrier()

    @pl.loop(0, NSEGF)
    def _(seg):
        pltpu.sync_copy(eidx_hbm.at[wid, pl.ds(seg * SEGF, SEGF)], ebuf)
        for b in range(NBUF):
            pltpu.async_copy(g_hbm.at[ebuf.at[b, 0]], rows.at[b], gs[b])

        @pl.loop(0, SEGF, step=NBUF)
        def _(q):
            for b in range(NBUF):
                j = q + b
                pltpu.make_async_copy(g_hbm.at[ebuf.at[j, 0]], rows.at[b], gs[b]).wait()
                pltpu.async_copy(rows.at[b], acc.at[ebuf.at[j, 1]], ss[b], add=True)

                @pl.when(j + NBUF < SEGF)
                def _():
                    pltpu.make_async_copy(rows.at[b], acc.at[ebuf.at[j, 1]], ss[b]).wait()
                    pltpu.async_copy(g_hbm.at[ebuf.at[j + NBUF, 0]], rows.at[b], gs[b])

        for b in range(NBUF):
            pltpu.make_async_copy(rows.at[b], acc.at[ebuf.at[0, 1]], ss[b]).wait()

    plsc.subcore_barrier()
    for k in range(CPS):
        row0 = (s * CPS + k) * RCH
        pltpu.sync_copy(acc.at[pl.ds(row0, RCH)], part_hbm.at[c, pl.ds(row0, RCH)])


NDBUF = 4


def _deg_body(eidx_hbm, ones_hbm, zeros_hbm, part_hbm, acc, ebuf, ones_v,
              ss0, ss1, ss2, ss3):
    ss = (ss0, ss1, ss2, ss3)
    c = lax.axis_index("c")
    s = lax.axis_index("s")
    wid = s * NC + c

    pltpu.sync_copy(eidx_hbm.at[wid], ebuf)
    pltpu.sync_copy(zeros_hbm, ones_v)
    for k in range(CPS):
        row0 = (s * CPS + k) * RCH
        pltpu.sync_copy(ones_v, acc.at[pl.ds(row0, RCH)])
    pltpu.sync_copy(ones_hbm, ones_v)
    plsc.subcore_barrier()

    @pl.loop(0, NCHUNK, step=NDBUF)
    def _(g):
        for b in range(NDBUF):
            i = g + b

            @pl.when(g >= NDBUF)
            def _():
                pltpu.make_async_copy(ones_v, acc.at[ebuf.at[i, 1]], ss[b]).wait()

            pltpu.async_copy(ones_v, acc.at[ebuf.at[i, 1]], ss[b], add=True)

    for b in range(NDBUF):
        i = NCHUNK - NDBUF + b
        pltpu.make_async_copy(ones_v, acc.at[ebuf.at[i, 1]], ss[b]).wait()

    plsc.subcore_barrier()
    for k in range(CPS):
        row0 = (s * CPS + k) * RCH
        pltpu.sync_copy(acc.at[pl.ds(row0, RCH)], part_hbm.at[c, pl.ds(row0, RCH)])


@functools.cache
def _feat_kernel():
    return pl.kernel(
        _feat_body,
        out_type=jax.ShapeDtypeStruct((NC, NPAD, D), jnp.float32),
        mesh=_mesh(),
        scratch_types=[
            pltpu.VMEM_SHARED((NPAD, D), jnp.float32),
            pltpu.VMEM((SEGF, 2, CH), jnp.int32),
            pltpu.VMEM((NBUF, CH, D), jnp.float32),
        ] + [pltpu.SemaphoreType.DMA] * (2 * NBUF),
    )


@functools.cache
def _deg_kernel():
    return pl.kernel(
        _deg_body,
        out_type=jax.ShapeDtypeStruct((NC, NPAD, D), jnp.float32),
        mesh=_mesh(),
        scratch_types=[
            pltpu.VMEM_SHARED((NPAD, D), jnp.float32),
            pltpu.VMEM((NCHUNK, 2, CH), jnp.int32),
            pltpu.VMEM((CH, D), jnp.float32),
        ] + [pltpu.SemaphoreType.DMA] * NDBUF,
    )


def _tc1_body(x_ref, w_ref, degp_ref, g_ref, dis_ref):
    deg = degp_ref[0, :, 0:1] + degp_ref[1, :, 0:1] + 1.0
    dis = lax.rsqrt(deg)
    h = jnp.dot(x_ref[...], w_ref[...], preferred_element_type=jnp.float32)
    g_ref[...] = h * dis
    dis_ref[...] = dis


def _tc2_body(g1_ref, part_ref, dis_ref, w2_ref, b1_ref, g2_ref):
    stot = part_ref[0] + part_ref[1]
    dis = dis_ref[...]
    z = dis * (stot + g1_ref[...]) + b1_ref[...]
    h = jnp.tanh(z)
    g2_ref[...] = jnp.dot(h, w2_ref[...], preferred_element_type=jnp.float32) * dis


def _tc3_body(g2_ref, part_ref, dis_ref, b2_ref, wl_ref, bl_ref, batch_ref,
              out_ref, pool_acc, cnt_acc):
    i = pl.program_id(0)
    stot = part_ref[0] + part_ref[1]
    dis = dis_ref[...]
    z = dis * (stot + g2_ref[...]) + b2_ref[...]
    b = batch_ref[0]
    iot = lax.broadcasted_iota(jnp.int32, (G, BLK), 0)
    oh = (b == iot).astype(jnp.float32)

    @pl.when(i == 0)
    def _():
        pool_acc[...] = jnp.zeros_like(pool_acc)
        cnt_acc[...] = jnp.zeros_like(cnt_acc)

    pool_acc[...] += jnp.dot(oh, z, preferred_element_type=jnp.float32)
    cnt_acc[...] += jnp.broadcast_to(
        jnp.sum(oh, axis=1, keepdims=True), (G, D))

    @pl.when(i == NBLK - 1)
    def _():
        pooled = pool_acc[...] / jnp.maximum(cnt_acc[...], 1.0)
        o = jnp.dot(pooled, wl_ref[...], preferred_element_type=jnp.float32)
        out_ref[...] = o[:, 0:1] + bl_ref[...]


def _tc1(x, w1p, degp):
    return pl.pallas_call(
        _tc1_body,
        grid=(NBLK,),
        in_specs=[
            pl.BlockSpec((BLK, D), lambda i: (i, 0)),
            pl.BlockSpec((D, D), lambda i: (0, 0)),
            pl.BlockSpec((NC, BLK, D), lambda i: (0, i, 0)),
        ],
        out_specs=[
            pl.BlockSpec((BLK, D), lambda i: (i, 0)),
            pl.BlockSpec((BLK, 1), lambda i: (i, 0)),
        ],
        out_shape=[
            jax.ShapeDtypeStruct((N, D), jnp.float32),
            jax.ShapeDtypeStruct((N, 1), jnp.float32),
        ],
    )(x, w1p, degp)


def _tc2(g1, part, dis, w2p, b1p):
    return pl.pallas_call(
        _tc2_body,
        grid=(NBLK,),
        in_specs=[
            pl.BlockSpec((BLK, D), lambda i: (i, 0)),
            pl.BlockSpec((NC, BLK, D), lambda i: (0, i, 0)),
            pl.BlockSpec((BLK, 1), lambda i: (i, 0)),
            pl.BlockSpec((D, D), lambda i: (0, 0)),
            pl.BlockSpec((1, D), lambda i: (0, 0)),
        ],
        out_specs=pl.BlockSpec((BLK, D), lambda i: (i, 0)),
        out_shape=jax.ShapeDtypeStruct((N, D), jnp.float32),
    )(g1, part, dis, w2p, b1p)


def _tc3(g2, part, dis, b2p, wlp, blp, batch3):
    return pl.pallas_call(
        _tc3_body,
        grid=(NBLK,),
        in_specs=[
            pl.BlockSpec((BLK, D), lambda i: (i, 0)),
            pl.BlockSpec((NC, BLK, D), lambda i: (0, i, 0)),
            pl.BlockSpec((BLK, 1), lambda i: (i, 0)),
            pl.BlockSpec((1, D), lambda i: (0, 0)),
            pl.BlockSpec((D, D), lambda i: (0, 0)),
            pl.BlockSpec((1, 1), lambda i: (0, 0)),
            pl.BlockSpec((1, 1, BLK), lambda i: (i, 0, 0)),
        ],
        out_specs=pl.BlockSpec((G, 1), lambda i: (0, 0)),
        out_shape=jax.ShapeDtypeStruct((G, 1), jnp.float32),
        scratch_shapes=[
            pltpu.VMEM((G, D), jnp.float32),
            pltpu.VMEM((G, D), jnp.float32),
        ],
    )(g2, part, dis, b2p, wlp, blp, batch3)


def kernel(x, edge_index, batch, W1, b1, W2, b2, Wl, bl):
    src = edge_index[0].astype(jnp.int32)
    dst = edge_index[1].astype(jnp.int32)
    pad = EPAD - E
    srcp = jnp.concatenate([src, jnp.zeros((pad,), jnp.int32)])
    dstp = jnp.concatenate([dst, jnp.full((pad,), NPAD - 1, jnp.int32)])
    eidx = jnp.stack([srcp.reshape(CH, NW, NCHUNK).transpose(1, 2, 0),
                      dstp.reshape(CH, NW, NCHUNK).transpose(1, 2, 0)], axis=2)
    batch3 = batch.astype(jnp.int32).reshape(NBLK, 1, BLK)

    H = W1.shape[1]
    w1p = jnp.pad(W1, ((0, 0), (0, D - H)))
    w2p = jnp.pad(W2, ((0, D - H), (0, D - H)))
    b1p = jnp.pad(b1, (0, D - H)).reshape(1, D)
    b2p = jnp.pad(b2, (0, D - H)).reshape(1, D)
    wlp = jnp.pad(Wl, ((0, D - H), (0, D - 1)))
    blp = bl.reshape(1, 1)

    zerosD = jnp.zeros((RCH, D), jnp.float32)
    onesD = jnp.tile(jnp.eye(1, D, 0, dtype=jnp.float32), (CH, 1))

    degp = _deg_kernel()(eidx, onesD, zerosD)
    g1, dis = _tc1(x, w1p, degp)
    s1 = _feat_kernel()(g1, eidx, zerosD)
    g2 = _tc2(g1, s1, dis, w2p, b1p)
    s2 = _feat_kernel()(g2, eidx, zerosD)
    return _tc3(g2, s2, dis, b2p, wlp, blp, batch3)

# --- scband reference (transcript-rebuilt; emitter-appended) ---
"""Pipeline reference for scband-gcn-62208306315756 (READ-ONLY COPY).

The authoritative reference and input builder live on the scoring server;
editing this copy changes nothing except your own understanding.
"""

import jax, jax.numpy as jnp
import numpy as np

N_NODES = 10000
N_EDGES = 320000
D_FEAT = 128
HIDDEN = 100
NUM_GRAPHS = 64


def setup_inputs(seed: int = 0) -> dict:
    key = jax.random.key(seed)
    ks = jax.random.split(key, 10)
    x = jax.random.normal(ks[0], (N_NODES, D_FEAT), dtype=jnp.float32)
    edge_index = jax.random.randint(ks[1], (2, N_EDGES), 0, N_NODES, dtype=jnp.int64)
    batch = jnp.sort(jax.random.randint(ks[2], (N_NODES,), 0, NUM_GRAPHS, dtype=jnp.int64))
    # GCNConv glorot-style weights + zero bias, Linear head
    W1 = jax.random.normal(ks[3], (D_FEAT, HIDDEN), dtype=jnp.float32) * (1.0 / np.sqrt(D_FEAT))
    b1 = jnp.zeros((HIDDEN,), dtype=jnp.float32)
    W2 = jax.random.normal(ks[4], (HIDDEN, HIDDEN), dtype=jnp.float32) * (1.0 / np.sqrt(HIDDEN))
    b2 = jnp.zeros((HIDDEN,), dtype=jnp.float32)
    Wl = jax.random.normal(ks[5], (HIDDEN, 1), dtype=jnp.float32) * (1.0 / np.sqrt(HIDDEN))
    bl = jnp.zeros((1,), dtype=jnp.float32)
    return {"x": x, "edge_index": edge_index, "batch": batch,
            "W1": W1, "b1": b1, "W2": W2, "b2": b2, "Wl": Wl, "bl": bl}


def _gcn_conv(x, edge_index, W, b, n_nodes):
    # PyG GCNConv: add self-loops (improved=False -> fill 1), sym-normalize, then propagate
    src = edge_index[0]
    dst = edge_index[1]
    loop = jnp.arange(n_nodes, dtype=src.dtype)
    src = jnp.concatenate([src, loop])
    dst = jnp.concatenate([dst, loop])
    ew = jnp.ones_like(src, dtype=x.dtype)
    deg = jax.ops.segment_sum(ew, dst, num_segments=n_nodes)
    deg_inv_sqrt = jnp.where(deg > 0, jax.lax.rsqrt(jnp.maximum(deg, 1e-12)), 0.0)
    norm = deg_inv_sqrt[src] * ew * deg_inv_sqrt[dst]
    h = x @ W
    msg = h[src] * norm[:, None]
    out = jax.ops.segment_sum(msg, dst, num_segments=n_nodes)
    return out + b


def _global_mean_pool(x, batch, num_graphs):
    s = jax.ops.segment_sum(x, batch, num_segments=num_graphs)
    cnt = jax.ops.segment_sum(jnp.ones((x.shape[0],), dtype=x.dtype), batch, num_segments=num_graphs)
    return s / jnp.maximum(cnt, 1.0)[:, None]


def reference(x, edge_index, batch, W1, b1, W2, b2, Wl, bl):
    n_nodes = x.shape[0]
    h = _gcn_conv(x, edge_index, W1, b1, n_nodes)
    h = jnp.tanh(h)
    h = _gcn_conv(h, edge_index, W2, b2, n_nodes)
    pooled = _global_mean_pool(h, batch, NUM_GRAPHS)
    out = pooled @ Wl + bl
    return out

if __name__ == "__main__":
    import jax
    _d = setup_inputs()
    print(jax.jit(kernel)(*tuple(_d.values())))

</pallas_src>

<mosaic_0001>
#map = affine_map<(d0, d1) -> (0, 0)>
#map1 = affine_map<(d0, d1) -> (0, 0, 0, 0)>
#map2 = affine_map<(d0, d1) -> (0, 0, 0)>
module attributes {stable_mosaic.version = 14 : i64} {
  func.func @_feat_body(%arg0: i32, %arg1: i32, %arg2: memref<10000x128xf32, #tpu.memory_space<hbm>>, %arg3: memref<32x80x2x128xi32, #tpu.memory_space<hbm>>, %arg4: memref<128x128xf32, #tpu.memory_space<hbm>>, %arg5: memref<2x10240x128xf32, #tpu.memory_space<hbm>>, %arg6: memref<10240x128xf32, #tpu.memory_space<vmem_shared>>, %arg7: memref<20x2x128xi32, #tpu.memory_space<vmem>>, %arg8: memref<2x128x128xf32, #tpu.memory_space<vmem>>, %arg9: memref<!tpu.dma_semaphore, #tpu.memory_space<semaphore_mem>>, %arg10: memref<!tpu.dma_semaphore, #tpu.memory_space<semaphore_mem>>, %arg11: memref<!tpu.dma_semaphore, #tpu.memory_space<semaphore_mem>>, %arg12: memref<!tpu.dma_semaphore, #tpu.memory_space<semaphore_mem>>) attributes {dimension_semantics = [#tpu.dimension_semantics<core_parallel>, #tpu.dimension_semantics<subcore_parallel>], iteration_bounds = array<i64: 2, 16>, scalar_prefetch = 0 : i64, scratch_operands = 7 : i64, tpu.core_type = #tpu.core_type<sc_vector_subcore>, window_params = [{transform_indices = #map}, {transform_indices = #map1}, {transform_indices = #map}, {transform_indices = #map2}]} {
    %mul3A = arith.constant 2 : i32
    %mul3A_0 = arith.muli %arg1, %mul3A : i32
    %add3A = arith.addi %mul3A_0, %arg0 : i32
    %run_scoped3A = arith.constant 0 : i32
    "tpu.region"() ({
      %run_scoped3A_71 = tpu.sem_alloc : memref<!tpu.dma_semaphore, #tpu.memory_space<semaphore_mem>>
      %dma_start3A = arith.constant 0 : i32
      %dma_start3A_72 = arith.constant 0 : i32
      %dma_start3A_73 = tpu.memref_slice %arg8[%run_scoped3A, %dma_start3A, %dma_start3A_72] : memref<2x128x128xf32, #tpu.memory_space<vmem>> -> memref<1x128x128xf32, #tpu.memory_space<vmem>>
      %dma_start3A_74 = tpu.memref_squeeze %dma_start3A_73 : memref<1x128x128xf32, #tpu.memory_space<vmem>> -> memref<128x128xf32, #tpu.memory_space<vmem>>
      %dma_start3A_75 = arith.constant 0 : i32
      %dma_start3A_76 = arith.constant 0 : i32
      %dma_start3A_77 = tpu.memref_slice %arg8[%run_scoped3A, %dma_start3A_75, %dma_start3A_76] : memref<2x128x128xf32, #tpu.memory_space<vmem>> -> memref<1x128x128xf32, #tpu.memory_space<vmem>>
      %dma_start3A_78 = tpu.memref_squeeze %dma_start3A_77 : memref<1x128x128xf32, #tpu.memory_space<vmem>> -> memref<128x128xf32, #tpu.memory_space<vmem>>
      tpu.enqueue_dma source(%arg4 : memref<128x128xf32, #tpu.memory_space<hbm>>) target(%dma_start3A_78 : memref<128x128xf32, #tpu.memory_space<vmem>>) target_semaphore(%run_scoped3A_71 : memref<!tpu.dma_semaphore, #tpu.memory_space<semaphore_mem>>)
      %dma_wait3A = arith.constant 0 : i32
      %dma_wait3A_79 = arith.constant 0 : i32
      %dma_wait3A_80 = tpu.memref_slice %arg8[%run_scoped3A, %dma_wait3A, %dma_wait3A_79] : memref<2x128x128xf32, #tpu.memory_space<vmem>> -> memref<1x128x128xf32, #tpu.memory_space<vmem>>
      %dma_wait3A_81 = tpu.memref_squeeze %dma_wait3A_80 : memref<1x128x128xf32, #tpu.memory_space<vmem>> -> memref<128x128xf32, #tpu.memory_space<vmem>>
      %dma_wait3A_82 = arith.constant 0 : i32
      %dma_wait3A_83 = arith.constant 0 : i32
      %dma_wait3A_84 = tpu.memref_slice %arg8[%run_scoped3A, %dma_wait3A_82, %dma_wait3A_83] : memref<2x128x128xf32, #tpu.memory_space<vmem>> -> memref<1x128x128xf32, #tpu.memory_space<vmem>>
      %dma_wait3A_85 = tpu.memref_squeeze %dma_wait3A_84 : memref<1x128x128xf32, #tpu.memory_space<vmem>> -> memref<128x128xf32, #tpu.memory_space<vmem>>
      tpu.wait_dma2 semaphore(%run_scoped3A_71 : memref<!tpu.dma_semaphore, #tpu.memory_space<semaphore_mem>>) src(%arg4 : memref<128x128xf32, #tpu.memory_space<hbm>>) dst(%dma_wait3A_85 : memref<128x128xf32, #tpu.memory_space<vmem>>)
      tpu.yield
    }) : () -> ()
    %mul3A_1 = arith.constant 5 : i32
    %mul3A_2 = arith.muli %arg1, %mul3A_1 : i32
    %add3A_3 = arith.constant 0 : i32
    %add3A_4 = arith.addi %mul3A_2, %add3A_3 : i32
    %mul3A_5 = arith.constant 128 : i32
    %mul3A_6 = arith.muli %add3A_4, %mul3A_5 : i32
    %run_scoped3A_7 = arith.constant 0 : i32
    "tpu.region"() ({
      %run_scoped3A_71 = tpu.sem_alloc : memref<!tpu.dma_semaphore, #tpu.memory_space<semaphore_mem>>
      %dma_start3A = arith.constant 0 : i32
      %dma_start3A_72 = arith.constant 0 : i32
      %dma_start3A_73 = tpu.memref_slice %arg8[%run_scoped3A_7, %dma_start3A, %dma_start3A_72] : memref<2x128x128xf32, #tpu.memory_space<vmem>> -> memref<1x128x128xf32, #tpu.memory_space<vmem>>
      %dma_start3A_74 = tpu.memref_squeeze %dma_start3A_73 : memref<1x128x128xf32, #tpu.memory_space<vmem>> -> memref<128x128xf32, #tpu.memory_space<vmem>>
      %dma_start3A_75 = arith.constant 0 : i32
      %dma_start3A_76 = tpu.memref_slice %arg6[%mul3A_6, %dma_start3A_75] : memref<10240x128xf32, #tpu.memory_space<vmem_shared>> -> memref<128x128xf32, #tpu.memory_space<vmem_shared>>
      %dma_start3A_77 = arith.constant 0 : i32
      %dma_start3A_78 = tpu.memref_slice %arg6[%mul3A_6, %dma_start3A_77] : memref<10240x128xf32, #tpu.memory_space<vmem_shared>> -> memref<128x128xf32, #tpu.memory_space<vmem_shared>>
      %dma_start3A_79 = arith.constant 0 : i32
      %dma_start3A_80 = arith.constant 0 : i32
      %dma_start3A_81 = tpu.memref_slice %arg8[%run_scoped3A_7, %dma_start3A_79, %dma_start3A_80] : memref<2x128x128xf32, #tpu.memory_space<vmem>> -> memref<1x128x128xf32, #tpu.memory_space<vmem>>
      %dma_start3A_82 = tpu.memref_squeeze %dma_start3A_81 : memref<1x128x128xf32, #tpu.memory_space<vmem>> -> memref<128x128xf32, #tpu.memory_space<vmem>>
      tpu.enqueue_dma source(%dma_start3A_82 : memref<128x128xf32, #tpu.memory_space<vmem>>) target(%dma_start3A_78 : memref<128x128xf32, #tpu.memory_space<vmem_shared>>) target_semaphore(%run_scoped3A_71 : memref<!tpu.dma_semaphore, #tpu.memory_space<semaphore_mem>>)
      %dma_wait3A = arith.constant 0 : i32
      %dma_wait3A_83 = arith.constant 0 : i32
      %dma_wait3A_84 = tpu.memref_slice %arg8[%run_scoped3A_7, %dma_wait3A, %dma_wait3A_83] : memref<2x128x128xf32, #tpu.memory_space<vmem>> -> memref<1x128x128xf32, #tpu.memory_space<vmem>>
      %dma_wait3A_85 = tpu.memref_squeeze %dma_wait3A_84 : memref<1x128x128xf32, #tpu.memory_space<vmem>> -> memref<128x128xf32, #tpu.memory_space<vmem>>
      %dma_wait3A_86 = arith.constant 0 : i32
      %dma_wait3A_87 = tpu.memref_slice %arg6[%mul3A_6, %dma_wait3A_86] : memref<10240x128xf32, #tpu.memory_space<vmem_shared>> -> memref<128x128xf32, #tpu.memory_space<vmem_shared>>
      %dma_wait3A_88 = arith.constant 0 : i32
      %dma_wait3A_89 = tpu.memref_slice %arg6[%mul3A_6, %dma_wait3A_88] : memref<10240x128xf32, #tpu.memory_space<vmem_shared>> -> memref<128x128xf32, #tpu.memory_space<vmem_shared>>
      %dma_wait3A_90 = arith.constant 0 : i32
      %dma_wait3A_91 = arith.constant 0 : i32
      %dma_wait3A_92 = tpu.memref_slice %arg8[%run_scoped3A_7, %dma_wait3A_90, %dma_wait3A_91] : memref<2x128x128xf32, #tpu.memory_space<vmem>> -> memref<1x128x128xf32, #tpu.memory_space<vmem>>
      %dma_wait3A_93 = tpu.memref_squeeze %dma_wait3A_92 : memref<1x128x128xf32, #tpu.memory_space<vmem>> -> memref<128x128xf32, #tpu.memory_space<vmem>>
      tpu.wait_dma2 semaphore(%run_scoped3A_71 : memref<!tpu.dma_semaphore, #tpu.memory_space<semaphore_mem>>) src(%dma_wait3A_93 : memref<128x128xf32, #tpu.memory_space<vmem>>) dst(%dma_wait3A_89 : memref<128x128xf32, #tpu.memory_space<vmem_shared>>)
      tpu.yield
    }) : () -> ()
    %mul3A_8 = arith.constant 5 : i32
    %mul3A_9 = arith.muli %arg1, %mul3A_8 : i32
    %add3A_10 = arith.constant 1 : i32
    %add3A_11 = arith.addi %mul3A_9, %add3A_10 : i32
    %mul3A_12 = arith.constant 128 : i32
    %mul3A_13 = arith.muli %add3A_11, %mul3A_12 : i32
    %run_scoped3A_14 = arith.constant 0 : i32
    "tpu.region"() ({
      %run_scoped3A_71 = tpu.sem_alloc : memref<!tpu.dma_semaphore, #tpu.memory_space<semaphore_mem>>
      %dma_start3A = arith.constant 0 : i32
      %dma_start3A_72 = arith.constant 0 : i32
      %dma_start3A_73 = tpu.memref_slice %arg8[%run_scoped3A_14, %dma_start3A, %dma_start3A_72] : memref<2x128x128xf32, #tpu.memory_space<vmem>> -> memref<1x128x128xf32, #tpu.memory_space<vmem>>
      %dma_start3A_74 = tpu.memref_squeeze %dma_start3A_73 : memref<1x128x128xf32, #tpu.memory_space<vmem>> -> memref<128x128xf32, #tpu.memory_space<vmem>>
      %dma_start3A_75 = arith.constant 0 : i32
      %dma_start3A_76 = tpu.memref_slice %arg6[%mul3A_13, %dma_start3A_75] : memref<10240x128xf32, #tpu.memory_space<vmem_shared>> -> memref<128x128xf32, #tpu.memory_space<vmem_shared>>
      %dma_start3A_77 = arith.constant 0 : i32
      %dma_start3A_78 = tpu.memref_slice %arg6[%mul3A_13, %dma_start3A_77] : memref<10240x128xf32, #tpu.memory_space<vmem_shared>> -> memref<128x128xf32, #tpu.memory_space<vmem_shared>>
      %dma_start3A_79 = arith.constant 0 : i32
      %dma_start3A_80 = arith.constant 0 : i32
      %dma_start3A_81 = tpu.memref_slice %arg8[%run_scoped3A_14, %dma_start3A_79, %dma_start3A_80] : memref<2x128x128xf32, #tpu.memory_space<vmem>> -> memref<1x128x128xf32, #tpu.memory_space<vmem>>
      %dma_start3A_82 = tpu.memref_squeeze %dma_start3A_81 : memref<1x128x128xf32, #tpu.memory_space<vmem>> -> memref<128x128xf32, #tpu.memory_space<vmem>>
      tpu.enqueue_dma source(%dma_start3A_82 : memref<128x128xf32, #tpu.memory_space<vmem>>) target(%dma_start3A_78 : memref<128x128xf32, #tpu.memory_space<vmem_shared>>) target_semaphore(%run_scoped3A_71 : memref<!tpu.dma_semaphore, #tpu.memory_space<semaphore_mem>>)
      %dma_wait3A = arith.constant 0 : i32
      %dma_wait3A_83 = arith.constant 0 : i32
      %dma_wait3A_84 = tpu.memref_slice %arg8[%run_scoped3A_14, %dma_wait3A, %dma_wait3A_83] : memref<2x128x128xf32, #tpu.memory_space<vmem>> -> memref<1x128x128xf32, #tpu.memory_space<vmem>>
      %dma_wait3A_85 = tpu.memref_squeeze %dma_wait3A_84 : memref<1x128x128xf32, #tpu.memory_space<vmem>> -> memref<128x128xf32, #tpu.memory_space<vmem>>
      %dma_wait3A_86 = arith.constant 0 : i32
      %dma_wait3A_87 = tpu.memref_slice %arg6[%mul3A_13, %dma_wait3A_86] : memref<10240x128xf32, #tpu.memory_space<vmem_shared>> -> memref<128x128xf32, #tpu.memory_space<vmem_shared>>
      %dma_wait3A_88 = arith.constant 0 : i32
      %dma_wait3A_89 = tpu.memref_slice %arg6[%mul3A_13, %dma_wait3A_88] : memref<10240x128xf32, #tpu.memory_space<vmem_shared>> -> memref<128x128xf32, #tpu.memory_space<vmem_shared>>
      %dma_wait3A_90 = arith.constant 0 : i32
      %dma_wait3A_91 = arith.constant 0 : i32
      %dma_wait3A_92 = tpu.memref_slice %arg8[%run_scoped3A_14, %dma_wait3A_90, %dma_wait3A_91] : memref<2x128x128xf32, #tpu.memory_space<vmem>> -> memref<1x128x128xf32, #tpu.memory_space<vmem>>
      %dma_wait3A_93 = tpu.memref_squeeze %dma_wait3A_92 : memref<1x128x128xf32, #tpu.memory_space<vmem>> -> memref<128x128xf32, #tpu.memory_space<vmem>>
      tpu.wait_dma2 semaphore(%run_scoped3A_71 : memref<!tpu.dma_semaphore, #tpu.memory_space<semaphore_mem>>) src(%dma_wait3A_93 : memref<128x128xf32, #tpu.memory_space<vmem>>) dst(%dma_wait3A_89 : memref<128x128xf32, #tpu.memory_space<vmem_shared>>)
      tpu.yield
    }) : () -> ()
    %mul3A_15 = arith.constant 5 : i32
    %mul3A_16 = arith.muli %arg1, %mul3A_15 : i32
    %add3A_17 = arith.constant 2 : i32
    %add3A_18 = arith.addi %mul3A_16, %add3A_17 : i32
    %mul3A_19 = arith.constant 128 : i32
    %mul3A_20 = arith.muli %add3A_18, %mul3A_19 : i32
    %run_scoped3A_21 = arith.constant 0 : i32
    "tpu.region"() ({
      %run_scoped3A_71 = tpu.sem_alloc : memref<!tpu.dma_semaphore, #tpu.memory_space<semaphore_mem>>
      %dma_start3A = arith.constant 0 : i32
      %dma_start3A_72 = arith.constant 0 : i32
      %dma_start3A_73 = tpu.memref_slice %arg8[%run_scoped3A_21, %dma_start3A, %dma_start3A_72] : memref<2x128x128xf32, #tpu.memory_space<vmem>> -> memref<1x128x128xf32, #tpu.memory_space<vmem>>
      %dma_start3A_74 = tpu.memref_squeeze %dma_start3A_73 : memref<1x128x128xf32, #tpu.memory_space<vmem>> -> memref<128x128xf32, #tpu.memory_space<vmem>>
      %dma_start3A_75 = arith.constant 0 : i32
      %dma_start3A_76 = tpu.memref_slice %arg6[%mul3A_20, %dma_start3A_75] : memref<10240x128xf32, #tpu.memory_space<vmem_shared>> -> memref<128x128xf32, #tpu.memory_space<vmem_shared>>
      %dma_start3A_77 = arith.constant 0 : i32
      %dma_start3A_78 = tpu.memref_slice %arg6[%mul3A_20, %dma_start3A_77] : memref<10240x128xf32, #tpu.memory_space<vmem_shared>> -> memref<128x128xf32, #tpu.memory_space<vmem_shared>>
      %dma_start3A_79 = arith.constant 0 : i32
      %dma_start3A_80 = arith.constant 0 : i32
      %dma_start3A_81 = tpu.memref_slice %arg8[%run_scoped3A_21, %dma_start3A_79, %dma_start3A_80] : memref<2x128x128xf32, #tpu.memory_space<vmem>> -> memref<1x128x128xf32, #tpu.memory_space<vmem>>
      %dma_start3A_82 = tpu.memref_squeeze %dma_start3A_81 : memref<1x128x128xf32, #tpu.memory_space<vmem>> -> memref<128x128xf32, #tpu.memory_space<vmem>>
      tpu.enqueue_dma source(%dma_start3A_82 : memref<128x128xf32, #tpu.memory_space<vmem>>) target(%dma_start3A_78 : memref<128x128xf32, #tpu.memory_space<vmem_shared>>) target_semaphore(%run_scoped3A_71 : memref<!tpu.dma_semaphore, #tpu.memory_space<semaphore_mem>>)
      %dma_wait3A = arith.constant 0 : i32
      %dma_wait3A_83 = arith.constant 0 : i32
      %dma_wait3A_84 = tpu.memref_slice %arg8[%run_scoped3A_21, %dma_wait3A, %dma_wait3A_83] : memref<2x128x128xf32, #tpu.memory_space<vmem>> -> memref<1x128x128xf32, #tpu.memory_space<vmem>>
      %dma_wait3A_85 = tpu.memref_squeeze %dma_wait3A_84 : memref<1x128x128xf32, #tpu.memory_space<vmem>> -> memref<128x128xf32, #tpu.memory_space<vmem>>
      %dma_wait3A_86 = arith.constant 0 : i32
      %dma_wait3A_87 = tpu.memref_slice %arg6[%mul3A_20, %dma_wait3A_86] : memref<10240x128xf32, #tpu.memory_space<vmem_shared>> -> memref<128x128xf32, #tpu.memory_space<vmem_shared>>
      %dma_wait3A_88 = arith.constant 0 : i32
      %dma_wait3A_89 = tpu.memref_slice %arg6[%mul3A_20, %dma_wait3A_88] : memref<10240x128xf32, #tpu.memory_space<vmem_shared>> -> memref<128x128xf32, #tpu.memory_space<vmem_shared>>
      %dma_wait3A_90 = arith.constant 0 : i32
      %dma_wait3A_91 = arith.constant 0 : i32
      %dma_wait3A_92 = tpu.memref_slice %arg8[%run_scoped3A_21, %dma_wait3A_90, %dma_wait3A_91] : memref<2x128x128xf32, #tpu.memory_space<vmem>> -> memref<1x128x128xf32, #tpu.memory_space<vmem>>
      %dma_wait3A_93 = tpu.memref_squeeze %dma_wait3A_92 : memref<1x128x128xf32, #tpu.memory_space<vmem>> -> memref<128x128xf32, #tpu.memory_space<vmem>>
      tpu.wait_dma2 semaphore(%run_scoped3A_71 : memref<!tpu.dma_semaphore, #tpu.memory_space<semaphore_mem>>) src(%dma_wait3A_93 : memref<128x128xf32, #tpu.memory_space<vmem>>) dst(%dma_wait3A_89 : memref<128x128xf32, #tpu.memory_space<vmem_shared>>)
      tpu.yield
    }) : () -> ()
    %mul3A_22 = arith.constant 5 : i32
    %mul3A_23 = arith.muli %arg1, %mul3A_22 : i32
    %add3A_24 = arith.constant 3 : i32
    %add3A_25 = arith.addi %mul3A_23, %add3A_24 : i32
    %mul3A_26 = arith.constant 128 : i32
    %mul3A_27 = arith.muli %add3A_25, %mul3A_26 : i32
    %run_scoped3A_28 = arith.constant 0 : i32
    "tpu.region"() ({
      %run_scoped3A_71 = tpu.sem_alloc : memref<!tpu.dma_semaphore, #tpu.memory_space<semaphore_mem>>
      %dma_start3A = arith.constant 0 : i32
      %dma_start3A_72 = arith.constant 0 : i32
      %dma_start3A_73 = tpu.memref_slice %arg8[%run_scoped3A_28, %dma_start3A, %dma_start3A_72] : memref<2x128x128xf32, #tpu.memory_space<vmem>> -> memref<1x128x128xf32, #tpu.memory_space<vmem>>
      %dma_start3A_74 = tpu.memref_squeeze %dma_start3A_73 : memref<1x128x128xf32, #tpu.memory_space<vmem>> -> memref<128x128xf32, #tpu.memory_space<vmem>>
      %dma_start3A_75 = arith.constant 0 : i32
      %dma_start3A_76 = tpu.memref_slice %arg6[%mul3A_27, %dma_start3A_75] : memref<10240x128xf32, #tpu.memory_space<vmem_shared>> -> memref<128x128xf32, #tpu.memory_space<vmem_shared>>
      %dma_start3A_77 = arith.constant 0 : i32
      %dma_start3A_78 = tpu.memref_slice %arg6[%mul3A_27, %dma_start3A_77] : memref<10240x128xf32, #tpu.memory_space<vmem_shared>> -> memref<128x128xf32, #tpu.memory_space<vmem_shared>>
      %dma_start3A_79 = arith.constant 0 : i32
      %dma_start3A_80 = arith.constant 0 : i32
      %dma_start3A_81 = tpu.memref_slice %arg8[%run_scoped3A_28, %dma_start3A_79, %dma_start3A_80] : memref<2x128x128xf32, #tpu.memory_space<vmem>> -> memref<1x128x128xf32, #tpu.memory_space<vmem>>
      %dma_start3A_82 = tpu.memref_squeeze %dma_start3A_81 : memref<1x128x128xf32, #tpu.memory_space<vmem>> -> memref<128x128xf32, #tpu.memory_space<vmem>>
      tpu.enqueue_dma source(%dma_start3A_82 : memref<128x128xf32, #tpu.memory_space<vmem>>) target(%dma_start3A_78 : memref<128x128xf32, #tpu.memory_space<vmem_shared>>) target_semaphore(%run_scoped3A_71 : memref<!tpu.dma_semaphore, #tpu.memory_space<semaphore_mem>>)
      %dma_wait3A = arith.constant 0 : i32
      %dma_wait3A_83 = arith.constant 0 : i32
      %dma_wait3A_84 = tpu.memref_slice %arg8[%run_scoped3A_28, %dma_wait3A, %dma_wait3A_83] : memref<2x128x128xf32, #tpu.memory_space<vmem>> -> memref<1x128x128xf32, #tpu.memory_space<vmem>>
      %dma_wait3A_85 = tpu.memref_squeeze %dma_wait3A_84 : memref<1x128x128xf32, #tpu.memory_space<vmem>> -> memref<128x128xf32, #tpu.memory_space<vmem>>
      %dma_wait3A_86 = arith.constant 0 : i32
      %dma_wait3A_87 = tpu.memref_slice %arg6[%mul3A_27, %dma_wait3A_86] : memref<10240x128xf32, #tpu.memory_space<vmem_shared>> -> memref<128x128xf32, #tpu.memory_space<vmem_shared>>
      %dma_wait3A_88 = arith.constant 0 : i32
      %dma_wait3A_89 = tpu.memref_slice %arg6[%mul3A_27, %dma_wait3A_88] : memref<10240x128xf32, #tpu.memory_space<vmem_shared>> -> memref<128x128xf32, #tpu.memory_space<vmem_shared>>
      %dma_wait3A_90 = arith.constant 0 : i32
      %dma_wait3A_91 = arith.constant 0 : i32
      %dma_wait3A_92 = tpu.memref_slice %arg8[%run_scoped3A_28, %dma_wait3A_90, %dma_wait3A_91] : memref<2x128x128xf32, #tpu.memory_space<vmem>> -> memref<1x128x128xf32, #tpu.memory_space<vmem>>
      %dma_wait3A_93 = tpu.memref_squeeze %dma_wait3A_92 : memref<1x128x128xf32, #tpu.memory_space<vmem>> -> memref<128x128xf32, #tpu.memory_space<vmem>>
      tpu.wait_dma2 semaphore(%run_scoped3A_71 : memref<!tpu.dma_semaphore, #tpu.memory_space<semaphore_mem>>) src(%dma_wait3A_93 : memref<128x128xf32, #tpu.memory_space<vmem>>) dst(%dma_wait3A_89 : memref<128x128xf32, #tpu.memory_space<vmem_shared>>)
      tpu.yield
    }) : () -> ()
    %mul3A_29 = arith.constant 5 : i32
    %mul3A_30 = arith.muli %arg1, %mul3A_29 : i32
    %add3A_31 = arith.constant 4 : i32
    %add3A_32 = arith.addi %mul3A_30, %add3A_31 : i32
    %mul3A_33 = arith.constant 128 : i32
    %mul3A_34 = arith.muli %add3A_32, %mul3A_33 : i32
    %run_scoped3A_35 = arith.constant 0 : i32
    "tpu.region"() ({
      %run_scoped3A_71 = tpu.sem_alloc : memref<!tpu.dma_semaphore, #tpu.memory_space<semaphore_mem>>
      %dma_start3A = arith.constant 0 : i32
      %dma_start3A_72 = arith.constant 0 : i32
      %dma_start3A_73 = tpu.memref_slice %arg8[%run_scoped3A_35, %dma_start3A, %dma_start3A_72] : memref<2x128x128xf32, #tpu.memory_space<vmem>> -> memref<1x128x128xf32, #tpu.memory_space<vmem>>
      %dma_start3A_74 = tpu.memref_squeeze %dma_start3A_73 : memref<1x128x128xf32, #tpu.memory_space<vmem>> -> memref<128x128xf32, #tpu.memory_space<vmem>>
      %dma_start3A_75 = arith.constant 0 : i32
      %dma_start3A_76 = tpu.memref_slice %arg6[%mul3A_34, %dma_start3A_75] : memref<10240x128xf32, #tpu.memory_space<vmem_shared>> -> memref<128x128xf32, #tpu.memory_space<vmem_shared>>
      %dma_start3A_77 = arith.constant 0 : i32
      %dma_start3A_78 = tpu.memref_slice %arg6[%mul3A_34, %dma_start3A_77] : memref<10240x128xf32, #tpu.memory_space<vmem_shared>> -> memref<128x128xf32, #tpu.memory_space<vmem_shared>>
      %dma_start3A_79 = arith.constant 0 : i32
      %dma_start3A_80 = arith.constant 0 : i32
      %dma_start3A_81 = tpu.memref_slice %arg8[%run_scoped3A_35, %dma_start3A_79, %dma_start3A_80] : memref<2x128x128xf32, #tpu.memory_space<vmem>> -> memref<1x128x128xf32, #tpu.memory_space<vmem>>
      %dma_start3A_82 = tpu.memref_squeeze %dma_start3A_81 : memref<1x128x128xf32, #tpu.memory_space<vmem>> -> memref<128x128xf32, #tpu.memory_space<vmem>>
      tpu.enqueue_dma source(%dma_start3A_82 : memref<128x128xf32, #tpu.memory_space<vmem>>) target(%dma_start3A_78 : memref<128x128xf32, #tpu.memory_space<vmem_shared>>) target_semaphore(%run_scoped3A_71 : memref<!tpu.dma_semaphore, #tpu.memory_space<semaphore_mem>>)
      %dma_wait3A = arith.constant 0 : i32
      %dma_wait3A_83 = arith.constant 0 : i32
      %dma_wait3A_84 = tpu.memref_slice %arg8[%run_scoped3A_35, %dma_wait3A, %dma_wait3A_83] : memref<2x128x128xf32, #tpu.memory_space<vmem>> -> memref<1x128x128xf32, #tpu.memory_space<vmem>>
      %dma_wait3A_85 = tpu.memref_squeeze %dma_wait3A_84 : memref<1x128x128xf32, #tpu.memory_space<vmem>> -> memref<128x128xf32, #tpu.memory_space<vmem>>
      %dma_wait3A_86 = arith.constant 0 : i32
      %dma_wait3A_87 = tpu.memref_slice %arg6[%mul3A_34, %dma_wait3A_86] : memref<10240x128xf32, #tpu.memory_space<vmem_shared>> -> memref<128x128xf32, #tpu.memory_space<vmem_shared>>
      %dma_wait3A_88 = arith.constant 0 : i32
      %dma_wait3A_89 = tpu.memref_slice %arg6[%mul3A_34, %dma_wait3A_88] : memref<10240x128xf32, #tpu.memory_space<vmem_shared>> -> memref<128x128xf32, #tpu.memory_space<vmem_shared>>
      %dma_wait3A_90 = arith.constant 0 : i32
      %dma_wait3A_91 = arith.constant 0 : i32
      %dma_wait3A_92 = tpu.memref_slice %arg8[%run_scoped3A_35, %dma_wait3A_90, %dma_wait3A_91] : memref<2x128x128xf32, #tpu.memory_space<vmem>> -> memref<1x128x128xf32, #tpu.memory_space<vmem>>
      %dma_wait3A_93 = tpu.memref_squeeze %dma_wait3A_92 : memref<1x128x128xf32, #tpu.memory_space<vmem>> -> memref<128x128xf32, #tpu.memory_space<vmem>>
      tpu.wait_dma2 semaphore(%run_scoped3A_71 : memref<!tpu.dma_semaphore, #tpu.memory_space<semaphore_mem>>) src(%dma_wait3A_93 : memref<128x128xf32, #tpu.memory_space<vmem>>) dst(%dma_wait3A_89 : memref<128x128xf32, #tpu.memory_space<vmem_shared>>)
      tpu.yield
    }) : () -> ()
    %barrier3A = arith.constant 0 : index
    tpu.barrier barrier_id(%barrier3A)
    %scan3A = arith.constant 0 : i32
    %scan3A_36 = arith.constant 4 : i32
    %scan3A_37 = arith.addi %scan3A, %scan3A_36 : i32
    %scan3A_38 = arith.constant 1 : i32
    scf.for %scan3A_71 = %scan3A to %scan3A_37 step %scan3A_38  : i32 {
      %mul3A_72 = arith.constant 1 : i32
      %mul3A_73 = arith.muli %scan3A_71, %mul3A_72 : i32
      %add3A_74 = arith.constant 0 : i32
      %add3A_75 = arith.addi %add3A_74, %mul3A_73 : i32
      %mul3A_76 = arith.constant 20 : i32
      %mul3A_77 = arith.muli %add3A_75, %mul3A_76 : i32
      "tpu.region"() ({
        %run_scoped3A_133 = tpu.sem_alloc : memref<!tpu.dma_semaphore, #tpu.memory_space<semaphore_mem>>
        %dma_start3A_134 = arith.constant 0 : i32
        %dma_start3A_135 = arith.constant 0 : i32
        %dma_start3A_136 = tpu.memref_slice %arg3[%add3A, %mul3A_77, %dma_start3A_134, %dma_start3A_135] : memref<32x80x2x128xi32, #tpu.memory_space<hbm>> -> memref<1x20x2x128xi32, #tpu.memory_space<hbm>>
        %dma_start3A_137 = tpu.memref_squeeze %dma_start3A_136 : memref<1x20x2x128xi32, #tpu.memory_space<hbm>> -> memref<20x2x128xi32, #tpu.memory_space<hbm>>
        %dma_start3A_138 = arith.constant 0 : i32
        %dma_start3A_139 = arith.constant 0 : i32
        %dma_start3A_140 = tpu.memref_slice %arg3[%add3A, %mul3A_77, %dma_start3A_138, %dma_start3A_139] : memref<32x80x2x128xi32, #tpu.memory_space<hbm>> -> memref<1x20x2x128xi32, #tpu.memory_space<hbm>>
        %dma_start3A_141 = tpu.memref_squeeze %dma_start3A_140 : memref<1x20x2x128xi32, #tpu.memory_space<hbm>> -> memref<20x2x128xi32, #tpu.memory_space<hbm>>
        tpu.enqueue_dma source(%dma_start3A_141 : memref<20x2x128xi32, #tpu.memory_space<hbm>>) target(%arg7 : memref<20x2x128xi32, #tpu.memory_space<vmem>>) target_semaphore(%run_scoped3A_133 : memref<!tpu.dma_semaphore, #tpu.memory_space<semaphore_mem>>)
        %dma_wait3A_142 = arith.constant 0 : i32
        %dma_wait3A_143 = arith.constant 0 : i32
        %dma_wait3A_144 = tpu.memref_slice %arg3[%add3A, %mul3A_77, %dma_wait3A_142, %dma_wait3A_143] : memref<32x80x2x128xi32, #tpu.memory_space<hbm>> -> memref<1x20x2x128xi32, #tpu.memory_space<hbm>>
        %dma_wait3A_145 = tpu.memref_squeeze %dma_wait3A_144 : memref<1x20x2x128xi32, #tpu.memory_space<hbm>> -> memref<20x2x128xi32, #tpu.memory_space<hbm>>
        %dma_wait3A_146 = arith.constant 0 : i32
        %dma_wait3A_147 = arith.constant 0 : i32
        %dma_wait3A_148 = tpu.memref_slice %arg3[%add3A, %mul3A_77, %dma_wait3A_146, %dma_wait3A_147] : memref<32x80x2x128xi32, #tpu.memory_space<hbm>> -> memref<1x20x2x128xi32, #tpu.memory_space<hbm>>
        %dma_wait3A_149 = tpu.memref_squeeze %dma_wait3A_148 : memref<1x20x2x128xi32, #tpu.memory_space<hbm>> -> memref<20x2x128xi32, #tpu.memory_space<hbm>>
        tpu.wait_dma2 semaphore(%run_scoped3A_133 : memref<!tpu.dma_semaphore, #tpu.memory_space<semaphore_mem>>) src(%dma_wait3A_149 : memref<20x2x128xi32, #tpu.memory_space<hbm>>) dst(%arg7 : memref<20x2x128xi32, #tpu.memory_space<vmem>>)
        tpu.yield
      }) : () -> ()
      %dma_start3A = arith.constant 0 : i32
      %dma_start3A_78 = arith.constant 0 : i32
      %dma_start3A_79 = arith.constant 0 : i32
      %dma_start3A_80 = arith.constant 0 : i32
      %dma_start3A_81 = arith.constant 0 : i32
      %dma_start3A_82 = tpu.memref_slice %arg8[%dma_start3A_79, %dma_start3A_80, %dma_start3A_81] : memref<2x128x128xf32, #tpu.memory_space<vmem>> -> memref<1x128x128xf32, #tpu.memory_space<vmem>>
      %dma_start3A_83 = tpu.memref_squeeze %dma_start3A_82 : memref<1x128x128xf32, #tpu.memory_space<vmem>> -> memref<128x128xf32, #tpu.memory_space<vmem>>
      %dma_start3A_84 = arith.constant 0 : i32
      %dma_start3A_85 = tpu.memref_slice %arg7[%dma_start3A, %dma_start3A_78, %dma_start3A_84] : memref<20x2x128xi32, #tpu.memory_space<vmem>> -> memref<1x1x128xi32, #tpu.memory_space<vmem>>
      %dma_start3A_86 = tpu.memref_squeeze %dma_start3A_85 : memref<1x1x128xi32, #tpu.memory_space<vmem>> -> memref<128xi32, #tpu.memory_space<vmem>>
      %dma_start3A_87 = arith.constant 0 : i32
      %dma_start3A_88 = arith.constant 0 : i32
      %dma_start3A_89 = tpu.memref_slice %arg2[%dma_start3A_87, %dma_start3A_88] : memref<10000x128xf32, #tpu.memory_space<hbm>> -> memref<10000x128xf32, #tpu.memory_space<hbm>>
      tpu.enqueue_indirect_dma source(%dma_start3A_89 : memref<10000x128xf32, #tpu.memory_space<hbm>>) target(%dma_start3A_83 : memref<128x128xf32, #tpu.memory_space<vmem>>) offsets(%dma_start3A_86 : memref<128xi32, #tpu.memory_space<vmem>>) semaphore(%arg9 : memref<!tpu.dma_semaphore, #tpu.memory_space<semaphore_mem>>)
      %dma_start3A_90 = arith.constant 1 : i32
      %dma_start3A_91 = arith.constant 0 : i32
      %dma_start3A_92 = arith.constant 1 : i32
      %dma_start3A_93 = arith.constant 0 : i32
      %dma_start3A_94 = arith.constant 0 : i32
      %dma_start3A_95 = tpu.memref_slice %arg8[%dma_start3A_92, %dma_start3A_93, %dma_start3A_94] : memref<2x128x128xf32, #tpu.memory_space<vmem>> -> memref<1x128x128xf32, #tpu.memory_space<vmem>>
      %dma_start3A_96 = tpu.memref_squeeze %dma_start3A_95 : memref<1x128x128xf32, #tpu.memory_space<vmem>> -> memref<128x128xf32, #tpu.memory_space<vmem>>
      %dma_start3A_97 = arith.constant 0 : i32
      %dma_start3A_98 = tpu.memref_slice %arg7[%dma_start3A_90, %dma_start3A_91, %dma_start3A_97] : memref<20x2x128xi32, #tpu.memory_space<vmem>> -> memref<1x1x128xi32, #tpu.memory_space<vmem>>
      %dma_start3A_99 = tpu.memref_squeeze %dma_start3A_98 : memref<1x1x128xi32, #tpu.memory_space<vmem>> -> memref<128xi32, #tpu.memory_space<vmem>>
      %dma_start3A_100 = arith.constant 0 : i32
      %dma_start3A_101 = arith.constant 0 : i32
      %dma_start3A_102 = tpu.memref_slice %arg2[%dma_start3A_100, %dma_start3A_101] : memref<10000x128xf32, #tpu.memory_space<hbm>> -> memref<10000x128xf32, #tpu.memory_space<hbm>>
      tpu.enqueue_indirect_dma source(%dma_start3A_102 : memref<10000x128xf32, #tpu.memory_space<hbm>>) target(%dma_start3A_96 : memref<128x128xf32, #tpu.memory_space<vmem>>) offsets(%dma_start3A_99 : memref<128xi32, #tpu.memory_space<vmem>>) semaphore(%arg10 : memref<!tpu.dma_semaphore, #tpu.memory_space<semaphore_mem>>)
      %scan3A_103 = arith.constant 0 : i32
      %scan3A_104 = arith.constant 10 : i32
      %scan3A_105 = arith.addi %scan3A_103, %scan3A_104 : i32
      %scan3A_106 = arith.constant 1 : i32
      scf.for %scan3A_133 = %scan3A_103 to %scan3A_105 step %scan3A_106  : i32 {
        %mul3A_134 = arith.constant 2 : i32
        %mul3A_135 = arith.muli %scan3A_133, %mul3A_134 : i32
        %add3A_136 = arith.constant 0 : i32
        %add3A_137 = arith.addi %add3A_136, %mul3A_135 : i32
        %add3A_138 = arith.constant 0 : i32
        %add3A_139 = arith.addi %add3A_137, %add3A_138 : i32
        %dma_wait3A_140 = arith.constant 0 : i32
        %dma_wait3A_141 = arith.constant 0 : i32
        %dma_wait3A_142 = arith.constant 0 : i32
        %dma_wait3A_143 = arith.constant 0 : i32
        %dma_wait3A_144 = tpu.memref_slice %arg8[%dma_wait3A_141, %dma_wait3A_142, %dma_wait3A_143] : memref<2x128x128xf32, #tpu.memory_space<vmem>> -> memref<1x128x128xf32, #tpu.memory_space<vmem>>
        %dma_wait3A_145 = tpu.memref_squeeze %dma_wait3A_144 : memref<1x128x128xf32, #tpu.memory_space<vmem>> -> memref<128x128xf32, #tpu.memory_space<vmem>>
        %dma_wait3A_146 = arith.constant 0 : i32
        %dma_wait3A_147 = tpu.memref_slice %arg7[%add3A_139, %dma_wait3A_140, %dma_wait3A_146] : memref<20x2x128xi32, #tpu.memory_space<vmem>> -> memref<1x1x128xi32, #tpu.memory_space<vmem>>
        %dma_wait3A_148 = tpu.memref_squeeze %dma_wait3A_147 : memref<1x1x128xi32, #tpu.memory_space<vmem>> -> memref<128xi32, #tpu.memory_space<vmem>>
        %dma_wait3A_149 = arith.constant 0 : i32
        %dma_wait3A_150 = arith.constant 0 : i32
        %dma_wait3A_151 = tpu.memref_slice %arg2[%dma_wait3A_149, %dma_wait3A_150] : memref<10000x128xf32, #tpu.memory_space<hbm>> -> memref<10000x128xf32, #tpu.memory_space<hbm>>
        tpu.wait_indirect_dma semaphore(%arg9 : memref<!tpu.dma_semaphore, #tpu.memory_space<semaphore_mem>>) src(%dma_wait3A_151 : memref<10000x128xf32, #tpu.memory_space<hbm>>) dst(%dma_wait3A_145 : memref<128x128xf32, #tpu.memory_space<vmem>>)
        %dma_start3A_152 = arith.constant 0 : i32
        %dma_start3A_153 = arith.constant 1 : i32
        %dma_start3A_154 = arith.constant 0 : i32
        %dma_start3A_155 = arith.constant 0 : i32
        %dma_start3A_156 = tpu.memref_slice %arg8[%dma_start3A_152, %dma_start3A_154, %dma_start3A_155] : memref<2x128x128xf32, #tpu.memory_space<vmem>> -> memref<1x128x128xf32, #tpu.memory_space<vmem>>
        %dma_start3A_157 = tpu.memref_squeeze %dma_start3A_156 : memref<1x128x128xf32, #tpu.memory_space<vmem>> -> memref<128x128xf32, #tpu.memory_space<vmem>>
        %dma_start3A_158 = arith.constant 0 : i32
        %dma_start3A_159 = tpu.memref_slice %arg7[%add3A_139, %dma_start3A_153, %dma_start3A_158] : memref<20x2x128xi32, #tpu.memory_space<vmem>> -> memref<1x1x128xi32, #tpu.memory_space<vmem>>
        %dma_start3A_160 = tpu.memref_squeeze %dma_start3A_159 : memref<1x1x128xi32, #tpu.memory_space<vmem>> -> memref<128xi32, #tpu.memory_space<vmem>>
        %dma_start3A_161 = arith.constant 0 : i32
        %dma_start3A_162 = arith.constant 0 : i32
        %dma_start3A_163 = tpu.memref_slice %arg6[%dma_start3A_161, %dma_start3A_162] : memref<10240x128xf32, #tpu.memory_space<vmem_shared>> -> memref<10240x128xf32, #tpu.memory_space<vmem_shared>>
        tpu.enqueue_indirect_dma source(%dma_start3A_157 : memref<128x128xf32, #tpu.memory_space<vmem>>) target(%dma_start3A_163 : memref<10240x128xf32, #tpu.memory_space<vmem_shared>>) offsets(%dma_start3A_160 : memref<128xi32, #tpu.memory_space<vmem>>) semaphore(%arg11 : memref<!tpu.dma_semaphore, #tpu.memory_space<semaphore_mem>>) {add = true}
        %add3A_164 = arith.constant 2 : i32
        %add3A_165 = arith.addi %add3A_139, %add3A_164 : i32
        %lt3A = arith.constant 20 : i32
        %lt3A_166 = arith.cmpi slt, %add3A_165, %lt3A : i32
        %convert_element_type3A = arith.extui %lt3A_166 : i1 to i32
        %cond3A = arith.constant 0 : i32
        %cond3A_167 = arith.cmpi ne, %convert_element_type3A, %cond3A : i32
        scf.if %cond3A_167 {
          %dma_wait3A_201 = arith.constant 0 : i32
          %dma_wait3A_202 = arith.constant 1 : i32
          %dma_wait3A_203 = arith.constant 0 : i32
          %dma_wait3A_204 = arith.constant 0 : i32
          %dma_wait3A_205 = tpu.memref_slice %arg8[%dma_wait3A_201, %dma_wait3A_203, %dma_wait3A_204] : memref<2x128x128xf32, #tpu.memory_space<vmem>> -> memref<1x128x128xf32, #tpu.memory_space<vmem>>
          %dma_wait3A_206 = tpu.memref_squeeze %dma_wait3A_205 : memref<1x128x128xf32, #tpu.memory_space<vmem>> -> memref<128x128xf32, #tpu.memory_space<vmem>>
          %dma_wait3A_207 = arith.constant 0 : i32
          %dma_wait3A_208 = tpu.memref_slice %arg7[%add3A_139, %dma_wait3A_202, %dma_wait3A_207] : memref<20x2x128xi32, #tpu.memory_space<vmem>> -> memref<1x1x128xi32, #tpu.memory_space<vmem>>
          %dma_wait3A_209 = tpu.memref_squeeze %dma_wait3A_208 : memref<1x1x128xi32, #tpu.memory_space<vmem>> -> memref<128xi32, #tpu.memory_space<vmem>>
          %dma_wait3A_210 = arith.constant 0 : i32
          %dma_wait3A_211 = arith.constant 0 : i32
          %dma_wait3A_212 = tpu.memref_slice %arg6[%dma_wait3A_210, %dma_wait3A_211] : memref<10240x128xf32, #tpu.memory_space<vmem_shared>> -> memref<10240x128xf32, #tpu.memory_space<vmem_shared>>
          tpu.wait_indirect_dma semaphore(%arg11 : memref<!tpu.dma_semaphore, #tpu.memory_space<semaphore_mem>>) src(%dma_wait3A_206 : memref<128x128xf32, #tpu.memory_space<vmem>>) dst(%dma_wait3A_212 : memref<10240x128xf32, #tpu.memory_space<vmem_shared>>)
          %add3A_213 = arith.constant 2 : i32
          %add3A_214 = arith.addi %add3A_139, %add3A_213 : i32
          %dma_start3A_215 = arith.constant 0 : i32
          %dma_start3A_216 = arith.constant 0 : i32
          %dma_start3A_217 = arith.constant 0 : i32
          %dma_start3A_218 = arith.constant 0 : i32
          %dma_start3A_219 = tpu.memref_slice %arg8[%dma_start3A_216, %dma_start3A_217, %dma_start3A_218] : memref<2x128x128xf32, #tpu.memory_space<vmem>> -> memref<1x128x128xf32, #tpu.memory_space<vmem>>
          %dma_start3A_220 = tpu.memref_squeeze %dma_start3A_219 : memref<1x128x128xf32, #tpu.memory_space<vmem>> -> memref<128x128xf32, #tpu.memory_space<vmem>>
          %dma_start3A_221 = arith.constant 0 : i32
          %dma_start3A_222 = tpu.memref_slice %arg7[%add3A_214, %dma_start3A_215, %dma_start3A_221] : memref<20x2x128xi32, #tpu.memory_space<vmem>> -> memref<1x1x128xi32, #tpu.memory_space<vmem>>
          %dma_start3A_223 = tpu.memref_squeeze %dma_start3A_222 : memref<1x1x128xi32, #tpu.memory_space<vmem>> -> memref<128xi32, #tpu.memory_space<vmem>>
          %dma_start3A_224 = arith.constant 0 : i32
          %dma_start3A_225 = arith.constant 0 : i32
          %dma_start3A_226 = tpu.memref_slice %arg2[%dma_start3A_224, %dma_start3A_225] : memref<10000x128xf32, #tpu.memory_space<hbm>> -> memref<10000x128xf32, #tpu.memory_space<hbm>>
          tpu.enqueue_indirect_dma source(%dma_start3A_226 : memref<10000x128xf32, #tpu.memory_space<hbm>>) target(%dma_start3A_220 : memref<128x128xf32, #tpu.memory_space<vmem>>) offsets(%dma_start3A_223 : memref<128xi32, #tpu.memory_space<vmem>>) semaphore(%arg9 : memref<!tpu.dma_semaphore, #tpu.memory_space<semaphore_mem>>)
        } else {
        }
        %add3A_168 = arith.constant 1 : i32
        %add3A_169 = arith.addi %add3A_137, %add3A_168 : i32
        %dma_wait3A_170 = arith.constant 0 : i32
        %dma_wait3A_171 = arith.constant 1 : i32
        %dma_wait3A_172 = arith.constant 0 : i32
        %dma_wait3A_173 = arith.constant 0 : i32
        %dma_wait3A_174 = tpu.memref_slice %arg8[%dma_wait3A_171, %dma_wait3A_172, %dma_wait3A_173] : memref<2x128x128xf32, #tpu.memory_space<vmem>> -> memref<1x128x128xf32, #tpu.memory_space<vmem>>
        %dma_wait3A_175 = tpu.memref_squeeze %dma_wait3A_174 : memref<1x128x128xf32, #tpu.memory_space<vmem>> -> memref<128x128xf32, #tpu.memory_space<vmem>>
        %dma_wait3A_176 = arith.constant 0 : i32
        %dma_wait3A_177 = tpu.memref_slice %arg7[%add3A_169, %dma_wait3A_170, %dma_wait3A_176] : memref<20x2x128xi32, #tpu.memory_space<vmem>> -> memref<1x1x128xi32, #tpu.memory_space<vmem>>
        %dma_wait3A_178 = tpu.memref_squeeze %dma_wait3A_177 : memref<1x1x128xi32, #tpu.memory_space<vmem>> -> memref<128xi32, #tpu.memory_space<vmem>>
        %dma_wait3A_179 = arith.constant 0 : i32
        %dma_wait3A_180 = arith.constant 0 : i32
        %dma_wait3A_181 = tpu.memref_slice %arg2[%dma_wait3A_179, %dma_wait3A_180] : memref<10000x128xf32, #tpu.memory_space<hbm>> -> memref<10000x128xf32, #tpu.memory_space<hbm>>
        tpu.wait_indirect_dma semaphore(%arg10 : memref<!tpu.dma_semaphore, #tpu.memory_space<semaphore_mem>>) src(%dma_wait3A_181 : memref<10000x128xf32, #tpu.memory_space<hbm>>) dst(%dma_wait3A_175 : memref<128x128xf32, #tpu.memory_space<vmem>>)
        %dma_start3A_182 = arith.constant 1 : i32
        %dma_start3A_183 = arith.constant 1 : i32
        %dma_start3A_184 = arith.constant 0 : i32
        %dma_start3A_185 = arith.constant 0 : i32
        %dma_start3A_186 = tpu.memref_slice %arg8[%dma_start3A_182, %dma_start3A_184, %dma_start3A_185] : memref<2x128x128xf32, #tpu.memory_space<vmem>> -> memref<1x128x128xf32, #tpu.memory_space<vmem>>
        %dma_start3A_187 = tpu.memref_squeeze %dma_start3A_186 : memref<1x128x128xf32, #tpu.memory_space<vmem>> -> memref<128x128xf32, #tpu.memory_space<vmem>>
        %dma_start3A_188 = arith.constant 0 : i32
        %dma_start3A_189 = tpu.memref_slice %arg7[%add3A_169, %dma_start3A_183, %dma_start3A_188] : memref<20x2x128xi32, #tpu.memory_space<vmem>> -> memref<1x1x128xi32, #tpu.memory_space<vmem>>
        %dma_start3A_190 = tpu.memref_squeeze %dma_start3A_189 : memref<1x1x128xi32, #tpu.memory_space<vmem>> -> memref<128xi32, #tpu.memory_space<vmem>>
        %dma_start3A_191 = arith.constant 0 : i32
        %dma_start3A_192 = arith.constant 0 : i32
        %dma_start3A_193 = tpu.memref_slice %arg6[%dma_start3A_191, %dma_start3A_192] : memref<10240x128xf32, #tpu.memory_space<vmem_shared>> -> memref<10240x128xf32, #tpu.memory_space<vmem_shared>>
        tpu.enqueue_indirect_dma source(%dma_start3A_187 : memref<128x128xf32, #tpu.memory_space<vmem>>) target(%dma_start3A_193 : memref<10240x128xf32, #tpu.memory_space<vmem_shared>>) offsets(%dma_start3A_190 : memref<128xi32, #tpu.memory_space<vmem>>) semaphore(%arg12 : memref<!tpu.dma_semaphore, #tpu.memory_space<semaphore_mem>>) {add = true}
        %add3A_194 = arith.constant 2 : i32
        %add3A_195 = arith.addi %add3A_169, %add3A_194 : i32
        %lt3A_196 = arith.constant 20 : i32
        %lt3A_197 = arith.cmpi slt, %add3A_195, %lt3A_196 : i32
        %convert_element_type3A_198 = arith.extui %lt3A_197 : i1 to i32
        %cond3A_199 = arith.constant 0 : i32
        %cond3A_200 = arith.cmpi ne, %convert_element_type3A_198, %cond3A_199 : i32
        scf.if %cond3A_200 {
          %dma_wait3A_201 = arith.constant 1 : i32
          %dma_wait3A_202 = arith.constant 1 : i32
          %dma_wait3A_203 = arith.constant 0 : i32
          %dma_wait3A_204 = arith.constant 0 : i32
          %dma_wait3A_205 = tpu.memref_slice %arg8[%dma_wait3A_201, %dma_wait3A_203, %dma_wait3A_204] : memref<2x128x128xf32, #tpu.memory_space<vmem>> -> memref<1x128x128xf32, #tpu.memory_space<vmem>>
          %dma_wait3A_206 = tpu.memref_squeeze %dma_wait3A_205 : memref<1x128x128xf32, #tpu.memory_space<vmem>> -> memref<128x128xf32, #tpu.memory_space<vmem>>
          %dma_wait3A_207 = arith.constant 0 : i32
          %dma_wait3A_208 = tpu.memref_slice %arg7[%add3A_169, %dma_wait3A_202, %dma_wait3A_207] : memref<20x2x128xi32, #tpu.memory_space<vmem>> -> memref<1x1x128xi32, #tpu.memory_space<vmem>>
          %dma_wait3A_209 = tpu.memref_squeeze %dma_wait3A_208 : memref<1x1x128xi32, #tpu.memory_space<vmem>> -> memref<128xi32, #tpu.memory_space<vmem>>
          %dma_wait3A_210 = arith.constant 0 : i32
          %dma_wait3A_211 = arith.constant 0 : i32
          %dma_wait3A_212 = tpu.memref_slice %arg6[%dma_wait3A_210, %dma_wait3A_211] : memref<10240x128xf32, #tpu.memory_space<vmem_shared>> -> memref<10240x128xf32, #tpu.memory_space<vmem_shared>>
          tpu.wait_indirect_dma semaphore(%arg12 : memref<!tpu.dma_semaphore, #tpu.memory_space<semaphore_mem>>) src(%dma_wait3A_206 : memref<128x128xf32, #tpu.memory_space<vmem>>) dst(%dma_wait3A_212 : memref<10240x128xf32, #tpu.memory_space<vmem_shared>>)
          %add3A_213 = arith.constant 2 : i32
          %add3A_214 = arith.addi %add3A_169, %add3A_213 : i32
          %dma_start3A_215 = arith.constant 0 : i32
          %dma_start3A_216 = arith.constant 1 : i32
          %dma_start3A_217 = arith.constant 0 : i32
          %dma_start3A_218 = arith.constant 0 : i32
          %dma_start3A_219 = tpu.memref_slice %arg8[%dma_start3A_216, %dma_start3A_217, %dma_start3A_218] : memref<2x128x128xf32, #tpu.memory_space<vmem>> -> memref<1x128x128xf32, #tpu.memory_space<vmem>>
          %dma_start3A_220 = tpu.memref_squeeze %dma_start3A_219 : memref<1x128x128xf32, #tpu.memory_space<vmem>> -> memref<128x128xf32, #tpu.memory_space<vmem>>
          %dma_start3A_221 = arith.constant 0 : i32
          %dma_start3A_222 = tpu.memref_slice %arg7[%add3A_214, %dma_start3A_215, %dma_start3A_221] : memref<20x2x128xi32, #tpu.memory_space<vmem>> -> memref<1x1x128xi32, #tpu.memory_space<vmem>>
          %dma_start3A_223 = tpu.memref_squeeze %dma_start3A_222 : memref<1x1x128xi32, #tpu.memory_space<vmem>> -> memref<128xi32, #tpu.memory_space<vmem>>
          %dma_start3A_224 = arith.constant 0 : i32
          %dma_start3A_225 = arith.constant 0 : i32
          %dma_start3A_226 = tpu.memref_slice %arg2[%dma_start3A_224, %dma_start3A_225] : memref<10000x128xf32, #tpu.memory_space<hbm>> -> memref<10000x128xf32, #tpu.memory_space<hbm>>
          tpu.enqueue_indirect_dma source(%dma_start3A_226 : memref<10000x128xf32, #tpu.memory_space<hbm>>) target(%dma_start3A_220 : memref<128x128xf32, #tpu.memory_space<vmem>>) offsets(%dma_start3A_223 : memref<128xi32, #tpu.memory_space<vmem>>) semaphore(%arg10 : memref<!tpu.dma_semaphore, #tpu.memory_space<semaphore_mem>>)
        } else {
        }
      }
      %scan3A_107 = arith.constant 10 : i32
      %dma_wait3A = arith.constant 0 : i32
      %dma_wait3A_108 = arith.constant 0 : i32
      %dma_wait3A_109 = arith.constant 1 : i32
      %dma_wait3A_110 = arith.constant 0 : i32
      %dma_wait3A_111 = arith.constant 0 : i32
      %dma_wait3A_112 = tpu.memref_slice %arg8[%dma_wait3A, %dma_wait3A_110, %dma_wait3A_111] : memref<2x128x128xf32, #tpu.memory_space<vmem>> -> memref<1x128x128xf32, #tpu.memory_space<vmem>>
      %dma_wait3A_113 = tpu.memref_squeeze %dma_wait3A_112 : memref<1x128x128xf32, #tpu.memory_space<vmem>> -> memref<128x128xf32, #tpu.memory_space<vmem>>
      %dma_wait3A_114 = arith.constant 0 : i32
      %dma_wait3A_115 = tpu.memref_slice %arg7[%dma_wait3A_108, %dma_wait3A_109, %dma_wait3A_114] : memref<20x2x128xi32, #tpu.memory_space<vmem>> -> memref<1x1x128xi32, #tpu.memory_space<vmem>>
      %dma_wait3A_116 = tpu.memref_squeeze %dma_wait3A_115 : memref<1x1x128xi32, #tpu.memory_space<vmem>> -> memref<128xi32, #tpu.memory_space<vmem>>
      %dma_wait3A_117 = arith.constant 0 : i32
      %dma_wait3A_118 = arith.constant 0 : i32
      %dma_wait3A_119 = tpu.memref_slice %arg6[%dma_wait3A_117, %dma_wait3A_118] : memref<10240x128xf32, #tpu.memory_space<vmem_shared>> -> memref<10240x128xf32, #tpu.memory_space<vmem_shared>>
      tpu.wait_indirect_dma semaphore(%arg11 : memref<!tpu.dma_semaphore, #tpu.memory_space<semaphore_mem>>) src(%dma_wait3A_113 : memref<128x128xf32, #tpu.memory_space<vmem>>) dst(%dma_wait3A_119 : memref<10240x128xf32, #tpu.memory_space<vmem_shared>>)
      %dma_wait3A_120 = arith.constant 1 : i32
      %dma_wait3A_121 = arith.constant 0 : i32
      %dma_wait3A_122 = arith.constant 1 : i32
      %dma_wait3A_123 = arith.constant 0 : i32
      %dma_wait3A_124 = arith.constant 0 : i32
      %dma_wait3A_125 = tpu.memref_slice %arg8[%dma_wait3A_120, %dma_wait3A_123, %dma_wait3A_124] : memref<2x128x128xf32, #tpu.memory_space<vmem>> -> memref<1x128x128xf32, #tpu.memory_space<vmem>>
      %dma_wait3A_126 = tpu.memref_squeeze %dma_wait3A_125 : memref<1x128x128xf32, #tpu.memory_space<vmem>> -> memref<128x128xf32, #tpu.memory_space<vmem>>
      %dma_wait3A_127 = arith.constant 0 : i32
      %dma_wait3A_128 = tpu.memref_slice %arg7[%dma_wait3A_121, %dma_wait3A_122, %dma_wait3A_127] : memref<20x2x128xi32, #tpu.memory_space<vmem>> -> memref<1x1x128xi32, #tpu.memory_space<vmem>>
      %dma_wait3A_129 = tpu.memref_squeeze %dma_wait3A_128 : memref<1x1x128xi32, #tpu.memory_space<vmem>> -> memref<128xi32, #tpu.memory_space<vmem>>
      %dma_wait3A_130 = arith.constant 0 : i32
      %dma_wait3A_131 = arith.constant 0 : i32
      %dma_wait3A_132 = tpu.memref_slice %arg6[%dma_wait3A_130, %dma_wait3A_131] : memref<10240x128xf32, #tpu.memory_space<vmem_shared>> -> memref<10240x128xf32, #tpu.memory_space<vmem_shared>>
      tpu.wait_indirect_dma semaphore(%arg12 : memref<!tpu.dma_semaphore, #tpu.memory_space<semaphore_mem>>) src(%dma_wait3A_126 : memref<128x128xf32, #tpu.memory_space<vmem>>) dst(%dma_wait3A_132 : memref<10240x128xf32, #tpu.memory_space<vmem_shared>>)
    }
    %scan3A_39 = arith.constant 4 : i32
    %barrier3A_40 = arith.constant 0 : index
    tpu.barrier barrier_id(%barrier3A_40)
    %mul3A_41 = arith.constant 5 : i32
    %mul3A_42 = arith.muli %arg1, %mul3A_41 : i32
    %add3A_43 = arith.constant 0 : i32
    %add3A_44 = arith.addi %mul3A_42, %add3A_43 : i32
    %mul3A_45 = arith.constant 128 : i32
    %mul3A_46 = arith.muli %add3A_44, %mul3A_45 : i32
    "tpu.region"() ({
      %run_scoped3A_71 = tpu.sem_alloc : memref<!tpu.dma_semaphore, #tpu.memory_space<semaphore_mem>>
      %dma_start3A = arith.constant 0 : i32
      %dma_start3A_72 = tpu.memref_slice %arg5[%arg0, %mul3A_46, %dma_start3A] : memref<2x10240x128xf32, #tpu.memory_space<hbm>> -> memref<1x128x128xf32, #tpu.memory_space<hbm>>
      %dma_start3A_73 = tpu.memref_squeeze %dma_start3A_72 : memref<1x128x128xf32, #tpu.memory_space<hbm>> -> memref<128x128xf32, #tpu.memory_space<hbm>>
      %dma_start3A_74 = arith.constant 0 : i32
      %dma_start3A_75 = tpu.memref_slice %arg6[%mul3A_46, %dma_start3A_74] : memref<10240x128xf32, #tpu.memory_space<vmem_shared>> -> memref<128x128xf32, #tpu.memory_space<vmem_shared>>
      tpu.enqueue_dma source(%dma_start3A_75 : memref<128x128xf32, #tpu.memory_space<vmem_shared>>) target(%dma_start3A_73 : memref<128x128xf32, #tpu.memory_space<hbm>>) target_semaphore(%run_scoped3A_71 : memref<!tpu.dma_semaphore, #tpu.memory_space<semaphore_mem>>)
      %dma_wait3A = arith.constant 0 : i32
      %dma_wait3A_76 = tpu.memref_slice %arg5[%arg0, %mul3A_46, %dma_wait3A] : memref<2x10240x128xf32, #tpu.memory_space<hbm>> -> memref<1x128x128xf32, #tpu.memory_space<hbm>>
      %dma_wait3A_77 = tpu.memref_squeeze %dma_wait3A_76 : memref<1x128x128xf32, #tpu.memory_space<hbm>> -> memref<128x128xf32, #tpu.memory_space<hbm>>
      %dma_wait3A_78 = arith.constant 0 : i32
      %dma_wait3A_79 = tpu.memref_slice %arg6[%mul3A_46, %dma_wait3A_78] : memref<10240x128xf32, #tpu.memory_space<vmem_shared>> -> memref<128x128xf32, #tpu.memory_space<vmem_shared>>
      tpu.wait_dma2 semaphore(%run_scoped3A_71 : memref<!tpu.dma_semaphore, #tpu.memory_space<semaphore_mem>>) src(%dma_wait3A_79 : memref<128x128xf32, #tpu.memory_space<vmem_shared>>) dst(%dma_wait3A_77 : memref<128x128xf32, #tpu.memory_space<hbm>>)
      tpu.yield
    }) : () -> ()
    %mul3A_47 = arith.constant 5 : i32
    %mul3A_48 = arith.muli %arg1, %mul3A_47 : i32
    %add3A_49 = arith.constant 1 : i32
    %add3A_50 = arith.addi %mul3A_48, %add3A_49 : i32
    %mul3A_51 = arith.constant 128 : i32
    %mul3A_52 = arith.muli %add3A_50, %mul3A_51 : i32
    "tpu.region"() ({
      %run_scoped3A_71 = tpu.sem_alloc : memref<!tpu.dma_semaphore, #tpu.memory_space<semaphore_mem>>
      %dma_start3A = arith.constant 0 : i32
      %dma_start3A_72 = tpu.memref_slice %arg5[%arg0, %mul3A_52, %dma_start3A] : memref<2x10240x128xf32, #tpu.memory_space<hbm>> -> memref<1x128x128xf32, #tpu.memory_space<hbm>>
      %dma_start3A_73 = tpu.memref_squeeze %dma_start3A_72 : memref<1x128x128xf32, #tpu.memory_space<hbm>> -> memref<128x128xf32, #tpu.memory_space<hbm>>
      %dma_start3A_74 = arith.constant 0 : i32
      %dma_start3A_75 = tpu.memref_slice %arg6[%mul3A_52, %dma_start3A_74] : memref<10240x128xf32, #tpu.memory_space<vmem_shared>> -> memref<128x128xf32, #tpu.memory_space<vmem_shared>>
      tpu.enqueue_dma source(%dma_start3A_75 : memref<128x128xf32, #tpu.memory_space<vmem_shared>>) target(%dma_start3A_73 : memref<128x128xf32, #tpu.memory_space<hbm>>) target_semaphore(%run_scoped3A_71 : memref<!tpu.dma_semaphore, #tpu.memory_space<semaphore_mem>>)
      %dma_wait3A = arith.constant 0 : i32
      %dma_wait3A_76 = tpu.memref_slice %arg5[%arg0, %mul3A_52, %dma_wait3A] : memref<2x10240x128xf32, #tpu.memory_space<hbm>> -> memref<1x128x128xf32, #tpu.memory_space<hbm>>
      %dma_wait3A_77 = tpu.memref_squeeze %dma_wait3A_76 : memref<1x128x128xf32, #tpu.memory_space<hbm>> -> memref<128x128xf32, #tpu.memory_space<hbm>>
      %dma_wait3A_78 = arith.constant 0 : i32
      %dma_wait3A_79 = tpu.memref_slice %arg6[%mul3A_52, %dma_wait3A_78] : memref<10240x128xf32, #tpu.memory_space<vmem_shared>> -> memref<128x128xf32, #tpu.memory_space<vmem_shared>>
      tpu.wait_dma2 semaphore(%run_scoped3A_71 : memref<!tpu.dma_semaphore, #tpu.memory_space<semaphore_mem>>) src(%dma_wait3A_79 : memref<128x128xf32, #tpu.memory_space<vmem_shared>>) dst(%dma_wait3A_77 : memref<128x128xf32, #tpu.memory_space<hbm>>)
      tpu.yield
    }) : () -> ()
    %mul3A_53 = arith.constant 5 : i32
    %mul3A_54 = arith.muli %arg1, %mul3A_53 : i32
    %add3A_55 = arith.constant 2 : i32
    %add3A_56 = arith.addi %mul3A_54, %add3A_55 : i32
    %mul3A_57 = arith.constant 128 : i32
    %mul3A_58 = arith.muli %add3A_56, %mul3A_57 : i32
    "tpu.region"() ({
      %run_scoped3A_71 = tpu.sem_alloc : memref<!tpu.dma_semaphore, #tpu.memory_space<semaphore_mem>>
      %dma_start3A = arith.constant 0 : i32
      %dma_start3A_72 = tpu.memref_slice %arg5[%arg0, %mul3A_58, %dma_start3A] : memref<2x10240x128xf32, #tpu.memory_space<hbm>> -> memref<1x128x128xf32, #tpu.memory_space<hbm>>
      %dma_start3A_73 = tpu.memref_squeeze %dma_start3A_72 : memref<1x128x128xf32, #tpu.memory_space<hbm>> -> memref<128x128xf32, #tpu.memory_space<hbm>>
      %dma_start3A_74 = arith.constant 0 : i32
      %dma_start3A_75 = tpu.memref_slice %arg6[%mul3A_58, %dma_start3A_74] : memref<10240x128xf32, #tpu.memory_space<vmem_shared>> -> memref<128x128xf32, #tpu.memory_space<vmem_shared>>
      tpu.enqueue_dma source(%dma_start3A_75 : memref<128x128xf32, #tpu.memory_space<vmem_shared>>) target(%dma_start3A_73 : memref<128x128xf32, #tpu.memory_space<hbm>>) target_semaphore(%run_scoped3A_71 : memref<!tpu.dma_semaphore, #tpu.memory_space<semaphore_mem>>)
      %dma_wait3A = arith.constant 0 : i32
      %dma_wait3A_76 = tpu.memref_slice %arg5[%arg0, %mul3A_58, %dma_wait3A] : memref<2x10240x128xf32, #tpu.memory_space<hbm>> -> memref<1x128x128xf32, #tpu.memory_space<hbm>>
      %dma_wait3A_77 = tpu.memref_squeeze %dma_wait3A_76 : memref<1x128x128xf32, #tpu.memory_space<hbm>> -> memref<128x128xf32, #tpu.memory_space<hbm>>
      %dma_wait3A_78 = arith.constant 0 : i32
      %dma_wait3A_79 = tpu.memref_slice %arg6[%mul3A_58, %dma_wait3A_78] : memref<10240x128xf32, #tpu.memory_space<vmem_shared>> -> memref<128x128xf32, #tpu.memory_space<vmem_shared>>
      tpu.wait_dma2 semaphore(%run_scoped3A_71 : memref<!tpu.dma_semaphore, #tpu.memory_space<semaphore_mem>>) src(%dma_wait3A_79 : memref<128x128xf32, #tpu.memory_space<vmem_shared>>) dst(%dma_wait3A_77 : memref<128x128xf32, #tpu.memory_space<hbm>>)
      tpu.yield
    }) : () -> ()
    %mul3A_59 = arith.constant 5 : i32
    %mul3A_60 = arith.muli %arg1, %mul3A_59 : i32
    %add3A_61 = arith.constant 3 : i32
    %add3A_62 = arith.addi %mul3A_60, %add3A_61 : i32
    %mul3A_63 = arith.constant 128 : i32
    %mul3A_64 = arith.muli %add3A_62, %mul3A_63 : i32
    "tpu.region"() ({
      %run_scoped3A_71 = tpu.sem_alloc : memref<!tpu.dma_semaphore, #tpu.memory_space<semaphore_mem>>
      %dma_start3A = arith.constant 0 : i32
      %dma_start3A_72 = tpu.memref_slice %arg5[%arg0, %mul3A_64, %dma_start3A] : memref<2x10240x128xf32, #tpu.memory_space<hbm>> -> memref<1x128x128xf32, #tpu.memory_space<hbm>>
      %dma_start3A_73 = tpu.memref_squeeze %dma_start3A_72 : memref<1x128x128xf32, #tpu.memory_space<hbm>> -> memref<128x128xf32, #tpu.memory_space<hbm>>
      %dma_start3A_74 = arith.constant 0 : i32
      %dma_start3A_75 = tpu.memref_slice %arg6[%mul3A_64, %dma_start3A_74] : memref<10240x128xf32, #tpu.memory_space<vmem_shared>> -> memref<128x128xf32, #tpu.memory_space<vmem_shared>>
      tpu.enqueue_dma source(%dma_start3A_75 : memref<128x128xf32, #tpu.memory_space<vmem_shared>>) target(%dma_start3A_73 : memref<128x128xf32, #tpu.memory_space<hbm>>) target_semaphore(%run_scoped3A_71 : memref<!tpu.dma_semaphore, #tpu.memory_space<semaphore_mem>>)
      %dma_wait3A = arith.constant 0 : i32
      %dma_wait3A_76 = tpu.memref_slice %arg5[%arg0, %mul3A_64, %dma_wait3A] : memref<2x10240x128xf32, #tpu.memory_space<hbm>> -> memref<1x128x128xf32, #tpu.memory_space<hbm>>
      %dma_wait3A_77 = tpu.memref_squeeze %dma_wait3A_76 : memref<1x128x128xf32, #tpu.memory_space<hbm>> -> memref<128x128xf32, #tpu.memory_space<hbm>>
      %dma_wait3A_78 = arith.constant 0 : i32
      %dma_wait3A_79 = tpu.memref_slice %arg6[%mul3A_64, %dma_wait3A_78] : memref<10240x128xf32, #tpu.memory_space<vmem_shared>> -> memref<128x128xf32, #tpu.memory_space<vmem_shared>>
      tpu.wait_dma2 semaphore(%run_scoped3A_71 : memref<!tpu.dma_semaphore, #tpu.memory_space<semaphore_mem>>) src(%dma_wait3A_79 : memref<128x128xf32, #tpu.memory_space<vmem_shared>>) dst(%dma_wait3A_77 : memref<128x128xf32, #tpu.memory_space<hbm>>)
      tpu.yield
    }) : () -> ()
    %mul3A_65 = arith.constant 5 : i32
    %mul3A_66 = arith.muli %arg1, %mul3A_65 : i32
    %add3A_67 = arith.constant 4 : i32
    %add3A_68 = arith.addi %mul3A_66, %add3A_67 : i32
    %mul3A_69 = arith.constant 128 : i32
    %mul3A_70 = arith.muli %add3A_68, %mul3A_69 : i32
    "tpu.region"() ({
      %run_scoped3A_71 = tpu.sem_alloc : memref<!tpu.dma_semaphore, #tpu.memory_space<semaphore_mem>>
      %dma_start3A = arith.constant 0 : i32
      %dma_start3A_72 = tpu.memref_slice %arg5[%arg0, %mul3A_70, %dma_start3A] : memref<2x10240x128xf32, #tpu.memory_space<hbm>> -> memref<1x128x128xf32, #tpu.memory_space<hbm>>
      %dma_start3A_73 = tpu.memref_squeeze %dma_start3A_72 : memref<1x128x128xf32, #tpu.memory_space<hbm>> -> memref<128x128xf32, #tpu.memory_space<hbm>>
      %dma_start3A_74 = arith.constant 0 : i32
      %dma_start3A_75 = tpu.memref_slice %arg6[%mul3A_70, %dma_start3A_74] : memref<10240x128xf32, #tpu.memory_space<vmem_shared>> -> memref<128x128xf32, #tpu.memory_space<vmem_shared>>
      tpu.enqueue_dma source(%dma_start3A_75 : memref<128x128xf32, #tpu.memory_space<vmem_shared>>) target(%dma_start3A_73 : memref<128x128xf32, #tpu.memory_space<hbm>>) target_semaphore(%run_scoped3A_71 : memref<!tpu.dma_semaphore, #tpu.memory_space<semaphore_mem>>)
      %dma_wait3A = arith.constant 0 : i32
      %dma_wait3A_76 = tpu.memref_slice %arg5[%arg0, %mul3A_70, %dma_wait3A] : memref<2x10240x128xf32, #tpu.memory_space<hbm>> -> memref<1x128x128xf32, #tpu.memory_space<hbm>>
      %dma_wait3A_77 = tpu.memref_squeeze %dma_wait3A_76 : memref<1x128x128xf32, #tpu.memory_space<hbm>> -> memref<128x128xf32, #tpu.memory_space<hbm>>
      %dma_wait3A_78 = arith.constant 0 : i32
      %dma_wait3A_79 = tpu.memref_slice %arg6[%mul3A_70, %dma_wait3A_78] : memref<10240x128xf32, #tpu.memory_space<vmem_shared>> -> memref<128x128xf32, #tpu.memory_space<vmem_shared>>
      tpu.wait_dma2 semaphore(%run_scoped3A_71 : memref<!tpu.dma_semaphore, #tpu.memory_space<semaphore_mem>>) src(%dma_wait3A_79 : memref<128x128xf32, #tpu.memory_space<vmem_shared>>) dst(%dma_wait3A_77 : memref<128x128xf32, #tpu.memory_space<hbm>>)
      tpu.yield
    }) : () -> ()
    return
  }
}

#map = affine_map<(d0, d1) -> (0, 0, 0, 0)>
#map1 = affine_map<(d0, d1) -> (0, 0)>
#map2 = affine_map<(d0, d1) -> (0, 0, 0)>
module attributes {stable_mosaic.version = 14 : i64} {
  func.func @_deg_body(%arg0: i32, %arg1: i32, %arg2: memref<32x80x2x128xi32, #tpu.memory_space<hbm>>, %arg3: memref<128x128xf32, #tpu.memory_space<hbm>>, %arg4: memref<128x128xf32, #tpu.memory_space<hbm>>, %arg5: memref<2x10240x128xf32, #tpu.memory_space<hbm>>, %arg6: memref<10240x128xf32, #tpu.memory_space<vmem_shared>>, %arg7: memref<80x2x128xi32, #tpu.memory_space<vmem>>, %arg8: memref<128x128xf32, #tpu.memory_space<vmem>>, %arg9: memref<!tpu.dma_semaphore, #tpu.memory_space<semaphore_mem>>, %arg10: memref<!tpu.dma_semaphore, #tpu.memory_space<semaphore_mem>>, %arg11: memref<!tpu.dma_semaphore, #tpu.memory_space<semaphore_mem>>, %arg12: memref<!tpu.dma_semaphore, #tpu.memory_space<semaphore_mem>>) attributes {dimension_semantics = [#tpu.dimension_semantics<core_parallel>, #tpu.dimension_semantics<subcore_parallel>], iteration_bounds = array<i64: 2, 16>, scalar_prefetch = 0 : i64, scratch_operands = 7 : i64, tpu.core_type = #tpu.core_type<sc_vector_subcore>, window_params = [{transform_indices = #map}, {transform_indices = #map1}, {transform_indices = #map1}, {transform_indices = #map2}]} {
    %mul3A = arith.constant 2 : i32
    %mul3A_0 = arith.muli %arg1, %mul3A : i32
    %add3A = arith.addi %mul3A_0, %arg0 : i32
    "tpu.region"() ({
      %run_scoped3A = tpu.sem_alloc : memref<!tpu.dma_semaphore, #tpu.memory_space<semaphore_mem>>
      %dma_start3A = arith.constant 0 : i32
      %dma_start3A_97 = arith.constant 0 : i32
      %dma_start3A_98 = arith.constant 0 : i32
      %dma_start3A_99 = tpu.memref_slice %arg2[%add3A, %dma_start3A, %dma_start3A_97, %dma_start3A_98] : memref<32x80x2x128xi32, #tpu.memory_space<hbm>> -> memref<1x80x2x128xi32, #tpu.memory_space<hbm>>
      %dma_start3A_100 = tpu.memref_squeeze %dma_start3A_99 : memref<1x80x2x128xi32, #tpu.memory_space<hbm>> -> memref<80x2x128xi32, #tpu.memory_space<hbm>>
      %dma_start3A_101 = arith.constant 0 : i32
      %dma_start3A_102 = arith.constant 0 : i32
      %dma_start3A_103 = arith.constant 0 : i32
      %dma_start3A_104 = tpu.memref_slice %arg2[%add3A, %dma_start3A_101, %dma_start3A_102, %dma_start3A_103] : memref<32x80x2x128xi32, #tpu.memory_space<hbm>> -> memref<1x80x2x128xi32, #tpu.memory_space<hbm>>
      %dma_start3A_105 = tpu.memref_squeeze %dma_start3A_104 : memref<1x80x2x128xi32, #tpu.memory_space<hbm>> -> memref<80x2x128xi32, #tpu.memory_space<hbm>>
      tpu.enqueue_dma source(%dma_start3A_105 : memref<80x2x128xi32, #tpu.memory_space<hbm>>) target(%arg7 : memref<80x2x128xi32, #tpu.memory_space<vmem>>) target_semaphore(%run_scoped3A : memref<!tpu.dma_semaphore, #tpu.memory_space<semaphore_mem>>)
      %dma_wait3A_106 = arith.constant 0 : i32
      %dma_wait3A_107 = arith.constant 0 : i32
      %dma_wait3A_108 = arith.constant 0 : i32
      %dma_wait3A_109 = tpu.memref_slice %arg2[%add3A, %dma_wait3A_106, %dma_wait3A_107, %dma_wait3A_108] : memref<32x80x2x128xi32, #tpu.memory_space<hbm>> -> memref<1x80x2x128xi32, #tpu.memory_space<hbm>>
      %dma_wait3A_110 = tpu.memref_squeeze %dma_wait3A_109 : memref<1x80x2x128xi32, #tpu.memory_space<hbm>> -> memref<80x2x128xi32, #tpu.memory_space<hbm>>
      %dma_wait3A_111 = arith.constant 0 : i32
      %dma_wait3A_112 = arith.constant 0 : i32
      %dma_wait3A_113 = arith.constant 0 : i32
      %dma_wait3A_114 = tpu.memref_slice %arg2[%add3A, %dma_wait3A_111, %dma_wait3A_112, %dma_wait3A_113] : memref<32x80x2x128xi32, #tpu.memory_space<hbm>> -> memref<1x80x2x128xi32, #tpu.memory_space<hbm>>
      %dma_wait3A_115 = tpu.memref_squeeze %dma_wait3A_114 : memref<1x80x2x128xi32, #tpu.memory_space<hbm>> -> memref<80x2x128xi32, #tpu.memory_space<hbm>>
      tpu.wait_dma2 semaphore(%run_scoped3A : memref<!tpu.dma_semaphore, #tpu.memory_space<semaphore_mem>>) src(%dma_wait3A_115 : memref<80x2x128xi32, #tpu.memory_space<hbm>>) dst(%arg7 : memref<80x2x128xi32, #tpu.memory_space<vmem>>)
      tpu.yield
    }) : () -> ()
    "tpu.region"() ({
      %run_scoped3A = tpu.sem_alloc : memref<!tpu.dma_semaphore, #tpu.memory_space<semaphore_mem>>
      tpu.enqueue_dma source(%arg4 : memref<128x128xf32, #tpu.memory_space<hbm>>) target(%arg8 : memref<128x128xf32, #tpu.memory_space<vmem>>) target_semaphore(%run_scoped3A : memref<!tpu.dma_semaphore, #tpu.memory_space<semaphore_mem>>)
      tpu.wait_dma2 semaphore(%run_scoped3A : memref<!tpu.dma_semaphore, #tpu.memory_space<semaphore_mem>>) src(%arg4 : memref<128x128xf32, #tpu.memory_space<hbm>>) dst(%arg8 : memref<128x128xf32, #tpu.memory_space<vmem>>)
      tpu.yield
    }) : () -> ()
    %mul3A_1 = arith.constant 5 : i32
    %mul3A_2 = arith.muli %arg1, %mul3A_1 : i32
    %add3A_3 = arith.constant 0 : i32
    %add3A_4 = arith.addi %mul3A_2, %add3A_3 : i32
    %mul3A_5 = arith.constant 128 : i32
    %mul3A_6 = arith.muli %add3A_4, %mul3A_5 : i32
    "tpu.region"() ({
      %run_scoped3A = tpu.sem_alloc : memref<!tpu.dma_semaphore, #tpu.memory_space<semaphore_mem>>
      %dma_start3A = arith.constant 0 : i32
      %dma_start3A_97 = tpu.memref_slice %arg6[%mul3A_6, %dma_start3A] : memref<10240x128xf32, #tpu.memory_space<vmem_shared>> -> memref<128x128xf32, #tpu.memory_space<vmem_shared>>
      %dma_start3A_98 = arith.constant 0 : i32
      %dma_start3A_99 = tpu.memref_slice %arg6[%mul3A_6, %dma_start3A_98] : memref<10240x128xf32, #tpu.memory_space<vmem_shared>> -> memref<128x128xf32, #tpu.memory_space<vmem_shared>>
      tpu.enqueue_dma source(%arg8 : memref<128x128xf32, #tpu.memory_space<vmem>>) target(%dma_start3A_99 : memref<128x128xf32, #tpu.memory_space<vmem_shared>>) target_semaphore(%run_scoped3A : memref<!tpu.dma_semaphore, #tpu.memory_space<semaphore_mem>>)
      %dma_wait3A_100 = arith.constant 0 : i32
      %dma_wait3A_101 = tpu.memref_slice %arg6[%mul3A_6, %dma_wait3A_100] : memref<10240x128xf32, #tpu.memory_space<vmem_shared>> -> memref<128x128xf32, #tpu.memory_space<vmem_shared>>
      %dma_wait3A_102 = arith.constant 0 : i32
      %dma_wait3A_103 = tpu.memref_slice %arg6[%mul3A_6, %dma_wait3A_102] : memref<10240x128xf32, #tpu.memory_space<vmem_shared>> -> memref<128x128xf32, #tpu.memory_space<vmem_shared>>
      tpu.wait_dma2 semaphore(%run_scoped3A : memref<!tpu.dma_semaphore, #tpu.memory_space<semaphore_mem>>) src(%arg8 : memref<128x128xf32, #tpu.memory_space<vmem>>) dst(%dma_wait3A_103 : memref<128x128xf32, #tpu.memory_space<vmem_shared>>)
      tpu.yield
    }) : () -> ()
    %mul3A_7 = arith.constant 5 : i32
    %mul3A_8 = arith.muli %arg1, %mul3A_7 : i32
    %add3A_9 = arith.constant 1 : i32
    %add3A_10 = arith.addi %mul3A_8, %add3A_9 : i32
    %mul3A_11 = arith.constant 128 : i32
    %mul3A_12 = arith.muli %add3A_10, %mul3A_11 : i32
    "tpu.region"() ({
      %run_scoped3A = tpu.sem_alloc : memref<!tpu.dma_semaphore, #tpu.memory_space<semaphore_mem>>
      %dma_start3A = arith.constant 0 : i32
      %dma_start3A_97 = tpu.memref_slice %arg6[%mul3A_12, %dma_start3A] : memref<10240x128xf32, #tpu.memory_space<vmem_shared>> -> memref<128x128xf32, #tpu.memory_space<vmem_shared>>
      %dma_start3A_98 = arith.constant 0 : i32
      %dma_start3A_99 = tpu.memref_slice %arg6[%mul3A_12, %dma_start3A_98] : memref<10240x128xf32, #tpu.memory_space<vmem_shared>> -> memref<128x128xf32, #tpu.memory_space<vmem_shared>>
      tpu.enqueue_dma source(%arg8 : memref<128x128xf32, #tpu.memory_space<vmem>>) target(%dma_start3A_99 : memref<128x128xf32, #tpu.memory_space<vmem_shared>>) target_semaphore(%run_scoped3A : memref<!tpu.dma_semaphore, #tpu.memory_space<semaphore_mem>>)
      %dma_wait3A_100 = arith.constant 0 : i32
      %dma_wait3A_101 = tpu.memref_slice %arg6[%mul3A_12, %dma_wait3A_100] : memref<10240x128xf32, #tpu.memory_space<vmem_shared>> -> memref<128x128xf32, #tpu.memory_space<vmem_shared>>
      %dma_wait3A_102 = arith.constant 0 : i32
      %dma_wait3A_103 = tpu.memref_slice %arg6[%mul3A_12, %dma_wait3A_102] : memref<10240x128xf32, #tpu.memory_space<vmem_shared>> -> memref<128x128xf32, #tpu.memory_space<vmem_shared>>
      tpu.wait_dma2 semaphore(%run_scoped3A : memref<!tpu.dma_semaphore, #tpu.memory_space<semaphore_mem>>) src(%arg8 : memref<128x128xf32, #tpu.memory_space<vmem>>) dst(%dma_wait3A_103 : memref<128x128xf32, #tpu.memory_space<vmem_shared>>)
      tpu.yield
    }) : () -> ()
    %mul3A_13 = arith.constant 5 : i32
    %mul3A_14 = arith.muli %arg1, %mul3A_13 : i32
    %add3A_15 = arith.constant 2 : i32
    %add3A_16 = arith.addi %mul3A_14, %add3A_15 : i32
    %mul3A_17 = arith.constant 128 : i32
    %mul3A_18 = arith.muli %add3A_16, %mul3A_17 : i32
    "tpu.region"() ({
      %run_scoped3A = tpu.sem_alloc : memref<!tpu.dma_semaphore, #tpu.memory_space<semaphore_mem>>
      %dma_start3A = arith.constant 0 : i32
      %dma_start3A_97 = tpu.memref_slice %arg6[%mul3A_18, %dma_start3A] : memref<10240x128xf32, #tpu.memory_space<vmem_shared>> -> memref<128x128xf32, #tpu.memory_space<vmem_shared>>
      %dma_start3A_98 = arith.constant 0 : i32
      %dma_start3A_99 = tpu.memref_slice %arg6[%mul3A_18, %dma_start3A_98] : memref<10240x128xf32, #tpu.memory_space<vmem_shared>> -> memref<128x128xf32, #tpu.memory_space<vmem_shared>>
      tpu.enqueue_dma source(%arg8 : memref<128x128xf32, #tpu.memory_space<vmem>>) target(%dma_start3A_99 : memref<128x128xf32, #tpu.memory_space<vmem_shared>>) target_semaphore(%run_scoped3A : memref<!tpu.dma_semaphore, #tpu.memory_space<semaphore_mem>>)
      %dma_wait3A_100 = arith.constant 0 : i32
      %dma_wait3A_101 = tpu.memref_slice %arg6[%mul3A_18, %dma_wait3A_100] : memref<10240x128xf32, #tpu.memory_space<vmem_shared>> -> memref<128x128xf32, #tpu.memory_space<vmem_shared>>
      %dma_wait3A_102 = arith.constant 0 : i32
      %dma_wait3A_103 = tpu.memref_slice %arg6[%mul3A_18, %dma_wait3A_102] : memref<10240x128xf32, #tpu.memory_space<vmem_shared>> -> memref<128x128xf32, #tpu.memory_space<vmem_shared>>
      tpu.wait_dma2 semaphore(%run_scoped3A : memref<!tpu.dma_semaphore, #tpu.memory_space<semaphore_mem>>) src(%arg8 : memref<128x128xf32, #tpu.memory_space<vmem>>) dst(%dma_wait3A_103 : memref<128x128xf32, #tpu.memory_space<vmem_shared>>)
      tpu.yield
    }) : () -> ()
    %mul3A_19 = arith.constant 5 : i32
    %mul3A_20 = arith.muli %arg1, %mul3A_19 : i32
    %add3A_21 = arith.constant 3 : i32
    %add3A_22 = arith.addi %mul3A_20, %add3A_21 : i32
    %mul3A_23 = arith.constant 128 : i32
    %mul3A_24 = arith.muli %add3A_22, %mul3A_23 : i32
    "tpu.region"() ({
      %run_scoped3A = tpu.sem_alloc : memref<!tpu.dma_semaphore, #tpu.memory_space<semaphore_mem>>
      %dma_start3A = arith.constant 0 : i32
      %dma_start3A_97 = tpu.memref_slice %arg6[%mul3A_24, %dma_start3A] : memref<10240x128xf32, #tpu.memory_space<vmem_shared>> -> memref<128x128xf32, #tpu.memory_space<vmem_shared>>
      %dma_start3A_98 = arith.constant 0 : i32
      %dma_start3A_99 = tpu.memref_slice %arg6[%mul3A_24, %dma_start3A_98] : memref<10240x128xf32, #tpu.memory_space<vmem_shared>> -> memref<128x128xf32, #tpu.memory_space<vmem_shared>>
      tpu.enqueue_dma source(%arg8 : memref<128x128xf32, #tpu.memory_space<vmem>>) target(%dma_start3A_99 : memref<128x128xf32, #tpu.memory_space<vmem_shared>>) target_semaphore(%run_scoped3A : memref<!tpu.dma_semaphore, #tpu.memory_space<semaphore_mem>>)
      %dma_wait3A_100 = arith.constant 0 : i32
      %dma_wait3A_101 = tpu.memref_slice %arg6[%mul3A_24, %dma_wait3A_100] : memref<10240x128xf32, #tpu.memory_space<vmem_shared>> -> memref<128x128xf32, #tpu.memory_space<vmem_shared>>
      %dma_wait3A_102 = arith.constant 0 : i32
      %dma_wait3A_103 = tpu.memref_slice %arg6[%mul3A_24, %dma_wait3A_102] : memref<10240x128xf32, #tpu.memory_space<vmem_shared>> -> memref<128x128xf32, #tpu.memory_space<vmem_shared>>
      tpu.wait_dma2 semaphore(%run_scoped3A : memref<!tpu.dma_semaphore, #tpu.memory_space<semaphore_mem>>) src(%arg8 : memref<128x128xf32, #tpu.memory_space<vmem>>) dst(%dma_wait3A_103 : memref<128x128xf32, #tpu.memory_space<vmem_shared>>)
      tpu.yield
    }) : () -> ()
    %mul3A_25 = arith.constant 5 : i32
    %mul3A_26 = arith.muli %arg1, %mul3A_25 : i32
    %add3A_27 = arith.constant 4 : i32
    %add3A_28 = arith.addi %mul3A_26, %add3A_27 : i32
    %mul3A_29 = arith.constant 128 : i32
    %mul3A_30 = arith.muli %add3A_28, %mul3A_29 : i32
    "tpu.region"() ({
      %run_scoped3A = tpu.sem_alloc : memref<!tpu.dma_semaphore, #tpu.memory_space<semaphore_mem>>
      %dma_start3A = arith.constant 0 : i32
      %dma_start3A_97 = tpu.memref_slice %arg6[%mul3A_30, %dma_start3A] : memref<10240x128xf32, #tpu.memory_space<vmem_shared>> -> memref<128x128xf32, #tpu.memory_space<vmem_shared>>
      %dma_start3A_98 = arith.constant 0 : i32
      %dma_start3A_99 = tpu.memref_slice %arg6[%mul3A_30, %dma_start3A_98] : memref<10240x128xf32, #tpu.memory_space<vmem_shared>> -> memref<128x128xf32, #tpu.memory_space<vmem_shared>>
      tpu.enqueue_dma source(%arg8 : memref<128x128xf32, #tpu.memory_space<vmem>>) target(%dma_start3A_99 : memref<128x128xf32, #tpu.memory_space<vmem_shared>>) target_semaphore(%run_scoped3A : memref<!tpu.dma_semaphore, #tpu.memory_space<semaphore_mem>>)
      %dma_wait3A_100 = arith.constant 0 : i32
      %dma_wait3A_101 = tpu.memref_slice %arg6[%mul3A_30, %dma_wait3A_100] : memref<10240x128xf32, #tpu.memory_space<vmem_shared>> -> memref<128x128xf32, #tpu.memory_space<vmem_shared>>
      %dma_wait3A_102 = arith.constant 0 : i32
      %dma_wait3A_103 = tpu.memref_slice %arg6[%mul3A_30, %dma_wait3A_102] : memref<10240x128xf32, #tpu.memory_space<vmem_shared>> -> memref<128x128xf32, #tpu.memory_space<vmem_shared>>
      tpu.wait_dma2 semaphore(%run_scoped3A : memref<!tpu.dma_semaphore, #tpu.memory_space<semaphore_mem>>) src(%arg8 : memref<128x128xf32, #tpu.memory_space<vmem>>) dst(%dma_wait3A_103 : memref<128x128xf32, #tpu.memory_space<vmem_shared>>)
      tpu.yield
    }) : () -> ()
    "tpu.region"() ({
      %run_scoped3A = tpu.sem_alloc : memref<!tpu.dma_semaphore, #tpu.memory_space<semaphore_mem>>
      tpu.enqueue_dma source(%arg3 : memref<128x128xf32, #tpu.memory_space<hbm>>) target(%arg8 : memref<128x128xf32, #tpu.memory_space<vmem>>) target_semaphore(%run_scoped3A : memref<!tpu.dma_semaphore, #tpu.memory_space<semaphore_mem>>)
      tpu.wait_dma2 semaphore(%run_scoped3A : memref<!tpu.dma_semaphore, #tpu.memory_space<semaphore_mem>>) src(%arg3 : memref<128x128xf32, #tpu.memory_space<hbm>>) dst(%arg8 : memref<128x128xf32, #tpu.memory_space<vmem>>)
      tpu.yield
    }) : () -> ()
    %barrier3A = arith.constant 0 : index
    tpu.barrier barrier_id(%barrier3A)
    %scan3A = arith.constant 0 : i32
    %scan3A_31 = arith.constant 20 : i32
    %scan3A_32 = arith.addi %scan3A, %scan3A_31 : i32
    %scan3A_33 = arith.constant 1 : i32
    scf.for %scan3A_97 = %scan3A to %scan3A_32 step %scan3A_33  : i32 {
      %mul3A_98 = arith.constant 4 : i32
      %mul3A_99 = arith.muli %scan3A_97, %mul3A_98 : i32
      %add3A_100 = arith.constant 0 : i32
      %add3A_101 = arith.addi %add3A_100, %mul3A_99 : i32
      %add3A_102 = arith.constant 0 : i32
      %add3A_103 = arith.addi %add3A_101, %add3A_102 : i32
      %ge3A = arith.constant 4 : i32
      %ge3A_104 = arith.cmpi sge, %add3A_101, %ge3A : i32
      %convert_element_type3A = arith.extui %ge3A_104 : i1 to i32
      %cond3A = arith.constant 0 : i32
      %cond3A_105 = arith.cmpi ne, %convert_element_type3A, %cond3A : i32
      scf.if %cond3A_105 {
        %dma_wait3A_154 = arith.constant 1 : i32
        %dma_wait3A_155 = arith.constant 0 : i32
        %dma_wait3A_156 = tpu.memref_slice %arg7[%add3A_103, %dma_wait3A_154, %dma_wait3A_155] : memref<80x2x128xi32, #tpu.memory_space<vmem>> -> memref<1x1x128xi32, #tpu.memory_space<vmem>>
        %dma_wait3A_157 = tpu.memref_squeeze %dma_wait3A_156 : memref<1x1x128xi32, #tpu.memory_space<vmem>> -> memref<128xi32, #tpu.memory_space<vmem>>
        %dma_wait3A_158 = arith.constant 0 : i32
        %dma_wait3A_159 = arith.constant 0 : i32
        %dma_wait3A_160 = tpu.memref_slice %arg6[%dma_wait3A_158, %dma_wait3A_159] : memref<10240x128xf32, #tpu.memory_space<vmem_shared>> -> memref<10240x128xf32, #tpu.memory_space<vmem_shared>>
        tpu.wait_indirect_dma semaphore(%arg9 : memref<!tpu.dma_semaphore, #tpu.memory_space<semaphore_mem>>) src(%arg8 : memref<128x128xf32, #tpu.memory_space<vmem>>) dst(%dma_wait3A_160 : memref<10240x128xf32, #tpu.memory_space<vmem_shared>>)
      } else {
      }
      %dma_start3A = arith.constant 1 : i32
      %dma_start3A_106 = arith.constant 0 : i32
      %dma_start3A_107 = tpu.memref_slice %arg7[%add3A_103, %dma_start3A, %dma_start3A_106] : memref<80x2x128xi32, #tpu.memory_space<vmem>> -> memref<1x1x128xi32, #tpu.memory_space<vmem>>
      %dma_start3A_108 = tpu.memref_squeeze %dma_start3A_107 : memref<1x1x128xi32, #tpu.memory_space<vmem>> -> memref<128xi32, #tpu.memory_space<vmem>>
      %dma_start3A_109 = arith.constant 0 : i32
      %dma_start3A_110 = arith.constant 0 : i32
      %dma_start3A_111 = tpu.memref_slice %arg6[%dma_start3A_109, %dma_start3A_110] : memref<10240x128xf32, #tpu.memory_space<vmem_shared>> -> memref<10240x128xf32, #tpu.memory_space<vmem_shared>>
      tpu.enqueue_indirect_dma source(%arg8 : memref<128x128xf32, #tpu.memory_space<vmem>>) target(%dma_start3A_111 : memref<10240x128xf32, #tpu.memory_space<vmem_shared>>) offsets(%dma_start3A_108 : memref<128xi32, #tpu.memory_space<vmem>>) semaphore(%arg9 : memref<!tpu.dma_semaphore, #tpu.memory_space<semaphore_mem>>) {add = true}
      %add3A_112 = arith.constant 1 : i32
      %add3A_113 = arith.addi %add3A_101, %add3A_112 : i32
      %ge3A_114 = arith.constant 4 : i32
      %ge3A_115 = arith.cmpi sge, %add3A_101, %ge3A_114 : i32
      %convert_element_type3A_116 = arith.extui %ge3A_115 : i1 to i32
      %cond3A_117 = arith.constant 0 : i32
      %cond3A_118 = arith.cmpi ne, %convert_element_type3A_116, %cond3A_117 : i32
      scf.if %cond3A_118 {
        %dma_wait3A_154 = arith.constant 1 : i32
        %dma_wait3A_155 = arith.constant 0 : i32
        %dma_wait3A_156 = tpu.memref_slice %arg7[%add3A_113, %dma_wait3A_154, %dma_wait3A_155] : memref<80x2x128xi32, #tpu.memory_space<vmem>> -> memref<1x1x128xi32, #tpu.memory_space<vmem>>
        %dma_wait3A_157 = tpu.memref_squeeze %dma_wait3A_156 : memref<1x1x128xi32, #tpu.memory_space<vmem>> -> memref<128xi32, #tpu.memory_space<vmem>>
        %dma_wait3A_158 = arith.constant 0 : i32
        %dma_wait3A_159 = arith.constant 0 : i32
        %dma_wait3A_160 = tpu.memref_slice %arg6[%dma_wait3A_158, %dma_wait3A_159] : memref<10240x128xf32, #tpu.memory_space<vmem_shared>> -> memref<10240x128xf32, #tpu.memory_space<vmem_shared>>
        tpu.wait_indirect_dma semaphore(%arg10 : memref<!tpu.dma_semaphore, #tpu.memory_space<semaphore_mem>>) src(%arg8 : memref<128x128xf32, #tpu.memory_space<vmem>>) dst(%dma_wait3A_160 : memref<10240x128xf32, #tpu.memory_space<vmem_shared>>)
      } else {
      }
      %dma_start3A_119 = arith.constant 1 : i32
      %dma_start3A_120 = arith.constant 0 : i32
      %dma_start3A_121 = tpu.memref_slice %arg7[%add3A_113, %dma_start3A_119, %dma_start3A_120] : memref<80x2x128xi32, #tpu.memory_space<vmem>> -> memref<1x1x128xi32, #tpu.memory_space<vmem>>
      %dma_start3A_122 = tpu.memref_squeeze %dma_start3A_121 : memref<1x1x128xi32, #tpu.memory_space<vmem>> -> memref<128xi32, #tpu.memory_space<vmem>>
      %dma_start3A_123 = arith.constant 0 : i32
      %dma_start3A_124 = arith.constant 0 : i32
      %dma_start3A_125 = tpu.memref_slice %arg6[%dma_start3A_123, %dma_start3A_124] : memref<10240x128xf32, #tpu.memory_space<vmem_shared>> -> memref<10240x128xf32, #tpu.memory_space<vmem_shared>>
      tpu.enqueue_indirect_dma source(%arg8 : memref<128x128xf32, #tpu.memory_space<vmem>>) target(%dma_start3A_125 : memref<10240x128xf32, #tpu.memory_space<vmem_shared>>) offsets(%dma_start3A_122 : memref<128xi32, #tpu.memory_space<vmem>>) semaphore(%arg10 : memref<!tpu.dma_semaphore, #tpu.memory_space<semaphore_mem>>) {add = true}
      %add3A_126 = arith.constant 2 : i32
      %add3A_127 = arith.addi %add3A_101, %add3A_126 : i32
      %ge3A_128 = arith.constant 4 : i32
      %ge3A_129 = arith.cmpi sge, %add3A_101, %ge3A_128 : i32
      %convert_element_type3A_130 = arith.extui %ge3A_129 : i1 to i32
      %cond3A_131 = arith.constant 0 : i32
      %cond3A_132 = arith.cmpi ne, %convert_element_type3A_130, %cond3A_131 : i32
      scf.if %cond3A_132 {
        %dma_wait3A_154 = arith.constant 1 : i32
        %dma_wait3A_155 = arith.constant 0 : i32
        %dma_wait3A_156 = tpu.memref_slice %arg7[%add3A_127, %dma_wait3A_154, %dma_wait3A_155] : memref<80x2x128xi32, #tpu.memory_space<vmem>> -> memref<1x1x128xi32, #tpu.memory_space<vmem>>
        %dma_wait3A_157 = tpu.memref_squeeze %dma_wait3A_156 : memref<1x1x128xi32, #tpu.memory_space<vmem>> -> memref<128xi32, #tpu.memory_space<vmem>>
        %dma_wait3A_158 = arith.constant 0 : i32
        %dma_wait3A_159 = arith.constant 0 : i32
        %dma_wait3A_160 = tpu.memref_slice %arg6[%dma_wait3A_158, %dma_wait3A_159] : memref<10240x128xf32, #tpu.memory_space<vmem_shared>> -> memref<10240x128xf32, #tpu.memory_space<vmem_shared>>
        tpu.wait_indirect_dma semaphore(%arg11 : memref<!tpu.dma_semaphore, #tpu.memory_space<semaphore_mem>>) src(%arg8 : memref<128x128xf32, #tpu.memory_space<vmem>>) dst(%dma_wait3A_160 : memref<10240x128xf32, #tpu.memory_space<vmem_shared>>)
      } else {
      }
      %dma_start3A_133 = arith.constant 1 : i32
      %dma_start3A_134 = arith.constant 0 : i32
      %dma_start3A_135 = tpu.memref_slice %arg7[%add3A_127, %dma_start3A_133, %dma_start3A_134] : memref<80x2x128xi32, #tpu.memory_space<vmem>> -> memref<1x1x128xi32, #tpu.memory_space<vmem>>
      %dma_start3A_136 = tpu.memref_squeeze %dma_start3A_135 : memref<1x1x128xi32, #tpu.memory_space<vmem>> -> memref<128xi32, #tpu.memory_space<vmem>>
      %dma_start3A_137 = arith.constant 0 : i32
      %dma_start3A_138 = arith.constant 0 : i32
      %dma_start3A_139 = tpu.memref_slice %arg6[%dma_start3A_137, %dma_start3A_138] : memref<10240x128xf32, #tpu.memory_space<vmem_shared>> -> memref<10240x128xf32, #tpu.memory_space<vmem_shared>>
      tpu.enqueue_indirect_dma source(%arg8 : memref<128x128xf32, #tpu.memory_space<vmem>>) target(%dma_start3A_139 : memref<10240x128xf32, #tpu.memory_space<vmem_shared>>) offsets(%dma_start3A_136 : memref<128xi32, #tpu.memory_space<vmem>>) semaphore(%arg11 : memref<!tpu.dma_semaphore, #tpu.memory_space<semaphore_mem>>) {add = true}
      %add3A_140 = arith.constant 3 : i32
      %add3A_141 = arith.addi %add3A_101, %add3A_140 : i32
      %ge3A_142 = arith.constant 4 : i32
      %ge3A_143 = arith.cmpi sge, %add3A_101, %ge3A_142 : i32
      %convert_element_type3A_144 = arith.extui %ge3A_143 : i1 to i32
      %cond3A_145 = arith.constant 0 : i32
      %cond3A_146 = arith.cmpi ne, %convert_element_type3A_144, %cond3A_145 : i32
      scf.if %cond3A_146 {
        %dma_wait3A_154 = arith.constant 1 : i32
        %dma_wait3A_155 = arith.constant 0 : i32
        %dma_wait3A_156 = tpu.memref_slice %arg7[%add3A_141, %dma_wait3A_154, %dma_wait3A_155] : memref<80x2x128xi32, #tpu.memory_space<vmem>> -> memref<1x1x128xi32, #tpu.memory_space<vmem>>
        %dma_wait3A_157 = tpu.memref_squeeze %dma_wait3A_156 : memref<1x1x128xi32, #tpu.memory_space<vmem>> -> memref<128xi32, #tpu.memory_space<vmem>>
        %dma_wait3A_158 = arith.constant 0 : i32
        %dma_wait3A_159 = arith.constant 0 : i32
        %dma_wait3A_160 = tpu.memref_slice %arg6[%dma_wait3A_158, %dma_wait3A_159] : memref<10240x128xf32, #tpu.memory_space<vmem_shared>> -> memref<10240x128xf32, #tpu.memory_space<vmem_shared>>
        tpu.wait_indirect_dma semaphore(%arg12 : memref<!tpu.dma_semaphore, #tpu.memory_space<semaphore_mem>>) src(%arg8 : memref<128x128xf32, #tpu.memory_space<vmem>>) dst(%dma_wait3A_160 : memref<10240x128xf32, #tpu.memory_space<vmem_shared>>)
      } else {
      }
      %dma_start3A_147 = arith.constant 1 : i32
      %dma_start3A_148 = arith.constant 0 : i32
      %dma_start3A_149 = tpu.memref_slice %arg7[%add3A_141, %dma_start3A_147, %dma_start3A_148] : memref<80x2x128xi32, #tpu.memory_space<vmem>> -> memref<1x1x128xi32, #tpu.memory_space<vmem>>
      %dma_start3A_150 = tpu.memref_squeeze %dma_start3A_149 : memref<1x1x128xi32, #tpu.memory_space<vmem>> -> memref<128xi32, #tpu.memory_space<vmem>>
      %dma_start3A_151 = arith.constant 0 : i32
      %dma_start3A_152 = arith.constant 0 : i32
      %dma_start3A_153 = tpu.memref_slice %arg6[%dma_start3A_151, %dma_start3A_152] : memref<10240x128xf32, #tpu.memory_space<vmem_shared>> -> memref<10240x128xf32, #tpu.memory_space<vmem_shared>>
      tpu.enqueue_indirect_dma source(%arg8 : memref<128x128xf32, #tpu.memory_space<vmem>>) target(%dma_start3A_153 : memref<10240x128xf32, #tpu.memory_space<vmem_shared>>) offsets(%dma_start3A_150 : memref<128xi32, #tpu.memory_space<vmem>>) semaphore(%arg12 : memref<!tpu.dma_semaphore, #tpu.memory_space<semaphore_mem>>) {add = true}
    }
    %scan3A_34 = arith.constant 20 : i32
    %dma_wait3A = arith.constant 76 : i32
    %dma_wait3A_35 = arith.constant 1 : i32
    %dma_wait3A_36 = arith.constant 0 : i32
    %dma_wait3A_37 = tpu.memref_slice %arg7[%dma_wait3A, %dma_wait3A_35, %dma_wait3A_36] : memref<80x2x128xi32, #tpu.memory_space<vmem>> -> memref<1x1x128xi32, #tpu.memory_space<vmem>>
    %dma_wait3A_38 = tpu.memref_squeeze %dma_wait3A_37 : memref<1x1x128xi32, #tpu.memory_space<vmem>> -> memref<128xi32, #tpu.memory_space<vmem>>
    %dma_wait3A_39 = arith.constant 0 : i32
    %dma_wait3A_40 = arith.constant 0 : i32
    %dma_wait3A_41 = tpu.memref_slice %arg6[%dma_wait3A_39, %dma_wait3A_40] : memref<10240x128xf32, #tpu.memory_space<vmem_shared>> -> memref<10240x128xf32, #tpu.memory_space<vmem_shared>>
    tpu.wait_indirect_dma semaphore(%arg9 : memref<!tpu.dma_semaphore, #tpu.memory_space<semaphore_mem>>) src(%arg8 : memref<128x128xf32, #tpu.memory_space<vmem>>) dst(%dma_wait3A_41 : memref<10240x128xf32, #tpu.memory_space<vmem_shared>>)
    %dma_wait3A_42 = arith.constant 77 : i32
    %dma_wait3A_43 = arith.constant 1 : i32
    %dma_wait3A_44 = arith.constant 0 : i32
    %dma_wait3A_45 = tpu.memref_slice %arg7[%dma_wait3A_42, %dma_wait3A_43, %dma_wait3A_44] : memref<80x2x128xi32, #tpu.memory_space<vmem>> -> memref<1x1x128xi32, #tpu.memory_space<vmem>>
    %dma_wait3A_46 = tpu.memref_squeeze %dma_wait3A_45 : memref<1x1x128xi32, #tpu.memory_space<vmem>> -> memref<128xi32, #tpu.memory_space<vmem>>
    %dma_wait3A_47 = arith.constant 0 : i32
    %dma_wait3A_48 = arith.constant 0 : i32
    %dma_wait3A_49 = tpu.memref_slice %arg6[%dma_wait3A_47, %dma_wait3A_48] : memref<10240x128xf32, #tpu.memory_space<vmem_shared>> -> memref<10240x128xf32, #tpu.memory_space<vmem_shared>>
    tpu.wait_indirect_dma semaphore(%arg10 : memref<!tpu.dma_semaphore, #tpu.memory_space<semaphore_mem>>) src(%arg8 : memref<128x128xf32, #tpu.memory_space<vmem>>) dst(%dma_wait3A_49 : memref<10240x128xf32, #tpu.memory_space<vmem_shared>>)
    %dma_wait3A_50 = arith.constant 78 : i32
    %dma_wait3A_51 = arith.constant 1 : i32
    %dma_wait3A_52 = arith.constant 0 : i32
    %dma_wait3A_53 = tpu.memref_slice %arg7[%dma_wait3A_50, %dma_wait3A_51, %dma_wait3A_52] : memref<80x2x128xi32, #tpu.memory_space<vmem>> -> memref<1x1x128xi32, #tpu.memory_space<vmem>>
    %dma_wait3A_54 = tpu.memref_squeeze %dma_wait3A_53 : memref<1x1x128xi32, #tpu.memory_space<vmem>> -> memref<128xi32, #tpu.memory_space<vmem>>
    %dma_wait3A_55 = arith.constant 0 : i32
    %dma_wait3A_56 = arith.constant 0 : i32
    %dma_wait3A_57 = tpu.memref_slice %arg6[%dma_wait3A_55, %dma_wait3A_56] : memref<10240x128xf32, #tpu.memory_space<vmem_shared>> -> memref<10240x128xf32, #tpu.memory_space<vmem_shared>>
    tpu.wait_indirect_dma semaphore(%arg11 : memref<!tpu.dma_semaphore, #tpu.memory_space<semaphore_mem>>) src(%arg8 : memref<128x128xf32, #tpu.memory_space<vmem>>) dst(%dma_wait3A_57 : memref<10240x128xf32, #tpu.memory_space<vmem_shared>>)
    %dma_wait3A_58 = arith.constant 79 : i32
    %dma_wait3A_59 = arith.constant 1 : i32
    %dma_wait3A_60 = arith.constant 0 : i32
    %dma_wait3A_61 = tpu.memref_slice %arg7[%dma_wait3A_58, %dma_wait3A_59, %dma_wait3A_60] : memref<80x2x128xi32, #tpu.memory_space<vmem>> -> memref<1x1x128xi32, #tpu.memory_space<vmem>>
    %dma_wait3A_62 = tpu.memref_squeeze %dma_wait3A_61 : memref<1x1x128xi32, #tpu.memory_space<vmem>> -> memref<128xi32, #tpu.memory_space<vmem>>
    %dma_wait3A_63 = arith.constant 0 : i32
    %dma_wait3A_64 = arith.constant 0 : i32
    %dma_wait3A_65 = tpu.memref_slice %arg6[%dma_wait3A_63, %dma_wait3A_64] : memref<10240x128xf32, #tpu.memory_space<vmem_shared>> -> memref<10240x128xf32, #tpu.memory_space<vmem_shared>>
    tpu.wait_indirect_dma semaphore(%arg12 : memref<!tpu.dma_semaphore, #tpu.memory_space<semaphore_mem>>) src(%arg8 : memref<128x128xf32, #tpu.memory_space<vmem>>) dst(%dma_wait3A_65 : memref<10240x128xf32, #tpu.memory_space<vmem_shared>>)
    %barrier3A_66 = arith.constant 0 : index
    tpu.barrier barrier_id(%barrier3A_66)
    %mul3A_67 = arith.constant 5 : i32
    %mul3A_68 = arith.muli %arg1, %mul3A_67 : i32
    %add3A_69 = arith.constant 0 : i32
    %add3A_70 = arith.addi %mul3A_68, %add3A_69 : i32
    %mul3A_71 = arith.constant 128 : i32
    %mul3A_72 = arith.muli %add3A_70, %mul3A_71 : i32
    "tpu.region"() ({
      %run_scoped3A = tpu.sem_alloc : memref<!tpu.dma_semaphore, #tpu.memory_space<semaphore_mem>>
      %dma_start3A = arith.constant 0 : i32
      %dma_start3A_97 = tpu.memref_slice %arg5[%arg0, %mul3A_72, %dma_start3A] : memref<2x10240x128xf32, #tpu.memory_space<hbm>> -> memref<1x128x128xf32, #tpu.memory_space<hbm>>
      %dma_start3A_98 = tpu.memref_squeeze %dma_start3A_97 : memref<1x128x128xf32, #tpu.memory_space<hbm>> -> memref<128x128xf32, #tpu.memory_space<hbm>>
      %dma_start3A_99 = arith.constant 0 : i32
      %dma_start3A_100 = tpu.memref_slice %arg6[%mul3A_72, %dma_start3A_99] : memref<10240x128xf32, #tpu.memory_space<vmem_shared>> -> memref<128x128xf32, #tpu.memory_space<vmem_shared>>
      tpu.enqueue_dma source(%dma_start3A_100 : memref<128x128xf32, #tpu.memory_space<vmem_shared>>) target(%dma_start3A_98 : memref<128x128xf32, #tpu.memory_space<hbm>>) target_semaphore(%run_scoped3A : memref<!tpu.dma_semaphore, #tpu.memory_space<semaphore_mem>>)
      %dma_wait3A_101 = arith.constant 0 : i32
      %dma_wait3A_102 = tpu.memref_slice %arg5[%arg0, %mul3A_72, %dma_wait3A_101] : memref<2x10240x128xf32, #tpu.memory_space<hbm>> -> memref<1x128x128xf32, #tpu.memory_space<hbm>>
      %dma_wait3A_103 = tpu.memref_squeeze %dma_wait3A_102 : memref<1x128x128xf32, #tpu.memory_space<hbm>> -> memref<128x128xf32, #tpu.memory_space<hbm>>
      %dma_wait3A_104 = arith.constant 0 : i32
      %dma_wait3A_105 = tpu.memref_slice %arg6[%mul3A_72, %dma_wait3A_104] : memref<10240x128xf32, #tpu.memory_space<vmem_shared>> -> memref<128x128xf32, #tpu.memory_space<vmem_shared>>
      tpu.wait_dma2 semaphore(%run_scoped3A : memref<!tpu.dma_semaphore, #tpu.memory_space<semaphore_mem>>) src(%dma_wait3A_105 : memref<128x128xf32, #tpu.memory_space<vmem_shared>>) dst(%dma_wait3A_103 : memref<128x128xf32, #tpu.memory_space<hbm>>)
      tpu.yield
    }) : () -> ()
    %mul3A_73 = arith.constant 5 : i32
    %mul3A_74 = arith.muli %arg1, %mul3A_73 : i32
    %add3A_75 = arith.constant 1 : i32
    %add3A_76 = arith.addi %mul3A_74, %add3A_75 : i32
    %mul3A_77 = arith.constant 128 : i32
    %mul3A_78 = arith.muli %add3A_76, %mul3A_77 : i32
    "tpu.region"() ({
      %run_scoped3A = tpu.sem_alloc : memref<!tpu.dma_semaphore, #tpu.memory_space<semaphore_mem>>
      %dma_start3A = arith.constant 0 : i32
      %dma_start3A_97 = tpu.memref_slice %arg5[%arg0, %mul3A_78, %dma_start3A] : memref<2x10240x128xf32, #tpu.memory_space<hbm>> -> memref<1x128x128xf32, #tpu.memory_space<hbm>>
      %dma_start3A_98 = tpu.memref_squeeze %dma_start3A_97 : memref<1x128x128xf32, #tpu.memory_space<hbm>> -> memref<128x128xf32, #tpu.memory_space<hbm>>
      %dma_start3A_99 = arith.constant 0 : i32
      %dma_start3A_100 = tpu.memref_slice %arg6[%mul3A_78, %dma_start3A_99] : memref<10240x128xf32, #tpu.memory_space<vmem_shared>> -> memref<128x128xf32, #tpu.memory_space<vmem_shared>>
      tpu.enqueue_dma source(%dma_start3A_100 : memref<128x128xf32, #tpu.memory_space<vmem_shared>>) target(%dma_start3A_98 : memref<128x128xf32, #tpu.memory_space<hbm>>) target_semaphore(%run_scoped3A : memref<!tpu.dma_semaphore, #tpu.memory_space<semaphore_mem>>)
      %dma_wait3A_101 = arith.constant 0 : i32
      %dma_wait3A_102 = tpu.memref_slice %arg5[%arg0, %mul3A_78, %dma_wait3A_101] : memref<2x10240x128xf32, #tpu.memory_space<hbm>> -> memref<1x128x128xf32, #tpu.memory_space<hbm>>
      %dma_wait3A_103 = tpu.memref_squeeze %dma_wait3A_102 : memref<1x128x128xf32, #tpu.memory_space<hbm>> -> memref<128x128xf32, #tpu.memory_space<hbm>>
      %dma_wait3A_104 = arith.constant 0 : i32
      %dma_wait3A_105 = tpu.memref_slice %arg6[%mul3A_78, %dma_wait3A_104] : memref<10240x128xf32, #tpu.memory_space<vmem_shared>> -> memref<128x128xf32, #tpu.memory_space<vmem_shared>>
      tpu.wait_dma2 semaphore(%run_scoped3A : memref<!tpu.dma_semaphore, #tpu.memory_space<semaphore_mem>>) src(%dma_wait3A_105 : memref<128x128xf32, #tpu.memory_space<vmem_shared>>) dst(%dma_wait3A_103 : memref<128x128xf32, #tpu.memory_space<hbm>>)
      tpu.yield
    }) : () -> ()
    %mul3A_79 = arith.constant 5 : i32
    %mul3A_80 = arith.muli %arg1, %mul3A_79 : i32
    %add3A_81 = arith.constant 2 : i32
    %add3A_82 = arith.addi %mul3A_80, %add3A_81 : i32
    %mul3A_83 = arith.constant 128 : i32
    %mul3A_84 = arith.muli %add3A_82, %mul3A_83 : i32
    "tpu.region"() ({
      %run_scoped3A = tpu.sem_alloc : memref<!tpu.dma_semaphore, #tpu.memory_space<semaphore_mem>>
      %dma_start3A = arith.constant 0 : i32
      %dma_start3A_97 = tpu.memref_slice %arg5[%arg0, %mul3A_84, %dma_start3A] : memref<2x10240x128xf32, #tpu.memory_space<hbm>> -> memref<1x128x128xf32, #tpu.memory_space<hbm>>
      %dma_start3A_98 = tpu.memref_squeeze %dma_start3A_97 : memref<1x128x128xf32, #tpu.memory_space<hbm>> -> memref<128x128xf32, #tpu.memory_space<hbm>>
      %dma_start3A_99 = arith.constant 0 : i32
      %dma_start3A_100 = tpu.memref_slice %arg6[%mul3A_84, %dma_start3A_99] : memref<10240x128xf32, #tpu.memory_space<vmem_shared>> -> memref<128x128xf32, #tpu.memory_space<vmem_shared>>
      tpu.enqueue_dma source(%dma_start3A_100 : memref<128x128xf32, #tpu.memory_space<vmem_shared>>) target(%dma_start3A_98 : memref<128x128xf32, #tpu.memory_space<hbm>>) target_semaphore(%run_scoped3A : memref<!tpu.dma_semaphore, #tpu.memory_space<semaphore_mem>>)
      %dma_wait3A_101 = arith.constant 0 : i32
      %dma_wait3A_102 = tpu.memref_slice %arg5[%arg0, %mul3A_84, %dma_wait3A_101] : memref<2x10240x128xf32, #tpu.memory_space<hbm>> -> memref<1x128x128xf32, #tpu.memory_space<hbm>>
      %dma_wait3A_103 = tpu.memref_squeeze %dma_wait3A_102 : memref<1x128x128xf32, #tpu.memory_space<hbm>> -> memref<128x128xf32, #tpu.memory_space<hbm>>
      %dma_wait3A_104 = arith.constant 0 : i32
      %dma_wait3A_105 = tpu.memref_slice %arg6[%mul3A_84, %dma_wait3A_104] : memref<10240x128xf32, #tpu.memory_space<vmem_shared>> -> memref<128x128xf32, #tpu.memory_space<vmem_shared>>
      tpu.wait_dma2 semaphore(%run_scoped3A : memref<!tpu.dma_semaphore, #tpu.memory_space<semaphore_mem>>) src(%dma_wait3A_105 : memref<128x128xf32, #tpu.memory_space<vmem_shared>>) dst(%dma_wait3A_103 : memref<128x128xf32, #tpu.memory_space<hbm>>)
      tpu.yield
    }) : () -> ()
    %mul3A_85 = arith.constant 5 : i32
    %mul3A_86 = arith.muli %arg1, %mul3A_85 : i32
    %add3A_87 = arith.constant 3 : i32
    %add3A_88 = arith.addi %mul3A_86, %add3A_87 : i32
    %mul3A_89 = arith.constant 128 : i32
    %mul3A_90 = arith.muli %add3A_88, %mul3A_89 : i32
    "tpu.region"() ({
      %run_scoped3A = tpu.sem_alloc : memref<!tpu.dma_semaphore, #tpu.memory_space<semaphore_mem>>
      %dma_start3A = arith.constant 0 : i32
      %dma_start3A_97 = tpu.memref_slice %arg5[%arg0, %mul3A_90, %dma_start3A] : memref<2x10240x128xf32, #tpu.memory_space<hbm>> -> memref<1x128x128xf32, #tpu.memory_space<hbm>>
      %dma_start3A_98 = tpu.memref_squeeze %dma_start3A_97 : memref<1x128x128xf32, #tpu.memory_space<hbm>> -> memref<128x128xf32, #tpu.memory_space<hbm>>
      %dma_start3A_99 = arith.constant 0 : i32
      %dma_start3A_100 = tpu.memref_slice %arg6[%mul3A_90, %dma_start3A_99] : memref<10240x128xf32, #tpu.memory_space<vmem_shared>> -> memref<128x128xf32, #tpu.memory_space<vmem_shared>>
      tpu.enqueue_dma source(%dma_start3A_100 : memref<128x128xf32, #tpu.memory_space<vmem_shared>>) target(%dma_start3A_98 : memref<128x128xf32, #tpu.memory_space<hbm>>) target_semaphore(%run_scoped3A : memref<!tpu.dma_semaphore, #tpu.memory_space<semaphore_mem>>)
      %dma_wait3A_101 = arith.constant 0 : i32
      %dma_wait3A_102 = tpu.memref_slice %arg5[%arg0, %mul3A_90, %dma_wait3A_101] : memref<2x10240x128xf32, #tpu.memory_space<hbm>> -> memref<1x128x128xf32, #tpu.memory_space<hbm>>
      %dma_wait3A_103 = tpu.memref_squeeze %dma_wait3A_102 : memref<1x128x128xf32, #tpu.memory_space<hbm>> -> memref<128x128xf32, #tpu.memory_space<hbm>>
      %dma_wait3A_104 = arith.constant 0 : i32
      %dma_wait3A_105 = tpu.memref_slice %arg6[%mul3A_90, %dma_wait3A_104] : memref<10240x128xf32, #tpu.memory_space<vmem_shared>> -> memref<128x128xf32, #tpu.memory_space<vmem_shared>>
      tpu.wait_dma2 semaphore(%run_scoped3A : memref<!tpu.dma_semaphore, #tpu.memory_space<semaphore_mem>>) src(%dma_wait3A_105 : memref<128x128xf32, #tpu.memory_space<vmem_shared>>) dst(%dma_wait3A_103 : memref<128x128xf32, #tpu.memory_space<hbm>>)
      tpu.yield
    }) : () -> ()
    %mul3A_91 = arith.constant 5 : i32
    %mul3A_92 = arith.muli %arg1, %mul3A_91 : i32
    %add3A_93 = arith.constant 4 : i32
    %add3A_94 = arith.addi %mul3A_92, %add3A_93 : i32
    %mul3A_95 = arith.constant 128 : i32
    %mul3A_96 = arith.muli %add3A_94, %mul3A_95 : i32
    "tpu.region"() ({
      %run_scoped3A = tpu.sem_alloc : memref<!tpu.dma_semaphore, #tpu.memory_space<semaphore_mem>>
      %dma_start3A = arith.constant 0 : i32
      %dma_start3A_97 = tpu.memref_slice %arg5[%arg0, %mul3A_96, %dma_start3A] : memref<2x10240x128xf32, #tpu.memory_space<hbm>> -> memref<1x128x128xf32, #tpu.memory_space<hbm>>
      %dma_start3A_98 = tpu.memref_squeeze %dma_start3A_97 : memref<1x128x128xf32, #tpu.memory_space<hbm>> -> memref<128x128xf32, #tpu.memory_space<hbm>>
      %dma_start3A_99 = arith.constant 0 : i32
      %dma_start3A_100 = tpu.memref_slice %arg6[%mul3A_96, %dma_start3A_99] : memref<10240x128xf32, #tpu.memory_space<vmem_shared>> -> memref<128x128xf32, #tpu.memory_space<vmem_shared>>
      tpu.enqueue_dma source(%dma_start3A_100 : memref<128x128xf32, #tpu.memory_space<vmem_shared>>) target(%dma_start3A_98 : memref<128x128xf32, #tpu.memory_space<hbm>>) target_semaphore(%run_scoped3A : memref<!tpu.dma_semaphore, #tpu.memory_space<semaphore_mem>>)
      %dma_wait3A_101 = arith.constant 0 : i32
      %dma_wait3A_102 = tpu.memref_slice %arg5[%arg0, %mul3A_96, %dma_wait3A_101] : memref<2x10240x128xf32, #tpu.memory_space<hbm>> -> memref<1x128x128xf32, #tpu.memory_space<hbm>>
      %dma_wait3A_103 = tpu.memref_squeeze %dma_wait3A_102 : memref<1x128x128xf32, #tpu.memory_space<hbm>> -> memref<128x128xf32, #tpu.memory_space<hbm>>
      %dma_wait3A_104 = arith.constant 0 : i32
      %dma_wait3A_105 = tpu.memref_slice %arg6[%mul3A_96, %dma_wait3A_104] : memref<10240x128xf32, #tpu.memory_space<vmem_shared>> -> memref<128x128xf32, #tpu.memory_space<vmem_shared>>
      tpu.wait_dma2 semaphore(%run_scoped3A : memref<!tpu.dma_semaphore, #tpu.memory_space<semaphore_mem>>) src(%dma_wait3A_105 : memref<128x128xf32, #tpu.memory_space<vmem_shared>>) dst(%dma_wait3A_103 : memref<128x128xf32, #tpu.memory_space<hbm>>)
      tpu.yield
    }) : () -> ()
    return
  }
}

#map = affine_map<(d0, d1) -> (0, 0)>
#map1 = affine_map<(d0, d1) -> (0, 0, 0, 0)>
#map2 = affine_map<(d0, d1) -> (0, 0, 0)>
module attributes {stable_mosaic.version = 14 : i64} {
  func.func @_feat_body(%arg0: i32, %arg1: i32, %arg2: memref<10000x128xf32, #tpu.memory_space<hbm>>, %arg3: memref<32x80x2x128xi32, #tpu.memory_space<hbm>>, %arg4: memref<128x128xf32, #tpu.memory_space<hbm>>, %arg5: memref<2x10240x128xf32, #tpu.memory_space<hbm>>, %arg6: memref<10240x128xf32, #tpu.memory_space<vmem_shared>>, %arg7: memref<20x2x128xi32, #tpu.memory_space<vmem>>, %arg8: memref<2x128x128xf32, #tpu.memory_space<vmem>>, %arg9: memref<!tpu.dma_semaphore, #tpu.memory_space<semaphore_mem>>, %arg10: memref<!tpu.dma_semaphore, #tpu.memory_space<semaphore_mem>>, %arg11: memref<!tpu.dma_semaphore, #tpu.memory_space<semaphore_mem>>, %arg12: memref<!tpu.dma_semaphore, #tpu.memory_space<semaphore_mem>>) attributes {dimension_semantics = [#tpu.dimension_semantics<core_parallel>, #tpu.dimension_semantics<subcore_parallel>], iteration_bounds = array<i64: 2, 16>, scalar_prefetch = 0 : i64, scratch_operands = 7 : i64, tpu.core_type = #tpu.core_type<sc_vector_subcore>, window_params = [{transform_indices = #map}, {transform_indices = #map1}, {transform_indices = #map}, {transform_indices = #map2}]} {
    %mul3A = arith.constant 2 : i32
    %mul3A_0 = arith.muli %arg1, %mul3A : i32
    %add3A = arith.addi %mul3A_0, %arg0 : i32
    %run_scoped3A = arith.constant 0 : i32
    "tpu.region"() ({
      %run_scoped3A_71 = tpu.sem_alloc : memref<!tpu.dma_semaphore, #tpu.memory_space<semaphore_mem>>
      %dma_start3A = arith.constant 0 : i32
      %dma_start3A_72 = arith.constant 0 : i32
      %dma_start3A_73 = tpu.memref_slice %arg8[%run_scoped3A, %dma_start3A, %dma_start3A_72] : memref<2x128x128xf32, #tpu.memory_space<vmem>> -> memref<1x128x128xf32, #tpu.memory_space<vmem>>
      %dma_start3A_74 = tpu.memref_squeeze %dma_start3A_73 : memref<1x128x128xf32, #tpu.memory_space<vmem>> -> memref<128x128xf32, #tpu.memory_space<vmem>>
      %dma_start3A_75 = arith.constant 0 : i32
      %dma_start3A_76 = arith.constant 0 : i32
      %dma_start3A_77 = tpu.memref_slice %arg8[%run_scoped3A, %dma_start3A_75, %dma_start3A_76] : memref<2x128x128xf32, #tpu.memory_space<vmem>> -> memref<1x128x128xf32, #tpu.memory_space<vmem>>
      %dma_start3A_78 = tpu.memref_squeeze %dma_start3A_77 : memref<1x128x128xf32, #tpu.memory_space<vmem>> -> memref<128x128xf32, #tpu.memory_space<vmem>>
      tpu.enqueue_dma source(%arg4 : memref<128x128xf32, #tpu.memory_space<hbm>>) target(%dma_start3A_78 : memref<128x128xf32, #tpu.memory_space<vmem>>) target_semaphore(%run_scoped3A_71 : memref<!tpu.dma_semaphore, #tpu.memory_space<semaphore_mem>>)
      %dma_wait3A = arith.constant 0 : i32
      %dma_wait3A_79 = arith.constant 0 : i32
      %dma_wait3A_80 = tpu.memref_slice %arg8[%run_scoped3A, %dma_wait3A, %dma_wait3A_79] : memref<2x128x128xf32, #tpu.memory_space<vmem>> -> memref<1x128x128xf32, #tpu.memory_space<vmem>>
      %dma_wait3A_81 = tpu.memref_squeeze %dma_wait3A_80 : memref<1x128x128xf32, #tpu.memory_space<vmem>> -> memref<128x128xf32, #tpu.memory_space<vmem>>
      %dma_wait3A_82 = arith.constant 0 : i32
      %dma_wait3A_83 = arith.constant 0 : i32
      %dma_wait3A_84 = tpu.memref_slice %arg8[%run_scoped3A, %dma_wait3A_82, %dma_wait3A_83] : memref<2x128x128xf32, #tpu.memory_space<vmem>> -> memref<1x128x128xf32, #tpu.memory_space<vmem>>
      %dma_wait3A_85 = tpu.memref_squeeze %dma_wait3A_84 : memref<1x128x128xf32, #tpu.memory_space<vmem>> -> memref<128x128xf32, #tpu.memory_space<vmem>>
      tpu.wait_dma2 semaphore(%run_scoped3A_71 : memref<!tpu.dma_semaphore, #tpu.memory_space<semaphore_mem>>) src(%arg4 : memref<128x128xf32, #tpu.memory_space<hbm>>) dst(%dma_wait3A_85 : memref<128x128xf32, #tpu.memory_space<vmem>>)
      tpu.yield
    }) : () -> ()
    %mul3A_1 = arith.constant 5 : i32
    %mul3A_2 = arith.muli %arg1, %mul3A_1 : i32
    %add3A_3 = arith.constant 0 : i32
    %add3A_4 = arith.addi %mul3A_2, %add3A_3 : i32
    %mul3A_5 = arith.constant 128 : i32
    %mul3A_6 = arith.muli %add3A_4, %mul3A_5 : i32
    %run_scoped3A_7 = arith.constant 0 : i32
    "tpu.region"() ({
      %run_scoped3A_71 = tpu.sem_alloc : memref<!tpu.dma_semaphore, #tpu.memory_space<semaphore_mem>>
      %dma_start3A = arith.constant 0 : i32
      %dma_start3A_72 = arith.constant 0 : i32
      %dma_start3A_73 = tpu.memref_slice %arg8[%run_scoped3A_7, %dma_start3A, %dma_start3A_72] : memref<2x128x128xf32, #tpu.memory_space<vmem>> -> memref<1x128x128xf32, #tpu.memory_space<vmem>>
      %dma_start3A_74 = tpu.memref_squeeze %dma_start3A_73 : memref<1x128x128xf32, #tpu.memory_space<vmem>> -> memref<128x128xf32, #tpu.memory_space<vmem>>
      %dma_start3A_75 = arith.constant 0 : i32
      %dma_start3A_76 = tpu.memref_slice %arg6[%mul3A_6, %dma_start3A_75] : memref<10240x128xf32, #tpu.memory_space<vmem_shared>> -> memref<128x128xf32, #tpu.memory_space<vmem_shared>>
      %dma_start3A_77 = arith.constant 0 : i32
      %dma_start3A_78 = tpu.memref_slice %arg6[%mul3A_6, %dma_start3A_77] : memref<10240x128xf32, #tpu.memory_space<vmem_shared>> -> memref<128x128xf32, #tpu.memory_space<vmem_shared>>
      %dma_start3A_79 = arith.constant 0 : i32
      %dma_start3A_80 = arith.constant 0 : i32
      %dma_start3A_81 = tpu.memref_slice %arg8[%run_scoped3A_7, %dma_start3A_79, %dma_start3A_80] : memref<2x128x128xf32, #tpu.memory_space<vmem>> -> memref<1x128x128xf32, #tpu.memory_space<vmem>>
      %dma_start3A_82 = tpu.memref_squeeze %dma_start3A_81 : memref<1x128x128xf32, #tpu.memory_space<vmem>> -> memref<128x128xf32, #tpu.memory_space<vmem>>
      tpu.enqueue_dma source(%dma_start3A_82 : memref<128x128xf32, #tpu.memory_space<vmem>>) target(%dma_start3A_78 : memref<128x128xf32, #tpu.memory_space<vmem_shared>>) target_semaphore(%run_scoped3A_71 : memref<!tpu.dma_semaphore, #tpu.memory_space<semaphore_mem>>)
      %dma_wait3A = arith.constant 0 : i32
      %dma_wait3A_83 = arith.constant 0 : i32
      %dma_wait3A_84 = tpu.memref_slice %arg8[%run_scoped3A_7, %dma_wait3A, %dma_wait3A_83] : memref<2x128x128xf32, #tpu.memory_space<vmem>> -> memref<1x128x128xf32, #tpu.memory_space<vmem>>
      %dma_wait3A_85 = tpu.memref_squeeze %dma_wait3A_84 : memref<1x128x128xf32, #tpu.memory_space<vmem>> -> memref<128x128xf32, #tpu.memory_space<vmem>>
      %dma_wait3A_86 = arith.constant 0 : i32
      %dma_wait3A_87 = tpu.memref_slice %arg6[%mul3A_6, %dma_wait3A_86] : memref<10240x128xf32, #tpu.memory_space<vmem_shared>> -> memref<128x128xf32, #tpu.memory_space<vmem_shared>>
      %dma_wait3A_88 = arith.constant 0 : i32
      %dma_wait3A_89 = tpu.memref_slice %arg6[%mul3A_6, %dma_wait3A_88] : memref<10240x128xf32, #tpu.memory_space<vmem_shared>> -> memref<128x128xf32, #tpu.memory_space<vmem_shared>>
      %dma_wait3A_90 = arith.constant 0 : i32
      %dma_wait3A_91 = arith.constant 0 : i32
      %dma_wait3A_92 = tpu.memref_slice %arg8[%run_scoped3A_7, %dma_wait3A_90, %dma_wait3A_91] : memref<2x128x128xf32, #tpu.memory_space<vmem>> -> memref<1x128x128xf32, #tpu.memory_space<vmem>>
      %dma_wait3A_93 = tpu.memref_squeeze %dma_wait3A_92 : memref<1x128x128xf32, #tpu.memory_space<vmem>> -> memref<128x128xf32, #tpu.memory_space<vmem>>
      tpu.wait_dma2 semaphore(%run_scoped3A_71 : memref<!tpu.dma_semaphore, #tpu.memory_space<semaphore_mem>>) src(%dma_wait3A_93 : memref<128x128xf32, #tpu.memory_space<vmem>>) dst(%dma_wait3A_89 : memref<128x128xf32, #tpu.memory_space<vmem_shared>>)
      tpu.yield
    }) : () -> ()
    %mul3A_8 = arith.constant 5 : i32
    %mul3A_9 = arith.muli %arg1, %mul3A_8 : i32
    %add3A_10 = arith.constant 1 : i32
    %add3A_11 = arith.addi %mul3A_9, %add3A_10 : i32
    %mul3A_12 = arith.constant 128 : i32
    %mul3A_13 = arith.muli %add3A_11, %mul3A_12 : i32
    %run_scoped3A_14 = arith.constant 0 : i32
    "tpu.region"() ({
      %run_scoped3A_71 = tpu.sem_alloc : memref<!tpu.dma_semaphore, #tpu.memory_space<semaphore_mem>>
      %dma_start3A = arith.constant 0 : i32
      %dma_start3A_72 = arith.constant 0 : i32
      %dma_start3A_73 = tpu.memref_slice %arg8[%run_scoped3A_14, %dma_start3A, %dma_start3A_72] : memref<2x128x128xf32, #tpu.memory_space<vmem>> -> memref<1x128x128xf32, #tpu.memory_space<vmem>>
      %dma_start3A_74 = tpu.memref_squeeze %dma_start3A_73 : memref<1x128x128xf32, #tpu.memory_space<vmem>> -> memref<128x128xf32, #tpu.memory_space<vmem>>
      %dma_start3A_75 = arith.constant 0 : i32
      %dma_start3A_76 = tpu.memref_slice %arg6[%mul3A_13, %dma_start3A_75] : memref<10240x128xf32, #tpu.memory_space<vmem_shared>> -> memref<128x128xf32, #tpu.memory_space<vmem_shared>>
      %dma_start3A_77 = arith.constant 0 : i32
      %dma_start3A_78 = tpu.memref_slice %arg6[%mul3A_13, %dma_start3A_77] : memref<10240x128xf32, #tpu.memory_space<vmem_shared>> -> memref<128x128xf32, #tpu.memory_space<vmem_shared>>
      %dma_start3A_79 = arith.constant 0 : i32
      %dma_start3A_80 = arith.constant 0 : i32
      %dma_start3A_81 = tpu.memref_slice %arg8[%run_scoped3A_14, %dma_start3A_79, %dma_start3A_80] : memref<2x128x128xf32, #tpu.memory_space<vmem>> -> memref<1x128x128xf32, #tpu.memory_space<vmem>>
      %dma_start3A_82 = tpu.memref_squeeze %dma_start3A_81 : memref<1x128x128xf32, #tpu.memory_space<vmem>> -> memref<128x128xf32, #tpu.memory_space<vmem>>
      tpu.enqueue_dma source(%dma_start3A_82 : memref<128x128xf32, #tpu.memory_space<vmem>>) target(%dma_start3A_78 : memref<128x128xf32, #tpu.memory_space<vmem_shared>>) target_semaphore(%run_scoped3A_71 : memref<!tpu.dma_semaphore, #tpu.memory_space<semaphore_mem>>)
      %dma_wait3A = arith.constant 0 : i32
      %dma_wait3A_83 = arith.constant 0 : i32
      %dma_wait3A_84 = tpu.memref_slice %arg8[%run_scoped3A_14, %dma_wait3A, %dma_wait3A_83] : memref<2x128x128xf32, #tpu.memory_space<vmem>> -> memref<1x128x128xf32, #tpu.memory_space<vmem>>
      %dma_wait3A_85 = tpu.memref_squeeze %dma_wait3A_84 : memref<1x128x128xf32, #tpu.memory_space<vmem>> -> memref<128x128xf32, #tpu.memory_space<vmem>>
      %dma_wait3A_86 = arith.constant 0 : i32
      %dma_wait3A_87 = tpu.memref_slice %arg6[%mul3A_13, %dma_wait3A_86] : memref<10240x128xf32, #tpu.memory_space<vmem_shared>> -> memref<128x128xf32, #tpu.memory_space<vmem_shared>>
      %dma_wait3A_88 = arith.constant 0 : i32
      %dma_wait3A_89 = tpu.memref_slice %arg6[%mul3A_13, %dma_wait3A_88] : memref<10240x128xf32, #tpu.memory_space<vmem_shared>> -> memref<128x128xf32, #tpu.memory_space<vmem_shared>>
      %dma_wait3A_90 = arith.constant 0 : i32
      %dma_wait3A_91 = arith.constant 0 : i32
      %dma_wait3A_92 = tpu.memref_slice %arg8[%run_scoped3A_14, %dma_wait3A_90, %dma_wait3A_91] : memref<2x128x128xf32, #tpu.memory_space<vmem>> -> memref<1x128x128xf32, #tpu.memory_space<vmem>>
      %dma_wait3A_93 = tpu.memref_squeeze %dma_wait3A_92 : memref<1x128x128xf32, #tpu.memory_space<vmem>> -> memref<128x128xf32, #tpu.memory_space<vmem>>
      tpu.wait_dma2 semaphore(%run_scoped3A_71 : memref<!tpu.dma_semaphore, #tpu.memory_space<semaphore_mem>>) src(%dma_wait3A_93 : memref<128x128xf32, #tpu.memory_space<vmem>>) dst(%dma_wait3A_89 : memref<128x128xf32, #tpu.memory_space<vmem_shared>>)
      tpu.yield
    }) : () -> ()
    %mul3A_15 = arith.constant 5 : i32
    %mul3A_16 = arith.muli %arg1, %mul3A_15 : i32
    %add3A_17 = arith.constant 2 : i32
    %add3A_18 = arith.addi %mul3A_16, %add3A_17 : i32
    %mul3A_19 = arith.constant 128 : i32
    %mul3A_20 = arith.muli %add3A_18, %mul3A_19 : i32
    %run_scoped3A_21 = arith.constant 0 : i32
    "tpu.region"() ({
      %run_scoped3A_71 = tpu.sem_alloc : memref<!tpu.dma_semaphore, #tpu.memory_space<semaphore_mem>>
      %dma_start3A = arith.constant 0 : i32
      %dma_start3A_72 = arith.constant 0 : i32
      %dma_start3A_73 = tpu.memref_slice %arg8[%run_scoped3A_21, %dma_start3A, %dma_start3A_72] : memref<2x128x128xf32, #tpu.memory_space<vmem>> -> memref<1x128x128xf32, #tpu.memory_space<vmem>>
      %dma_start3A_74 = tpu.memref_squeeze %dma_start3A_73 : memref<1x128x128xf32, #tpu.memory_space<vmem>> -> memref<128x128xf32, #tpu.memory_space<vmem>>
      %dma_start3A_75 = arith.constant 0 : i32
      %dma_start3A_76 = tpu.memref_slice %arg6[%mul3A_20, %dma_start3A_75] : memref<10240x128xf32, #tpu.memory_space<vmem_shared>> -> memref<128x128xf32, #tpu.memory_space<vmem_shared>>
      %dma_start3A_77 = arith.constant 0 : i32
      %dma_start3A_78 = tpu.memref_slice %arg6[%mul3A_20, %dma_start3A_77] : memref<10240x128xf32, #tpu.memory_space<vmem_shared>> -> memref<128x128xf32, #tpu.memory_space<vmem_shared>>
      %dma_start3A_79 = arith.constant 0 : i32
      %dma_start3A_80 = arith.constant 0 : i32
      %dma_start3A_81 = tpu.memref_slice %arg8[%run_scoped3A_21, %dma_start3A_79, %dma_start3A_80] : memref<2x128x128xf32, #tpu.memory_space<vmem>> -> memref<1x128x128xf32, #tpu.memory_space<vmem>>
      %dma_start3A_82 = tpu.memref_squeeze %dma_start3A_81 : memref<1x128x128xf32, #tpu.memory_space<vmem>> -> memref<128x128xf32, #tpu.memory_space<vmem>>
      tpu.enqueue_dma source(%dma_start3A_82 : memref<128x128xf32, #tpu.memory_space<vmem>>) target(%dma_start3A_78 : memref<128x128xf32, #tpu.memory_space<vmem_shared>>) target_semaphore(%run_scoped3A_71 : memref<!tpu.dma_semaphore, #tpu.memory_space<semaphore_mem>>)
      %dma_wait3A = arith.constant 0 : i32
      %dma_wait3A_83 = arith.constant 0 : i32
      %dma_wait3A_84 = tpu.memref_slice %arg8[%run_scoped3A_21, %dma_wait3A, %dma_wait3A_83] : memref<2x128x128xf32, #tpu.memory_space<vmem>> -> memref<1x128x128xf32, #tpu.memory_space<vmem>>
      %dma_wait3A_85 = tpu.memref_squeeze %dma_wait3A_84 : memref<1x128x128xf32, #tpu.memory_space<vmem>> -> memref<128x128xf32, #tpu.memory_space<vmem>>
      %dma_wait3A_86 = arith.constant 0 : i32
      %dma_wait3A_87 = tpu.memref_slice %arg6[%mul3A_20, %dma_wait3A_86] : memref<10240x128xf32, #tpu.memory_space<vmem_shared>> -> memref<128x128xf32, #tpu.memory_space<vmem_shared>>
      %dma_wait3A_88 = arith.constant 0 : i32
      %dma_wait3A_89 = tpu.memref_slice %arg6[%mul3A_20, %dma_wait3A_88] : memref<10240x128xf32, #tpu.memory_space<vmem_shared>> -> memref<128x128xf32, #tpu.memory_space<vmem_shared>>
      %dma_wait3A_90 = arith.constant 0 : i32
      %dma_wait3A_91 = arith.constant 0 : i32
      %dma_wait3A_92 = tpu.memref_slice %arg8[%run_scoped3A_21, %dma_wait3A_90, %dma_wait3A_91] : memref<2x128x128xf32, #tpu.memory_space<vmem>> -> memref<1x128x128xf32, #tpu.memory_space<vmem>>
      %dma_wait3A_93 = tpu.memref_squeeze %dma_wait3A_92 : memref<1x128x128xf32, #tpu.memory_space<vmem>> -> memref<128x128xf32, #tpu.memory_space<vmem>>
      tpu.wait_dma2 semaphore(%run_scoped3A_71 : memref<!tpu.dma_semaphore, #tpu.memory_space<semaphore_mem>>) src(%dma_wait3A_93 : memref<128x128xf32, #tpu.memory_space<vmem>>) dst(%dma_wait3A_89 : memref<128x128xf32, #tpu.memory_space<vmem_shared>>)
      tpu.yield
    }) : () -> ()
    %mul3A_22 = arith.constant 5 : i32
    %mul3A_23 = arith.muli %arg1, %mul3A_22 : i32
    %add3A_24 = arith.constant 3 : i32
    %add3A_25 = arith.addi %mul3A_23, %add3A_24 : i32
    %mul3A_26 = arith.constant 128 : i32
    %mul3A_27 = arith.muli %add3A_25, %mul3A_26 : i32
    %run_scoped3A_28 = arith.constant 0 : i32
    "tpu.region"() ({
      %run_scoped3A_71 = tpu.sem_alloc : memref<!tpu.dma_semaphore, #tpu.memory_space<semaphore_mem>>
      %dma_start3A = arith.constant 0 : i32
      %dma_start3A_72 = arith.constant 0 : i32
      %dma_start3A_73 = tpu.memref_slice %arg8[%run_scoped3A_28, %dma_start3A, %dma_start3A_72] : memref<2x128x128xf32, #tpu.memory_space<vmem>> -> memref<1x128x128xf32, #tpu.memory_space<vmem>>
      %dma_start3A_74 = tpu.memref_squeeze %dma_start3A_73 : memref<1x128x128xf32, #tpu.memory_space<vmem>> -> memref<128x128xf32, #tpu.memory_space<vmem>>
      %dma_start3A_75 = arith.constant 0 : i32
      %dma_start3A_76 = tpu.memref_slice %arg6[%mul3A_27, %dma_start3A_75] : memref<10240x128xf32, #tpu.memory_space<vmem_shared>> -> memref<128x128xf32, #tpu.memory_space<vmem_shared>>
      %dma_start3A_77 = arith.constant 0 : i32
      %dma_start3A_78 = tpu.memref_slice %arg6[%mul3A_27, %dma_start3A_77] : memref<10240x128xf32, #tpu.memory_space<vmem_shared>> -> memref<128x128xf32, #tpu.memory_space<vmem_shared>>
      %dma_start3A_79 = arith.constant 0 : i32
      %dma_start3A_80 = arith.constant 0 : i32
      %dma_start3A_81 = tpu.memref_slice %arg8[%run_scoped3A_28, %dma_start3A_79, %dma_start3A_80] : memref<2x128x128xf32, #tpu.memory_space<vmem>> -> memref<1x128x128xf32, #tpu.memory_space<vmem>>
      %dma_start3A_82 = tpu.memref_squeeze %dma_start3A_81 : memref<1x128x128xf32, #tpu.memory_space<vmem>> -> memref<128x128xf32, #tpu.memory_space<vmem>>
      tpu.enqueue_dma source(%dma_start3A_82 : memref<128x128xf32, #tpu.memory_space<vmem>>) target(%dma_start3A_78 : memref<128x128xf32, #tpu.memory_space<vmem_shared>>) target_semaphore(%run_scoped3A_71 : memref<!tpu.dma_semaphore, #tpu.memory_space<semaphore_mem>>)
      %dma_wait3A = arith.constant 0 : i32
      %dma_wait3A_83 = arith.constant 0 : i32
      %dma_wait3A_84 = tpu.memref_slice %arg8[%run_scoped3A_28, %dma_wait3A, %dma_wait3A_83] : memref<2x128x128xf32, #tpu.memory_space<vmem>> -> memref<1x128x128xf32, #tpu.memory_space<vmem>>
      %dma_wait3A_85 = tpu.memref_squeeze %dma_wait3A_84 : memref<1x128x128xf32, #tpu.memory_space<vmem>> -> memref<128x128xf32, #tpu.memory_space<vmem>>
      %dma_wait3A_86 = arith.constant 0 : i32
      %dma_wait3A_87 = tpu.memref_slice %arg6[%mul3A_27, %dma_wait3A_86] : memref<10240x128xf32, #tpu.memory_space<vmem_shared>> -> memref<128x128xf32, #tpu.memory_space<vmem_shared>>
      %dma_wait3A_88 = arith.constant 0 : i32
      %dma_wait3A_89 = tpu.memref_slice %arg6[%mul3A_27, %dma_wait3A_88] : memref<10240x128xf32, #tpu.memory_space<vmem_shared>> -> memref<128x128xf32, #tpu.memory_space<vmem_shared>>
      %dma_wait3A_90 = arith.constant 0 : i32
      %dma_wait3A_91 = arith.constant 0 : i32
      %dma_wait3A_92 = tpu.memref_slice %arg8[%run_scoped3A_28, %dma_wait3A_90, %dma_wait3A_91] : memref<2x128x128xf32, #tpu.memory_space<vmem>> -> memref<1x128x128xf32, #tpu.memory_space<vmem>>
      %dma_wait3A_93 = tpu.memref_squeeze %dma_wait3A_92 : memref<1x128x128xf32, #tpu.memory_space<vmem>> -> memref<128x128xf32, #tpu.memory_space<vmem>>
      tpu.wait_dma2 semaphore(%run_scoped3A_71 : memref<!tpu.dma_semaphore, #tpu.memory_space<semaphore_mem>>) src(%dma_wait3A_93 : memref<128x128xf32, #tpu.memory_space<vmem>>) dst(%dma_wait3A_89 : memref<128x128xf32, #tpu.memory_space<vmem_shared>>)
      tpu.yield
    }) : () -> ()
    %mul3A_29 = arith.constant 5 : i32
    %mul3A_30 = arith.muli %arg1, %mul3A_29 : i32
    %add3A_31 = arith.constant 4 : i32
    %add3A_32 = arith.addi %mul3A_30, %add3A_31 : i32
    %mul3A_33 = arith.constant 128 : i32
    %mul3A_34 = arith.muli %add3A_32, %mul3A_33 : i32
    %run_scoped3A_35 = arith.constant 0 : i32
    "tpu.region"() ({
      %run_scoped3A_71 = tpu.sem_alloc : memref<!tpu.dma_semaphore, #tpu.memory_space<semaphore_mem>>
      %dma_start3A = arith.constant 0 : i32
      %dma_start3A_72 = arith.constant 0 : i32
      %dma_start3A_73 = tpu.memref_slice %arg8[%run_scoped3A_35, %dma_start3A, %dma_start3A_72] : memref<2x128x128xf32, #tpu.memory_space<vmem>> -> memref<1x128x128xf32, #tpu.memory_space<vmem>>
      %dma_start3A_74 = tpu.memref_squeeze %dma_start3A_73 : memref<1x128x128xf32, #tpu.memory_space<vmem>> -> memref<128x128xf32, #tpu.memory_space<vmem>>
      %dma_start3A_75 = arith.constant 0 : i32
      %dma_start3A_76 = tpu.memref_slice %arg6[%mul3A_34, %dma_start3A_75] : memref<10240x128xf32, #tpu.memory_space<vmem_shared>> -> memref<128x128xf32, #tpu.memory_space<vmem_shared>>
      %dma_start3A_77 = arith.constant 0 : i32
      %dma_start3A_78 = tpu.memref_slice %arg6[%mul3A_34, %dma_start3A_77] : memref<10240x128xf32, #tpu.memory_space<vmem_shared>> -> memref<128x128xf32, #tpu.memory_space<vmem_shared>>
      %dma_start3A_79 = arith.constant 0 : i32
      %dma_start3A_80 = arith.constant 0 : i32
      %dma_start3A_81 = tpu.memref_slice %arg8[%run_scoped3A_35, %dma_start3A_79, %dma_start3A_80] : memref<2x128x128xf32, #tpu.memory_space<vmem>> -> memref<1x128x128xf32, #tpu.memory_space<vmem>>
      %dma_start3A_82 = tpu.memref_squeeze %dma_start3A_81 : memref<1x128x128xf32, #tpu.memory_space<vmem>> -> memref<128x128xf32, #tpu.memory_space<vmem>>
      tpu.enqueue_dma source(%dma_start3A_82 : memref<128x128xf32, #tpu.memory_space<vmem>>) target(%dma_start3A_78 : memref<128x128xf32, #tpu.memory_space<vmem_shared>>) target_semaphore(%run_scoped3A_71 : memref<!tpu.dma_semaphore, #tpu.memory_space<semaphore_mem>>)
      %dma_wait3A = arith.constant 0 : i32
      %dma_wait3A_83 = arith.constant 0 : i32
      %dma_wait3A_84 = tpu.memref_slice %arg8[%run_scoped3A_35, %dma_wait3A, %dma_wait3A_83] : memref<2x128x128xf32, #tpu.memory_space<vmem>> -> memref<1x128x128xf32, #tpu.memory_space<vmem>>
      %dma_wait3A_85 = tpu.memref_squeeze %dma_wait3A_84 : memref<1x128x128xf32, #tpu.memory_space<vmem>> -> memref<128x128xf32, #tpu.memory_space<vmem>>
      %dma_wait3A_86 = arith.constant 0 : i32
      %dma_wait3A_87 = tpu.memref_slice %arg6[%mul3A_34, %dma_wait3A_86] : memref<10240x128xf32, #tpu.memory_space<vmem_shared>> -> memref<128x128xf32, #tpu.memory_space<vmem_shared>>
      %dma_wait3A_88 = arith.constant 0 : i32
      %dma_wait3A_89 = tpu.memref_slice %arg6[%mul3A_34, %dma_wait3A_88] : memref<10240x128xf32, #tpu.memory_space<vmem_shared>> -> memref<128x128xf32, #tpu.memory_space<vmem_shared>>
      %dma_wait3A_90 = arith.constant 0 : i32
      %dma_wait3A_91 = arith.constant 0 : i32
      %dma_wait3A_92 = tpu.memref_slice %arg8[%run_scoped3A_35, %dma_wait3A_90, %dma_wait3A_91] : memref<2x128x128xf32, #tpu.memory_space<vmem>> -> memref<1x128x128xf32, #tpu.memory_space<vmem>>
      %dma_wait3A_93 = tpu.memref_squeeze %dma_wait3A_92 : memref<1x128x128xf32, #tpu.memory_space<vmem>> -> memref<128x128xf32, #tpu.memory_space<vmem>>
      tpu.wait_dma2 semaphore(%run_scoped3A_71 : memref<!tpu.dma_semaphore, #tpu.memory_space<semaphore_mem>>) src(%dma_wait3A_93 : memref<128x128xf32, #tpu.memory_space<vmem>>) dst(%dma_wait3A_89 : memref<128x128xf32, #tpu.memory_space<vmem_shared>>)
      tpu.yield
    }) : () -> ()
    %barrier3A = arith.constant 0 : index
    tpu.barrier barrier_id(%barrier3A)
    %scan3A = arith.constant 0 : i32
    %scan3A_36 = arith.constant 4 : i32
    %scan3A_37 = arith.addi %scan3A, %scan3A_36 : i32
    %scan3A_38 = arith.constant 1 : i32
    scf.for %scan3A_71 = %scan3A to %scan3A_37 step %scan3A_38  : i32 {
      %mul3A_72 = arith.constant 1 : i32
      %mul3A_73 = arith.muli %scan3A_71, %mul3A_72 : i32
      %add3A_74 = arith.constant 0 : i32
      %add3A_75 = arith.addi %add3A_74, %mul3A_73 : i32
      %mul3A_76 = arith.constant 20 : i32
      %mul3A_77 = arith.muli %add3A_75, %mul3A_76 : i32
      "tpu.region"() ({
        %run_scoped3A_133 = tpu.sem_alloc : memref<!tpu.dma_semaphore, #tpu.memory_space<semaphore_mem>>
        %dma_start3A_134 = arith.constant 0 : i32
        %dma_start3A_135 = arith.constant 0 : i32
        %dma_start3A_136 = tpu.memref_slice %arg3[%add3A, %mul3A_77, %dma_start3A_134, %dma_start3A_135] : memref<32x80x2x128xi32, #tpu.memory_space<hbm>> -> memref<1x20x2x128xi32, #tpu.memory_space<hbm>>
        %dma_start3A_137 = tpu.memref_squeeze %dma_start3A_136 : memref<1x20x2x128xi32, #tpu.memory_space<hbm>> -> memref<20x2x128xi32, #tpu.memory_space<hbm>>
        %dma_start3A_138 = arith.constant 0 : i32
        %dma_start3A_139 = arith.constant 0 : i32
        %dma_start3A_140 = tpu.memref_slice %arg3[%add3A, %mul3A_77, %dma_start3A_138, %dma_start3A_139] : memref<32x80x2x128xi32, #tpu.memory_space<hbm>> -> memref<1x20x2x128xi32, #tpu.memory_space<hbm>>
        %dma_start3A_141 = tpu.memref_squeeze %dma_start3A_140 : memref<1x20x2x128xi32, #tpu.memory_space<hbm>> -> memref<20x2x128xi32, #tpu.memory_space<hbm>>
        tpu.enqueue_dma source(%dma_start3A_141 : memref<20x2x128xi32, #tpu.memory_space<hbm>>) target(%arg7 : memref<20x2x128xi32, #tpu.memory_space<vmem>>) target_semaphore(%run_scoped3A_133 : memref<!tpu.dma_semaphore, #tpu.memory_space<semaphore_mem>>)
        %dma_wait3A_142 = arith.constant 0 : i32
        %dma_wait3A_143 = arith.constant 0 : i32
        %dma_wait3A_144 = tpu.memref_slice %arg3[%add3A, %mul3A_77, %dma_wait3A_142, %dma_wait3A_143] : memref<32x80x2x128xi32, #tpu.memory_space<hbm>> -> memref<1x20x2x128xi32, #tpu.memory_space<hbm>>
        %dma_wait3A_145 = tpu.memref_squeeze %dma_wait3A_144 : memref<1x20x2x128xi32, #tpu.memory_space<hbm>> -> memref<20x2x128xi32, #tpu.memory_space<hbm>>
        %dma_wait3A_146 = arith.constant 0 : i32
        %dma_wait3A_147 = arith.constant 0 : i32
        %dma_wait3A_148 = tpu.memref_slice %arg3[%add3A, %mul3A_77, %dma_wait3A_146, %dma_wait3A_147] : memref<32x80x2x128xi32, #tpu.memory_space<hbm>> -> memref<1x20x2x128xi32, #tpu.memory_space<hbm>>
        %dma_wait3A_149 = tpu.memref_squeeze %dma_wait3A_148 : memref<1x20x2x128xi32, #tpu.memory_space<hbm>> -> memref<20x2x128xi32, #tpu.memory_space<hbm>>
        tpu.wait_dma2 semaphore(%run_scoped3A_133 : memref<!tpu.dma_semaphore, #tpu.memory_space<semaphore_mem>>) src(%dma_wait3A_149 : memref<20x2x128xi32, #tpu.memory_space<hbm>>) dst(%arg7 : memref<20x2x128xi32, #tpu.memory_space<vmem>>)
        tpu.yield
      }) : () -> ()
      %dma_start3A = arith.constant 0 : i32
      %dma_start3A_78 = arith.constant 0 : i32
      %dma_start3A_79 = arith.constant 0 : i32
      %dma_start3A_80 = arith.constant 0 : i32
      %dma_start3A_81 = arith.constant 0 : i32
      %dma_start3A_82 = tpu.memref_slice %arg8[%dma_start3A_79, %dma_start3A_80, %dma_start3A_81] : memref<2x128x128xf32, #tpu.memory_space<vmem>> -> memref<1x128x128xf32, #tpu.memory_space<vmem>>
      %dma_start3A_83 = tpu.memref_squeeze %dma_start3A_82 : memref<1x128x128xf32, #tpu.memory_space<vmem>> -> memref<128x128xf32, #tpu.memory_space<vmem>>
      %dma_start3A_84 = arith.constant 0 : i32
      %dma_start3A_85 = tpu.memref_slice %arg7[%dma_start3A, %dma_start3A_78, %dma_start3A_84] : memref<20x2x128xi32, #tpu.memory_space<vmem>> -> memref<1x1x128xi32, #tpu.memory_space<vmem>>
      %dma_start3A_86 = tpu.memref_squeeze %dma_start3A_85 : memref<1x1x128xi32, #tpu.memory_space<vmem>> -> memref<128xi32, #tpu.memory_space<vmem>>
      %dma_start3A_87 = arith.constant 0 : i32
      %dma_start3A_88 = arith.constant 0 : i32
      %dma_start3A_89 = tpu.memref_slice %arg2[%dma_start3A_87, %dma_start3A_88] : memref<10000x128xf32, #tpu.memory_space<hbm>> -> memref<10000x128xf32, #tpu.memory_space<hbm>>
      tpu.enqueue_indirect_dma source(%dma_start3A_89 : memref<10000x128xf32, #tpu.memory_space<hbm>>) target(%dma_start3A_83 : memref<128x128xf32, #tpu.memory_space<vmem>>) offsets(%dma_start3A_86 : memref<128xi32, #tpu.memory_space<vmem>>) semaphore(%arg9 : memref<!tpu.dma_semaphore, #tpu.memory_space<semaphore_mem>>)
      %dma_start3A_90 = arith.constant 1 : i32
      %dma_start3A_91 = arith.constant 0 : i32
      %dma_start3A_92 = arith.constant 1 : i32
      %dma_start3A_93 = arith.constant 0 : i32
      %dma_start3A_94 = arith.constant 0 : i32
      %dma_start3A_95 = tpu.memref_slice %arg8[%dma_start3A_92, %dma_start3A_93, %dma_start3A_94] : memref<2x128x128xf32, #tpu.memory_space<vmem>> -> memref<1x128x128xf32, #tpu.memory_space<vmem>>
      %dma_start3A_96 = tpu.memref_squeeze %dma_start3A_95 : memref<1x128x128xf32, #tpu.memory_space<vmem>> -> memref<128x128xf32, #tpu.memory_space<vmem>>
      %dma_start3A_97 = arith.constant 0 : i32
      %dma_start3A_98 = tpu.memref_slice %arg7[%dma_start3A_90, %dma_start3A_91, %dma_start3A_97] : memref<20x2x128xi32, #tpu.memory_space<vmem>> -> memref<1x1x128xi32, #tpu.memory_space<vmem>>
      %dma_start3A_99 = tpu.memref_squeeze %dma_start3A_98 : memref<1x1x128xi32, #tpu.memory_space<vmem>> -> memref<128xi32, #tpu.memory_space<vmem>>
      %dma_start3A_100 = arith.constant 0 : i32
      %dma_start3A_101 = arith.constant 0 : i32
      %dma_start3A_102 = tpu.memref_slice %arg2[%dma_start3A_100, %dma_start3A_101] : memref<10000x128xf32, #tpu.memory_space<hbm>> -> memref<10000x128xf32, #tpu.memory_space<hbm>>
      tpu.enqueue_indirect_dma source(%dma_start3A_102 : memref<10000x128xf32, #tpu.memory_space<hbm>>) target(%dma_start3A_96 : memref<128x128xf32, #tpu.memory_space<vmem>>) offsets(%dma_start3A_99 : memref<128xi32, #tpu.memory_space<vmem>>) semaphore(%arg10 : memref<!tpu.dma_semaphore, #tpu.memory_space<semaphore_mem>>)
      %scan3A_103 = arith.constant 0 : i32
      %scan3A_104 = arith.constant 10 : i32
      %scan3A_105 = arith.addi %scan3A_103, %scan3A_104 : i32
      %scan3A_106 = arith.constant 1 : i32
      scf.for %scan3A_133 = %scan3A_103 to %scan3A_105 step %scan3A_106  : i32 {
        %mul3A_134 = arith.constant 2 : i32
        %mul3A_135 = arith.muli %scan3A_133, %mul3A_134 : i32
        %add3A_136 = arith.constant 0 : i32
        %add3A_137 = arith.addi %add3A_136, %mul3A_135 : i32
        %add3A_138 = arith.constant 0 : i32
        %add3A_139 = arith.addi %add3A_137, %add3A_138 : i32
        %dma_wait3A_140 = arith.constant 0 : i32
        %dma_wait3A_141 = arith.constant 0 : i32
        %dma_wait3A_142 = arith.constant 0 : i32
        %dma_wait3A_143 = arith.constant 0 : i32
        %dma_wait3A_144 = tpu.memref_slice %arg8[%dma_wait3A_141, %dma_wait3A_142, %dma_wait3A_143] : memref<2x128x128xf32, #tpu.memory_space<vmem>> -> memref<1x128x128xf32, #tpu.memory_space<vmem>>
        %dma_wait3A_145 = tpu.memref_squeeze %dma_wait3A_144 : memref<1x128x128xf32, #tpu.memory_space<vmem>> -> memref<128x128xf32, #tpu.memory_space<vmem>>
        %dma_wait3A_146 = arith.constant 0 : i32
        %dma_wait3A_147 = tpu.memref_slice %arg7[%add3A_139, %dma_wait3A_140, %dma_wait3A_146] : memref<20x2x128xi32, #tpu.memory_space<vmem>> -> memref<1x1x128xi32, #tpu.memory_space<vmem>>
        %dma_wait3A_148 = tpu.memref_squeeze %dma_wait3A_147 : memref<1x1x128xi32, #tpu.memory_space<vmem>> -> memref<128xi32, #tpu.memory_space<vmem>>
        %dma_wait3A_149 = arith.constant 0 : i32
        %dma_wait3A_150 = arith.constant 0 : i32
        %dma_wait3A_151 = tpu.memref_slice %arg2[%dma_wait3A_149, %dma_wait3A_150] : memref<10000x128xf32, #tpu.memory_space<hbm>> -> memref<10000x128xf32, #tpu.memory_space<hbm>>
        tpu.wait_indirect_dma semaphore(%arg9 : memref<!tpu.dma_semaphore, #tpu.memory_space<semaphore_mem>>) src(%dma_wait3A_151 : memref<10000x128xf32, #tpu.memory_space<hbm>>) dst(%dma_wait3A_145 : memref<128x128xf32, #tpu.memory_space<vmem>>)
        %dma_start3A_152 = arith.constant 0 : i32
        %dma_start3A_153 = arith.constant 1 : i32
        %dma_start3A_154 = arith.constant 0 : i32
        %dma_start3A_155 = arith.constant 0 : i32
        %dma_start3A_156 = tpu.memref_slice %arg8[%dma_start3A_152, %dma_start3A_154, %dma_start3A_155] : memref<2x128x128xf32, #tpu.memory_space<vmem>> -> memref<1x128x128xf32, #tpu.memory_space<vmem>>
        %dma_start3A_157 = tpu.memref_squeeze %dma_start3A_156 : memref<1x128x128xf32, #tpu.memory_space<vmem>> -> memref<128x128xf32, #tpu.memory_space<vmem>>
        %dma_start3A_158 = arith.constant 0 : i32
        %dma_start3A_159 = tpu.memref_slice %arg7[%add3A_139, %dma_start3A_153, %dma_start3A_158] : memref<20x2x128xi32, #tpu.memory_space<vmem>> -> memref<1x1x128xi32, #tpu.memory_space<vmem>>
        %dma_start3A_160 = tpu.memref_squeeze %dma_start3A_159 : memref<1x1x128xi32, #tpu.memory_space<vmem>> -> memref<128xi32, #tpu.memory_space<vmem>>
        %dma_start3A_161 = arith.constant 0 : i32
        %dma_start3A_162 = arith.constant 0 : i32
        %dma_start3A_163 = tpu.memref_slice %arg6[%dma_start3A_161, %dma_start3A_162] : memref<10240x128xf32, #tpu.memory_space<vmem_shared>> -> memref<10240x128xf32, #tpu.memory_space<vmem_shared>>
        tpu.enqueue_indirect_dma source(%dma_start3A_157 : memref<128x128xf32, #tpu.memory_space<vmem>>) target(%dma_start3A_163 : memref<10240x128xf32, #tpu.memory_space<vmem_shared>>) offsets(%dma_start3A_160 : memref<128xi32, #tpu.memory_space<vmem>>) semaphore(%arg11 : memref<!tpu.dma_semaphore, #tpu.memory_space<semaphore_mem>>) {add = true}
        %add3A_164 = arith.constant 2 : i32
        %add3A_165 = arith.addi %add3A_139, %add3A_164 : i32
        %lt3A = arith.constant 20 : i32
        %lt3A_166 = arith.cmpi slt, %add3A_165, %lt3A : i32
        %convert_element_type3A = arith.extui %lt3A_166 : i1 to i32
        %cond3A = arith.constant 0 : i32
        %cond3A_167 = arith.cmpi ne, %convert_element_type3A, %cond3A : i32
        scf.if %cond3A_167 {
          %dma_wait3A_201 = arith.constant 0 : i32
          %dma_wait3A_202 = arith.constant 1 : i32
          %dma_wait3A_203 = arith.constant 0 : i32
          %dma_wait3A_204 = arith.constant 0 : i32
          %dma_wait3A_205 = tpu.memref_slice %arg8[%dma_wait3A_201, %dma_wait3A_203, %dma_wait3A_204] : memref<2x128x128xf32, #tpu.memory_space<vmem>> -> memref<1x128x128xf32, #tpu.memory_space<vmem>>
          %dma_wait3A_206 = tpu.memref_squeeze %dma_wait3A_205 : memref<1x128x128xf32, #tpu.memory_space<vmem>> -> memref<128x128xf32, #tpu.memory_space<vmem>>
          %dma_wait3A_207 = arith.constant 0 : i32
          %dma_wait3A_208 = tpu.memref_slice %arg7[%add3A_139, %dma_wait3A_202, %dma_wait3A_207] : memref<20x2x128xi32, #tpu.memory_space<vmem>> -> memref<1x1x128xi32, #tpu.memory_space<vmem>>
          %dma_wait3A_209 = tpu.memref_squeeze %dma_wait3A_208 : memref<1x1x128xi32, #tpu.memory_space<vmem>> -> memref<128xi32, #tpu.memory_space<vmem>>
          %dma_wait3A_210 = arith.constant 0 : i32
          %dma_wait3A_211 = arith.constant 0 : i32
          %dma_wait3A_212 = tpu.memref_slice %arg6[%dma_wait3A_210, %dma_wait3A_211] : memref<10240x128xf32, #tpu.memory_space<vmem_shared>> -> memref<10240x128xf32, #tpu.memory_space<vmem_shared>>
          tpu.wait_indirect_dma semaphore(%arg11 : memref<!tpu.dma_semaphore, #tpu.memory_space<semaphore_mem>>) src(%dma_wait3A_206 : memref<128x128xf32, #tpu.memory_space<vmem>>) dst(%dma_wait3A_212 : memref<10240x128xf32, #tpu.memory_space<vmem_shared>>)
          %add3A_213 = arith.constant 2 : i32
          %add3A_214 = arith.addi %add3A_139, %add3A_213 : i32
          %dma_start3A_215 = arith.constant 0 : i32
          %dma_start3A_216 = arith.constant 0 : i32
          %dma_start3A_217 = arith.constant 0 : i32
          %dma_start3A_218 = arith.constant 0 : i32
          %dma_start3A_219 = tpu.memref_slice %arg8[%dma_start3A_216, %dma_start3A_217, %dma_start3A_218] : memref<2x128x128xf32, #tpu.memory_space<vmem>> -> memref<1x128x128xf32, #tpu.memory_space<vmem>>
          %dma_start3A_220 = tpu.memref_squeeze %dma_start3A_219 : memref<1x128x128xf32, #tpu.memory_space<vmem>> -> memref<128x128xf32, #tpu.memory_space<vmem>>
          %dma_start3A_221 = arith.constant 0 : i32
          %dma_start3A_222 = tpu.memref_slice %arg7[%add3A_214, %dma_start3A_215, %dma_start3A_221] : memref<20x2x128xi32, #tpu.memory_space<vmem>> -> memref<1x1x128xi32, #tpu.memory_space<vmem>>
          %dma_start3A_223 = tpu.memref_squeeze %dma_start3A_222 : memref<1x1x128xi32, #tpu.memory_space<vmem>> -> memref<128xi32, #tpu.memory_space<vmem>>
          %dma_start3A_224 = arith.constant 0 : i32
          %dma_start3A_225 = arith.constant 0 : i32
          %dma_start3A_226 = tpu.memref_slice %arg2[%dma_start3A_224, %dma_start3A_225] : memref<10000x128xf32, #tpu.memory_space<hbm>> -> memref<10000x128xf32, #tpu.memory_space<hbm>>
          tpu.enqueue_indirect_dma source(%dma_start3A_226 : memref<10000x128xf32, #tpu.memory_space<hbm>>) target(%dma_start3A_220 : memref<128x128xf32, #tpu.memory_space<vmem>>) offsets(%dma_start3A_223 : memref<128xi32, #tpu.memory_space<vmem>>) semaphore(%arg9 : memref<!tpu.dma_semaphore, #tpu.memory_space<semaphore_mem>>)
        } else {
        }
        %add3A_168 = arith.constant 1 : i32
        %add3A_169 = arith.addi %add3A_137, %add3A_168 : i32
        %dma_wait3A_170 = arith.constant 0 : i32
        %dma_wait3A_171 = arith.constant 1 : i32
        %dma_wait3A_172 = arith.constant 0 : i32
        %dma_wait3A_173 = arith.constant 0 : i32
        %dma_wait3A_174 = tpu.memref_slice %arg8[%dma_wait3A_171, %dma_wait3A_172, %dma_wait3A_173] : memref<2x128x128xf32, #tpu.memory_space<vmem>> -> memref<1x128x128xf32, #tpu.memory_space<vmem>>
        %dma_wait3A_175 = tpu.memref_squeeze %dma_wait3A_174 : memref<1x128x128xf32, #tpu.memory_space<vmem>> -> memref<128x128xf32, #tpu.memory_space<vmem>>
        %dma_wait3A_176 = arith.constant 0 : i32
        %dma_wait3A_177 = tpu.memref_slice %arg7[%add3A_169, %dma_wait3A_170, %dma_wait3A_176] : memref<20x2x128xi32, #tpu.memory_space<vmem>> -> memref<1x1x128xi32, #tpu.memory_space<vmem>>
        %dma_wait3A_178 = tpu.memref_squeeze %dma_wait3A_177 : memref<1x1x128xi32, #tpu.memory_space<vmem>> -> memref<128xi32, #tpu.memory_space<vmem>>
        %dma_wait3A_179 = arith.constant 0 : i32
        %dma_wait3A_180 = arith.constant 0 : i32
        %dma_wait3A_181 = tpu.memref_slice %arg2[%dma_wait3A_179, %dma_wait3A_180] : memref<10000x128xf32, #tpu.memory_space<hbm>> -> memref<10000x128xf32, #tpu.memory_space<hbm>>
        tpu.wait_indirect_dma semaphore(%arg10 : memref<!tpu.dma_semaphore, #tpu.memory_space<semaphore_mem>>) src(%dma_wait3A_181 : memref<10000x128xf32, #tpu.memory_space<hbm>>) dst(%dma_wait3A_175 : memref<128x128xf32, #tpu.memory_space<vmem>>)
        %dma_start3A_182 = arith.constant 1 : i32
        %dma_start3A_183 = arith.constant 1 : i32
        %dma_start3A_184 = arith.constant 0 : i32
        %dma_start3A_185 = arith.constant 0 : i32
        %dma_start3A_186 = tpu.memref_slice %arg8[%dma_start3A_182, %dma_start3A_184, %dma_start3A_185] : memref<2x128x128xf32, #tpu.memory_space<vmem>> -> memref<1x128x128xf32, #tpu.memory_space<vmem>>
        %dma_start3A_187 = tpu.memref_squeeze %dma_start3A_186 : memref<1x128x128xf32, #tpu.memory_space<vmem>> -> memref<128x128xf32, #tpu.memory_space<vmem>>
        %dma_start3A_188 = arith.constant 0 : i32
        %dma_start3A_189 = tpu.memref_slice %arg7[%add3A_169, %dma_start3A_183, %dma_start3A_188] : memref<20x2x128xi32, #tpu.memory_space<vmem>> -> memref<1x1x128xi32, #tpu.memory_space<vmem>>
        %dma_start3A_190 = tpu.memref_squeeze %dma_start3A_189 : memref<1x1x128xi32, #tpu.memory_space<vmem>> -> memref<128xi32, #tpu.memory_space<vmem>>
        %dma_start3A_191 = arith.constant 0 : i32
        %dma_start3A_192 = arith.constant 0 : i32
        %dma_start3A_193 = tpu.memref_slice %arg6[%dma_start3A_191, %dma_start3A_192] : memref<10240x128xf32, #tpu.memory_space<vmem_shared>> -> memref<10240x128xf32, #tpu.memory_space<vmem_shared>>
        tpu.enqueue_indirect_dma source(%dma_start3A_187 : memref<128x128xf32, #tpu.memory_space<vmem>>) target(%dma_start3A_193 : memref<10240x128xf32, #tpu.memory_space<vmem_shared>>) offsets(%dma_start3A_190 : memref<128xi32, #tpu.memory_space<vmem>>) semaphore(%arg12 : memref<!tpu.dma_semaphore, #tpu.memory_space<semaphore_mem>>) {add = true}
        %add3A_194 = arith.constant 2 : i32
        %add3A_195 = arith.addi %add3A_169, %add3A_194 : i32
        %lt3A_196 = arith.constant 20 : i32
        %lt3A_197 = arith.cmpi slt, %add3A_195, %lt3A_196 : i32
        %convert_element_type3A_198 = arith.extui %lt3A_197 : i1 to i32
        %cond3A_199 = arith.constant 0 : i32
        %cond3A_200 = arith.cmpi ne, %convert_element_type3A_198, %cond3A_199 : i32
        scf.if %cond3A_200 {
          %dma_wait3A_201 = arith.constant 1 : i32
          %dma_wait3A_202 = arith.constant 1 : i32
          %dma_wait3A_203 = arith.constant 0 : i32
          %dma_wait3A_204 = arith.constant 0 : i32
          %dma_wait3A_205 = tpu.memref_slice %arg8[%dma_wait3A_201, %dma_wait3A_203, %dma_wait3A_204] : memref<2x128x128xf32, #tpu.memory_space<vmem>> -> memref<1x128x128xf32, #tpu.memory_space<vmem>>
          %dma_wait3A_206 = tpu.memref_squeeze %dma_wait3A_205 : memref<1x128x128xf32, #tpu.memory_space<vmem>> -> memref<128x128xf32, #tpu.memory_space<vmem>>
          %dma_wait3A_207 = arith.constant 0 : i32
          %dma_wait3A_208 = tpu.memref_slice %arg7[%add3A_169, %dma_wait3A_202, %dma_wait3A_207] : memref<20x2x128xi32, #tpu.memory_space<vmem>> -> memref<1x1x128xi32, #tpu.memory_space<vmem>>
          %dma_wait3A_209 = tpu.memref_squeeze %dma_wait3A_208 : memref<1x1x128xi32, #tpu.memory_space<vmem>> -> memref<128xi32, #tpu.memory_space<vmem>>
          %dma_wait3A_210 = arith.constant 0 : i32
          %dma_wait3A_211 = arith.constant 0 : i32
          %dma_wait3A_212 = tpu.memref_slice %arg6[%dma_wait3A_210, %dma_wait3A_211] : memref<10240x128xf32, #tpu.memory_space<vmem_shared>> -> memref<10240x128xf32, #tpu.memory_space<vmem_shared>>
          tpu.wait_indirect_dma semaphore(%arg12 : memref<!tpu.dma_semaphore, #tpu.memory_space<semaphore_mem>>) src(%dma_wait3A_206 : memref<128x128xf32, #tpu.memory_space<vmem>>) dst(%dma_wait3A_212 : memref<10240x128xf32, #tpu.memory_space<vmem_shared>>)
          %add3A_213 = arith.constant 2 : i32
          %add3A_214 = arith.addi %add3A_169, %add3A_213 : i32
          %dma_start3A_215 = arith.constant 0 : i32
          %dma_start3A_216 = arith.constant 1 : i32
          %dma_start3A_217 = arith.constant 0 : i32
          %dma_start3A_218 = arith.constant 0 : i32
          %dma_start3A_219 = tpu.memref_slice %arg8[%dma_start3A_216, %dma_start3A_217, %dma_start3A_218] : memref<2x128x128xf32, #tpu.memory_space<vmem>> -> memref<1x128x128xf32, #tpu.memory_space<vmem>>
          %dma_start3A_220 = tpu.memref_squeeze %dma_start3A_219 : memref<1x128x128xf32, #tpu.memory_space<vmem>> -> memref<128x128xf32, #tpu.memory_space<vmem>>
          %dma_start3A_221 = arith.constant 0 : i32
          %dma_start3A_222 = tpu.memref_slice %arg7[%add3A_214, %dma_start3A_215, %dma_start3A_221] : memref<20x2x128xi32, #tpu.memory_space<vmem>> -> memref<1x1x128xi32, #tpu.memory_space<vmem>>
          %dma_start3A_223 = tpu.memref_squeeze %dma_start3A_222 : memref<1x1x128xi32, #tpu.memory_space<vmem>> -> memref<128xi32, #tpu.memory_space<vmem>>
          %dma_start3A_224 = arith.constant 0 : i32
          %dma_start3A_225 = arith.constant 0 : i32
          %dma_start3A_226 = tpu.memref_slice %arg2[%dma_start3A_224, %dma_start3A_225] : memref<10000x128xf32, #tpu.memory_space<hbm>> -> memref<10000x128xf32, #tpu.memory_space<hbm>>
          tpu.enqueue_indirect_dma source(%dma_start3A_226 : memref<10000x128xf32, #tpu.memory_space<hbm>>) target(%dma_start3A_220 : memref<128x128xf32, #tpu.memory_space<vmem>>) offsets(%dma_start3A_223 : memref<128xi32, #tpu.memory_space<vmem>>) semaphore(%arg10 : memref<!tpu.dma_semaphore, #tpu.memory_space<semaphore_mem>>)
        } else {
        }
      }
      %scan3A_107 = arith.constant 10 : i32
      %dma_wait3A = arith.constant 0 : i32
      %dma_wait3A_108 = arith.constant 0 : i32
      %dma_wait3A_109 = arith.constant 1 : i32
      %dma_wait3A_110 = arith.constant 0 : i32
      %dma_wait3A_111 = arith.constant 0 : i32
      %dma_wait3A_112 = tpu.memref_slice %arg8[%dma_wait3A, %dma_wait3A_110, %dma_wait3A_111] : memref<2x128x128xf32, #tpu.memory_space<vmem>> -> memref<1x128x128xf32, #tpu.memory_space<vmem>>
      %dma_wait3A_113 = tpu.memref_squeeze %dma_wait3A_112 : memref<1x128x128xf32, #tpu.memory_space<vmem>> -> memref<128x128xf32, #tpu.memory_space<vmem>>
      %dma_wait3A_114 = arith.constant 0 : i32
      %dma_wait3A_115 = tpu.memref_slice %arg7[%dma_wait3A_108, %dma_wait3A_109, %dma_wait3A_114] : memref<20x2x128xi32, #tpu.memory_space<vmem>> -> memref<1x1x128xi32, #tpu.memory_space<vmem>>
      %dma_wait3A_116 = tpu.memref_squeeze %dma_wait3A_115 : memref<1x1x128xi32, #tpu.memory_space<vmem>> -> memref<128xi32, #tpu.memory_space<vmem>>
      %dma_wait3A_117 = arith.constant 0 : i32
      %dma_wait3A_118 = arith.constant 0 : i32
      %dma_wait3A_119 = tpu.memref_slice %arg6[%dma_wait3A_117, %dma_wait3A_118] : memref<10240x128xf32, #tpu.memory_space<vmem_shared>> -> memref<10240x128xf32, #tpu.memory_space<vmem_shared>>
      tpu.wait_indirect_dma semaphore(%arg11 : memref<!tpu.dma_semaphore, #tpu.memory_space<semaphore_mem>>) src(%dma_wait3A_113 : memref<128x128xf32, #tpu.memory_space<vmem>>) dst(%dma_wait3A_119 : memref<10240x128xf32, #tpu.memory_space<vmem_shared>>)
      %dma_wait3A_120 = arith.constant 1 : i32
      %dma_wait3A_121 = arith.constant 0 : i32
      %dma_wait3A_122 = arith.constant 1 : i32
      %dma_wait3A_123 = arith.constant 0 : i32
      %dma_wait3A_124 = arith.constant 0 : i32
      %dma_wait3A_125 = tpu.memref_slice %arg8[%dma_wait3A_120, %dma_wait3A_123, %dma_wait3A_124] : memref<2x128x128xf32, #tpu.memory_space<vmem>> -> memref<1x128x128xf32, #tpu.memory_space<vmem>>
      %dma_wait3A_126 = tpu.memref_squeeze %dma_wait3A_125 : memref<1x128x128xf32, #tpu.memory_space<vmem>> -> memref<128x128xf32, #tpu.memory_space<vmem>>
      %dma_wait3A_127 = arith.constant 0 : i32
      %dma_wait3A_128 = tpu.memref_slice %arg7[%dma_wait3A_121, %dma_wait3A_122, %dma_wait3A_127] : memref<20x2x128xi32, #tpu.memory_space<vmem>> -> memref<1x1x128xi32, #tpu.memory_space<vmem>>
      %dma_wait3A_129 = tpu.memref_squeeze %dma_wait3A_128 : memref<1x1x128xi32, #tpu.memory_space<vmem>> -> memref<128xi32, #tpu.memory_space<vmem>>
      %dma_wait3A_130 = arith.constant 0 : i32
      %dma_wait3A_131 = arith.constant 0 : i32
      %dma_wait3A_132 = tpu.memref_slice %arg6[%dma_wait3A_130, %dma_wait3A_131] : memref<10240x128xf32, #tpu.memory_space<vmem_shared>> -> memref<10240x128xf32, #tpu.memory_space<vmem_shared>>
      tpu.wait_indirect_dma semaphore(%arg12 : memref<!tpu.dma_semaphore, #tpu.memory_space<semaphore_mem>>) src(%dma_wait3A_126 : memref<128x128xf32, #tpu.memory_space<vmem>>) dst(%dma_wait3A_132 : memref<10240x128xf32, #tpu.memory_space<vmem_shared>>)
    }
    %scan3A_39 = arith.constant 4 : i32
    %barrier3A_40 = arith.constant 0 : index
    tpu.barrier barrier_id(%barrier3A_40)
    %mul3A_41 = arith.constant 5 : i32
    %mul3A_42 = arith.muli %arg1, %mul3A_41 : i32
    %add3A_43 = arith.constant 0 : i32
    %add3A_44 = arith.addi %mul3A_42, %add3A_43 : i32
    %mul3A_45 = arith.constant 128 : i32
    %mul3A_46 = arith.muli %add3A_44, %mul3A_45 : i32
    "tpu.region"() ({
      %run_scoped3A_71 = tpu.sem_alloc : memref<!tpu.dma_semaphore, #tpu.memory_space<semaphore_mem>>
      %dma_start3A = arith.constant 0 : i32
      %dma_start3A_72 = tpu.memref_slice %arg5[%arg0, %mul3A_46, %dma_start3A] : memref<2x10240x128xf32, #tpu.memory_space<hbm>> -> memref<1x128x128xf32, #tpu.memory_space<hbm>>
      %dma_start3A_73 = tpu.memref_squeeze %dma_start3A_72 : memref<1x128x128xf32, #tpu.memory_space<hbm>> -> memref<128x128xf32, #tpu.memory_space<hbm>>
      %dma_start3A_74 = arith.constant 0 : i32
      %dma_start3A_75 = tpu.memref_slice %arg6[%mul3A_46, %dma_start3A_74] : memref<10240x128xf32, #tpu.memory_space<vmem_shared>> -> memref<128x128xf32, #tpu.memory_space<vmem_shared>>
      tpu.enqueue_dma source(%dma_start3A_75 : memref<128x128xf32, #tpu.memory_space<vmem_shared>>) target(%dma_start3A_73 : memref<128x128xf32, #tpu.memory_space<hbm>>) target_semaphore(%run_scoped3A_71 : memref<!tpu.dma_semaphore, #tpu.memory_space<semaphore_mem>>)
      %dma_wait3A = arith.constant 0 : i32
      %dma_wait3A_76 = tpu.memref_slice %arg5[%arg0, %mul3A_46, %dma_wait3A] : memref<2x10240x128xf32, #tpu.memory_space<hbm>> -> memref<1x128x128xf32, #tpu.memory_space<hbm>>
      %dma_wait3A_77 = tpu.memref_squeeze %dma_wait3A_76 : memref<1x128x128xf32, #tpu.memory_space<hbm>> -> memref<128x128xf32, #tpu.memory_space<hbm>>
      %dma_wait3A_78 = arith.constant 0 : i32
      %dma_wait3A_79 = tpu.memref_slice %arg6[%mul3A_46, %dma_wait3A_78] : memref<10240x128xf32, #tpu.memory_space<vmem_shared>> -> memref<128x128xf32, #tpu.memory_space<vmem_shared>>
      tpu.wait_dma2 semaphore(%run_scoped3A_71 : memref<!tpu.dma_semaphore, #tpu.memory_space<semaphore_mem>>) src(%dma_wait3A_79 : memref<128x128xf32, #tpu.memory_space<vmem_shared>>) dst(%dma_wait3A_77 : memref<128x128xf32, #tpu.memory_space<hbm>>)
      tpu.yield
    }) : () -> ()
    %mul3A_47 = arith.constant 5 : i32
    %mul3A_48 = arith.muli %arg1, %mul3A_47 : i32
    %add3A_49 = arith.constant 1 : i32
    %add3A_50 = arith.addi %mul3A_48, %add3A_49 : i32
    %mul3A_51 = arith.constant 128 : i32
    %mul3A_52 = arith.muli %add3A_50, %mul3A_51 : i32
    "tpu.region"() ({
      %run_scoped3A_71 = tpu.sem_alloc : memref<!tpu.dma_semaphore, #tpu.memory_space<semaphore_mem>>
      %dma_start3A = arith.constant 0 : i32
      %dma_start3A_72 = tpu.memref_slice %arg5[%arg0, %mul3A_52, %dma_start3A] : memref<2x10240x128xf32, #tpu.memory_space<hbm>> -> memref<1x128x128xf32, #tpu.memory_space<hbm>>
      %dma_start3A_73 = tpu.memref_squeeze %dma_start3A_72 : memref<1x128x128xf32, #tpu.memory_space<hbm>> -> memref<128x128xf32, #tpu.memory_space<hbm>>
      %dma_start3A_74 = arith.constant 0 : i32
      %dma_start3A_75 = tpu.memref_slice %arg6[%mul3A_52, %dma_start3A_74] : memref<10240x128xf32, #tpu.memory_space<vmem_shared>> -> memref<128x128xf32, #tpu.memory_space<vmem_shared>>
      tpu.enqueue_dma source(%dma_start3A_75 : memref<128x128xf32, #tpu.memory_space<vmem_shared>>) target(%dma_start3A_73 : memref<128x128xf32, #tpu.memory_space<hbm>>) target_semaphore(%run_scoped3A_71 : memref<!tpu.dma_semaphore, #tpu.memory_space<semaphore_mem>>)
      %dma_wait3A = arith.constant 0 : i32
      %dma_wait3A_76 = tpu.memref_slice %arg5[%arg0, %mul3A_52, %dma_wait3A] : memref<2x10240x128xf32, #tpu.memory_space<hbm>> -> memref<1x128x128xf32, #tpu.memory_space<hbm>>
      %dma_wait3A_77 = tpu.memref_squeeze %dma_wait3A_76 : memref<1x128x128xf32, #tpu.memory_space<hbm>> -> memref<128x128xf32, #tpu.memory_space<hbm>>
      %dma_wait3A_78 = arith.constant 0 : i32
      %dma_wait3A_79 = tpu.memref_slice %arg6[%mul3A_52, %dma_wait3A_78] : memref<10240x128xf32, #tpu.memory_space<vmem_shared>> -> memref<128x128xf32, #tpu.memory_space<vmem_shared>>
      tpu.wait_dma2 semaphore(%run_scoped3A_71 : memref<!tpu.dma_semaphore, #tpu.memory_space<semaphore_mem>>) src(%dma_wait3A_79 : memref<128x128xf32, #tpu.memory_space<vmem_shared>>) dst(%dma_wait3A_77 : memref<128x128xf32, #tpu.memory_space<hbm>>)
      tpu.yield
    }) : () -> ()
    %mul3A_53 = arith.constant 5 : i32
    %mul3A_54 = arith.muli %arg1, %mul3A_53 : i32
    %add3A_55 = arith.constant 2 : i32
    %add3A_56 = arith.addi %mul3A_54, %add3A_55 : i32
    %mul3A_57 = arith.constant 128 : i32
    %mul3A_58 = arith.muli %add3A_56, %mul3A_57 : i32
    "tpu.region"() ({
      %run_scoped3A_71 = tpu.sem_alloc : memref<!tpu.dma_semaphore, #tpu.memory_space<semaphore_mem>>
      %dma_start3A = arith.constant 0 : i32
      %dma_start3A_72 = tpu.memref_slice %arg5[%arg0, %mul3A_58, %dma_start3A] : memref<2x10240x128xf32, #tpu.memory_space<hbm>> -> memref<1x128x128xf32, #tpu.memory_space<hbm>>
      %dma_start3A_73 = tpu.memref_squeeze %dma_start3A_72 : memref<1x128x128xf32, #tpu.memory_space<hbm>> -> memref<128x128xf32, #tpu.memory_space<hbm>>
      %dma_start3A_74 = arith.constant 0 : i32
      %dma_start3A_75 = tpu.memref_slice %arg6[%mul3A_58, %dma_start3A_74] : memref<10240x128xf32, #tpu.memory_space<vmem_shared>> -> memref<128x128xf32, #tpu.memory_space<vmem_shared>>
      tpu.enqueue_dma source(%dma_start3A_75 : memref<128x128xf32, #tpu.memory_space<vmem_shared>>) target(%dma_start3A_73 : memref<128x128xf32, #tpu.memory_space<hbm>>) target_semaphore(%run_scoped3A_71 : memref<!tpu.dma_semaphore, #tpu.memory_space<semaphore_mem>>)
      %dma_wait3A = arith.constant 0 : i32
      %dma_wait3A_76 = tpu.memref_slice %arg5[%arg0, %mul3A_58, %dma_wait3A] : memref<2x10240x128xf32, #tpu.memory_space<hbm>> -> memref<1x128x128xf32, #tpu.memory_space<hbm>>
      %dma_wait3A_77 = tpu.memref_squeeze %dma_wait3A_76 : memref<1x128x128xf32, #tpu.memory_space<hbm>> -> memref<128x128xf32, #tpu.memory_space<hbm>>
      %dma_wait3A_78 = arith.constant 0 : i32
      %dma_wait3A_79 = tpu.memref_slice %arg6[%mul3A_58, %dma_wait3A_78] : memref<10240x128xf32, #tpu.memory_space<vmem_shared>> -> memref<128x128xf32, #tpu.memory_space<vmem_shared>>
      tpu.wait_dma2 semaphore(%run_scoped3A_71 : memref<!tpu.dma_semaphore, #tpu.memory_space<semaphore_mem>>) src(%dma_wait3A_79 : memref<128x128xf32, #tpu.memory_space<vmem_shared>>) dst(%dma_wait3A_77 : memref<128x128xf32, #tpu.memory_space<hbm>>)
      tpu.yield
    }) : () -> ()
    %mul3A_59 = arith.constant 5 : i32
    %mul3A_60 = arith.muli %arg1, %mul3A_59 : i32
    %add3A_61 = arith.constant 3 : i32
    %add3A_62 = arith.addi %mul3A_60, %add3A_61 : i32
    %mul3A_63 = arith.constant 128 : i32
    %mul3A_64 = arith.muli %add3A_62, %mul3A_63 : i32
    "tpu.region"() ({
      %run_scoped3A_71 = tpu.sem_alloc : memref<!tpu.dma_semaphore, #tpu.memory_space<semaphore_mem>>
      %dma_start3A = arith.constant 0 : i32
      %dma_start3A_72 = tpu.memref_slice %arg5[%arg0, %mul3A_64, %dma_start3A] : memref<2x10240x128xf32, #tpu.memory_space<hbm>> -> memref<1x128x128xf32, #tpu.memory_space<hbm>>
      %dma_start3A_73 = tpu.memref_squeeze %dma_start3A_72 : memref<1x128x128xf32, #tpu.memory_space<hbm>> -> memref<128x128xf32, #tpu.memory_space<hbm>>
      %dma_start3A_74 = arith.constant 0 : i32
      %dma_start3A_75 = tpu.memref_slice %arg6[%mul3A_64, %dma_start3A_74] : memref<10240x128xf32, #tpu.memory_space<vmem_shared>> -> memref<128x128xf32, #tpu.memory_space<vmem_shared>>
      tpu.enqueue_dma source(%dma_start3A_75 : memref<128x128xf32, #tpu.memory_space<vmem_shared>>) target(%dma_start3A_73 : memref<128x128xf32, #tpu.memory_space<hbm>>) target_semaphore(%run_scoped3A_71 : memref<!tpu.dma_semaphore, #tpu.memory_space<semaphore_mem>>)
      %dma_wait3A = arith.constant 0 : i32
      %dma_wait3A_76 = tpu.memref_slice %arg5[%arg0, %mul3A_64, %dma_wait3A] : memref<2x10240x128xf32, #tpu.memory_space<hbm>> -> memref<1x128x128xf32, #tpu.memory_space<hbm>>
      %dma_wait3A_77 = tpu.memref_squeeze %dma_wait3A_76 : memref<1x128x128xf32, #tpu.memory_space<hbm>> -> memref<128x128xf32, #tpu.memory_space<hbm>>
      %dma_wait3A_78 = arith.constant 0 : i32
      %dma_wait3A_79 = tpu.memref_slice %arg6[%mul3A_64, %dma_wait3A_78] : memref<10240x128xf32, #tpu.memory_space<vmem_shared>> -> memref<128x128xf32, #tpu.memory_space<vmem_shared>>
      tpu.wait_dma2 semaphore(%run_scoped3A_71 : memref<!tpu.dma_semaphore, #tpu.memory_space<semaphore_mem>>) src(%dma_wait3A_79 : memref<128x128xf32, #tpu.memory_space<vmem_shared>>) dst(%dma_wait3A_77 : memref<128x128xf32, #tpu.memory_space<hbm>>)
      tpu.yield
    }) : () -> ()
    %mul3A_65 = arith.constant 5 : i32
    %mul3A_66 = arith.muli %arg1, %mul3A_65 : i32
    %add3A_67 = arith.constant 4 : i32
    %add3A_68 = arith.addi %mul3A_66, %add3A_67 : i32
    %mul3A_69 = arith.constant 128 : i32
    %mul3A_70 = arith.muli %add3A_68, %mul3A_69 : i32
    "tpu.region"() ({
      %run_scoped3A_71 = tpu.sem_alloc : memref<!tpu.dma_semaphore, #tpu.memory_space<semaphore_mem>>
      %dma_start3A = arith.constant 0 : i32
      %dma_start3A_72 = tpu.memref_slice %arg5[%arg0, %mul3A_70, %dma_start3A] : memref<2x10240x128xf32, #tpu.memory_space<hbm>> -> memref<1x128x128xf32, #tpu.memory_space<hbm>>
      %dma_start3A_73 = tpu.memref_squeeze %dma_start3A_72 : memref<1x128x128xf32, #tpu.memory_space<hbm>> -> memref<128x128xf32, #tpu.memory_space<hbm>>
      %dma_start3A_74 = arith.constant 0 : i32
      %dma_start3A_75 = tpu.memref_slice %arg6[%mul3A_70, %dma_start3A_74] : memref<10240x128xf32, #tpu.memory_space<vmem_shared>> -> memref<128x128xf32, #tpu.memory_space<vmem_shared>>
      tpu.enqueue_dma source(%dma_start3A_75 : memref<128x128xf32, #tpu.memory_space<vmem_shared>>) target(%dma_start3A_73 : memref<128x128xf32, #tpu.memory_space<hbm>>) target_semaphore(%run_scoped3A_71 : memref<!tpu.dma_semaphore, #tpu.memory_space<semaphore_mem>>)
      %dma_wait3A = arith.constant 0 : i32
      %dma_wait3A_76 = tpu.memref_slice %arg5[%arg0, %mul3A_70, %dma_wait3A] : memref<2x10240x128xf32, #tpu.memory_space<hbm>> -> memref<1x128x128xf32, #tpu.memory_space<hbm>>
      %dma_wait3A_77 = tpu.memref_squeeze %dma_wait3A_76 : memref<1x128x128xf32, #tpu.memory_space<hbm>> -> memref<128x128xf32, #tpu.memory_space<hbm>>
      %dma_wait3A_78 = arith.constant 0 : i32
      %dma_wait3A_79 = tpu.memref_slice %arg6[%mul3A_70, %dma_wait3A_78] : memref<10240x128xf32, #tpu.memory_space<vmem_shared>> -> memref<128x128xf32, #tpu.memory_space<vmem_shared>>
      tpu.wait_dma2 semaphore(%run_scoped3A_71 : memref<!tpu.dma_semaphore, #tpu.memory_space<semaphore_mem>>) src(%dma_wait3A_79 : memref<128x128xf32, #tpu.memory_space<vmem_shared>>) dst(%dma_wait3A_77 : memref<128x128xf32, #tpu.memory_space<hbm>>)
      tpu.yield
    }) : () -> ()
    return
  }
}

module attributes {stable_mosaic.version = 14 : i64} {
  func.func @_tc1_body(%arg0: i32, %arg1: memref<1000x128xf32, #tpu.memory_space<vmem>>, %arg2: memref<128x128xf32, #tpu.memory_space<vmem>>, %arg3: memref<2x1000x128xf32, #tpu.memory_space<vmem>>, %arg4: memref<1000x128xf32, #tpu.memory_space<vmem>>, %arg5: memref<1000x1xf32, #tpu.memory_space<vmem>>) attributes {dimension_semantics = [#tpu.dimension_semantics<arbitrary>], iteration_bounds = array<i64: 10>, scalar_prefetch = 0 : i64, scratch_operands = 0 : i64, tpu.core_type = #tpu.core_type<tc>, window_params = [{transform_indices = @transform_0, window_bounds = array<i64: 1000, 128>}, {pipeline_mode = #tpu.pipeline_mode<synchronous>, transform_indices = @transform_1, window_bounds = array<i64: 128, 128>}, {transform_indices = @transform_2, window_bounds = array<i64: 2, 1000, 128>}, {transform_indices = @transform_3, window_bounds = array<i64: 1000, 128>}, {transform_indices = @transform_4, window_bounds = array<i64: 1000, 1>}]} {
    %get3A = arith.constant 0 : index
    %get3A_0 = arith.constant 0 : index
    %get3A_1 = arith.constant 0 : index
    %get3A_2 = vector.load %arg3[%get3A, %get3A_0, %get3A_1] : memref<2x1000x128xf32, #tpu.memory_space<vmem>>, vector<1x1000x1xf32>
    %get3A_3 = vector.shape_cast %get3A_2 : vector<1x1000x1xf32> to vector<1000x1xf32>
    %get3A_4 = arith.constant 1 : index
    %get3A_5 = arith.constant 0 : index
    %get3A_6 = arith.constant 0 : index
    %get3A_7 = vector.load %arg3[%get3A_4, %get3A_5, %get3A_6] : memref<2x1000x128xf32, #tpu.memory_space<vmem>>, vector<1x1000x1xf32>
    %get3A_8 = vector.shape_cast %get3A_7 : vector<1x1000x1xf32> to vector<1000x1xf32>
    %add3A = arith.addf %get3A_3, %get3A_8 : vector<1000x1xf32>
    %add3A_9 = arith.constant 1.000000e+00 : f32
    %add3A_10 = vector.broadcast %add3A_9 : f32 to vector<1000x1xf32>
    %add3A_11 = arith.addf %add3A, %add3A_10 : vector<1000x1xf32>
    %rsqrt3A = math.rsqrt %add3A_11 : vector<1000x1xf32>
    %get3A_12 = arith.constant 0 : index
    %get3A_13 = arith.constant 0 : index
    %get3A_14 = vector.load %arg1[%get3A_12, %get3A_13] : memref<1000x128xf32, #tpu.memory_space<vmem>>, vector<1000x128xf32>
    %get3A_15 = arith.constant 0 : index
    %get3A_16 = arith.constant 0 : index
    %get3A_17 = vector.load %arg2[%get3A_15, %get3A_16] : memref<128x128xf32, #tpu.memory_space<vmem>>, vector<128x128xf32>
    %dot_general3A = arith.constant dense<0.000000e+00> : vector<1000x128xf32>
    %dot_general3A_18 = tpu.matmul %get3A_14, %get3A_17, %dot_general3A {dimension_numbers = #tpu.dot_dimension_numbers<[1], [0], [0], [1], [0, 0, 1, 1], [], []>, transpose_lhs_hint = false} : vector<1000x128xf32>, vector<128x128xf32>, vector<1000x128xf32> -> vector<1000x128xf32>
    %mul3A = vector.broadcast %rsqrt3A : vector<1000x1xf32> to vector<1000x128xf32>
    %mul3A_19 = arith.mulf %dot_general3A_18, %mul3A : vector<1000x128xf32>
    %swap3A = arith.constant 0 : index
    %swap3A_20 = arith.constant 0 : index
    %swap3A_21 = vector.load %arg4[%swap3A, %swap3A_20] : memref<1000x128xf32, #tpu.memory_space<vmem>>, vector<1000x128xf32>
    tpu.vector_store %arg4[%swap3A, %swap3A_20], %mul3A_19 {strides = array<i32>} : memref<1000x128xf32, #tpu.memory_space<vmem>>, vector<1000x128xf32>,
    %swap3A_22 = arith.constant 0 : index
    %swap3A_23 = arith.constant 0 : index
    %swap3A_24 = vector.load %arg5[%swap3A_22, %swap3A_23] : memref<1000x1xf32, #tpu.memory_space<vmem>>, vector<1000x1xf32>
    tpu.vector_store %arg5[%swap3A_22, %swap3A_23], %rsqrt3A {strides = array<i32>} : memref<1000x1xf32, #tpu.memory_space<vmem>>, vector<1000x1xf32>,
    return
  }
  func.func @transform_0(%arg0: i32) -> (i32, i32) {
    %c0_i32 = arith.constant 0 : i32
    %c0_i32_0 = arith.constant 0 : i32
    return %arg0, %c0_i32 : i32, i32
  }
  func.func @transform_1(%arg0: i32) -> (i32, i32) {
    %c0_i32 = arith.constant 0 : i32
    %c0_i32_0 = arith.constant 0 : i32
    %c0_i32_1 = arith.constant 0 : i32
    return %c0_i32, %c0_i32_0 : i32, i32
  }
  func.func @transform_2(%arg0: i32) -> (i32, i32, i32) {
    %c0_i32 = arith.constant 0 : i32
    %c0_i32_0 = arith.constant 0 : i32
    %c0_i32_1 = arith.constant 0 : i32
    return %c0_i32, %arg0, %c0_i32_0 : i32, i32, i32
  }
  func.func @transform_3(%arg0: i32) -> (i32, i32) {
    %c0_i32 = arith.constant 0 : i32
    %c0_i32_0 = arith.constant 0 : i32
    return %arg0, %c0_i32 : i32, i32
  }
  func.func @transform_4(%arg0: i32) -> (i32, i32) {
    %c0_i32 = arith.constant 0 : i32
    %c0_i32_0 = arith.constant 0 : i32
    return %arg0, %c0_i32 : i32, i32
  }
}

module attributes {stable_mosaic.version = 14 : i64} {
  func.func @_tc2_body(%arg0: i32, %arg1: memref<1000x128xf32, #tpu.memory_space<vmem>>, %arg2: memref<2x1000x128xf32, #tpu.memory_space<vmem>>, %arg3: memref<1000x1xf32, #tpu.memory_space<vmem>>, %arg4: memref<128x128xf32, #tpu.memory_space<vmem>>, %arg5: memref<1x128xf32, #tpu.memory_space<vmem>>, %arg6: memref<1000x128xf32, #tpu.memory_space<vmem>>) attributes {dimension_semantics = [#tpu.dimension_semantics<arbitrary>], iteration_bounds = array<i64: 10>, scalar_prefetch = 0 : i64, scratch_operands = 0 : i64, tpu.core_type = #tpu.core_type<tc>, window_params = [{transform_indices = @transform_0, window_bounds = array<i64: 1000, 128>}, {transform_indices = @transform_1, window_bounds = array<i64: 2, 1000, 128>}, {transform_indices = @transform_2, window_bounds = array<i64: 1000, 1>}, {pipeline_mode = #tpu.pipeline_mode<synchronous>, transform_indices = @transform_3, window_bounds = array<i64: 128, 128>}, {pipeline_mode = #tpu.pipeline_mode<synchronous>, transform_indices = @transform_4, window_bounds = array<i64: 1, 128>}, {transform_indices = @transform_5, window_bounds = array<i64: 1000, 128>}]} {
    %get3A = arith.constant 0 : index
    %get3A_0 = arith.constant 0 : index
    %get3A_1 = arith.constant 0 : index
    %get3A_2 = vector.load %arg2[%get3A, %get3A_0, %get3A_1] : memref<2x1000x128xf32, #tpu.memory_space<vmem>>, vector<1x1000x128xf32>
    %get3A_3 = vector.shape_cast %get3A_2 : vector<1x1000x128xf32> to vector<1000x128xf32>
    %get3A_4 = arith.constant 1 : index
    %get3A_5 = arith.constant 0 : index
    %get3A_6 = arith.constant 0 : index
    %get3A_7 = vector.load %arg2[%get3A_4, %get3A_5, %get3A_6] : memref<2x1000x128xf32, #tpu.memory_space<vmem>>, vector<1x1000x128xf32>
    %get3A_8 = vector.shape_cast %get3A_7 : vector<1x1000x128xf32> to vector<1000x128xf32>
    %add3A = arith.addf %get3A_3, %get3A_8 : vector<1000x128xf32>
    %get3A_9 = arith.constant 0 : index
    %get3A_10 = arith.constant 0 : index
    %get3A_11 = vector.load %arg3[%get3A_9, %get3A_10] : memref<1000x1xf32, #tpu.memory_space<vmem>>, vector<1000x1xf32>
    %get3A_12 = arith.constant 0 : index
    %get3A_13 = arith.constant 0 : index
    %get3A_14 = vector.load %arg1[%get3A_12, %get3A_13] : memref<1000x128xf32, #tpu.memory_space<vmem>>, vector<1000x128xf32>
    %add3A_15 = arith.addf %add3A, %get3A_14 : vector<1000x128xf32>
    %mul3A = vector.broadcast %get3A_11 : vector<1000x1xf32> to vector<1000x128xf32>
    %mul3A_16 = arith.mulf %mul3A, %add3A_15 : vector<1000x128xf32>
    %get3A_17 = arith.constant 0 : index
    %get3A_18 = arith.constant 0 : index
    %get3A_19 = vector.load %arg5[%get3A_17, %get3A_18] : memref<1x128xf32, #tpu.memory_space<vmem>>, vector<1x128xf32>
    %add3A_20 = vector.broadcast %get3A_19 : vector<1x128xf32> to vector<1000x128xf32>
    %add3A_21 = arith.addf %mul3A_16, %add3A_20 : vector<1000x128xf32>
    %tanh3A = math.tanh %add3A_21 : vector<1000x128xf32>
    %get3A_22 = arith.constant 0 : index
    %get3A_23 = arith.constant 0 : index
    %get3A_24 = vector.load %arg4[%get3A_22, %get3A_23] : memref<128x128xf32, #tpu.memory_space<vmem>>, vector<128x128xf32>
    %dot_general3A = arith.constant dense<0.000000e+00> : vector<1000x128xf32>
    %dot_general3A_25 = tpu.matmul %tanh3A, %get3A_24, %dot_general3A {dimension_numbers = #tpu.dot_dimension_numbers<[1], [0], [0], [1], [0, 0, 1, 1], [], []>, transpose_lhs_hint = false} : vector<1000x128xf32>, vector<128x128xf32>, vector<1000x128xf32> -> vector<1000x128xf32>
    %mul3A_26 = vector.broadcast %get3A_11 : vector<1000x1xf32> to vector<1000x128xf32>
    %mul3A_27 = arith.mulf %dot_general3A_25, %mul3A_26 : vector<1000x128xf32>
    %swap3A = arith.constant 0 : index
    %swap3A_28 = arith.constant 0 : index
    %swap3A_29 = vector.load %arg6[%swap3A, %swap3A_28] : memref<1000x128xf32, #tpu.memory_space<vmem>>, vector<1000x128xf32>
    tpu.vector_store %arg6[%swap3A, %swap3A_28], %mul3A_27 {strides = array<i32>} : memref<1000x128xf32, #tpu.memory_space<vmem>>, vector<1000x128xf32>,
    return
  }
  func.func @transform_0(%arg0: i32) -> (i32, i32) {
    %c0_i32 = arith.constant 0 : i32
    %c0_i32_0 = arith.constant 0 : i32
    return %arg0, %c0_i32 : i32, i32
  }
  func.func @transform_1(%arg0: i32) -> (i32, i32, i32) {
    %c0_i32 = arith.constant 0 : i32
    %c0_i32_0 = arith.constant 0 : i32
    %c0_i32_1 = arith.constant 0 : i32
    return %c0_i32, %arg0, %c0_i32_0 : i32, i32, i32
  }
  func.func @transform_2(%arg0: i32) -> (i32, i32) {
    %c0_i32 = arith.constant 0 : i32
    %c0_i32_0 = arith.constant 0 : i32
    return %arg0, %c0_i32 : i32, i32
  }
  func.func @transform_3(%arg0: i32) -> (i32, i32) {
    %c0_i32 = arith.constant 0 : i32
    %c0_i32_0 = arith.constant 0 : i32
    %c0_i32_1 = arith.constant 0 : i32
    return %c0_i32, %c0_i32_0 : i32, i32
  }
  func.func @transform_4(%arg0: i32) -> (i32, i32) {
    %c0_i32 = arith.constant 0 : i32
    %c0_i32_0 = arith.constant 0 : i32
    %c0_i32_1 = arith.constant 0 : i32
    return %c0_i32, %c0_i32_0 : i32, i32
  }
  func.func @transform_5(%arg0: i32) -> (i32, i32) {
    %c0_i32 = arith.constant 0 : i32
    %c0_i32_0 = arith.constant 0 : i32
    return %arg0, %c0_i32 : i32, i32
  }
}

module attributes {stable_mosaic.version = 14 : i64} {
  func.func @_tc3_body(%arg0: i32, %arg1: memref<1000x128xf32, #tpu.memory_space<vmem>>, %arg2: memref<2x1000x128xf32, #tpu.memory_space<vmem>>, %arg3: memref<1000x1xf32, #tpu.memory_space<vmem>>, %arg4: memref<1x128xf32, #tpu.memory_space<vmem>>, %arg5: memref<128x128xf32, #tpu.memory_space<vmem>>, %arg6: memref<1x1xf32, #tpu.memory_space<vmem>>, %arg7: memref<1x1x1000xi32, #tpu.memory_space<vmem>>, %arg8: memref<64x1xf32, #tpu.memory_space<vmem>>, %arg9: memref<64x128xf32, #tpu.memory_space<vmem>>, %arg10: memref<64x128xf32, #tpu.memory_space<vmem>>) attributes {dimension_semantics = [#tpu.dimension_semantics<arbitrary>], iteration_bounds = array<i64: 10>, scalar_prefetch = 0 : i64, scratch_operands = 2 : i64, tpu.core_type = #tpu.core_type<tc>, window_params = [{transform_indices = @transform_0, window_bounds = array<i64: 1000, 128>}, {transform_indices = @transform_1, window_bounds = array<i64: 2, 1000, 128>}, {transform_indices = @transform_2, window_bounds = array<i64: 1000, 1>}, {pipeline_mode = #tpu.pipeline_mode<synchronous>, transform_indices = @transform_3, window_bounds = array<i64: 1, 128>}, {pipeline_mode = #tpu.pipeline_mode<synchronous>, transform_indices = @transform_4, window_bounds = array<i64: 128, 128>}, {pipeline_mode = #tpu.pipeline_mode<synchronous>, transform_indices = @transform_5, window_bounds = array<i64: 1, 1>}, {transform_indices = @transform_6, window_bounds = array<i64: 1, 1, 1000>}, {pipeline_mode = #tpu.pipeline_mode<synchronous>, transform_indices = @transform_7, window_bounds = array<i64: 64, 1>}]} {
    %get3A = arith.constant 0 : index
    %get3A_0 = arith.constant 0 : index
    %get3A_1 = arith.constant 0 : index
    %get3A_2 = vector.load %arg2[%get3A, %get3A_0, %get3A_1] : memref<2x1000x128xf32, #tpu.memory_space<vmem>>, vector<1x1000x128xf32>
    %get3A_3 = vector.shape_cast %get3A_2 : vector<1x1000x128xf32> to vector<1000x128xf32>
    %get3A_4 = arith.constant 1 : index
    %get3A_5 = arith.constant 0 : index
    %get3A_6 = arith.constant 0 : index
    %get3A_7 = vector.load %arg2[%get3A_4, %get3A_5, %get3A_6] : memref<2x1000x128xf32, #tpu.memory_space<vmem>>, vector<1x1000x128xf32>
    %get3A_8 = vector.shape_cast %get3A_7 : vector<1x1000x128xf32> to vector<1000x128xf32>
    %add3A = arith.addf %get3A_3, %get3A_8 : vector<1000x128xf32>
    %get3A_9 = arith.constant 0 : index
    %get3A_10 = arith.constant 0 : index
    %get3A_11 = vector.load %arg3[%get3A_9, %get3A_10] : memref<1000x1xf32, #tpu.memory_space<vmem>>, vector<1000x1xf32>
    %get3A_12 = arith.constant 0 : index
    %get3A_13 = arith.constant 0 : index
    %get3A_14 = vector.load %arg1[%get3A_12, %get3A_13] : memref<1000x128xf32, #tpu.memory_space<vmem>>, vector<1000x128xf32>
    %add3A_15 = arith.addf %add3A, %get3A_14 : vector<1000x128xf32>
    %mul3A = vector.broadcast %get3A_11 : vector<1000x1xf32> to vector<1000x128xf32>
    %mul3A_16 = arith.mulf %mul3A, %add3A_15 : vector<1000x128xf32>
    %get3A_17 = arith.constant 0 : index
    %get3A_18 = arith.constant 0 : index
    %get3A_19 = vector.load %arg4[%get3A_17, %get3A_18] : memref<1x128xf32, #tpu.memory_space<vmem>>, vector<1x128xf32>
    %add3A_20 = vector.broadcast %get3A_19 : vector<1x128xf32> to vector<1000x128xf32>
    %add3A_21 = arith.addf %mul3A_16, %add3A_20 : vector<1000x128xf32>
    %get3A_22 = arith.constant 0 : index
    %get3A_23 = arith.constant 0 : index
    %get3A_24 = arith.constant 0 : index
    %get3A_25 = vector.load %arg7[%get3A_22, %get3A_23, %get3A_24] : memref<1x1x1000xi32, #tpu.memory_space<vmem>>, vector<1x1x1000xi32>
    %get3A_26 = vector.shape_cast %get3A_25 : vector<1x1x1000xi32> to vector<1x1000xi32>
    %iota3A = tpu.iota {dimensions = array<i32: 0>} : vector<64x1000xi32>
    %eq3A = vector.broadcast %get3A_26 : vector<1x1000xi32> to vector<64x1000xi32>
    %eq3A_27 = arith.cmpi eq, %eq3A, %iota3A : vector<64x1000xi32>
    %convert_element_type3A = arith.extui %eq3A_27 : vector<64x1000xi1> to vector<64x1000xi32>
    %convert_element_type3A_28 = arith.sitofp %convert_element_type3A : vector<64x1000xi32> to vector<64x1000xf32>
    %eq3A_29 = arith.constant 0 : i32
    %eq3A_30 = arith.cmpi eq, %arg0, %eq3A_29 : i32
    %convert_element_type3A_31 = arith.extui %eq3A_30 : i1 to i32
    %cond3A = arith.constant 0 : i32
    %cond3A_32 = arith.cmpi ne, %convert_element_type3A_31, %cond3A : i32
    scf.if %cond3A_32 {
      %broadcast_in_dim3A_55 = arith.constant 0.000000e+00 : f32
      %broadcast_in_dim3A_56 = vector.broadcast %broadcast_in_dim3A_55 : f32 to vector<64x128xf32>
      %swap3A_57 = arith.constant 0 : index
      %swap3A_58 = arith.constant 0 : index
      %swap3A_59 = vector.load %arg9[%swap3A_57, %swap3A_58] : memref<64x128xf32, #tpu.memory_space<vmem>>, vector<64x128xf32>
      tpu.vector_store %arg9[%swap3A_57, %swap3A_58], %broadcast_in_dim3A_56 {strides = array<i32>} : memref<64x128xf32, #tpu.memory_space<vmem>>, vector<64x128xf32>,
      %broadcast_in_dim3A_60 = arith.constant 0.000000e+00 : f32
      %broadcast_in_dim3A_61 = vector.broadcast %broadcast_in_dim3A_60 : f32 to vector<64x128xf32>
      %swap3A_62 = arith.constant 0 : index
      %swap3A_63 = arith.constant 0 : index
      %swap3A_64 = vector.load %arg10[%swap3A_62, %swap3A_63] : memref<64x128xf32, #tpu.memory_space<vmem>>, vector<64x128xf32>
      tpu.vector_store %arg10[%swap3A_62, %swap3A_63], %broadcast_in_dim3A_61 {strides = array<i32>} : memref<64x128xf32, #tpu.memory_space<vmem>>, vector<64x128xf32>,
    } else {
    }
    %get3A_33 = arith.constant 0 : index
    %get3A_34 = arith.constant 0 : index
    %get3A_35 = vector.load %arg9[%get3A_33, %get3A_34] : memref<64x128xf32, #tpu.memory_space<vmem>>, vector<64x128xf32>
    %dot_general3A = arith.constant dense<0.000000e+00> : vector<64x128xf32>
    %dot_general3A_36 = tpu.matmul %convert_element_type3A_28, %add3A_21, %dot_general3A {dimension_numbers = #tpu.dot_dimension_numbers<[1], [0], [0], [1], [0, 0, 1, 1], [], []>, transpose_lhs_hint = false} : vector<64x1000xf32>, vector<1000x128xf32>, vector<64x128xf32> -> vector<64x128xf32>
    %add3A_37 = arith.addf %get3A_35, %dot_general3A_36 : vector<64x128xf32>
    %swap3A = arith.constant 0 : index
    %swap3A_38 = arith.constant 0 : index
    %swap3A_39 = vector.load %arg9[%swap3A, %swap3A_38] : memref<64x128xf32, #tpu.memory_space<vmem>>, vector<64x128xf32>
    tpu.vector_store %arg9[%swap3A, %swap3A_38], %add3A_37 {strides = array<i32>} : memref<64x128xf32, #tpu.memory_space<vmem>>, vector<64x128xf32>,
    %get3A_40 = arith.constant 0 : index
    %get3A_41 = arith.constant 0 : index
    %get3A_42 = vector.load %arg10[%get3A_40, %get3A_41] : memref<64x128xf32, #tpu.memory_space<vmem>>, vector<64x128xf32>
    %reduce_sum3A = arith.constant dense<0.000000e+00> : vector<64xf32>
    %reduce_sum3A_43 = vector.multi_reduction <add>, %convert_element_type3A_28, %reduce_sum3A [1] : vector<64x1000xf32> to vector<64xf32>
    %broadcast_in_dim3A = vector.shape_cast %reduce_sum3A_43 : vector<64xf32> to vector<64x1xf32>
    %broadcast_in_dim3A_44 = vector.shape_cast %broadcast_in_dim3A : vector<64x1xf32> to vector<64x1xf32>
    %broadcast_in_dim3A_45 = vector.broadcast %broadcast_in_dim3A_44 : vector<64x1xf32> to vector<64x128xf32>
    %add3A_46 = arith.addf %get3A_42, %broadcast_in_dim3A_45 : vector<64x128xf32>
    %swap3A_47 = arith.constant 0 : index
    %swap3A_48 = arith.constant 0 : index
    %swap3A_49 = vector.load %arg10[%swap3A_47, %swap3A_48] : memref<64x128xf32, #tpu.memory_space<vmem>>, vector<64x128xf32>
    tpu.vector_store %arg10[%swap3A_47, %swap3A_48], %add3A_46 {strides = array<i32>} : memref<64x128xf32, #tpu.memory_space<vmem>>, vector<64x128xf32>,
    %eq3A_50 = arith.constant 9 : i32
    %eq3A_51 = arith.cmpi eq, %arg0, %eq3A_50 : i32
    %convert_element_type3A_52 = arith.extui %eq3A_51 : i1 to i32
    %cond3A_53 = arith.constant 0 : i32
    %cond3A_54 = arith.cmpi ne, %convert_element_type3A_52, %cond3A_53 : i32
    scf.if %cond3A_54 {
      %get3A_55 = arith.constant 0 : index
      %get3A_56 = arith.constant 0 : index
      %get3A_57 = vector.load %arg9[%get3A_55, %get3A_56] : memref<64x128xf32, #tpu.memory_space<vmem>>, vector<64x128xf32>
      %get3A_58 = arith.constant 0 : index
      %get3A_59 = arith.constant 0 : index
      %get3A_60 = vector.load %arg10[%get3A_58, %get3A_59] : memref<64x128xf32, #tpu.memory_space<vmem>>, vector<64x128xf32>
      %max3A = arith.constant 1.000000e+00 : f32
      %max3A_61 = vector.broadcast %max3A : f32 to vector<64x128xf32>
      %max3A_62 = arith.maximumf %get3A_60, %max3A_61 : vector<64x128xf32>
      %div3A = arith.divf %get3A_57, %max3A_62 : vector<64x128xf32>
      %get3A_63 = arith.constant 0 : index
      %get3A_64 = arith.constant 0 : index
      %get3A_65 = vector.load %arg5[%get3A_63, %get3A_64] : memref<128x128xf32, #tpu.memory_space<vmem>>, vector<128x128xf32>
      %dot_general3A_66 = arith.constant dense<0.000000e+00> : vector<64x128xf32>
      %dot_general3A_67 = tpu.matmul %div3A, %get3A_65, %dot_general3A_66 {dimension_numbers = #tpu.dot_dimension_numbers<[1], [0], [0], [1], [0, 0, 1, 1], [], []>, transpose_lhs_hint = false} : vector<64x128xf32>, vector<128x128xf32>, vector<64x128xf32> -> vector<64x128xf32>
      %slice3A = vector.extract_strided_slice %dot_general3A_67 {offsets = [0, 0], sizes = [64, 1], strides = [1, 1]} : vector<64x128xf32> to vector<64x1xf32>
      %get3A_68 = arith.constant 0 : index
      %get3A_69 = arith.constant 0 : index
      %get3A_70 = vector.load %arg6[%get3A_68, %get3A_69] : memref<1x1xf32, #tpu.memory_space<vmem>>, vector<1x1xf32>
      %add3A_71 = vector.broadcast %get3A_70 : vector<1x1xf32> to vector<64x1xf32>
      %add3A_72 = arith.addf %slice3A, %add3A_71 : vector<64x1xf32>
      %swap3A_73 = arith.constant 0 : index
      %swap3A_74 = arith.constant 0 : index
      %swap3A_75 = vector.load %arg8[%swap3A_73, %swap3A_74] : memref<64x1xf32, #tpu.memory_space<vmem>>, vector<64x1xf32>
      tpu.vector_store %arg8[%swap3A_73, %swap3A_74], %add3A_72 {strides = array<i32>} : memref<64x1xf32, #tpu.memory_space<vmem>>, vector<64x1xf32>,
    } else {
    }
    return
  }
  func.func @transform_0(%arg0: i32) -> (i32, i32) {
    %c0_i32 = arith.constant 0 : i32
    %c0_i32_0 = arith.constant 0 : i32
    return %arg0, %c0_i32 : i32, i32
  }
  func.func @transform_1(%arg0: i32) -> (i32, i32, i32) {
    %c0_i32 = arith.constant 0 : i32
    %c0_i32_0 = arith.constant 0 : i32
    %c0_i32_1 = arith.constant 0 : i32
    return %c0_i32, %arg0, %c0_i32_0 : i32, i32, i32
  }
  func.func @transform_2(%arg0: i32) -> (i32, i32) {
    %c0_i32 = arith.constant 0 : i32
    %c0_i32_0 = arith.constant 0 : i32
    return %arg0, %c0_i32 : i32, i32
  }
  func.func @transform_3(%arg0: i32) -> (i32, i32) {
    %c0_i32 = arith.constant 0 : i32
    %c0_i32_0 = arith.constant 0 : i32
    %c0_i32_1 = arith.constant 0 : i32
    return %c0_i32, %c0_i32_0 : i32, i32
  }
  func.func @transform_4(%arg0: i32) -> (i32, i32) {
    %c0_i32 = arith.constant 0 : i32
    %c0_i32_0 = arith.constant 0 : i32
    %c0_i32_1 = arith.constant 0 : i32
    return %c0_i32, %c0_i32_0 : i32, i32
  }
  func.func @transform_5(%arg0: i32) -> (i32, i32) {
    %c0_i32 = arith.constant 0 : i32
    %c0_i32_0 = arith.constant 0 : i32
    %c0_i32_1 = arith.constant 0 : i32
    return %c0_i32, %c0_i32_0 : i32, i32
  }
  func.func @transform_6(%arg0: i32) -> (i32, i32, i32) {
    %c0_i32 = arith.constant 0 : i32
    %c0_i32_0 = arith.constant 0 : i32
    %c0_i32_1 = arith.constant 0 : i32
    return %arg0, %c0_i32, %c0_i32_0 : i32, i32, i32
  }
  func.func @transform_7(%arg0: i32) -> (i32, i32) {
    %c0_i32 = arith.constant 0 : i32
    %c0_i32_0 = arith.constant 0 : i32
    %c0_i32_1 = arith.constant 0 : i32
    return %c0_i32, %c0_i32_0 : i32, i32
  }
}

</mosaic_0001>

<sc_bundles>
// kernel: kernel.11.cloned.1.call-start
scs
__scs_entry_jumppad:
0x0: {  	(pc) =	sbr.rel $0x88, $3  }
0x1: {  	(tag) =	ssettag $0x0;
	lr =	simm.s32 $0x1  }
0x2: {  	[smem:$0x3F98] =	sst lr;
	_ =	strace $0xD0000000  }
0x3: {  	_ = 	snop  }
0x4: {  	_ = 	snop  }
0x5: {  	_ = 	snop  }
0x6: {  	_ = 	snop  }
0x7: {  	_ = 	snop  }
__scs_overlays_trampoline_lowered:
0x8: {  	[smem:$0x3FA7] =	sst s0  }
0x9: {  	[smem:$0x3FA8] =	sst s1  }
0xa: {  	[smem:$0x3FA9] =	sst s2  }
0xb: {  	[smem:$0x3FAA] =	sst s3  }
0xc: {  	[smem:$0x3FAB] =	sst s4  }
0xd: {  	[smem:$0x3FAC] =	sst s5  }
0xe: {  	[smem:$0x3FAD] =	sst s6  }
0xf: {  	[smem:$0x3FAE] =	sst s7  }
0x10: {  	[smem:$0x3FAF] =	sst s8  }
0x11: {  	[smem:$0x3FB0] =	sst s9;
	s0 =	simm.s32 @!p0 $0x0  }
0x12: {  	s1 =	sld [smem:$0x3F96];
	s0 =	simm.s32 @p0 $0x1  }
0x13: {  	[smem:$0x3FB1] =	sst s0;
	s0 =	simm.s32 @!p1 $0x0  }
0x14: {  	s2 =	sld [smem:$0x3F95];
	s0 =	simm.s32 @p1 $0x1  }
0x15: {  	[smem:$0x3FB2] =	sst s0;
	s0 =	simm.s32 @!p2 $0x0  }
0x16: {  	s3 =	sld [smem:$0x3FDB];
	s0 =	simm.s32 @p2 $0x1  }
0x17: {  	s4 =	simm.s32 $0x1BF5;
	[smem:$0x3FB4] =	sst s0  }
0x18: {  	s0 =	sld [smem:$0x3F97];
	_ =	swait.ge [sflag:s4], $0x0  }
0x19: {  	s7 =	sld [smem:$0x3F98]  }
0x1a: {  	s8 =	sadd.s32 $0xFFFFE003, lr  }
0x1b: {  	s9 =	sadd.s32 $0xFFFFFEF7, lr;
	s5 =	simm.s32 $0xFFFFFFFF;
	p2 =	slt.u32 s8, $0xFFFFF086  }
0x1c: {  	p1 =	slt.u32 s9, $0xF7A;
	s5 =	simm.s32 @!p2 $0x0  }
0x1d: {  	s5 =	simm.s32 @p1 $0x1;
	p0 =	seq.s32 s7, s2  }
0x1e: {  	s7 =	smul.u32 @!p0 $0xF7A, s2;
	p2 =	seq.s32 @!p0 s5, $0x0  }
0x1f: {  	s9 =	smul.u32 $0xF7A, s1;
	s8 =	simm.s32 @!p0 $0x1BF5;
	p2 =	por !p2, p0  }
0x20: {  	[sflag:s8] =	ssyncset.s32 @!p0 $0xFFFFF086;
	s6 =	sadd.s32 @!p0 s3, s7;
	s7 =	simm.s32 @!p0 $0x108  }
0x21: {  	s3 =	sadd.s32 s3, s9;
	s6 =	sadd.s32 @!p0 $0x88, s6;
	s7 =	simm.s32 @p2 $0x1082  }
0x22: {  	[simem:s7], [sflag:s8] =	dma.local @!p0 [hbm:s6], $0xF7A  }
0x23: {  	s9 =	sor.u32 $0xD0000000, s2;
	s6 =	simm.s32 $0x108;
	_ =	swait.ge @!p0 [sflag:s8], $0x0  }
0x24: {  	s3 =	sadd.s32 $0x88, s3;
	s6 =	simm.s32 @!p1 $0x1082;
	[sflag:s4] =	ssyncset.s32 $0xFFFFF086  }
0x25: {  	[simem:s6], [sflag:s4] =	dma.local [hbm:s3], $0xF7A  }
0x26: {  	[smem:$0x3F98] =	sst s1;
	(tag) =	ssettag s2;
	_ =	strace s9  }
0x27: {  	s1 =	sld [smem:$0x3FA8]  }
0x28: {  	s2 =	sld [smem:$0x3FA9]  }
0x29: {  	s4 =	sld [smem:$0x3FAB]  }
0x2a: {  	p0 =	seq.s32 s5, $0x0;
	s5 =	sld [smem:$0x3FAC]  }
0x2b: {  	s6 =	sld [smem:$0x3FAD]  }
0x2c: {  	s7 =	sld [smem:$0x3FAE]  }
0x2d: {  	s3 =	simm.s32 $0x108;
	s8 =	sld [smem:$0x3FAF]  }
0x2e: {  	s3 =	simm.s32 @!p0 $0x1082;
	s9 =	sld [smem:$0x3FB0]  }
0x2f: {  	lr =	sadd.s32 s0, s3;
	s0 =	sld [smem:$0x3FA7]  }
0x30: {  	s3 =	sld [smem:$0x3FAA]  }
0x31: {  	[smem:$0x3FB3] =	sst s10  }
0x32: {  	s10 =	sld [smem:$0x3FB1];
	_ =	sdelay $0x3  }
0x33: {  	p0 =	seq.s32 s10, $0x1;
	s10 =	sld [smem:$0x3FB3];
	_ =	sdelay $0x3  }
0x34: {  	[smem:$0x3FB3] =	sst s10  }
0x35: {  	s10 =	sld [smem:$0x3FB2];
	_ =	sdelay $0x3  }
0x36: {  	p1 =	seq.s32 s10, $0x1;
	s10 =	sld [smem:$0x3FB3];
	_ =	sdelay $0x3  }
0x37: {  	[smem:$0x3FB3] =	sst s10  }
0x38: {  	s10 =	sld [smem:$0x3FB4]  }
0x39: {  	_ = 	snop;
	(pc) =	sbr.ind lr, $3  }
0x3a: {  	_ = 	snop  }
0x3b: {  	_ = 	snop  }
0x3c: {  	p2 =	seq.s32 s10, $0x1;
	s10 =	sld [smem:$0x3FB3]  }
0x3d: {  	_ =	shalt  }
0x3e: {  	_ =	shalt  }
0x3f: {  	_ =	shalt  }
0x40: {  	_ =	shalt  }
0x41: {  	_ =	shalt  }
0x42: {  	_ =	shalt  }
0x43: {  	_ =	shalt  }
0x44: {  	_ =	shalt  }
0x45: {  	_ =	shalt  }
0x46: {  	_ =	shalt  }
0x47: {  	_ =	shalt  }
0x48: {  	_ =	shalt  }
0x49: {  	_ =	shalt  }
0x4a: {  	_ =	shalt  }
0x4b: {  	_ =	shalt  }
0x4c: {  	_ =	shalt  }
0x4d: {  	_ =	shalt  }
0x4e: {  	_ =	shalt  }
0x4f: {  	_ =	shalt  }
0x50: {  	_ =	shalt  }
0x51: {  	_ =	shalt  }
0x52: {  	_ =	shalt  }
0x53: {  	_ =	shalt  }
0x54: {  	_ =	shalt  }
0x55: {  	_ =	shalt  }
0x56: {  	_ =	shalt  }
0x57: {  	_ =	shalt  }
0x58: {  	_ =	shalt  }
0x59: {  	_ =	shalt  }
0x5a: {  	_ =	shalt  }
0x5b: {  	_ =	shalt  }
0x5c: {  	_ =	shalt  }
0x5d: {  	_ =	shalt  }
0x5e: {  	_ =	shalt  }
0x5f: {  	_ =	shalt  }
0x60: {  	_ =	shalt  }
0x61: {  	_ =	shalt  }
0x62: {  	_ =	shalt  }
0x63: {  	_ =	shalt  }
0x64: {  	_ =	shalt  }
0x65: {  	_ =	shalt  }
0x66: {  	_ =	shalt  }
0x67: {  	_ =	shalt  }
0x68: {  	_ =	shalt  }
0x69: {  	_ =	shalt  }
0x6a: {  	_ =	shalt  }
0x6b: {  	_ =	shalt  }
0x6c: {  	_ =	shalt  }
0x6d: {  	_ =	shalt  }
0x6e: {  	_ =	shalt  }
0x6f: {  	_ =	shalt  }
0x70: {  	_ =	shalt  }
0x71: {  	_ =	shalt  }
0x72: {  	_ =	shalt  }
0x73: {  	_ =	shalt  }
0x74: {  	_ =	shalt  }
0x75: {  	_ =	shalt  }
0x76: {  	_ =	shalt  }
0x77: {  	_ =	shalt  }
0x78: {  	_ =	shalt  }
0x79: {  	_ =	shalt  }
0x7a: {  	_ =	shalt  }
0x7b: {  	_ =	shalt  }
0x7c: {  	_ =	shalt  }
0x7d: {  	_ =	shalt  }
0x7e: {  	_ =	shalt  }
0x7f: {  	_ =	shalt  }
0x80: {  	_ =	shalt  }
0x81: {  	_ =	shalt  }
0x82: {  	_ =	shalt  }
0x83: {  	_ =	shalt  }
0x84: {  	_ =	shalt  }
0x85: {  	_ =	shalt  }
0x86: {  	_ =	shalt  }
0x87: {  	_ =	shalt  }
.Lfunc_end0:
.L_simem_size_0:
called_computation.1_lowered:
.L_overlay_start_0:
0x88: {  	s2 =	sld [smem:$0x3FD9]  }
0x89: {  	s3 =	sld [smem:$0x3FFE];
	_ =	sdelay $0x1  }
0x8a: {  	s1 =	srdreg.scid  }
0x8b: {  	s0 =	sand.u32 $0x1, s1  }
0x8c: {  	s16 =	sshll.u32 s0, $0xA;
	s2 =	sadd.s32 s3, s2  }
0x8d: {  	s2 =	sadd.s32 s2, s16  }
0x8e: {  	[smem:$0x3FBF] =	sst s2  }
0x8f: {  	_ = 	snop  }
0x90: {  	(tm) =	ssettm $0x1  }
0x91: {  	s17 =	sld [smem:$0x3FFB];
	_ =	sdelay $0x3  }
0x92: {  	_ =	strace s17  }
0x93: {  	s2 =	sld [smem:$0x3FFC];
	_ =	sdelay $0x3  }
0x94: {  	_ =	strace s2  }
0x95: {  	s2 =	sld [smem:$0x3FFD];
	_ =	sdelay $0x3  }
0x96: {  	_ =	strace s2  }
0x97: {  	_ =	strace $0x8FFFFFFF  }
0x98: {  	s18 =	sld [smem:$0x3FDB];
	_ =	sdelay $0x1  }
0x99: {  	s19 =	simm.s32 $_scs_section_size  }
0x9a: {  	s4 =	simm.s32 $_size__tile_overlayer_lowered;
	s5 =	simm.s32 $_tile_overlayer_lowered  }
0x9b: {  	s22 =	simm.s32 $0x1BFF;
	s21 =	sshll.u32 s5, $0x1;
	s2 =	sadd.s32 s19, s18  }
0x9c: {  	s6 =	simm.s32 $0x0;
	s20 =	sshll.u32 s4, $0x1;
	s4 =	sadd.s32 s21, s2  }
0x9d: {  	[timem:s6], [sflag:s22] =	dma.local [hbm:s4], s20  }
0x9e: {  	_ =	swait.ge [sflag:s22], s20  }
0x9f: {  	s3 =	ssub.s32 $0x0, s20;
	[sflag:s22] =	ssyncset.done $0x0  }
0xa0: {  	[sflag:s22] =	ssyncadd.s32 s3;
	_ =	sdelay $0x1  }
0xa1: {  	s23 =	simm.s32 $0x1B8B  }
0xa2: {  	_ =	swait.ge [sflag:s23], $0x1  }
0xa3: {  	[sflag:s23] =	ssyncset.done $0x0  }
0xa4: {  	s25 =	simm.s32 $0x1B8E;
	s24 =	sld [smem:$0x3FFE];
	[sflag:s23] =	ssyncadd.s32 $0xFFFFFFFF  }
0xa5: {  	s26 =	simm.s32 $execute0_lowered;
	[smem:$0x3FD2] =	sst s25  }
0xa6: {  	s4 =	sshll.u32 s26, $0x1;
	_ =	strace $0x80000049;
	[dreg:$0x1] =	wrdreg $0xFFFFFFFF  }
0xa7: {  	s28 =	simm.s32 $_size_execute0_lowered;
	s2 =	sadd.s32 s2, s4;
	[dreg:$0x0] =	wrdreg $0x0  }
0xa8: {  	s4 =	sshll.u32 s28, $0x1;
	[dreg:$0x2] =	wrdreg s2  }
0xa9: {  	[dreg:$0x3] =	wrdreg s4  }
0xaa: {  	[dreg:$0x4] =	wrdreg $0xC0  }
0xab: {  	_ =	task [dreg:s6], $0x5FFFF  }
0xac: {  	[dreg:$0x1] =	wrdreg $0xFFFFFFFF  }
0xad: {  	[dreg:$0x0] =	wrdreg $0x60  }
0xae: {  	[dreg:$0x2] =	wrdreg s24  }
0xaf: {  	[dreg:$0x3] =	wrdreg $0x0  }
0xb0: {  	[dreg:$0x4] =	wrdreg $0x9  }
0xb1: {  	_ =	task.clear_ibuf [dreg:s6], $0x5FFFF;
	_ =	strace $0x90000049  }
0xb2: {  	s29 =	simm.s32 $0x9;
	_ =	strace $0x8000004B  }
0xb3: {  	_ =	swait.ge [sflag:s29], $0x1  }
0xb4: {  	[sflag:s29] =	ssyncadd.s32 $0xFFFFFFFF  }
0xb5: {  	_ =	strace $0x9000004B  }
0xb6: {  	_ =	sfence  }
0xb7: {  	s30 =	sld [smem:$0x0];
	_ =	sdelay $0x2  }
0xb8: {  	s31 =	sshll.u32 s1, $0xD;
	s1 =	sshrl.u32 s1, $0x2  }
0xb9: {  	s3 =	sand.u32 $0x4000, s31;
	s1 =	sadd.s32 s1, s30  }
0xba: {  	s0 =	sor.u32 s3, s0;
	s1 =	sshll.u32 s1, $0x11  }
0xbb: {  	s0 =	sor.u32 s1, s0  }
0xbc: {  	s0 =	sadd.s32 $0x8F2B, s0  }
0xbd: {  	[sflag:s0] =	ssyncadd.remote.s32 $0x1  }
0xbe: {  	_ =	sfence.sel $0xFFFF  }
0xbf: {  	[dreg:$0x0] =	wrdreg $0xFFFFFFFF;
	(pc) =	sbr.abs _section_cstart, $3  }
0xc0: {  	[dreg:$0x1] =	wrdreg $0xFFFFFFFF  }
0xc1: {  	_ =	task.clear_ibuf [dreg:s6], $0x2FFFF;
	_ =	strace $0x9FFFFFFF  }
0xc2: {  	(tm) =	ssettm $0x7FFFFFFF  }
0xc3: {  	_ =	shalt  }
tec
execute0_lowered:
.L_overlay_start_1:
0x0: {  	(tag) =	ssettag $0x1  }
0x1: {  	s0 =	rddreg [dreg:$0x0]  }
0x2: {  	s1 =	srdreg.scid;
	s3 =	stileid.u32  }
0x3: {  	s2 =	rddreg [dreg:$0x1];
	s6 =	simm.s32 $0x0;
	s14 =	simm.s32 $0x14080  }
0x4: {  	s15 =	simm.s32 $0x14200;
	s16 =	simm.s32 $0x14180;
	s17 =	simm.s32 $0x14300  }
0x5: {  	s18 =	simm.s32 $0x14280;
	[smem:$0x7FF] =	sst s6;
	s7 =	sadd.s32 $0x17200, s0  }
0x6: {  	s20 =	simm.s32 $0x14400;
	_ =	strace $0x8000004A;
	[dreg:$0x1b] =	wrdreg s7  }
0x7: {  	s28 =	simm.s32 $0x14D00;
	s29 =	simm.s32 $0x14C80;
	[dreg:$0x5] =	wrdreg s14  }
0x8: {  	s30 =	simm.s32 $0x14E00;
	s4 =	smul.u32 $0xA000, s3;
	[dreg:$0x6] =	wrdreg s15  }
0x9: {  	s31 =	simm.s32 $0x14D80;
	s21 =	smul.u32 $0x50000, s3;
	[dreg:$0x7] =	wrdreg s16  }
0xa: {  	s1 =	sand.u32 $0x1, s1;
	s9 =	smul.u32 $0x14000, s3;
	[dreg:$0x8] =	wrdreg s17  }
0xb: {  	s5 =	smul.u32 $0x5000, s1;
	s22 =	ssub.s32 $0x2, s1;
	[dreg:$0x9] =	wrdreg s18  }
0xc: {  	s1 =	smul.u32 $0x140000, s1;
	[dreg:$0xa] =	wrdreg s20;
	s14 =	simm.s32 $0x14700  }
0xd: {  	s15 =	simm.s32 $0x14680;
	s16 =	simm.s32 $0x14800;
	[dreg:$0x10] =	wrdreg s14  }
0xe: {  	s17 =	simm.s32 $0x14780;
	s20 =	simm.s32 $0x14880;
	[dreg:$0x11] =	wrdreg s15  }
0xf: {  	s8 =	sshrl.u32 s22, $0x1;
	s6 =	sshrl.u32 s21, $0x2;
	[dreg:$0x12] =	wrdreg s16  }
0x10: {  	s23 =	sadd.s32 $0x4000, s9;
	s24 =	sadd.s32 $0x8000, s9;
	[dreg:$0x13] =	wrdreg s17  }
0x11: {  	s10 =	sadd.s32 $0xC000, s9;
	s17 =	simm.s32 $0x15400;
	[dreg:$0x15] =	wrdreg s20  }
0x12: {  	s20 =	simm.s32 $0x80;
	s14 =	simm.s32 $0x15200;
	s15 =	simm.s32 $0x15180  }
0x13: {  	s16 =	simm.s32 $0x15300;
	s5 =	sadd.s32 s5, s4;
	s4 =	sadd.s32 $0x17A00, s0  }
0x14: {  	s7 =	ssub.s32 s22, s8;
	s26 =	sadd.s32 s6, s2;
	s25 =	sadd.s32 s23, s2  }
0x15: {  	s12 =	sadd.s32 s24, s2;
	s11 =	sadd.s32 s10, s2;
	s6 =	sadd.s32 s1, s23  }
0x16: {  	s21 =	sadd.s32 s1, s24;
	s22 =	simm.s32 $0x14380;
	[dreg:$0x1f] =	wrdreg s11  }
0x17: {  	s23 =	simm.s32 $0x14500;
	s3 =	sadd.s32 s1, s10;
	[dreg:$0xb] =	wrdreg s22  }
0x18: {  	s8 =	simm.s32 $0x14600;
	s5 =	sshrl.u32 s5, $0x3;
	[dreg:$0xc] =	wrdreg s23  }
0x19: {  	s11 =	sadd.s32 $0x10000, s9;
	s9 =	sadd.s32 s9, s1;
	[dreg:$0xe] =	wrdreg s8  }
0x1a: {  	s10 =	smov.u32 s12;
	s12 =	simm.s32 $0x14580;
	[dreg:$0x1c] =	wrdreg s26  }
0x1b: {  	s6 =	sshrl.u32 s6, $0x3;
	s18 =	smax.u32 s7, $0x1;
	[dreg:$0xf] =	wrdreg s12  }
0x1c: {  	s22 =	simm.s32 $0x14980;
	s23 =	simm.s32 $0x14B00;
	[smem:$0x7FD] =	sst s18  }
0x1d: {  	s7 =	simm.s32 $0x15380;
	s8 =	simm.s32 $0x0;
	[dreg:$0x17] =	wrdreg s22  }
0x1e: {  	s5 =	sadd.s32 s5, s0;
	s0 =	sadd.s32 $0x3EC00, s0;
	[dreg:$0x18] =	wrdreg s23  }
0x1f: {  	s13 =	sadd.s32 s11, s2;
	s9 =	sshrl.u32 s9, $0x3;
	[dreg:$0x1e] =	wrdreg s10  }
0x20: {  	s1 =	sadd.s32 s1, s11;
	s5 =	sadd.s32 $0x2A00, s5;
	[smem:$0x7F7] =	sst s13  }
0x21: {  	s18 =	simm.s32 $0x5;
	s13 =	simm.s32 $0x14100;
	[dreg:$0x3] =	wrdreg s5  }
0x22: {  	s22 =	simm.s32 $0x1;
	s9 =	sadd.s32 s0, s9;
	[dreg:$0x4] =	wrdreg s13  }
0x23: {  	s23 =	simm.s32 $0x3;
	s19 =	sadd.s32 s0, s6;
	[smem:$0x7F8] =	sst s9  }
0x24: {  	s6 =	sshrl.u32 s21, $0x3;
	s21 =	simm.s32 $0x14A00;
	[smem:$0x7F9] =	sst s19  }
0x25: {  	s11 =	simm.s32 $0x14F80;
	s24 =	sadd.s32 s0, s6;
	[dreg:$0x16] =	wrdreg s21  }
0x26: {  	s9 =	smov.u32 s25;
	s25 =	simm.s32 $0x14480;
	[smem:$0x7FA] =	sst s24  }
0x27: {  	s12 =	simm.s32 $0x15100;
	s19 =	simm.s32 $0x14900;
	[dreg:$0xd] =	wrdreg s25  }
0x28: {  	s1 =	sshrl.u32 s1, $0x3;
	s6 =	sshrl.u32 s3, $0x3;
	[dreg:$0x14] =	wrdreg s19  }
0x29: {  	s21 =	simm.s32 $0x19400;
	s13 =	sadd.s32 s0, s6;
	[dreg:$0x1d] =	wrdreg s9  }
0x2a: {  	s5 =	simm.s32 $0x15000;
	s0 =	sadd.s32 s0, s1;
	[smem:$0x7FB] =	sst s13  }
0x2b: {  	s19 =	simm.s32 $0x14000;
	s24 =	simm.s32 $0x14A80;
	[smem:$0x7FC] =	sst s0  }
0x2c: {  	s25 =	simm.s32 $0x14C00;
	s1 =	simm.s32 $0x14F00;
	[dreg:$0x19] =	wrdreg s24  }
0x2d: {  	s6 =	simm.s32 $0x15280;
	s24 =	simm.s32 $0x2;
	[dreg:$0x1a] =	wrdreg s25  }
0x2e: {  	s25 =	simm.s32 $0x4;
	s0 =	simm.s32 $0x14E80;
	s13 =	simm.s32 $0x15080  }
.LBB2_1:
0x2f: {  	[smem:$0x7F6] =	sst s8  }
0x30: {  	s3 =	simm.s32 $0x0;
	s8 =	rddreg [dreg:$0x1b]  }
0x31: {  	[tilespmem:s17], [sflag:$0x5] =	stream.linear.gather [hbm4b:s8+s3], $0x4000, $0x38;
	[tilespmem:$0x1D400] =	vst v63  }
0x32: {  	_ =	swait.ge [sflag:s18], $0x4000  }
0x33: {  	[sflag:s18] =	ssyncset.done $0x0  }
0x34: {  	[sflag:s18] =	ssyncadd.s32 $0xFFFFC000  }
0x35: {  	[spmem:s26] =	stream.linear.scatter [tilespmem:s17], [sflag:$0x5], $0x4000, $0x38;
	[tilespmem:$0x1D400] =	vst v63  }
0x36: {  	_ =	swait.ge [sflag:s18], $0x4000  }
0x37: {  	[sflag:s18] =	ssyncset.done $0x0  }
0x38: {  	[sflag:s18] =	ssyncadd.s32 $0xFFFFC000  }
0x39: {  	[spmem:s9] =	stream.linear.scatter [tilespmem:s17], [sflag:$0x5], $0x4000, $0x38;
	[tilespmem:$0x1D400] =	vst v63  }
0x3a: {  	_ =	swait.ge [sflag:s18], $0x4000  }
0x3b: {  	[sflag:s18] =	ssyncset.done $0x0  }
0x3c: {  	[sflag:s18] =	ssyncadd.s32 $0xFFFFC000  }
0x3d: {  	[spmem:s10] =	stream.linear.scatter [tilespmem:s17], [sflag:$0x5], $0x4000, $0x38;
	[tilespmem:$0x1D400] =	vst v63  }
0x3e: {  	_ =	swait.ge [sflag:s18], $0x4000  }
0x3f: {  	[sflag:s18] =	ssyncset.done $0x0  }
0x40: {  	s9 =	rddreg [dreg:$0x1f];
	[sflag:s18] =	ssyncadd.s32 $0xFFFFC000  }
0x41: {  	[spmem:s9] =	stream.linear.scatter [tilespmem:s17], [sflag:$0x5], $0x4000, $0x38;
	[tilespmem:$0x1D400] =	vst v63  }
0x42: {  	_ =	swait.ge [sflag:s18], $0x4000  }
0x43: {  	s10 =	sld [smem:$0x7F7]  }
0x44: {  	[sflag:s18] =	ssyncset.done $0x0  }
0x45: {  	[sflag:s18] =	ssyncadd.s32 $0xFFFFC000  }
0x46: {  	[spmem:s10] =	stream.linear.scatter [tilespmem:s17], [sflag:$0x5], $0x4000, $0x38;
	[tilespmem:$0x1D400] =	vst v63  }
0x47: {  	_ =	swait.ge [sflag:s18], $0x4000  }
0x48: {  	[sflag:s18] =	ssyncset.done $0x0  }
0x49: {  	[sflag:s18] =	ssyncadd.s32 $0xFFFFC000  }
0x4a: {  	[bflag:$0x0] =	sbarrier.arrive $0xFFFF  }
0x4b: {  	s26 =	rddreg [dreg:$0x3]  }
0x4c: {  	s8 =	sadd.s32 $0x0, s26  }
0x4d: {  	[tilespmem:s19], [sflag:$0x5] =	stream.linear.gather [hbm4b:s8+s3], $0x1400, $0x38;
	[tilespmem:$0x1D400] =	vst v63  }
0x4e: {  	_ =	swait.ge [sflag:s18], $0x1400  }
0x4f: {  	[sflag:s18] =	ssyncset.done $0x0  }
0x50: {  	[sflag:s18] =	ssyncadd.s32 $0xFFFFEC00  }
0x51: {  	[tilespmem:s17], [sflag:$0x1] =	stream.indirect.gather [hbm4b:s4+s20], $0x80, s19, s20, $0xb8;
	[tilespmem:$0x1D400] =	vst v63  }
0x52: {  	s3 =	rddreg [dreg:$0x4]  }
0x53: {  	[tilespmem:s21], [sflag:$0x2] =	stream.indirect.gather [hbm4b:s4+s20], $0x80, s3, s20, $0xb8;
	[tilespmem:$0x1D400] =	vst v63  }
0x54: {  	_ =	swait.ge [sflag:s22], $0x4000  }
0x55: {  	[sflag:s22] =	ssyncset.done $0x0  }
0x56: {  	s9 =	rddreg [dreg:$0x5];
	[sflag:s22] =	ssyncadd.s32 $0xFFFFC000  }
0x57: {  	[spmem:s2] =	stream.indirect.scatter.add.f32 [tilespmem:s17], [sflag:$0x3], $0x80, s9, s20, $0xb8;
	[tilespmem:$0x1D400] =	vst v63  }
0x58: {  	_ =	swait.ge [sflag:s23], $0x4000  }
0x59: {  	[sflag:s23] =	ssyncset.done $0x0  }
0x5a: {  	s10 =	rddreg [dreg:$0x6];
	[sflag:s23] =	ssyncadd.s32 $0xFFFFC000  }
0x5b: {  	[tilespmem:s17], [sflag:$0x1] =	stream.indirect.gather [hbm4b:s4+s20], $0x80, s10, s20, $0xb8;
	[tilespmem:$0x1D400] =	vst v63  }
0x5c: {  	_ =	swait.ge [sflag:s24], $0x4000  }
0x5d: {  	[sflag:s24] =	ssyncset.done $0x0  }
0x5e: {  	s3 =	rddreg [dreg:$0x7];
	[sflag:s24] =	ssyncadd.s32 $0xFFFFC000  }
0x5f: {  	[spmem:s2] =	stream.indirect.scatter.add.f32 [tilespmem:s21], [sflag:$0x4], $0x80, s3, s20, $0xb8;
	[tilespmem:$0x1D400] =	vst v63  }
0x60: {  	_ =	swait.ge [sflag:s25], $0x4000  }
0x61: {  	[sflag:s25] =	ssyncset.done $0x0  }
0x62: {  	s9 =	rddreg [dreg:$0x8];
	[sflag:s25] =	ssyncadd.s32 $0xFFFFC000  }
0x63: {  	[tilespmem:s21], [sflag:$0x2] =	stream.indirect.gather [hbm4b:s4+s20], $0x80, s9, s20, $0xb8;
	[tilespmem:$0x1D400] =	vst v63  }
0x64: {  	_ =	swait.ge [sflag:s22], $0x4000  }
0x65: {  	[sflag:s22] =	ssyncset.done $0x0  }
0x66: {  	s10 =	rddreg [dreg:$0x9];
	[sflag:s22] =	ssyncadd.s32 $0xFFFFC000  }
0x67: {  	[spmem:s2] =	stream.indirect.scatter.add.f32 [tilespmem:s17], [sflag:$0x3], $0x80, s10, s20, $0xb8;
	[tilespmem:$0x1D400] =	vst v63  }
0x68: {  	_ =	swait.ge [sflag:s23], $0x4000  }
0x69: {  	[sflag:s23] =	ssyncset.done $0x0  }
0x6a: {  	s3 =	rddreg [dreg:$0xa];
	[sflag:s23] =	ssyncadd.s32 $0xFFFFC000  }
0x6b: {  	[tilespmem:s17], [sflag:$0x1] =	stream.indirect.gather [hbm4b:s4+s20], $0x80, s3, s20, $0xb8;
	[tilespmem:$0x1D400] =	vst v63  }
0x6c: {  	_ =	swait.ge [sflag:s24], $0x4000  }
0x6d: {  	[sflag:s24] =	ssyncset.done $0x0  }
0x6e: {  	s9 =	rddreg [dreg:$0xb];
	[sflag:s24] =	ssyncadd.s32 $0xFFFFC000  }
0x6f: {  	[spmem:s2] =	stream.indirect.scatter.add.f32 [tilespmem:s21], [sflag:$0x4], $0x80, s9, s20, $0xb8;
	[tilespmem:$0x1D400] =	vst v63  }
0x70: {  	_ =	swait.ge [sflag:s25], $0x4000  }
0x71: {  	[sflag:s25] =	ssyncset.done $0x0  }
0x72: {  	s10 =	rddreg [dreg:$0xc];
	[sflag:s25] =	ssyncadd.s32 $0xFFFFC000  }
0x73: {  	[tilespmem:s21], [sflag:$0x2] =	stream.indirect.gather [hbm4b:s4+s20], $0x80, s10, s20, $0xb8;
	[tilespmem:$0x1D400] =	vst v63  }
0x74: {  	_ =	swait.ge [sflag:s22], $0x4000  }
0x75: {  	[sflag:s22] =	ssyncset.done $0x0  }
0x76: {  	s3 =	rddreg [dreg:$0xd];
	[sflag:s22] =	ssyncadd.s32 $0xFFFFC000  }
0x77: {  	[spmem:s2] =	stream.indirect.scatter.add.f32 [tilespmem:s17], [sflag:$0x3], $0x80, s3, s20, $0xb8;
	[tilespmem:$0x1D400] =	vst v63  }
0x78: {  	_ =	swait.ge [sflag:s23], $0x4000  }
0x79: {  	[sflag:s23] =	ssyncset.done $0x0  }
0x7a: {  	s9 =	rddreg [dreg:$0xe];
	[sflag:s23] =	ssyncadd.s32 $0xFFFFC000  }
0x7b: {  	[tilespmem:s17], [sflag:$0x1] =	stream.indirect.gather [hbm4b:s4+s20], $0x80, s9, s20, $0xb8;
	[tilespmem:$0x1D400] =	vst v63  }
0x7c: {  	_ =	swait.ge [sflag:s24], $0x4000  }
0x7d: {  	[sflag:s24] =	ssyncset.done $0x0  }
0x7e: {  	s10 =	rddreg [dreg:$0xf];
	[sflag:s24] =	ssyncadd.s32 $0xFFFFC000  }
0x7f: {  	[spmem:s2] =	stream.indirect.scatter.add.f32 [tilespmem:s21], [sflag:$0x4], $0x80, s10, s20, $0xb8;
	[tilespmem:$0x1D400] =	vst v63  }
0x80: {  	_ =	swait.ge [sflag:s25], $0x4000  }
0x81: {  	[sflag:s25] =	ssyncset.done $0x0  }
0x82: {  	s3 =	rddreg [dreg:$0x10];
	[sflag:s25] =	ssyncadd.s32 $0xFFFFC000  }
0x83: {  	[tilespmem:s21], [sflag:$0x2] =	stream.indirect.gather [hbm4b:s4+s20], $0x80, s3, s20, $0xb8;
	[tilespmem:$0x1D400] =	vst v63  }
0x84: {  	_ =	swait.ge [sflag:s22], $0x4000  }
0x85: {  	[sflag:s22] =	ssyncset.done $0x0  }
0x86: {  	s9 =	rddreg [dreg:$0x11];
	[sflag:s22] =	ssyncadd.s32 $0xFFFFC000  }
0x87: {  	[spmem:s2] =	stream.indirect.scatter.add.f32 [tilespmem:s17], [sflag:$0x3], $0x80, s9, s20, $0xb8;
	[tilespmem:$0x1D400] =	vst v63  }
0x88: {  	_ =	swait.ge [sflag:s23], $0x4000  }
0x89: {  	[sflag:s23] =	ssyncset.done $0x0  }
0x8a: {  	s10 =	rddreg [dreg:$0x12];
	[sflag:s23] =	ssyncadd.s32 $0xFFFFC000  }
0x8b: {  	[tilespmem:s17], [sflag:$0x1] =	stream.indirect.gather [hbm4b:s4+s20], $0x80, s10, s20, $0xb8;
	[tilespmem:$0x1D400] =	vst v63  }
0x8c: {  	_ =	swait.ge [sflag:s24], $0x4000  }
0x8d: {  	[sflag:s24] =	ssyncset.done $0x0  }
0x8e: {  	s3 =	rddreg [dreg:$0x13];
	[sflag:s24] =	ssyncadd.s32 $0xFFFFC000  }
0x8f: {  	[spmem:s2] =	stream.indirect.scatter.add.f32 [tilespmem:s21], [sflag:$0x4], $0x80, s3, s20, $0xb8;
	[tilespmem:$0x1D400] =	vst v63  }
0x90: {  	_ =	swait.ge [sflag:s25], $0x4000  }
0x91: {  	[sflag:s25] =	ssyncset.done $0x0  }
0x92: {  	s9 =	rddreg [dreg:$0x14];
	[sflag:s25] =	ssyncadd.s32 $0xFFFFC000  }
0x93: {  	[tilespmem:s21], [sflag:$0x2] =	stream.indirect.gather [hbm4b:s4+s20], $0x80, s9, s20, $0xb8;
	[tilespmem:$0x1D400] =	vst v63  }
0x94: {  	_ =	swait.ge [sflag:s22], $0x4000  }
0x95: {  	[sflag:s22] =	ssyncset.done $0x0  }
0x96: {  	s10 =	rddreg [dreg:$0x15];
	[sflag:s22] =	ssyncadd.s32 $0xFFFFC000  }
0x97: {  	[spmem:s2] =	stream.indirect.scatter.add.f32 [tilespmem:s17], [sflag:$0x3], $0x80, s10, s20, $0xb8;
	[tilespmem:$0x1D400] =	vst v63  }
0x98: {  	_ =	swait.ge [sflag:s23], $0x4000  }
0x99: {  	[sflag:s23] =	ssyncset.done $0x0  }
0x9a: {  	s3 =	rddreg [dreg:$0x16];
	[sflag:s23] =	ssyncadd.s32 $0xFFFFC000  }
0x9b: {  	[tilespmem:s17], [sflag:$0x1] =	stream.indirect.gather [hbm4b:s4+s20], $0x80, s3, s20, $0xb8;
	[tilespmem:$0x1D400] =	vst v63  }
0x9c: {  	_ =	swait.ge [sflag:s24], $0x4000  }
0x9d: {  	[sflag:s24] =	ssyncset.done $0x0  }
0x9e: {  	s9 =	rddreg [dreg:$0x17];
	[sflag:s24] =	ssyncadd.s32 $0xFFFFC000  }
0x9f: {  	[spmem:s2] =	stream.indirect.scatter.add.f32 [tilespmem:s21], [sflag:$0x4], $0x80, s9, s20, $0xb8;
	[tilespmem:$0x1D400] =	vst v63  }
0xa0: {  	_ =	swait.ge [sflag:s25], $0x4000  }
0xa1: {  	[sflag:s25] =	ssyncset.done $0x0  }
0xa2: {  	s10 =	rddreg [dreg:$0x18];
	[sflag:s25] =	ssyncadd.s32 $0xFFFFC000  }
0xa3: {  	[tilespmem:s21], [sflag:$0x2] =	stream.indirect.gather [hbm4b:s4+s20], $0x80, s10, s20, $0xb8;
	[tilespmem:$0x1D400] =	vst v63  }
0xa4: {  	_ =	swait.ge [sflag:s22], $0x4000  }
0xa5: {  	[sflag:s22] =	ssyncset.done $0x0  }
0xa6: {  	s3 =	rddreg [dreg:$0x19];
	[sflag:s22] =	ssyncadd.s32 $0xFFFFC000  }
0xa7: {  	[spmem:s2] =	stream.indirect.scatter.add.f32 [tilespmem:s17], [sflag:$0x3], $0x80, s3, s20, $0xb8;
	[tilespmem:$0x1D400] =	vst v63  }
0xa8: {  	_ =	swait.ge [sflag:s23], $0x4000  }
0xa9: {  	[sflag:s23] =	ssyncset.done $0x0  }
0xaa: {  	s9 =	rddreg [dreg:$0x1a];
	[sflag:s23] =	ssyncadd.s32 $0xFFFFC000  }
0xab: {  	[tilespmem:s17], [sflag:$0x1] =	stream.indirect.gather [hbm4b:s4+s20], $0x80, s9, s20, $0xb8;
	[tilespmem:$0x1D400] =	vst v63  }
0xac: {  	_ =	swait.ge [sflag:s24], $0x4000  }
0xad: {  	[sflag:s24] =	ssyncset.done $0x0  }
0xae: {  	s10 =	simm.s32 $0x14B80;
	[sflag:s24] =	ssyncadd.s32 $0xFFFFC000  }
0xaf: {  	[spmem:s2] =	stream.indirect.scatter.add.f32 [tilespmem:s21], [sflag:$0x4], $0x80, s10, s20, $0xb8;
	[tilespmem:$0x1D400] =	vst v63  }
0xb0: {  	_ =	swait.ge [sflag:s25], $0x4000  }
0xb1: {  	[sflag:s25] =	ssyncset.done $0x0  }
0xb2: {  	[sflag:s25] =	ssyncadd.s32 $0xFFFFC000  }
0xb3: {  	[tilespmem:s21], [sflag:$0x2] =	stream.indirect.gather [hbm4b:s4+s20], $0x80, s28, s20, $0xb8;
	[tilespmem:$0x1D400] =	vst v63  }
0xb4: {  	_ =	swait.ge [sflag:s22], $0x4000  }
0xb5: {  	[sflag:s22] =	ssyncset.done $0x0  }
0xb6: {  	[sflag:s22] =	ssyncadd.s32 $0xFFFFC000  }
0xb7: {  	[spmem:s2] =	stream.indirect.scatter.add.f32 [tilespmem:s17], [sflag:$0x3], $0x80, s29, s20, $0xb8;
	[tilespmem:$0x1D400] =	vst v63  }
0xb8: {  	_ =	swait.ge [sflag:s23], $0x4000  }
0xb9: {  	[sflag:s23] =	ssyncset.done $0x0  }
0xba: {  	[sflag:s23] =	ssyncadd.s32 $0xFFFFC000  }
0xbb: {  	[tilespmem:s17], [sflag:$0x1] =	stream.indirect.gather [hbm4b:s4+s20], $0x80, s30, s20, $0xb8;
	[tilespmem:$0x1D400] =	vst v63  }
0xbc: {  	_ =	swait.ge [sflag:s24], $0x4000  }
0xbd: {  	[sflag:s24] =	ssyncset.done $0x0  }
0xbe: {  	[sflag:s24] =	ssyncadd.s32 $0xFFFFC000  }
0xbf: {  	[spmem:s2] =	stream.indirect.scatter.add.f32 [tilespmem:s21], [sflag:$0x4], $0x80, s31, s20, $0xb8;
	[tilespmem:$0x1D400] =	vst v63  }
0xc0: {  	_ =	swait.ge [sflag:s25], $0x4000  }
0xc1: {  	[sflag:s25] =	ssyncset.done $0x0  }
0xc2: {  	[sflag:s25] =	ssyncadd.s32 $0xFFFFC000  }
0xc3: {  	[tilespmem:s21], [sflag:$0x2] =	stream.indirect.gather [hbm4b:s4+s20], $0x80, s1, s20, $0xb8;
	[tilespmem:$0x1D400] =	vst v63  }
0xc4: {  	_ =	swait.ge [sflag:s22], $0x4000  }
0xc5: {  	[sflag:s22] =	ssyncset.done $0x0  }
0xc6: {  	[sflag:s22] =	ssyncadd.s32 $0xFFFFC000  }
0xc7: {  	[spmem:s2] =	stream.indirect.scatter.add.f32 [tilespmem:s17], [sflag:$0x3], $0x80, s0, s20, $0xb8;
	[tilespmem:$0x1D400] =	vst v63  }
0xc8: {  	_ =	swait.ge [sflag:s23], $0x4000  }
0xc9: {  	[sflag:s23] =	ssyncset.done $0x0  }
0xca: {  	[sflag:s23] =	ssyncadd.s32 $0xFFFFC000  }
0xcb: {  	[tilespmem:s17], [sflag:$0x1] =	stream.indirect.gather [hbm4b:s4+s20], $0x80, s5, s20, $0xb8;
	[tilespmem:$0x1D400] =	vst v63  }
0xcc: {  	_ =	swait.ge [sflag:s24], $0x4000  }
0xcd: {  	[sflag:s24] =	ssyncset.done $0x0  }
0xce: {  	[sflag:s24] =	ssyncadd.s32 $0xFFFFC000  }
0xcf: {  	[spmem:s2] =	stream.indirect.scatter.add.f32 [tilespmem:s21], [sflag:$0x4], $0x80, s11, s20, $0xb8;
	[tilespmem:$0x1D400] =	vst v63  }
0xd0: {  	_ =	swait.ge [sflag:s25], $0x4000  }
0xd1: {  	[sflag:s25] =	ssyncset.done $0x0  }
0xd2: {  	[sflag:s25] =	ssyncadd.s32 $0xFFFFC000  }
0xd3: {  	[tilespmem:s21], [sflag:$0x2] =	stream.indirect.gather [hbm4b:s4+s20], $0x80, s12, s20, $0xb8;
	[tilespmem:$0x1D400] =	vst v63  }
0xd4: {  	_ =	swait.ge [sflag:s22], $0x4000  }
0xd5: {  	[sflag:s22] =	ssyncset.done $0x0  }
0xd6: {  	[sflag:s22] =	ssyncadd.s32 $0xFFFFC000  }
0xd7: {  	[spmem:s2] =	stream.indirect.scatter.add.f32 [tilespmem:s17], [sflag:$0x3], $0x80, s13, s20, $0xb8;
	[tilespmem:$0x1D400] =	vst v63  }
0xd8: {  	_ =	swait.ge [sflag:s23], $0x4000  }
0xd9: {  	[sflag:s23] =	ssyncset.done $0x0  }
0xda: {  	[sflag:s23] =	ssyncadd.s32 $0xFFFFC000  }
0xdb: {  	[tilespmem:s17], [sflag:$0x1] =	stream.indirect.gather [hbm4b:s4+s20], $0x80, s14, s20, $0xb8;
	[tilespmem:$0x1D400] =	vst v63  }
0xdc: {  	_ =	swait.ge [sflag:s24], $0x4000  }
0xdd: {  	[sflag:s24] =	ssyncset.done $0x0  }
0xde: {  	[sflag:s24] =	ssyncadd.s32 $0xFFFFC000  }
0xdf: {  	[spmem:s2] =	stream.indirect.scatter.add.f32 [tilespmem:s21], [sflag:$0x4], $0x80, s15, s20, $0xb8;
	[tilespmem:$0x1D400] =	vst v63  }
0xe0: {  	_ =	swait.ge [sflag:s25], $0x4000  }
0xe1: {  	[sflag:s25] =	ssyncset.done $0x0  }
0xe2: {  	[sflag:s25] =	ssyncadd.s32 $0xFFFFC000  }
0xe3: {  	[tilespmem:s21], [sflag:$0x2] =	stream.indirect.gather [hbm4b:s4+s20], $0x80, s16, s20, $0xb8;
	[tilespmem:$0x1D400] =	vst v63  }
0xe4: {  	_ =	swait.ge [sflag:s22], $0x4000  }
0xe5: {  	[sflag:s22] =	ssyncset.done $0x0  }
0xe6: {  	[sflag:s22] =	ssyncadd.s32 $0xFFFFC000  }
0xe7: {  	[spmem:s2] =	stream.indirect.scatter.add.f32 [tilespmem:s17], [sflag:$0x3], $0x80, s6, s20, $0xb8;
	[tilespmem:$0x1D400] =	vst v63  }
0xe8: {  	_ =	swait.ge [sflag:s24], $0x4000  }
0xe9: {  	[sflag:s24] =	ssyncset.done $0x0  }
0xea: {  	[sflag:s24] =	ssyncadd.s32 $0xFFFFC000  }
0xeb: {  	[spmem:s2] =	stream.indirect.scatter.add.f32 [tilespmem:s21], [sflag:$0x4], $0x80, s7, s20, $0xb8;
	[tilespmem:$0x1D400] =	vst v63  }
0xec: {  	_ =	swait.ge [sflag:s23], $0x4000  }
0xed: {  	[sflag:s23] =	ssyncset.done $0x0  }
0xee: {  	[sflag:s23] =	ssyncadd.s32 $0xFFFFC000  }
0xef: {  	s26 =	simm.s32 $0x0;
	s9 =	simm.s32 $0x280;
	_ =	swait.ge [sflag:s25], $0x4000  }
0xf0: {  	s10 =	simm.s32 $0x500;
	s8 =	rddreg [dreg:$0x3];
	[sflag:s25] =	ssyncset.done $0x0  }
.LBB2_2:
0xf1: {  	[sflag:s25] =	ssyncadd.s32 $0xFFFFC000;
	s8 =	sadd.s32 s9, s8  }
0xf2: {  	[tilespmem:s19], [sflag:$0x5] =	stream.linear.gather [hbm4b:s8+s26], $0x1400, $0x38;
	[tilespmem:$0x1D400] =	vst v63  }
0xf3: {  	_ =	swait.ge [sflag:s18], $0x1400  }
0xf4: {  	[sflag:s18] =	ssyncset.done $0x0  }
0xf5: {  	[sflag:s18] =	ssyncadd.s32 $0xFFFFEC00  }
0xf6: {  	[tilespmem:s17], [sflag:$0x1] =	stream.indirect.gather [hbm4b:s4+s20], $0x80, s19, s20, $0xb8;
	[tilespmem:$0x1D400] =	vst v63  }
0xf7: {  	s8 =	rddreg [dreg:$0x4]  }
0xf8: {  	[tilespmem:s21], [sflag:$0x2] =	stream.indirect.gather [hbm4b:s4+s20], $0x80, s8, s20, $0xb8;
	[tilespmem:$0x1D400] =	vst v63  }
0xf9: {  	_ =	swait.ge [sflag:s22], $0x4000  }
0xfa: {  	[sflag:s22] =	ssyncset.done $0x0  }
0xfb: {  	s8 =	rddreg [dreg:$0x5];
	[sflag:s22] =	ssyncadd.s32 $0xFFFFC000  }
0xfc: {  	[spmem:s2] =	stream.indirect.scatter.add.f32 [tilespmem:s17], [sflag:$0x3], $0x80, s8, s20, $0xb8;
	[tilespmem:$0x1D400] =	vst v63  }
0xfd: {  	_ =	swait.ge [sflag:s23], $0x4000  }
0xfe: {  	[sflag:s23] =	ssyncset.done $0x0  }
0xff: {  	s8 =	rddreg [dreg:$0x6];
	[sflag:s23] =	ssyncadd.s32 $0xFFFFC000  }
0x100: {  	[tilespmem:s17], [sflag:$0x1] =	stream.indirect.gather [hbm4b:s4+s20], $0x80, s8, s20, $0xb8;
	[tilespmem:$0x1D400] =	vst v63  }
0x101: {  	_ =	swait.ge [sflag:s24], $0x4000  }
0x102: {  	[sflag:s24] =	ssyncset.done $0x0  }
0x103: {  	s8 =	rddreg [dreg:$0x7];
	[sflag:s24] =	ssyncadd.s32 $0xFFFFC000  }
0x104: {  	[spmem:s2] =	stream.indirect.scatter.add.f32 [tilespmem:s21], [sflag:$0x4], $0x80, s8, s20, $0xb8;
	[tilespmem:$0x1D400] =	vst v63  }
0x105: {  	_ =	swait.ge [sflag:s25], $0x4000  }
0x106: {  	[sflag:s25] =	ssyncset.done $0x0  }
0x107: {  	s8 =	rddreg [dreg:$0x8];
	[sflag:s25] =	ssyncadd.s32 $0xFFFFC000  }
0x108: {  	[tilespmem:s21], [sflag:$0x2] =	stream.indirect.gather [hbm4b:s4+s20], $0x80, s8, s20, $0xb8;
	[tilespmem:$0x1D400] =	vst v63  }
0x109: {  	_ =	swait.ge [sflag:s22], $0x4000  }
0x10a: {  	[sflag:s22] =	ssyncset.done $0x0  }
0x10b: {  	s8 =	rddreg [dreg:$0x9];
	[sflag:s22] =	ssyncadd.s32 $0xFFFFC000  }
0x10c: {  	[spmem:s2] =	stream.indirect.scatter.add.f32 [tilespmem:s17], [sflag:$0x3], $0x80, s8, s20, $0xb8;
	[tilespmem:$0x1D400] =	vst v63  }
0x10d: {  	_ =	swait.ge [sflag:s23], $0x4000  }
0x10e: {  	[sflag:s23] =	ssyncset.done $0x0  }
0x10f: {  	s8 =	rddreg [dreg:$0xa];
	[sflag:s23] =	ssyncadd.s32 $0xFFFFC000  }
0x110: {  	[tilespmem:s17], [sflag:$0x1] =	stream.indirect.gather [hbm4b:s4+s20], $0x80, s8, s20, $0xb8;
	[tilespmem:$0x1D400] =	vst v63  }
0x111: {  	_ =	swait.ge [sflag:s24], $0x4000  }
0x112: {  	[sflag:s24] =	ssyncset.done $0x0  }
0x113: {  	s8 =	rddreg [dreg:$0xb];
	[sflag:s24] =	ssyncadd.s32 $0xFFFFC000  }
0x114: {  	[spmem:s2] =	stream.indirect.scatter.add.f32 [tilespmem:s21], [sflag:$0x4], $0x80, s8, s20, $0xb8;
	[tilespmem:$0x1D400] =	vst v63  }
0x115: {  	_ =	swait.ge [sflag:s25], $0x4000  }
0x116: {  	[sflag:s25] =	ssyncset.done $0x0  }
0x117: {  	s8 =	rddreg [dreg:$0xc];
	[sflag:s25] =	ssyncadd.s32 $0xFFFFC000  }
0x118: {  	[tilespmem:s21], [sflag:$0x2] =	stream.indirect.gather [hbm4b:s4+s20], $0x80, s8, s20, $0xb8;
	[tilespmem:$0x1D400] =	vst v63  }
0x119: {  	_ =	swait.ge [sflag:s22], $0x4000  }
0x11a: {  	[sflag:s22] =	ssyncset.done $0x0  }
0x11b: {  	s8 =	rddreg [dreg:$0xd];
	[sflag:s22] =	ssyncadd.s32 $0xFFFFC000  }
0x11c: {  	[spmem:s2] =	stream.indirect.scatter.add.f32 [tilespmem:s17], [sflag:$0x3], $0x80, s8, s20, $0xb8;
	[tilespmem:$0x1D400] =	vst v63  }
0x11d: {  	_ =	swait.ge [sflag:s23], $0x4000  }
0x11e: {  	[sflag:s23] =	ssyncset.done $0x0  }
0x11f: {  	s8 =	rddreg [dreg:$0xe];
	[sflag:s23] =	ssyncadd.s32 $0xFFFFC000  }
0x120: {  	[tilespmem:s17], [sflag:$0x1] =	stream.indirect.gather [hbm4b:s4+s20], $0x80, s8, s20, $0xb8;
	[tilespmem:$0x1D400] =	vst v63  }
0x121: {  	_ =	swait.ge [sflag:s24], $0x4000  }
0x122: {  	[sflag:s24] =	ssyncset.done $0x0  }
0x123: {  	s8 =	rddreg [dreg:$0xf];
	[sflag:s24] =	ssyncadd.s32 $0xFFFFC000  }
0x124: {  	[spmem:s2] =	stream.indirect.scatter.add.f32 [tilespmem:s21], [sflag:$0x4], $0x80, s8, s20, $0xb8;
	[tilespmem:$0x1D400] =	vst v63  }
0x125: {  	_ =	swait.ge [sflag:s25], $0x4000  }
0x126: {  	[sflag:s25] =	ssyncset.done $0x0  }
0x127: {  	s8 =	rddreg [dreg:$0x10];
	[sflag:s25] =	ssyncadd.s32 $0xFFFFC000  }
0x128: {  	[tilespmem:s21], [sflag:$0x2] =	stream.indirect.gather [hbm4b:s4+s20], $0x80, s8, s20, $0xb8;
	[tilespmem:$0x1D400] =	vst v63  }
0x129: {  	_ =	swait.ge [sflag:s22], $0x4000  }
0x12a: {  	[sflag:s22] =	ssyncset.done $0x0  }
0x12b: {  	s8 =	rddreg [dreg:$0x11];
	[sflag:s22] =	ssyncadd.s32 $0xFFFFC000  }
0x12c: {  	[spmem:s2] =	stream.indirect.scatter.add.f32 [tilespmem:s17], [sflag:$0x3], $0x80, s8, s20, $0xb8;
	[tilespmem:$0x1D400] =	vst v63  }
0x12d: {  	_ =	swait.ge [sflag:s23], $0x4000  }
0x12e: {  	[sflag:s23] =	ssyncset.done $0x0  }
0x12f: {  	s8 =	rddreg [dreg:$0x12];
	[sflag:s23] =	ssyncadd.s32 $0xFFFFC000  }
0x130: {  	[tilespmem:s17], [sflag:$0x1] =	stream.indirect.gather [hbm4b:s4+s20], $0x80, s8, s20, $0xb8;
	[tilespmem:$0x1D400] =	vst v63  }
0x131: {  	_ =	swait.ge [sflag:s24], $0x4000  }
0x132: {  	[sflag:s24] =	ssyncset.done $0x0  }
0x133: {  	s8 =	rddreg [dreg:$0x13];
	[sflag:s24] =	ssyncadd.s32 $0xFFFFC000  }
0x134: {  	[spmem:s2] =	stream.indirect.scatter.add.f32 [tilespmem:s21], [sflag:$0x4], $0x80, s8, s20, $0xb8;
	[tilespmem:$0x1D400] =	vst v63  }
0x135: {  	_ =	swait.ge [sflag:s25], $0x4000  }
0x136: {  	[sflag:s25] =	ssyncset.done $0x0  }
0x137: {  	s8 =	rddreg [dreg:$0x14];
	[sflag:s25] =	ssyncadd.s32 $0xFFFFC000  }
0x138: {  	[tilespmem:s21], [sflag:$0x2] =	stream.indirect.gather [hbm4b:s4+s20], $0x80, s8, s20, $0xb8;
	[tilespmem:$0x1D400] =	vst v63  }
0x139: {  	_ =	swait.ge [sflag:s22], $0x4000  }
0x13a: {  	[sflag:s22] =	ssyncset.done $0x0  }
0x13b: {  	s8 =	rddreg [dreg:$0x15];
	[sflag:s22] =	ssyncadd.s32 $0xFFFFC000  }
0x13c: {  	[spmem:s2] =	stream.indirect.scatter.add.f32 [tilespmem:s17], [sflag:$0x3], $0x80, s8, s20, $0xb8;
	[tilespmem:$0x1D400] =	vst v63  }
0x13d: {  	_ =	swait.ge [sflag:s23], $0x4000  }
0x13e: {  	[sflag:s23] =	ssyncset.done $0x0  }
0x13f: {  	s8 =	rddreg [dreg:$0x16];
	[sflag:s23] =	ssyncadd.s32 $0xFFFFC000  }
0x140: {  	[tilespmem:s17], [sflag:$0x1] =	stream.indirect.gather [hbm4b:s4+s20], $0x80, s8, s20, $0xb8;
	[tilespmem:$0x1D400] =	vst v63  }
0x141: {  	_ =	swait.ge [sflag:s24], $0x4000  }
0x142: {  	[sflag:s24] =	ssyncset.done $0x0  }
0x143: {  	s8 =	rddreg [dreg:$0x17];
	[sflag:s24] =	ssyncadd.s32 $0xFFFFC000  }
0x144: {  	[spmem:s2] =	stream.indirect.scatter.add.f32 [tilespmem:s21], [sflag:$0x4], $0x80, s8, s20, $0xb8;
	[tilespmem:$0x1D400] =	vst v63  }
0x145: {  	_ =	swait.ge [sflag:s25], $0x4000  }
0x146: {  	[sflag:s25] =	ssyncset.done $0x0  }
0x147: {  	s8 =	rddreg [dreg:$0x18];
	[sflag:s25] =	ssyncadd.s32 $0xFFFFC000  }
0x148: {  	[tilespmem:s21], [sflag:$0x2] =	stream.indirect.gather [hbm4b:s4+s20], $0x80, s8, s20, $0xb8;
	[tilespmem:$0x1D400] =	vst v63  }
0x149: {  	_ =	swait.ge [sflag:s22], $0x4000  }
0x14a: {  	[sflag:s22] =	ssyncset.done $0x0  }
0x14b: {  	s8 =	rddreg [dreg:$0x19];
	[sflag:s22] =	ssyncadd.s32 $0xFFFFC000  }
0x14c: {  	[spmem:s2] =	stream.indirect.scatter.add.f32 [tilespmem:s17], [sflag:$0x3], $0x80, s8, s20, $0xb8;
	[tilespmem:$0x1D400] =	vst v63  }
0x14d: {  	_ =	swait.ge [sflag:s23], $0x4000  }
0x14e: {  	[sflag:s23] =	ssyncset.done $0x0  }
0x14f: {  	s8 =	rddreg [dreg:$0x1a];
	[sflag:s23] =	ssyncadd.s32 $0xFFFFC000  }
0x150: {  	[tilespmem:s17], [sflag:$0x1] =	stream.indirect.gather [hbm4b:s4+s20], $0x80, s8, s20, $0xb8;
	[tilespmem:$0x1D400] =	vst v63  }
0x151: {  	_ =	swait.ge [sflag:s24], $0x4000  }
0x152: {  	[sflag:s24] =	ssyncset.done $0x0  }
0x153: {  	s8 =	simm.s32 $0x14B80;
	[sflag:s24] =	ssyncadd.s32 $0xFFFFC000  }
0x154: {  	[spmem:s2] =	stream.indirect.scatter.add.f32 [tilespmem:s21], [sflag:$0x4], $0x80, s8, s20, $0xb8;
	[tilespmem:$0x1D400] =	vst v63  }
0x155: {  	_ =	swait.ge [sflag:s25], $0x4000  }
0x156: {  	[sflag:s25] =	ssyncset.done $0x0  }
0x157: {  	[sflag:s25] =	ssyncadd.s32 $0xFFFFC000  }
0x158: {  	[tilespmem:s21], [sflag:$0x2] =	stream.indirect.gather [hbm4b:s4+s20], $0x80, s28, s20, $0xb8;
	[tilespmem:$0x1D400] =	vst v63  }
0x159: {  	_ =	swait.ge [sflag:s22], $0x4000  }
0x15a: {  	[sflag:s22] =	ssyncset.done $0x0  }
0x15b: {  	[sflag:s22] =	ssyncadd.s32 $0xFFFFC000  }
0x15c: {  	[spmem:s2] =	stream.indirect.scatter.add.f32 [tilespmem:s17], [sflag:$0x3], $0x80, s29, s20, $0xb8;
	[tilespmem:$0x1D400] =	vst v63  }
0x15d: {  	_ =	swait.ge [sflag:s23], $0x4000  }
0x15e: {  	[sflag:s23] =	ssyncset.done $0x0  }
0x15f: {  	[sflag:s23] =	ssyncadd.s32 $0xFFFFC000  }
0x160: {  	[tilespmem:s17], [sflag:$0x1] =	stream.indirect.gather [hbm4b:s4+s20], $0x80, s30, s20, $0xb8;
	[tilespmem:$0x1D400] =	vst v63  }
0x161: {  	_ =	swait.ge [sflag:s24], $0x4000  }
0x162: {  	[sflag:s24] =	ssyncset.done $0x0  }
0x163: {  	[sflag:s24] =	ssyncadd.s32 $0xFFFFC000  }
0x164: {  	[spmem:s2] =	stream.indirect.scatter.add.f32 [tilespmem:s21], [sflag:$0x4], $0x80, s31, s20, $0xb8;
	[tilespmem:$0x1D400] =	vst v63  }
0x165: {  	_ =	swait.ge [sflag:s25], $0x4000  }
0x166: {  	[sflag:s25] =	ssyncset.done $0x0  }
0x167: {  	[sflag:s25] =	ssyncadd.s32 $0xFFFFC000  }
0x168: {  	[tilespmem:s21], [sflag:$0x2] =	stream.indirect.gather [hbm4b:s4+s20], $0x80, s1, s20, $0xb8;
	[tilespmem:$0x1D400] =	vst v63  }
0x169: {  	_ =	swait.ge [sflag:s22], $0x4000  }
0x16a: {  	[sflag:s22] =	ssyncset.done $0x0  }
0x16b: {  	[sflag:s22] =	ssyncadd.s32 $0xFFFFC000  }
0x16c: {  	[spmem:s2] =	stream.indirect.scatter.add.f32 [tilespmem:s17], [sflag:$0x3], $0x80, s0, s20, $0xb8;
	[tilespmem:$0x1D400] =	vst v63  }
0x16d: {  	_ =	swait.ge [sflag:s23], $0x4000  }
0x16e: {  	[sflag:s23] =	ssyncset.done $0x0  }
0x16f: {  	[sflag:s23] =	ssyncadd.s32 $0xFFFFC000  }
0x170: {  	[tilespmem:s17], [sflag:$0x1] =	stream.indirect.gather [hbm4b:s4+s20], $0x80, s5, s20, $0xb8;
	[tilespmem:$0x1D400] =	vst v63  }
0x171: {  	_ =	swait.ge [sflag:s24], $0x4000  }
0x172: {  	[sflag:s24] =	ssyncset.done $0x0  }
0x173: {  	[sflag:s24] =	ssyncadd.s32 $0xFFFFC000  }
0x174: {  	[spmem:s2] =	stream.indirect.scatter.add.f32 [tilespmem:s21], [sflag:$0x4], $0x80, s11, s20, $0xb8;
	[tilespmem:$0x1D400] =	vst v63  }
0x175: {  	_ =	swait.ge [sflag:s25], $0x4000  }
0x176: {  	[sflag:s25] =	ssyncset.done $0x0  }
0x177: {  	[sflag:s25] =	ssyncadd.s32 $0xFFFFC000  }
0x178: {  	[tilespmem:s21], [sflag:$0x2] =	stream.indirect.gather [hbm4b:s4+s20], $0x80, s12, s20, $0xb8;
	[tilespmem:$0x1D400] =	vst v63  }
0x179: {  	_ =	swait.ge [sflag:s22], $0x4000  }
0x17a: {  	[sflag:s22] =	ssyncset.done $0x0  }
0x17b: {  	[sflag:s22] =	ssyncadd.s32 $0xFFFFC000  }
0x17c: {  	[spmem:s2] =	stream.indirect.scatter.add.f32 [tilespmem:s17], [sflag:$0x3], $0x80, s13, s20, $0xb8;
	[tilespmem:$0x1D400] =	vst v63  }
0x17d: {  	_ =	swait.ge [sflag:s23], $0x4000  }
0x17e: {  	[sflag:s23] =	ssyncset.done $0x0  }
0x17f: {  	[sflag:s23] =	ssyncadd.s32 $0xFFFFC000  }
0x180: {  	[tilespmem:s17], [sflag:$0x1] =	stream.indirect.gather [hbm4b:s4+s20], $0x80, s14, s20, $0xb8;
	[tilespmem:$0x1D400] =	vst v63  }
0x181: {  	_ =	swait.ge [sflag:s24], $0x4000  }
0x182: {  	[sflag:s24] =	ssyncset.done $0x0  }
0x183: {  	[sflag:s24] =	ssyncadd.s32 $0xFFFFC000  }
0x184: {  	[spmem:s2] =	stream.indirect.scatter.add.f32 [tilespmem:s21], [sflag:$0x4], $0x80, s15, s20, $0xb8;
	[tilespmem:$0x1D400] =	vst v63  }
0x185: {  	_ =	swait.ge [sflag:s25], $0x4000  }
0x186: {  	[sflag:s25] =	ssyncset.done $0x0  }
0x187: {  	[sflag:s25] =	ssyncadd.s32 $0xFFFFC000  }
0x188: {  	[tilespmem:s21], [sflag:$0x2] =	stream.indirect.gather [hbm4b:s4+s20], $0x80, s16, s20, $0xb8;
	[tilespmem:$0x1D400] =	vst v63  }
0x189: {  	_ =	swait.ge [sflag:s22], $0x4000  }
0x18a: {  	[sflag:s22] =	ssyncset.done $0x0  }
0x18b: {  	[sflag:s22] =	ssyncadd.s32 $0xFFFFC000  }
0x18c: {  	[spmem:s2] =	stream.indirect.scatter.add.f32 [tilespmem:s17], [sflag:$0x3], $0x80, s6, s20, $0xb8;
	[tilespmem:$0x1D400] =	vst v63  }
0x18d: {  	_ =	swait.ge [sflag:s24], $0x4000  }
0x18e: {  	[sflag:s24] =	ssyncset.done $0x0  }
0x18f: {  	p0 =	sne.s32 s10, $0x780;
	[sflag:s24] =	ssyncadd.s32 $0xFFFFC000  }
0x190: {  	[spmem:s2] =	stream.indirect.scatter.add.f32 [tilespmem:s21], [sflag:$0x4], $0x80, s7, s20, $0xb8;
	[tilespmem:$0x1D400] =	vst v63  }
.Ltmp0:
0x191: {  	_ =	swait.ge [sflag:s23], $0x4000;
	(pc) =	sbr.rel @p0 .LBB2_2-.Ltmp0, $4  }
0x192: {  	[sflag:s23] =	ssyncset.done $0x0  }
0x193: {  	[sflag:s23] =	ssyncadd.s32 $0xFFFFC000  }
0x194: {  	s3 =	smov.u32 s10;
	s10 =	sadd.s32 $0x280, s10;
	_ =	swait.ge [sflag:s25], $0x4000  }
0x195: {  	s9 =	smov.u32 s3;
	s8 =	rddreg [dreg:$0x3];
	[sflag:s25] =	ssyncset.done $0x0  }
0x196: {  	[sflag:s25] =	ssyncadd.s32 $0xFFFFC000;
	s3 =	sadd.s32 s9, s8  }
0x197: {  	[tilespmem:s19], [sflag:$0x5] =	stream.linear.gather [hbm4b:s3+s26], $0x1400, $0x38;
	[tilespmem:$0x1D400] =	vst v63  }
0x198: {  	_ =	swait.ge [sflag:s18], $0x1400  }
0x199: {  	[sflag:s18] =	ssyncset.done $0x0  }
0x19a: {  	[sflag:s18] =	ssyncadd.s32 $0xFFFFEC00  }
0x19b: {  	[tilespmem:s17], [sflag:$0x1] =	stream.indirect.gather [hbm4b:s4+s20], $0x80, s19, s20, $0xb8;
	[tilespmem:$0x1D400] =	vst v63  }
0x19c: {  	s8 =	rddreg [dreg:$0x4]  }
0x19d: {  	[tilespmem:s21], [sflag:$0x2] =	stream.indirect.gather [hbm4b:s4+s20], $0x80, s8, s20, $0xb8;
	[tilespmem:$0x1D400] =	vst v63  }
0x19e: {  	_ =	swait.ge [sflag:s22], $0x4000  }
0x19f: {  	[sflag:s22] =	ssyncset.done $0x0  }
0x1a0: {  	s9 =	rddreg [dreg:$0x5];
	[sflag:s22] =	ssyncadd.s32 $0xFFFFC000  }
0x1a1: {  	[spmem:s2] =	stream.indirect.scatter.add.f32 [tilespmem:s17], [sflag:$0x3], $0x80, s9, s20, $0xb8;
	[tilespmem:$0x1D400] =	vst v63  }
0x1a2: {  	_ =	swait.ge [sflag:s23], $0x4000  }
0x1a3: {  	[sflag:s23] =	ssyncset.done $0x0  }
0x1a4: {  	s10 =	rddreg [dreg:$0x6];
	[sflag:s23] =	ssyncadd.s32 $0xFFFFC000  }
0x1a5: {  	[tilespmem:s17], [sflag:$0x1] =	stream.indirect.gather [hbm4b:s4+s20], $0x80, s10, s20, $0xb8;
	[tilespmem:$0x1D400] =	vst v63  }
0x1a6: {  	_ =	swait.ge [sflag:s24], $0x4000  }
0x1a7: {  	[sflag:s24] =	ssyncset.done $0x0  }
0x1a8: {  	s26 =	rddreg [dreg:$0x7];
	[sflag:s24] =	ssyncadd.s32 $0xFFFFC000  }
0x1a9: {  	[spmem:s2] =	stream.indirect.scatter.add.f32 [tilespmem:s21], [sflag:$0x4], $0x80, s26, s20, $0xb8;
	[tilespmem:$0x1D400] =	vst v63  }
0x1aa: {  	_ =	swait.ge [sflag:s25], $0x4000  }
0x1ab: {  	[sflag:s25] =	ssyncset.done $0x0  }
0x1ac: {  	s8 =	rddreg [dreg:$0x8];
	[sflag:s25] =	ssyncadd.s32 $0xFFFFC000  }
0x1ad: {  	[tilespmem:s21], [sflag:$0x2] =	stream.indirect.gather [hbm4b:s4+s20], $0x80, s8, s20, $0xb8;
	[tilespmem:$0x1D400] =	vst v63  }
0x1ae: {  	_ =	swait.ge [sflag:s22], $0x4000  }
0x1af: {  	[sflag:s22] =	ssyncset.done $0x0  }
0x1b0: {  	s9 =	rddreg [dreg:$0x9];
	[sflag:s22] =	ssyncadd.s32 $0xFFFFC000  }
0x1b1: {  	[spmem:s2] =	stream.indirect.scatter.add.f32 [tilespmem:s17], [sflag:$0x3], $0x80, s9, s20, $0xb8;
	[tilespmem:$0x1D400] =	vst v63  }
0x1b2: {  	_ =	swait.ge [sflag:s23], $0x4000  }
0x1b3: {  	[sflag:s23] =	ssyncset.done $0x0  }
0x1b4: {  	s10 =	rddreg [dreg:$0xa];
	[sflag:s23] =	ssyncadd.s32 $0xFFFFC000  }
0x1b5: {  	[tilespmem:s17], [sflag:$0x1] =	stream.indirect.gather [hbm4b:s4+s20], $0x80, s10, s20, $0xb8;
	[tilespmem:$0x1D400] =	vst v63  }
0x1b6: {  	_ =	swait.ge [sflag:s24], $0x4000  }
0x1b7: {  	[sflag:s24] =	ssyncset.done $0x0  }
0x1b8: {  	s26 =	rddreg [dreg:$0xb];
	[sflag:s24] =	ssyncadd.s32 $0xFFFFC000  }
0x1b9: {  	[spmem:s2] =	stream.indirect.scatter.add.f32 [tilespmem:s21], [sflag:$0x4], $0x80, s26, s20, $0xb8;
	[tilespmem:$0x1D400] =	vst v63  }
0x1ba: {  	_ =	swait.ge [sflag:s25], $0x4000  }
0x1bb: {  	[sflag:s25] =	ssyncset.done $0x0  }
0x1bc: {  	s8 =	rddreg [dreg:$0xc];
	[sflag:s25] =	ssyncadd.s32 $0xFFFFC000  }
0x1bd: {  	[tilespmem:s21], [sflag:$0x2] =	stream.indirect.gather [hbm4b:s4+s20], $0x80, s8, s20, $0xb8;
	[tilespmem:$0x1D400] =	vst v63  }
0x1be: {  	_ =	swait.ge [sflag:s22], $0x4000  }
0x1bf: {  	[sflag:s22] =	ssyncset.done $0x0  }
0x1c0: {  	s9 =	rddreg [dreg:$0xd];
	[sflag:s22] =	ssyncadd.s32 $0xFFFFC000  }
0x1c1: {  	[spmem:s2] =	stream.indirect.scatter.add.f32 [tilespmem:s17], [sflag:$0x3], $0x80, s9, s20, $0xb8;
	[tilespmem:$0x1D400] =	vst v63  }
0x1c2: {  	_ =	swait.ge [sflag:s23], $0x4000  }
0x1c3: {  	[sflag:s23] =	ssyncset.done $0x0  }
0x1c4: {  	s10 =	rddreg [dreg:$0xe];
	[sflag:s23] =	ssyncadd.s32 $0xFFFFC000  }
0x1c5: {  	[tilespmem:s17], [sflag:$0x1] =	stream.indirect.gather [hbm4b:s4+s20], $0x80, s10, s20, $0xb8;
	[tilespmem:$0x1D400] =	vst v63  }
0x1c6: {  	_ =	swait.ge [sflag:s24], $0x4000  }
0x1c7: {  	[sflag:s24] =	ssyncset.done $0x0  }
0x1c8: {  	s26 =	rddreg [dreg:$0xf];
	[sflag:s24] =	ssyncadd.s32 $0xFFFFC000  }
0x1c9: {  	[spmem:s2] =	stream.indirect.scatter.add.f32 [tilespmem:s21], [sflag:$0x4], $0x80, s26, s20, $0xb8;
	[tilespmem:$0x1D400] =	vst v63  }
0x1ca: {  	_ =	swait.ge [sflag:s25], $0x4000  }
0x1cb: {  	[sflag:s25] =	ssyncset.done $0x0  }
0x1cc: {  	s8 =	rddreg [dreg:$0x10];
	[sflag:s25] =	ssyncadd.s32 $0xFFFFC000  }
0x1cd: {  	[tilespmem:s21], [sflag:$0x2] =	stream.indirect.gather [hbm4b:s4+s20], $0x80, s8, s20, $0xb8;
	[tilespmem:$0x1D400] =	vst v63  }
0x1ce: {  	_ =	swait.ge [sflag:s22], $0x4000  }
0x1cf: {  	[sflag:s22] =	ssyncset.done $0x0  }
0x1d0: {  	s9 =	rddreg [dreg:$0x11];
	[sflag:s22] =	ssyncadd.s32 $0xFFFFC000  }
0x1d1: {  	[spmem:s2] =	stream.indirect.scatter.add.f32 [tilespmem:s17], [sflag:$0x3], $0x80, s9, s20, $0xb8;
	[tilespmem:$0x1D400] =	vst v63  }
0x1d2: {  	_ =	swait.ge [sflag:s23], $0x4000  }
0x1d3: {  	[sflag:s23] =	ssyncset.done $0x0  }
0x1d4: {  	s10 =	rddreg [dreg:$0x12];
	[sflag:s23] =	ssyncadd.s32 $0xFFFFC000  }
0x1d5: {  	[tilespmem:s17], [sflag:$0x1] =	stream.indirect.gather [hbm4b:s4+s20], $0x80, s10, s20, $0xb8;
	[tilespmem:$0x1D400] =	vst v63  }
0x1d6: {  	_ =	swait.ge [sflag:s24], $0x4000  }
0x1d7: {  	[sflag:s24] =	ssyncset.done $0x0  }
0x1d8: {  	s26 =	rddreg [dreg:$0x13];
	[sflag:s24] =	ssyncadd.s32 $0xFFFFC000  }
0x1d9: {  	[spmem:s2] =	stream.indirect.scatter.add.f32 [tilespmem:s21], [sflag:$0x4], $0x80, s26, s20, $0xb8;
	[tilespmem:$0x1D400] =	vst v63  }
0x1da: {  	_ =	swait.ge [sflag:s25], $0x4000  }
0x1db: {  	[sflag:s25] =	ssyncset.done $0x0  }
0x1dc: {  	s8 =	rddreg [dreg:$0x14];
	[sflag:s25] =	ssyncadd.s32 $0xFFFFC000  }
0x1dd: {  	[tilespmem:s21], [sflag:$0x2] =	stream.indirect.gather [hbm4b:s4+s20], $0x80, s8, s20, $0xb8;
	[tilespmem:$0x1D400] =	vst v63  }
0x1de: {  	_ =	swait.ge [sflag:s22], $0x4000  }
0x1df: {  	[sflag:s22] =	ssyncset.done $0x0  }
0x1e0: {  	s9 =	rddreg [dreg:$0x15];
	[sflag:s22] =	ssyncadd.s32 $0xFFFFC000  }
0x1e1: {  	[spmem:s2] =	stream.indirect.scatter.add.f32 [tilespmem:s17], [sflag:$0x3], $0x80, s9, s20, $0xb8;
	[tilespmem:$0x1D400] =	vst v63  }
0x1e2: {  	_ =	swait.ge [sflag:s23], $0x4000  }
0x1e3: {  	[sflag:s23] =	ssyncset.done $0x0  }
0x1e4: {  	s10 =	rddreg [dreg:$0x16];
	[sflag:s23] =	ssyncadd.s32 $0xFFFFC000  }
0x1e5: {  	[tilespmem:s17], [sflag:$0x1] =	stream.indirect.gather [hbm4b:s4+s20], $0x80, s10, s20, $0xb8;
	[tilespmem:$0x1D400] =	vst v63  }
0x1e6: {  	_ =	swait.ge [sflag:s24], $0x4000  }
0x1e7: {  	[sflag:s24] =	ssyncset.done $0x0  }
0x1e8: {  	s26 =	rddreg [dreg:$0x17];
	[sflag:s24] =	ssyncadd.s32 $0xFFFFC000  }
0x1e9: {  	[spmem:s2] =	stream.indirect.scatter.add.f32 [tilespmem:s21], [sflag:$0x4], $0x80, s26, s20, $0xb8;
	[tilespmem:$0x1D400] =	vst v63  }
0x1ea: {  	_ =	swait.ge [sflag:s25], $0x4000  }
0x1eb: {  	[sflag:s25] =	ssyncset.done $0x0  }
0x1ec: {  	s8 =	rddreg [dreg:$0x18];
	[sflag:s25] =	ssyncadd.s32 $0xFFFFC000  }
0x1ed: {  	[tilespmem:s21], [sflag:$0x2] =	stream.indirect.gather [hbm4b:s4+s20], $0x80, s8, s20, $0xb8;
	[tilespmem:$0x1D400] =	vst v63  }
0x1ee: {  	_ =	swait.ge [sflag:s22], $0x4000  }
0x1ef: {  	[sflag:s22] =	ssyncset.done $0x0  }
0x1f0: {  	s9 =	rddreg [dreg:$0x19];
	[sflag:s22] =	ssyncadd.s32 $0xFFFFC000  }
0x1f1: {  	[spmem:s2] =	stream.indirect.scatter.add.f32 [tilespmem:s17], [sflag:$0x3], $0x80, s9, s20, $0xb8;
	[tilespmem:$0x1D400] =	vst v63  }
0x1f2: {  	_ =	swait.ge [sflag:s23], $0x4000  }
0x1f3: {  	[sflag:s23] =	ssyncset.done $0x0  }
0x1f4: {  	s10 =	rddreg [dreg:$0x1a];
	[sflag:s23] =	ssyncadd.s32 $0xFFFFC000  }
0x1f5: {  	[tilespmem:s17], [sflag:$0x1] =	stream.indirect.gather [hbm4b:s4+s20], $0x80, s10, s20, $0xb8;
	[tilespmem:$0x1D400] =	vst v63  }
0x1f6: {  	_ =	swait.ge [sflag:s24], $0x4000  }
0x1f7: {  	[sflag:s24] =	ssyncset.done $0x0  }
0x1f8: {  	s26 =	simm.s32 $0x14B80;
	[sflag:s24] =	ssyncadd.s32 $0xFFFFC000  }
0x1f9: {  	[spmem:s2] =	stream.indirect.scatter.add.f32 [tilespmem:s21], [sflag:$0x4], $0x80, s26, s20, $0xb8;
	[tilespmem:$0x1D400] =	vst v63  }
0x1fa: {  	_ =	swait.ge [sflag:s25], $0x4000  }
0x1fb: {  	[sflag:s25] =	ssyncset.done $0x0  }
0x1fc: {  	[sflag:s25] =	ssyncadd.s32 $0xFFFFC000  }
0x1fd: {  	[tilespmem:s21], [sflag:$0x2] =	stream.indirect.gather [hbm4b:s4+s20], $0x80, s28, s20, $0xb8;
	[tilespmem:$0x1D400] =	vst v63  }
0x1fe: {  	_ =	swait.ge [sflag:s22], $0x4000  }
0x1ff: {  	[sflag:s22] =	ssyncset.done $0x0  }
0x200: {  	[sflag:s22] =	ssyncadd.s32 $0xFFFFC000  }
0x201: {  	[spmem:s2] =	stream.indirect.scatter.add.f32 [tilespmem:s17], [sflag:$0x3], $0x80, s29, s20, $0xb8;
	[tilespmem:$0x1D400] =	vst v63  }
0x202: {  	_ =	swait.ge [sflag:s23], $0x4000  }
0x203: {  	[sflag:s23] =	ssyncset.done $0x0  }
0x204: {  	[sflag:s23] =	ssyncadd.s32 $0xFFFFC000  }
0x205: {  	[tilespmem:s17], [sflag:$0x1] =	stream.indirect.gather [hbm4b:s4+s20], $0x80, s30, s20, $0xb8;
	[tilespmem:$0x1D400] =	vst v63  }
0x206: {  	_ =	swait.ge [sflag:s24], $0x4000  }
0x207: {  	[sflag:s24] =	ssyncset.done $0x0  }
0x208: {  	[sflag:s24] =	ssyncadd.s32 $0xFFFFC000  }
0x209: {  	[spmem:s2] =	stream.indirect.scatter.add.f32 [tilespmem:s21], [sflag:$0x4], $0x80, s31, s20, $0xb8;
	[tilespmem:$0x1D400] =	vst v63  }
0x20a: {  	_ =	swait.ge [sflag:s25], $0x4000  }
0x20b: {  	[sflag:s25] =	ssyncset.done $0x0  }
0x20c: {  	[sflag:s25] =	ssyncadd.s32 $0xFFFFC000  }
0x20d: {  	[tilespmem:s21], [sflag:$0x2] =	stream.indirect.gather [hbm4b:s4+s20], $0x80, s1, s20, $0xb8;
	[tilespmem:$0x1D400] =	vst v63  }
0x20e: {  	_ =	swait.ge [sflag:s22], $0x4000  }
0x20f: {  	[sflag:s22] =	ssyncset.done $0x0  }
0x210: {  	[sflag:s22] =	ssyncadd.s32 $0xFFFFC000  }
0x211: {  	[spmem:s2] =	stream.indirect.scatter.add.f32 [tilespmem:s17], [sflag:$0x3], $0x80, s0, s20, $0xb8;
	[tilespmem:$0x1D400] =	vst v63  }
0x212: {  	_ =	swait.ge [sflag:s23], $0x4000  }
0x213: {  	[sflag:s23] =	ssyncset.done $0x0  }
0x214: {  	[sflag:s23] =	ssyncadd.s32 $0xFFFFC000  }
0x215: {  	[tilespmem:s17], [sflag:$0x1] =	stream.indirect.gather [hbm4b:s4+s20], $0x80, s5, s20, $0xb8;
	[tilespmem:$0x1D400] =	vst v63  }
0x216: {  	_ =	swait.ge [sflag:s24], $0x4000  }
0x217: {  	[sflag:s24] =	ssyncset.done $0x0  }
0x218: {  	[sflag:s24] =	ssyncadd.s32 $0xFFFFC000  }
0x219: {  	[spmem:s2] =	stream.indirect.scatter.add.f32 [tilespmem:s21], [sflag:$0x4], $0x80, s11, s20, $0xb8;
	[tilespmem:$0x1D400] =	vst v63  }
0x21a: {  	_ =	swait.ge [sflag:s25], $0x4000  }
0x21b: {  	[sflag:s25] =	ssyncset.done $0x0  }
0x21c: {  	[sflag:s25] =	ssyncadd.s32 $0xFFFFC000  }
0x21d: {  	[tilespmem:s21], [sflag:$0x2] =	stream.indirect.gather [hbm4b:s4+s20], $0x80, s12, s20, $0xb8;
	[tilespmem:$0x1D400] =	vst v63  }
0x21e: {  	_ =	swait.ge [sflag:s22], $0x4000  }
0x21f: {  	[sflag:s22] =	ssyncset.done $0x0  }
0x220: {  	[sflag:s22] =	ssyncadd.s32 $0xFFFFC000  }
0x221: {  	[spmem:s2] =	stream.indirect.scatter.add.f32 [tilespmem:s17], [sflag:$0x3], $0x80, s13, s20, $0xb8;
	[tilespmem:$0x1D400] =	vst v63  }
0x222: {  	_ =	swait.ge [sflag:s23], $0x4000  }
0x223: {  	[sflag:s23] =	ssyncset.done $0x0  }
0x224: {  	[sflag:s23] =	ssyncadd.s32 $0xFFFFC000  }
0x225: {  	[tilespmem:s17], [sflag:$0x1] =	stream.indirect.gather [hbm4b:s4+s20], $0x80, s14, s20, $0xb8;
	[tilespmem:$0x1D400] =	vst v63  }
0x226: {  	_ =	swait.ge [sflag:s24], $0x4000  }
0x227: {  	[sflag:s24] =	ssyncset.done $0x0  }
0x228: {  	[sflag:s24] =	ssyncadd.s32 $0xFFFFC000  }
0x229: {  	[spmem:s2] =	stream.indirect.scatter.add.f32 [tilespmem:s21], [sflag:$0x4], $0x80, s15, s20, $0xb8;
	[tilespmem:$0x1D400] =	vst v63  }
0x22a: {  	_ =	swait.ge [sflag:s25], $0x4000  }
0x22b: {  	[sflag:s25] =	ssyncset.done $0x0  }
0x22c: {  	[sflag:s25] =	ssyncadd.s32 $0xFFFFC000  }
0x22d: {  	[tilespmem:s21], [sflag:$0x2] =	stream.indirect.gather [hbm4b:s4+s20], $0x80, s16, s20, $0xb8;
	[tilespmem:$0x1D400] =	vst v63  }
0x22e: {  	_ =	swait.ge [sflag:s22], $0x4000  }
0x22f: {  	[sflag:s22] =	ssyncset.done $0x0  }
0x230: {  	[sflag:s22] =	ssyncadd.s32 $0xFFFFC000  }
0x231: {  	[spmem:s2] =	stream.indirect.scatter.add.f32 [tilespmem:s17], [sflag:$0x3], $0x80, s6, s20, $0xb8;
	[tilespmem:$0x1D400] =	vst v63  }
0x232: {  	_ =	swait.ge [sflag:s24], $0x4000  }
0x233: {  	[sflag:s24] =	ssyncset.done $0x0  }
0x234: {  	[sflag:s24] =	ssyncadd.s32 $0xFFFFC000  }
0x235: {  	[spmem:s2] =	stream.indirect.scatter.add.f32 [tilespmem:s21], [sflag:$0x4], $0x80, s7, s20, $0xb8;
	[tilespmem:$0x1D400] =	vst v63  }
0x236: {  	_ =	swait.ge [sflag:s23], $0x4000  }
0x237: {  	[sflag:s23] =	ssyncset.done $0x0  }
0x238: {  	[sflag:s23] =	ssyncadd.s32 $0xFFFFC000  }
0x239: {  	_ =	swait.ge [sflag:s25], $0x4000  }
0x23a: {  	[sflag:s25] =	ssyncset.done $0x0  }
0x23b: {  	[sflag:s25] =	ssyncadd.s32 $0xFFFFC000  }
0x23c: {  	[bflag:$0x0] =	sbarrier.arrive $0xFFFF  }
0x23d: {  	s8 =	stileid.u32;
	s10 =	sld [smem:$0x7F8]  }
0x23e: {  	s3 =	sshll.u32 s8, $0x6;
	s9 =	rddreg [dreg:$0x1c]  }
0x23f: {  	s3 =	sor.u32 $0x1C05, s3;
	s8 =	sshrl.u32 s9, $0x3  }
0x240: {  	[hbm:s10], [sflag:s3] =	dma.local [spmem:s8], $0x800  }
0x241: {  	_ =	swait.ge [sflag:s18], $0x800  }
0x242: {  	s10 =	sld [smem:$0x7F9]  }
0x243: {  	[sflag:s18] =	ssyncset.done $0x0;
	s9 =	rddreg [dreg:$0x1d]  }
0x244: {  	[sflag:s18] =	ssyncadd.s32 $0xFFFFF800;
	s26 =	sshrl.u32 s9, $0x3  }
0x245: {  	[hbm:s10], [sflag:s3] =	dma.local [spmem:s26], $0x800  }
0x246: {  	_ =	swait.ge [sflag:s18], $0x800  }
0x247: {  	s26 =	sld [smem:$0x7FA]  }
0x248: {  	[sflag:s18] =	ssyncset.done $0x0;
	s10 =	rddreg [dreg:$0x1e]  }
0x249: {  	[sflag:s18] =	ssyncadd.s32 $0xFFFFF800;
	s8 =	sshrl.u32 s10, $0x3  }
0x24a: {  	[hbm:s26], [sflag:s3] =	dma.local [spmem:s8], $0x800  }
0x24b: {  	_ =	swait.ge [sflag:s18], $0x800  }
0x24c: {  	s26 =	rddreg [dreg:$0x1f]  }
0x24d: {  	s8 =	sshrl.u32 s26, $0x3;
	s26 =	sld [smem:$0x7FB]  }
0x24e: {  	[sflag:s18] =	ssyncset.done $0x0  }
0x24f: {  	[sflag:s18] =	ssyncadd.s32 $0xFFFFF800  }
0x250: {  	[hbm:s26], [sflag:s3] =	dma.local [spmem:s8], $0x800  }
0x251: {  	_ =	swait.ge [sflag:s18], $0x800  }
0x252: {  	s26 =	sld [smem:$0x7F7];
	_ =	sdelay $0x2  }
0x253: {  	s8 =	sshrl.u32 s26, $0x3;
	s26 =	sld [smem:$0x7FC]  }
0x254: {  	[sflag:s18] =	ssyncset.done $0x0  }
0x255: {  	[sflag:s18] =	ssyncadd.s32 $0xFFFFF800  }
0x256: {  	[hbm:s26], [sflag:s3] =	dma.local [spmem:s8], $0x800  }
0x257: {  	s26 =	rddreg [dreg:$0x1c];
	_ =	swait.ge [sflag:s18], $0x800  }
0x258: {  	s3 =	sld [smem:$0x7F6];
	_ =	sdelay $0x2  }
0x259: {  	s8 =	sadd.s32 $0x1, s3;
	s3 =	sld [smem:$0x7FD];
	_ =	sdelay $0x2  }
0x25a: {  	p0 =	sne.s32 s8, s3  }
.Ltmp1:
0x25b: {  	_ = 	snop;
	(pc) =	sbr.rel @p0 .LBB2_1-.Ltmp1, $3  }
0x25c: {  	_ =	sdelay $0x1  }
0x25d: {  	[sflag:s18] =	ssyncset.done $0x0  }
0x25e: {  	[sflag:s18] =	ssyncadd.s32 $0xFFFFF800  }
0x25f: {  	_ =	sfence.sel $0x180000  }
0x260: {  	[bflag:$0x0] =	sbarrier.arrive $0xFFFF  }
0x261: {  	_ =	strace $0x9000004A  }
0x262: {  	s0 =	stileid.u32;
	[bflag:$0x2] =	sbarrier.arrive $0xFFFF  }
0x263: {  	p0 =	sne.s32 s0, $0x0;
	s0 =	rddreg [dreg:$0x2]  }
0x264: {  	s0 =	sadd.s32 @!p0 $0x100000, s0  }
0x265: {  	[sflag:s0] =	ssyncadd.tile.s32 @!p0 $0x1;
	_ =	shalt  }
.Lfunc_end2:
_tile_overlayer_lowered:
.L_overlay_start_2:
0x266: {  	(tag) =	ssettag $0x2  }
0x267: {  	s0 =	rddreg [dreg:$0x0];
	s2 =	stileid.u32  }
0x268: {  	s1 =	rddreg [dreg:$0x1];
	p0 =	sne.s32 s2, $0x0  }
0x269: {  	s3 =	rddreg [dreg:$0x2];
	[bflag:$0x3] =	sbarrier.arrive $0xFFFF;
	s2 =	simm.s32 @!p0 $0x1C05  }
0x26a: {  	[timem:s3], [sflag:s2] =	dma.local @!p0 [hbm:s0], s1  }
0x26b: {  	s0 =	simm.s32 @!p0 $0x5  }
0x26c: {  	_ =	swait.ge @!p0 [sflag:s0], s1  }
0x26d: {  	s1 =	ssub.s32 @!p0 $0x0, s1;
	[sflag:s0] =	ssyncset.done @!p0 $0x0  }
0x26e: {  	[sflag:s0] =	ssyncadd.s32 @!p0 s1  }
0x26f: {  	[bflag:$0x3] =	sbarrier.arrive $0xFFFF  }
0x270: {  	_ =	shalt  }

// kernel: kernel.14.cloned.1.call-start
scs
__scs_entry_jumppad:
0x0: {  	(pc) =	sbr.rel $0x88, $3  }
0x1: {  	(tag) =	ssettag $0x0;
	lr =	simm.s32 $0x1  }
0x2: {  	[smem:$0x3F98] =	sst lr;
	_ =	strace $0xD0000000  }
0x3: {  	_ = 	snop  }
0x4: {  	_ = 	snop  }
0x5: {  	_ = 	snop  }
0x6: {  	_ = 	snop  }
0x7: {  	_ = 	snop  }
__scs_overlays_trampoline_lowered:
0x8: {  	[smem:$0x3FA7] =	sst s0  }
0x9: {  	[smem:$0x3FA8] =	sst s1  }
0xa: {  	[smem:$0x3FA9] =	sst s2  }
0xb: {  	[smem:$0x3FAA] =	sst s3  }
0xc: {  	[smem:$0x3FAB] =	sst s4  }
0xd: {  	[smem:$0x3FAC] =	sst s5  }
0xe: {  	[smem:$0x3FAD] =	sst s6  }
0xf: {  	[smem:$0x3FAE] =	sst s7  }
0x10: {  	[smem:$0x3FAF] =	sst s8  }
0x11: {  	[smem:$0x3FB0] =	sst s9;
	s0 =	simm.s32 @!p0 $0x0  }
0x12: {  	s1 =	sld [smem:$0x3F96];
	s0 =	simm.s32 @p0 $0x1  }
0x13: {  	[smem:$0x3FB1] =	sst s0;
	s0 =	simm.s32 @!p1 $0x0  }
0x14: {  	s2 =	sld [smem:$0x3F95];
	s0 =	simm.s32 @p1 $0x1  }
0x15: {  	[smem:$0x3FB2] =	sst s0;
	s0 =	simm.s32 @!p2 $0x0  }
0x16: {  	s3 =	sld [smem:$0x3FDB];
	s0 =	simm.s32 @p2 $0x1  }
0x17: {  	s4 =	simm.s32 $0x1BF5;
	[smem:$0x3FB4] =	sst s0  }
0x18: {  	s0 =	sld [smem:$0x3F97];
	_ =	swait.ge [sflag:s4], $0x0  }
0x19: {  	s7 =	sld [smem:$0x3F98]  }
0x1a: {  	s8 =	sadd.s32 $0xFFFFE003, lr  }
0x1b: {  	s9 =	sadd.s32 $0xFFFFFEF7, lr;
	s5 =	simm.s32 $0xFFFFFFFF;
	p2 =	slt.u32 s8, $0xFFFFF086  }
0x1c: {  	p1 =	slt.u32 s9, $0xF7A;
	s5 =	simm.s32 @!p2 $0x0  }
0x1d: {  	s5 =	simm.s32 @p1 $0x1;
	p0 =	seq.s32 s7, s2  }
0x1e: {  	s7 =	smul.u32 @!p0 $0xF7A, s2;
	p2 =	seq.s32 @!p0 s5, $0x0  }
0x1f: {  	s9 =	smul.u32 $0xF7A, s1;
	s8 =	simm.s32 @!p0 $0x1BF5;
	p2 =	por !p2, p0  }
0x20: {  	[sflag:s8] =	ssyncset.s32 @!p0 $0xFFFFF086;
	s6 =	sadd.s32 @!p0 s3, s7;
	s7 =	simm.s32 @!p0 $0x108  }
0x21: {  	s3 =	sadd.s32 s3, s9;
	s6 =	sadd.s32 @!p0 $0x88, s6;
	s7 =	simm.s32 @p2 $0x1082  }
0x22: {  	[simem:s7], [sflag:s8] =	dma.local @!p0 [hbm:s6], $0xF7A  }
0x23: {  	s9 =	sor.u32 $0xD0000000, s2;
	s6 =	simm.s32 $0x108;
	_ =	swait.ge @!p0 [sflag:s8], $0x0  }
0x24: {  	s3 =	sadd.s32 $0x88, s3;
	s6 =	simm.s32 @!p1 $0x1082;
	[sflag:s4] =	ssyncset.s32 $0xFFFFF086  }
0x25: {  	[simem:s6], [sflag:s4] =	dma.local [hbm:s3], $0xF7A  }
0x26: {  	[smem:$0x3F98] =	sst s1;
	(tag) =	ssettag s2;
	_ =	strace s9  }
0x27: {  	s1 =	sld [smem:$0x3FA8]  }
0x28: {  	s2 =	sld [smem:$0x3FA9]  }
0x29: {  	s4 =	sld [smem:$0x3FAB]  }
0x2a: {  	p0 =	seq.s32 s5, $0x0;
	s5 =	sld [smem:$0x3FAC]  }
0x2b: {  	s6 =	sld [smem:$0x3FAD]  }
0x2c: {  	s7 =	sld [smem:$0x3FAE]  }
0x2d: {  	s3 =	simm.s32 $0x108;
	s8 =	sld [smem:$0x3FAF]  }
0x2e: {  	s3 =	simm.s32 @!p0 $0x1082;
	s9 =	sld [smem:$0x3FB0]  }
0x2f: {  	lr =	sadd.s32 s0, s3;
	s0 =	sld [smem:$0x3FA7]  }
0x30: {  	s3 =	sld [smem:$0x3FAA]  }
0x31: {  	[smem:$0x3FB3] =	sst s10  }
0x32: {  	s10 =	sld [smem:$0x3FB1];
	_ =	sdelay $0x3  }
0x33: {  	p0 =	seq.s32 s10, $0x1;
	s10 =	sld [smem:$0x3FB3];
	_ =	sdelay $0x3  }
0x34: {  	[smem:$0x3FB3] =	sst s10  }
0x35: {  	s10 =	sld [smem:$0x3FB2];
	_ =	sdelay $0x3  }
0x36: {  	p1 =	seq.s32 s10, $0x1;
	s10 =	sld [smem:$0x3FB3];
	_ =	sdelay $0x3  }
0x37: {  	[smem:$0x3FB3] =	sst s10  }
0x38: {  	s10 =	sld [smem:$0x3FB4]  }
0x39: {  	_ = 	snop;
	(pc) =	sbr.ind lr, $3  }
0x3a: {  	_ = 	snop  }
0x3b: {  	_ = 	snop  }
0x3c: {  	p2 =	seq.s32 s10, $0x1;
	s10 =	sld [smem:$0x3FB3]  }
0x3d: {  	_ =	shalt  }
0x3e: {  	_ =	shalt  }
0x3f: {  	_ =	shalt  }
0x40: {  	_ =	shalt  }
0x41: {  	_ =	shalt  }
0x42: {  	_ =	shalt  }
0x43: {  	_ =	shalt  }
0x44: {  	_ =	shalt  }
0x45: {  	_ =	shalt  }
0x46: {  	_ =	shalt  }
0x47: {  	_ =	shalt  }
0x48: {  	_ =	shalt  }
0x49: {  	_ =	shalt  }
0x4a: {  	_ =	shalt  }
0x4b: {  	_ =	shalt  }
0x4c: {  	_ =	shalt  }
0x4d: {  	_ =	shalt  }
0x4e: {  	_ =	shalt  }
0x4f: {  	_ =	shalt  }
0x50: {  	_ =	shalt  }
0x51: {  	_ =	shalt  }
0x52: {  	_ =	shalt  }
0x53: {  	_ =	shalt  }
0x54: {  	_ =	shalt  }
0x55: {  	_ =	shalt  }
0x56: {  	_ =	shalt  }
0x57: {  	_ =	shalt  }
0x58: {  	_ =	shalt  }
0x59: {  	_ =	shalt  }
0x5a: {  	_ =	shalt  }
0x5b: {  	_ =	shalt  }
0x5c: {  	_ =	shalt  }
0x5d: {  	_ =	shalt  }
0x5e: {  	_ =	shalt  }
0x5f: {  	_ =	shalt  }
0x60: {  	_ =	shalt  }
0x61: {  	_ =	shalt  }
0x62: {  	_ =	shalt  }
0x63: {  	_ =	shalt  }
0x64: {  	_ =	shalt  }
0x65: {  	_ =	shalt  }
0x66: {  	_ =	shalt  }
0x67: {  	_ =	shalt  }
0x68: {  	_ =	shalt  }
0x69: {  	_ =	shalt  }
0x6a: {  	_ =	shalt  }
0x6b: {  	_ =	shalt  }
0x6c: {  	_ =	shalt  }
0x6d: {  	_ =	shalt  }
0x6e: {  	_ =	shalt  }
0x6f: {  	_ =	shalt  }
0x70: {  	_ =	shalt  }
0x71: {  	_ =	shalt  }
0x72: {  	_ =	shalt  }
0x73: {  	_ =	shalt  }
0x74: {  	_ =	shalt  }
0x75: {  	_ =	shalt  }
0x76: {  	_ =	shalt  }
0x77: {  	_ =	shalt  }
0x78: {  	_ =	shalt  }
0x79: {  	_ =	shalt  }
0x7a: {  	_ =	shalt  }
0x7b: {  	_ =	shalt  }
0x7c: {  	_ =	shalt  }
0x7d: {  	_ =	shalt  }
0x7e: {  	_ =	shalt  }
0x7f: {  	_ =	shalt  }
0x80: {  	_ =	shalt  }
0x81: {  	_ =	shalt  }
0x82: {  	_ =	shalt  }
0x83: {  	_ =	shalt  }
0x84: {  	_ =	shalt  }
0x85: {  	_ =	shalt  }
0x86: {  	_ =	shalt  }
0x87: {  	_ =	shalt  }
.Lfunc_end0:
.L_simem_size_0:
called_computation.2_lowered:
.L_overlay_start_0:
0x88: {  	s2 =	sld [smem:$0x3FD9]  }
0x89: {  	s3 =	sld [smem:$0x3FFE];
	_ =	sdelay $0x1  }
0x8a: {  	s1 =	srdreg.scid  }
0x8b: {  	s0 =	sand.u32 $0x1, s1  }
0x8c: {  	s16 =	sshll.u32 s0, $0xA;
	s2 =	sadd.s32 s3, s2  }
0x8d: {  	s2 =	sadd.s32 s2, s16  }
0x8e: {  	[smem:$0x3FBF] =	sst s2  }
0x8f: {  	_ = 	snop  }
0x90: {  	(tm) =	ssettm $0x1  }
0x91: {  	s17 =	sld [smem:$0x3FFB];
	_ =	sdelay $0x3  }
0x92: {  	_ =	strace s17  }
0x93: {  	s2 =	sld [smem:$0x3FFC];
	_ =	sdelay $0x3  }
0x94: {  	_ =	strace s2  }
0x95: {  	s2 =	sld [smem:$0x3FFD];
	_ =	sdelay $0x3  }
0x96: {  	_ =	strace s2  }
0x97: {  	_ =	strace $0x8FFFFFFF  }
0x98: {  	s18 =	sld [smem:$0x3FDB];
	_ =	sdelay $0x1  }
0x99: {  	s19 =	simm.s32 $_scs_section_size  }
0x9a: {  	s4 =	simm.s32 $_size__tile_overlayer_lowered;
	s5 =	simm.s32 $_tile_overlayer_lowered  }
0x9b: {  	s22 =	simm.s32 $0x1BFF;
	s21 =	sshll.u32 s5, $0x1;
	s2 =	sadd.s32 s19, s18  }
0x9c: {  	s6 =	simm.s32 $0x0;
	s20 =	sshll.u32 s4, $0x1;
	s4 =	sadd.s32 s21, s2  }
0x9d: {  	[timem:s6], [sflag:s22] =	dma.local [hbm:s4], s20  }
0x9e: {  	_ =	swait.ge [sflag:s22], s20  }
0x9f: {  	s3 =	ssub.s32 $0x0, s20;
	[sflag:s22] =	ssyncset.done $0x0  }
0xa0: {  	[sflag:s22] =	ssyncadd.s32 s3;
	_ =	sdelay $0x1  }
0xa1: {  	s23 =	simm.s32 $0x1B8B  }
0xa2: {  	_ =	swait.ge [sflag:s23], $0x1  }
0xa3: {  	[sflag:s23] =	ssyncset.done $0x0  }
0xa4: {  	s25 =	simm.s32 $0x1B8E;
	s24 =	sld [smem:$0x3FFE];
	[sflag:s23] =	ssyncadd.s32 $0xFFFFFFFF  }
0xa5: {  	s26 =	simm.s32 $execute0_lowered;
	[smem:$0x3FD2] =	sst s25  }
0xa6: {  	s4 =	sshll.u32 s26, $0x1;
	_ =	strace $0x8000004C;
	[dreg:$0x1] =	wrdreg $0xFFFFFFFF  }
0xa7: {  	s28 =	simm.s32 $_size_execute0_lowered;
	s2 =	sadd.s32 s2, s4;
	[dreg:$0x0] =	wrdreg $0x0  }
0xa8: {  	s4 =	sshll.u32 s28, $0x1;
	[dreg:$0x2] =	wrdreg s2  }
0xa9: {  	[dreg:$0x3] =	wrdreg s4  }
0xaa: {  	[dreg:$0x4] =	wrdreg $0xC0  }
0xab: {  	_ =	task [dreg:s6], $0x5FFFF  }
0xac: {  	[dreg:$0x1] =	wrdreg $0xFFFFFFFF  }
0xad: {  	[dreg:$0x0] =	wrdreg $0x60  }
0xae: {  	[dreg:$0x2] =	wrdreg s24  }
0xaf: {  	[dreg:$0x3] =	wrdreg $0x0  }
0xb0: {  	[dreg:$0x4] =	wrdreg $0x9  }
0xb1: {  	_ =	task.clear_ibuf [dreg:s6], $0x5FFFF;
	_ =	strace $0x9000004C  }
0xb2: {  	s29 =	simm.s32 $0x9;
	_ =	strace $0x8000004E  }
0xb3: {  	_ =	swait.ge [sflag:s29], $0x1  }
0xb4: {  	[sflag:s29] =	ssyncadd.s32 $0xFFFFFFFF  }
0xb5: {  	_ =	strace $0x9000004E  }
0xb6: {  	_ =	sfence  }
0xb7: {  	s30 =	sld [smem:$0x0];
	_ =	sdelay $0x2  }
0xb8: {  	s31 =	sshll.u32 s1, $0xD;
	s1 =	sshrl.u32 s1, $0x2  }
0xb9: {  	s3 =	sand.u32 $0x4000, s31;
	s1 =	sadd.s32 s1, s30  }
0xba: {  	s0 =	sor.u32 s3, s0;
	s1 =	sshll.u32 s1, $0x11  }
0xbb: {  	s0 =	sor.u32 s1, s0  }
0xbc: {  	s0 =	sadd.s32 $0x8F2B, s0  }
0xbd: {  	[sflag:s0] =	ssyncadd.remote.s32 $0x1  }
0xbe: {  	_ =	sfence.sel $0xFFFF  }
0xbf: {  	[dreg:$0x0] =	wrdreg $0xFFFFFFFF;
	(pc) =	sbr.abs _section_cstart, $3  }
0xc0: {  	[dreg:$0x1] =	wrdreg $0xFFFFFFFF  }
0xc1: {  	_ =	task.clear_ibuf [dreg:s6], $0x2FFFF;
	_ =	strace $0x9FFFFFFF  }
0xc2: {  	(tm) =	ssettm $0x7FFFFFFF  }
0xc3: {  	_ =	shalt  }
tec
execute0_lowered:
.L_overlay_start_1:
0x0: {  	(tag) =	ssettag $0x1  }
0x1: {  	s0 =	rddreg [dreg:$0x0]  }
0x2: {  	s1 =	srdreg.scid;
	s3 =	stileid.u32  }
0x3: {  	s2 =	rddreg [dreg:$0x1];
	s6 =	simm.s32 $0x0;
	s14 =	simm.s32 $0x14080  }
0x4: {  	s15 =	simm.s32 $0x14200;
	s16 =	simm.s32 $0x14180;
	s17 =	simm.s32 $0x14300  }
0x5: {  	s18 =	simm.s32 $0x14280;
	[smem:$0x7FF] =	sst s6;
	s7 =	sadd.s32 $0x17200, s0  }
0x6: {  	s20 =	simm.s32 $0x14400;
	_ =	strace $0x8000004D;
	[dreg:$0x1b] =	wrdreg s7  }
0x7: {  	s28 =	simm.s32 $0x14D00;
	s29 =	simm.s32 $0x14C80;
	[dreg:$0x5] =	wrdreg s14  }
0x8: {  	s30 =	simm.s32 $0x14E00;
	s4 =	smul.u32 $0xA000, s3;
	[dreg:$0x6] =	wrdreg s15  }
0x9: {  	s31 =	simm.s32 $0x14D80;
	s21 =	smul.u32 $0x50000, s3;
	[dreg:$0x7] =	wrdreg s16  }
0xa: {  	s1 =	sand.u32 $0x1, s1;
	s9 =	smul.u32 $0x14000, s3;
	[dreg:$0x8] =	wrdreg s17  }
0xb: {  	s5 =	smul.u32 $0x5000, s1;
	s22 =	ssub.s32 $0x2, s1;
	[dreg:$0x9] =	wrdreg s18  }
0xc: {  	s1 =	smul.u32 $0x140000, s1;
	[dreg:$0xa] =	wrdreg s20;
	s14 =	simm.s32 $0x14700  }
0xd: {  	s15 =	simm.s32 $0x14680;
	s16 =	simm.s32 $0x14800;
	[dreg:$0x10] =	wrdreg s14  }
0xe: {  	s17 =	simm.s32 $0x14780;
	s20 =	simm.s32 $0x14880;
	[dreg:$0x11] =	wrdreg s15  }
0xf: {  	s8 =	sshrl.u32 s22, $0x1;
	s6 =	sshrl.u32 s21, $0x2;
	[dreg:$0x12] =	wrdreg s16  }
0x10: {  	s23 =	sadd.s32 $0x4000, s9;
	s24 =	sadd.s32 $0x8000, s9;
	[dreg:$0x13] =	wrdreg s17  }
0x11: {  	s10 =	sadd.s32 $0xC000, s9;
	s17 =	simm.s32 $0x15400;
	[dreg:$0x15] =	wrdreg s20  }
0x12: {  	s20 =	simm.s32 $0x80;
	s14 =	simm.s32 $0x15200;
	s15 =	simm.s32 $0x15180  }
0x13: {  	s16 =	simm.s32 $0x15300;
	s5 =	sadd.s32 s5, s4;
	s4 =	sadd.s32 $0x17A00, s0  }
0x14: {  	s7 =	ssub.s32 s22, s8;
	s26 =	sadd.s32 s6, s2;
	s25 =	sadd.s32 s23, s2  }
0x15: {  	s12 =	sadd.s32 s24, s2;
	s11 =	sadd.s32 s10, s2;
	s6 =	sadd.s32 s1, s23  }
0x16: {  	s21 =	sadd.s32 s1, s24;
	s22 =	simm.s32 $0x14380;
	[dreg:$0x1f] =	wrdreg s11  }
0x17: {  	s23 =	simm.s32 $0x14500;
	s3 =	sadd.s32 s1, s10;
	[dreg:$0xb] =	wrdreg s22  }
0x18: {  	s8 =	simm.s32 $0x14600;
	s5 =	sshrl.u32 s5, $0x3;
	[dreg:$0xc] =	wrdreg s23  }
0x19: {  	s11 =	sadd.s32 $0x10000, s9;
	s9 =	sadd.s32 s9, s1;
	[dreg:$0xe] =	wrdreg s8  }
0x1a: {  	s10 =	smov.u32 s12;
	s12 =	simm.s32 $0x14580;
	[dreg:$0x1c] =	wrdreg s26  }
0x1b: {  	s6 =	sshrl.u32 s6, $0x3;
	s18 =	smax.u32 s7, $0x1;
	[dreg:$0xf] =	wrdreg s12  }
0x1c: {  	s22 =	simm.s32 $0x14980;
	s23 =	simm.s32 $0x14B00;
	[smem:$0x7FD] =	sst s18  }
0x1d: {  	s7 =	simm.s32 $0x15380;
	s8 =	simm.s32 $0x0;
	[dreg:$0x17] =	wrdreg s22  }
0x1e: {  	s5 =	sadd.s32 s5, s0;
	s0 =	sadd.s32 $0x3EC00, s0;
	[dreg:$0x18] =	wrdreg s23  }
0x1f: {  	s13 =	sadd.s32 s11, s2;
	s9 =	sshrl.u32 s9, $0x3;
	[dreg:$0x1e] =	wrdreg s10  }
0x20: {  	s1 =	sadd.s32 s1, s11;
	s5 =	sadd.s32 $0x2A00, s5;
	[smem:$0x7F7] =	sst s13  }
0x21: {  	s18 =	simm.s32 $0x5;
	s13 =	simm.s32 $0x14100;
	[dreg:$0x3] =	wrdreg s5  }
0x22: {  	s22 =	simm.s32 $0x1;
	s9 =	sadd.s32 s0, s9;
	[dreg:$0x4] =	wrdreg s13  }
0x23: {  	s23 =	simm.s32 $0x3;
	s19 =	sadd.s32 s0, s6;
	[smem:$0x7F8] =	sst s9  }
0x24: {  	s6 =	sshrl.u32 s21, $0x3;
	s21 =	simm.s32 $0x14A00;
	[smem:$0x7F9] =	sst s19  }
0x25: {  	s11 =	simm.s32 $0x14F80;
	s24 =	sadd.s32 s0, s6;
	[dreg:$0x16] =	wrdreg s21  }
0x26: {  	s9 =	smov.u32 s25;
	s25 =	simm.s32 $0x14480;
	[smem:$0x7FA] =	sst s24  }
0x27: {  	s12 =	simm.s32 $0x15100;
	s19 =	simm.s32 $0x14900;
	[dreg:$0xd] =	wrdreg s25  }
0x28: {  	s1 =	sshrl.u32 s1, $0x3;
	s6 =	sshrl.u32 s3, $0x3;
	[dreg:$0x14] =	wrdreg s19  }
0x29: {  	s21 =	simm.s32 $0x19400;
	s13 =	sadd.s32 s0, s6;
	[dreg:$0x1d] =	wrdreg s9  }
0x2a: {  	s5 =	simm.s32 $0x15000;
	s0 =	sadd.s32 s0, s1;
	[smem:$0x7FB] =	sst s13  }
0x2b: {  	s19 =	simm.s32 $0x14000;
	s24 =	simm.s32 $0x14A80;
	[smem:$0x7FC] =	sst s0  }
0x2c: {  	s25 =	simm.s32 $0x14C00;
	s1 =	simm.s32 $0x14F00;
	[dreg:$0x19] =	wrdreg s24  }
0x2d: {  	s6 =	simm.s32 $0x15280;
	s24 =	simm.s32 $0x2;
	[dreg:$0x1a] =	wrdreg s25  }
0x2e: {  	s25 =	simm.s32 $0x4;
	s0 =	simm.s32 $0x14E80;
	s13 =	simm.s32 $0x15080  }
.LBB2_1:
0x2f: {  	[smem:$0x7F6] =	sst s8  }
0x30: {  	s3 =	simm.s32 $0x0;
	s8 =	rddreg [dreg:$0x1b]  }
0x31: {  	[tilespmem:s17], [sflag:$0x5] =	stream.linear.gather [hbm4b:s8+s3], $0x4000, $0x38;
	[tilespmem:$0x1D400] =	vst v63  }
0x32: {  	_ =	swait.ge [sflag:s18], $0x4000  }
0x33: {  	[sflag:s18] =	ssyncset.done $0x0  }
0x34: {  	[sflag:s18] =	ssyncadd.s32 $0xFFFFC000  }
0x35: {  	[spmem:s26] =	stream.linear.scatter [tilespmem:s17], [sflag:$0x5], $0x4000, $0x38;
	[tilespmem:$0x1D400] =	vst v63  }
0x36: {  	_ =	swait.ge [sflag:s18], $0x4000  }
0x37: {  	[sflag:s18] =	ssyncset.done $0x0  }
0x38: {  	[sflag:s18] =	ssyncadd.s32 $0xFFFFC000  }
0x39: {  	[spmem:s9] =	stream.linear.scatter [tilespmem:s17], [sflag:$0x5], $0x4000, $0x38;
	[tilespmem:$0x1D400] =	vst v63  }
0x3a: {  	_ =	swait.ge [sflag:s18], $0x4000  }
0x3b: {  	[sflag:s18] =	ssyncset.done $0x0  }
0x3c: {  	[sflag:s18] =	ssyncadd.s32 $0xFFFFC000  }
0x3d: {  	[spmem:s10] =	stream.linear.scatter [tilespmem:s17], [sflag:$0x5], $0x4000, $0x38;
	[tilespmem:$0x1D400] =	vst v63  }
0x3e: {  	_ =	swait.ge [sflag:s18], $0x4000  }
0x3f: {  	[sflag:s18] =	ssyncset.done $0x0  }
0x40: {  	s9 =	rddreg [dreg:$0x1f];
	[sflag:s18] =	ssyncadd.s32 $0xFFFFC000  }
0x41: {  	[spmem:s9] =	stream.linear.scatter [tilespmem:s17], [sflag:$0x5], $0x4000, $0x38;
	[tilespmem:$0x1D400] =	vst v63  }
0x42: {  	_ =	swait.ge [sflag:s18], $0x4000  }
0x43: {  	s10 =	sld [smem:$0x7F7]  }
0x44: {  	[sflag:s18] =	ssyncset.done $0x0  }
0x45: {  	[sflag:s18] =	ssyncadd.s32 $0xFFFFC000  }
0x46: {  	[spmem:s10] =	stream.linear.scatter [tilespmem:s17], [sflag:$0x5], $0x4000, $0x38;
	[tilespmem:$0x1D400] =	vst v63  }
0x47: {  	_ =	swait.ge [sflag:s18], $0x4000  }
0x48: {  	[sflag:s18] =	ssyncset.done $0x0  }
0x49: {  	[sflag:s18] =	ssyncadd.s32 $0xFFFFC000  }
0x4a: {  	[bflag:$0x0] =	sbarrier.arrive $0xFFFF  }
0x4b: {  	s26 =	rddreg [dreg:$0x3]  }
0x4c: {  	s8 =	sadd.s32 $0x0, s26  }
0x4d: {  	[tilespmem:s19], [sflag:$0x5] =	stream.linear.gather [hbm4b:s8+s3], $0x1400, $0x38;
	[tilespmem:$0x1D400] =	vst v63  }
0x4e: {  	_ =	swait.ge [sflag:s18], $0x1400  }
0x4f: {  	[sflag:s18] =	ssyncset.done $0x0  }
0x50: {  	[sflag:s18] =	ssyncadd.s32 $0xFFFFEC00  }
0x51: {  	[tilespmem:s17], [sflag:$0x1] =	stream.indirect.gather [hbm4b:s4+s20], $0x80, s19, s20, $0xb8;
	[tilespmem:$0x1D400] =	vst v63  }
0x52: {  	s3 =	rddreg [dreg:$0x4]  }
0x53: {  	[tilespmem:s21], [sflag:$0x2] =	stream.indirect.gather [hbm4b:s4+s20], $0x80, s3, s20, $0xb8;
	[tilespmem:$0x1D400] =	vst v63  }
0x54: {  	_ =	swait.ge [sflag:s22], $0x4000  }
0x55: {  	[sflag:s22] =	ssyncset.done $0x0  }
0x56: {  	s9 =	rddreg [dreg:$0x5];
	[sflag:s22] =	ssyncadd.s32 $0xFFFFC000  }
0x57: {  	[spmem:s2] =	stream.indirect.scatter.add.f32 [tilespmem:s17], [sflag:$0x3], $0x80, s9, s20, $0xb8;
	[tilespmem:$0x1D400] =	vst v63  }
0x58: {  	_ =	swait.ge [sflag:s23], $0x4000  }
0x59: {  	[sflag:s23] =	ssyncset.done $0x0  }
0x5a: {  	s10 =	rddreg [dreg:$0x6];
	[sflag:s23] =	ssyncadd.s32 $0xFFFFC000  }
0x5b: {  	[tilespmem:s17], [sflag:$0x1] =	stream.indirect.gather [hbm4b:s4+s20], $0x80, s10, s20, $0xb8;
	[tilespmem:$0x1D400] =	vst v63  }
0x5c: {  	_ =	swait.ge [sflag:s24], $0x4000  }
0x5d: {  	[sflag:s24] =	ssyncset.done $0x0  }
0x5e: {  	s3 =	rddreg [dreg:$0x7];
	[sflag:s24] =	ssyncadd.s32 $0xFFFFC000  }
0x5f: {  	[spmem:s2] =	stream.indirect.scatter.add.f32 [tilespmem:s21], [sflag:$0x4], $0x80, s3, s20, $0xb8;
	[tilespmem:$0x1D400] =	vst v63  }
0x60: {  	_ =	swait.ge [sflag:s25], $0x4000  }
0x61: {  	[sflag:s25] =	ssyncset.done $0x0  }
0x62: {  	s9 =	rddreg [dreg:$0x8];
	[sflag:s25] =	ssyncadd.s32 $0xFFFFC000  }
0x63: {  	[tilespmem:s21], [sflag:$0x2] =	stream.indirect.gather [hbm4b:s4+s20], $0x80, s9, s20, $0xb8;
	[tilespmem:$0x1D400] =	vst v63  }
0x64: {  	_ =	swait.ge [sflag:s22], $0x4000  }
0x65: {  	[sflag:s22] =	ssyncset.done $0x0  }
0x66: {  	s10 =	rddreg [dreg:$0x9];
	[sflag:s22] =	ssyncadd.s32 $0xFFFFC000  }
0x67: {  	[spmem:s2] =	stream.indirect.scatter.add.f32 [tilespmem:s17], [sflag:$0x3], $0x80, s10, s20, $0xb8;
	[tilespmem:$0x1D400] =	vst v63  }
0x68: {  	_ =	swait.ge [sflag:s23], $0x4000  }
0x69: {  	[sflag:s23] =	ssyncset.done $0x0  }
0x6a: {  	s3 =	rddreg [dreg:$0xa];
	[sflag:s23] =	ssyncadd.s32 $0xFFFFC000  }
0x6b: {  	[tilespmem:s17], [sflag:$0x1] =	stream.indirect.gather [hbm4b:s4+s20], $0x80, s3, s20, $0xb8;
	[tilespmem:$0x1D400] =	vst v63  }
0x6c: {  	_ =	swait.ge [sflag:s24], $0x4000  }
0x6d: {  	[sflag:s24] =	ssyncset.done $0x0  }
0x6e: {  	s9 =	rddreg [dreg:$0xb];
	[sflag:s24] =	ssyncadd.s32 $0xFFFFC000  }
0x6f: {  	[spmem:s2] =	stream.indirect.scatter.add.f32 [tilespmem:s21], [sflag:$0x4], $0x80, s9, s20, $0xb8;
	[tilespmem:$0x1D400] =	vst v63  }
0x70: {  	_ =	swait.ge [sflag:s25], $0x4000  }
0x71: {  	[sflag:s25] =	ssyncset.done $0x0  }
0x72: {  	s10 =	rddreg [dreg:$0xc];
	[sflag:s25] =	ssyncadd.s32 $0xFFFFC000  }
0x73: {  	[tilespmem:s21], [sflag:$0x2] =	stream.indirect.gather [hbm4b:s4+s20], $0x80, s10, s20, $0xb8;
	[tilespmem:$0x1D400] =	vst v63  }
0x74: {  	_ =	swait.ge [sflag:s22], $0x4000  }
0x75: {  	[sflag:s22] =	ssyncset.done $0x0  }
0x76: {  	s3 =	rddreg [dreg:$0xd];
	[sflag:s22] =	ssyncadd.s32 $0xFFFFC000  }
0x77: {  	[spmem:s2] =	stream.indirect.scatter.add.f32 [tilespmem:s17], [sflag:$0x3], $0x80, s3, s20, $0xb8;
	[tilespmem:$0x1D400] =	vst v63  }
0x78: {  	_ =	swait.ge [sflag:s23], $0x4000  }
0x79: {  	[sflag:s23] =	ssyncset.done $0x0  }
0x7a: {  	s9 =	rddreg [dreg:$0xe];
	[sflag:s23] =	ssyncadd.s32 $0xFFFFC000  }
0x7b: {  	[tilespmem:s17], [sflag:$0x1] =	stream.indirect.gather [hbm4b:s4+s20], $0x80, s9, s20, $0xb8;
	[tilespmem:$0x1D400] =	vst v63  }
0x7c: {  	_ =	swait.ge [sflag:s24], $0x4000  }
0x7d: {  	[sflag:s24] =	ssyncset.done $0x0  }
0x7e: {  	s10 =	rddreg [dreg:$0xf];
	[sflag:s24] =	ssyncadd.s32 $0xFFFFC000  }
0x7f: {  	[spmem:s2] =	stream.indirect.scatter.add.f32 [tilespmem:s21], [sflag:$0x4], $0x80, s10, s20, $0xb8;
	[tilespmem:$0x1D400] =	vst v63  }
0x80: {  	_ =	swait.ge [sflag:s25], $0x4000  }
0x81: {  	[sflag:s25] =	ssyncset.done $0x0  }
0x82: {  	s3 =	rddreg [dreg:$0x10];
	[sflag:s25] =	ssyncadd.s32 $0xFFFFC000  }
0x83: {  	[tilespmem:s21], [sflag:$0x2] =	stream.indirect.gather [hbm4b:s4+s20], $0x80, s3, s20, $0xb8;
	[tilespmem:$0x1D400] =	vst v63  }
0x84: {  	_ =	swait.ge [sflag:s22], $0x4000  }
0x85: {  	[sflag:s22] =	ssyncset.done $0x0  }
0x86: {  	s9 =	rddreg [dreg:$0x11];
	[sflag:s22] =	ssyncadd.s32 $0xFFFFC000  }
0x87: {  	[spmem:s2] =	stream.indirect.scatter.add.f32 [tilespmem:s17], [sflag:$0x3], $0x80, s9, s20, $0xb8;
	[tilespmem:$0x1D400] =	vst v63  }
0x88: {  	_ =	swait.ge [sflag:s23], $0x4000  }
0x89: {  	[sflag:s23] =	ssyncset.done $0x0  }
0x8a: {  	s10 =	rddreg [dreg:$0x12];
	[sflag:s23] =	ssyncadd.s32 $0xFFFFC000  }
0x8b: {  	[tilespmem:s17], [sflag:$0x1] =	stream.indirect.gather [hbm4b:s4+s20], $0x80, s10, s20, $0xb8;
	[tilespmem:$0x1D400] =	vst v63  }
0x8c: {  	_ =	swait.ge [sflag:s24], $0x4000  }
0x8d: {  	[sflag:s24] =	ssyncset.done $0x0  }
0x8e: {  	s3 =	rddreg [dreg:$0x13];
	[sflag:s24] =	ssyncadd.s32 $0xFFFFC000  }
0x8f: {  	[spmem:s2] =	stream.indirect.scatter.add.f32 [tilespmem:s21], [sflag:$0x4], $0x80, s3, s20, $0xb8;
	[tilespmem:$0x1D400] =	vst v63  }
0x90: {  	_ =	swait.ge [sflag:s25], $0x4000  }
0x91: {  	[sflag:s25] =	ssyncset.done $0x0  }
0x92: {  	s9 =	rddreg [dreg:$0x14];
	[sflag:s25] =	ssyncadd.s32 $0xFFFFC000  }
0x93: {  	[tilespmem:s21], [sflag:$0x2] =	stream.indirect.gather [hbm4b:s4+s20], $0x80, s9, s20, $0xb8;
	[tilespmem:$0x1D400] =	vst v63  }
0x94: {  	_ =	swait.ge [sflag:s22], $0x4000  }
0x95: {  	[sflag:s22] =	ssyncset.done $0x0  }
0x96: {  	s10 =	rddreg [dreg:$0x15];
	[sflag:s22] =	ssyncadd.s32 $0xFFFFC000  }
0x97: {  	[spmem:s2] =	stream.indirect.scatter.add.f32 [tilespmem:s17], [sflag:$0x3], $0x80, s10, s20, $0xb8;
	[tilespmem:$0x1D400] =	vst v63  }
0x98: {  	_ =	swait.ge [sflag:s23], $0x4000  }
0x99: {  	[sflag:s23] =	ssyncset.done $0x0  }
0x9a: {  	s3 =	rddreg [dreg:$0x16];
	[sflag:s23] =	ssyncadd.s32 $0xFFFFC000  }
0x9b: {  	[tilespmem:s17], [sflag:$0x1] =	stream.indirect.gather [hbm4b:s4+s20], $0x80, s3, s20, $0xb8;
	[tilespmem:$0x1D400] =	vst v63  }
0x9c: {  	_ =	swait.ge [sflag:s24], $0x4000  }
0x9d: {  	[sflag:s24] =	ssyncset.done $0x0  }
0x9e: {  	s9 =	rddreg [dreg:$0x17];
	[sflag:s24] =	ssyncadd.s32 $0xFFFFC000  }
0x9f: {  	[spmem:s2] =	stream.indirect.scatter.add.f32 [tilespmem:s21], [sflag:$0x4], $0x80, s9, s20, $0xb8;
	[tilespmem:$0x1D400] =	vst v63  }
0xa0: {  	_ =	swait.ge [sflag:s25], $0x4000  }
0xa1: {  	[sflag:s25] =	ssyncset.done $0x0  }
0xa2: {  	s10 =	rddreg [dreg:$0x18];
	[sflag:s25] =	ssyncadd.s32 $0xFFFFC000  }
0xa3: {  	[tilespmem:s21], [sflag:$0x2] =	stream.indirect.gather [hbm4b:s4+s20], $0x80, s10, s20, $0xb8;
	[tilespmem:$0x1D400] =	vst v63  }
0xa4: {  	_ =	swait.ge [sflag:s22], $0x4000  }
0xa5: {  	[sflag:s22] =	ssyncset.done $0x0  }
0xa6: {  	s3 =	rddreg [dreg:$0x19];
	[sflag:s22] =	ssyncadd.s32 $0xFFFFC000  }
0xa7: {  	[spmem:s2] =	stream.indirect.scatter.add.f32 [tilespmem:s17], [sflag:$0x3], $0x80, s3, s20, $0xb8;
	[tilespmem:$0x1D400] =	vst v63  }
0xa8: {  	_ =	swait.ge [sflag:s23], $0x4000  }
0xa9: {  	[sflag:s23] =	ssyncset.done $0x0  }
0xaa: {  	s9 =	rddreg [dreg:$0x1a];
	[sflag:s23] =	ssyncadd.s32 $0xFFFFC000  }
0xab: {  	[tilespmem:s17], [sflag:$0x1] =	stream.indirect.gather [hbm4b:s4+s20], $0x80, s9, s20, $0xb8;
	[tilespmem:$0x1D400] =	vst v63  }
0xac: {  	_ =	swait.ge [sflag:s24], $0x4000  }
0xad: {  	[sflag:s24] =	ssyncset.done $0x0  }
0xae: {  	s10 =	simm.s32 $0x14B80;
	[sflag:s24] =	ssyncadd.s32 $0xFFFFC000  }
0xaf: {  	[spmem:s2] =	stream.indirect.scatter.add.f32 [tilespmem:s21], [sflag:$0x4], $0x80, s10, s20, $0xb8;
	[tilespmem:$0x1D400] =	vst v63  }
0xb0: {  	_ =	swait.ge [sflag:s25], $0x4000  }
0xb1: {  	[sflag:s25] =	ssyncset.done $0x0  }
0xb2: {  	[sflag:s25] =	ssyncadd.s32 $0xFFFFC000  }
0xb3: {  	[tilespmem:s21], [sflag:$0x2] =	stream.indirect.gather [hbm4b:s4+s20], $0x80, s28, s20, $0xb8;
	[tilespmem:$0x1D400] =	vst v63  }
0xb4: {  	_ =	swait.ge [sflag:s22], $0x4000  }
0xb5: {  	[sflag:s22] =	ssyncset.done $0x0  }
0xb6: {  	[sflag:s22] =	ssyncadd.s32 $0xFFFFC000  }
0xb7: {  	[spmem:s2] =	stream.indirect.scatter.add.f32 [tilespmem:s17], [sflag:$0x3], $0x80, s29, s20, $0xb8;
	[tilespmem:$0x1D400] =	vst v63  }
0xb8: {  	_ =	swait.ge [sflag:s23], $0x4000  }
0xb9: {  	[sflag:s23] =	ssyncset.done $0x0  }
0xba: {  	[sflag:s23] =	ssyncadd.s32 $0xFFFFC000  }
0xbb: {  	[tilespmem:s17], [sflag:$0x1] =	stream.indirect.gather [hbm4b:s4+s20], $0x80, s30, s20, $0xb8;
	[tilespmem:$0x1D400] =	vst v63  }
0xbc: {  	_ =	swait.ge [sflag:s24], $0x4000  }
0xbd: {  	[sflag:s24] =	ssyncset.done $0x0  }
0xbe: {  	[sflag:s24] =	ssyncadd.s32 $0xFFFFC000  }
0xbf: {  	[spmem:s2] =	stream.indirect.scatter.add.f32 [tilespmem:s21], [sflag:$0x4], $0x80, s31, s20, $0xb8;
	[tilespmem:$0x1D400] =	vst v63  }
0xc0: {  	_ =	swait.ge [sflag:s25], $0x4000  }
0xc1: {  	[sflag:s25] =	ssyncset.done $0x0  }
0xc2: {  	[sflag:s25] =	ssyncadd.s32 $0xFFFFC000  }
0xc3: {  	[tilespmem:s21], [sflag:$0x2] =	stream.indirect.gather [hbm4b:s4+s20], $0x80, s1, s20, $0xb8;
	[tilespmem:$0x1D400] =	vst v63  }
0xc4: {  	_ =	swait.ge [sflag:s22], $0x4000  }
0xc5: {  	[sflag:s22] =	ssyncset.done $0x0  }
0xc6: {  	[sflag:s22] =	ssyncadd.s32 $0xFFFFC000  }
0xc7: {  	[spmem:s2] =	stream.indirect.scatter.add.f32 [tilespmem:s17], [sflag:$0x3], $0x80, s0, s20, $0xb8;
	[tilespmem:$0x1D400] =	vst v63  }
0xc8: {  	_ =	swait.ge [sflag:s23], $0x4000  }
0xc9: {  	[sflag:s23] =	ssyncset.done $0x0  }
0xca: {  	[sflag:s23] =	ssyncadd.s32 $0xFFFFC000  }
0xcb: {  	[tilespmem:s17], [sflag:$0x1] =	stream.indirect.gather [hbm4b:s4+s20], $0x80, s5, s20, $0xb8;
	[tilespmem:$0x1D400] =	vst v63  }
0xcc: {  	_ =	swait.ge [sflag:s24], $0x4000  }
0xcd: {  	[sflag:s24] =	ssyncset.done $0x0  }
0xce: {  	[sflag:s24] =	ssyncadd.s32 $0xFFFFC000  }
0xcf: {  	[spmem:s2] =	stream.indirect.scatter.add.f32 [tilespmem:s21], [sflag:$0x4], $0x80, s11, s20, $0xb8;
	[tilespmem:$0x1D400] =	vst v63  }
0xd0: {  	_ =	swait.ge [sflag:s25], $0x4000  }
0xd1: {  	[sflag:s25] =	ssyncset.done $0x0  }
0xd2: {  	[sflag:s25] =	ssyncadd.s32 $0xFFFFC000  }
0xd3: {  	[tilespmem:s21], [sflag:$0x2] =	stream.indirect.gather [hbm4b:s4+s20], $0x80, s12, s20, $0xb8;
	[tilespmem:$0x1D400] =	vst v63  }
0xd4: {  	_ =	swait.ge [sflag:s22], $0x4000  }
0xd5: {  	[sflag:s22] =	ssyncset.done $0x0  }
0xd6: {  	[sflag:s22] =	ssyncadd.s32 $0xFFFFC000  }
0xd7: {  	[spmem:s2] =	stream.indirect.scatter.add.f32 [tilespmem:s17], [sflag:$0x3], $0x80, s13, s20, $0xb8;
	[tilespmem:$0x1D400] =	vst v63  }
0xd8: {  	_ =	swait.ge [sflag:s23], $0x4000  }
0xd9: {  	[sflag:s23] =	ssyncset.done $0x0  }
0xda: {  	[sflag:s23] =	ssyncadd.s32 $0xFFFFC000  }
0xdb: {  	[tilespmem:s17], [sflag:$0x1] =	stream.indirect.gather [hbm4b:s4+s20], $0x80, s14, s20, $0xb8;
	[tilespmem:$0x1D400] =	vst v63  }
0xdc: {  	_ =	swait.ge [sflag:s24], $0x4000  }
0xdd: {  	[sflag:s24] =	ssyncset.done $0x0  }
0xde: {  	[sflag:s24] =	ssyncadd.s32 $0xFFFFC000  }
0xdf: {  	[spmem:s2] =	stream.indirect.scatter.add.f32 [tilespmem:s21], [sflag:$0x4], $0x80, s15, s20, $0xb8;
	[tilespmem:$0x1D400] =	vst v63  }
0xe0: {  	_ =	swait.ge [sflag:s25], $0x4000  }
0xe1: {  	[sflag:s25] =	ssyncset.done $0x0  }
0xe2: {  	[sflag:s25] =	ssyncadd.s32 $0xFFFFC000  }
0xe3: {  	[tilespmem:s21], [sflag:$0x2] =	stream.indirect.gather [hbm4b:s4+s20], $0x80, s16, s20, $0xb8;
	[tilespmem:$0x1D400] =	vst v63  }
0xe4: {  	_ =	swait.ge [sflag:s22], $0x4000  }
0xe5: {  	[sflag:s22] =	ssyncset.done $0x0  }
0xe6: {  	[sflag:s22] =	ssyncadd.s32 $0xFFFFC000  }
0xe7: {  	[spmem:s2] =	stream.indirect.scatter.add.f32 [tilespmem:s17], [sflag:$0x3], $0x80, s6, s20, $0xb8;
	[tilespmem:$0x1D400] =	vst v63  }
0xe8: {  	_ =	swait.ge [sflag:s24], $0x4000  }
0xe9: {  	[sflag:s24] =	ssyncset.done $0x0  }
0xea: {  	[sflag:s24] =	ssyncadd.s32 $0xFFFFC000  }
0xeb: {  	[spmem:s2] =	stream.indirect.scatter.add.f32 [tilespmem:s21], [sflag:$0x4], $0x80, s7, s20, $0xb8;
	[tilespmem:$0x1D400] =	vst v63  }
0xec: {  	_ =	swait.ge [sflag:s23], $0x4000  }
0xed: {  	[sflag:s23] =	ssyncset.done $0x0  }
0xee: {  	[sflag:s23] =	ssyncadd.s32 $0xFFFFC000  }
0xef: {  	s26 =	simm.s32 $0x0;
	s9 =	simm.s32 $0x280;
	_ =	swait.ge [sflag:s25], $0x4000  }
0xf0: {  	s10 =	simm.s32 $0x500;
	s8 =	rddreg [dreg:$0x3];
	[sflag:s25] =	ssyncset.done $0x0  }
.LBB2_2:
0xf1: {  	[sflag:s25] =	ssyncadd.s32 $0xFFFFC000;
	s8 =	sadd.s32 s9, s8  }
0xf2: {  	[tilespmem:s19], [sflag:$0x5] =	stream.linear.gather [hbm4b:s8+s26], $0x1400, $0x38;
	[tilespmem:$0x1D400] =	vst v63  }
0xf3: {  	_ =	swait.ge [sflag:s18], $0x1400  }
0xf4: {  	[sflag:s18] =	ssyncset.done $0x0  }
0xf5: {  	[sflag:s18] =	ssyncadd.s32 $0xFFFFEC00  }
0xf6: {  	[tilespmem:s17], [sflag:$0x1] =	stream.indirect.gather [hbm4b:s4+s20], $0x80, s19, s20, $0xb8;
	[tilespmem:$0x1D400] =	vst v63  }
0xf7: {  	s8 =	rddreg [dreg:$0x4]  }
0xf8: {  	[tilespmem:s21], [sflag:$0x2] =	stream.indirect.gather [hbm4b:s4+s20], $0x80, s8, s20, $0xb8;
	[tilespmem:$0x1D400] =	vst v63  }
0xf9: {  	_ =	swait.ge [sflag:s22], $0x4000  }
0xfa: {  	[sflag:s22] =	ssyncset.done $0x0  }
0xfb: {  	s8 =	rddreg [dreg:$0x5];
	[sflag:s22] =	ssyncadd.s32 $0xFFFFC000  }
0xfc: {  	[spmem:s2] =	stream.indirect.scatter.add.f32 [tilespmem:s17], [sflag:$0x3], $0x80, s8, s20, $0xb8;
	[tilespmem:$0x1D400] =	vst v63  }
0xfd: {  	_ =	swait.ge [sflag:s23], $0x4000  }
0xfe: {  	[sflag:s23] =	ssyncset.done $0x0  }
0xff: {  	s8 =	rddreg [dreg:$0x6];
	[sflag:s23] =	ssyncadd.s32 $0xFFFFC000  }
0x100: {  	[tilespmem:s17], [sflag:$0x1] =	stream.indirect.gather [hbm4b:s4+s20], $0x80, s8, s20, $0xb8;
	[tilespmem:$0x1D400] =	vst v63  }
0x101: {  	_ =	swait.ge [sflag:s24], $0x4000  }
0x102: {  	[sflag:s24] =	ssyncset.done $0x0  }
0x103: {  	s8 =	rddreg [dreg:$0x7];
	[sflag:s24] =	ssyncadd.s32 $0xFFFFC000  }
0x104: {  	[spmem:s2] =	stream.indirect.scatter.add.f32 [tilespmem:s21], [sflag:$0x4], $0x80, s8, s20, $0xb8;
	[tilespmem:$0x1D400] =	vst v63  }
0x105: {  	_ =	swait.ge [sflag:s25], $0x4000  }
0x106: {  	[sflag:s25] =	ssyncset.done $0x0  }
0x107: {  	s8 =	rddreg [dreg:$0x8];
	[sflag:s25] =	ssyncadd.s32 $0xFFFFC000  }
0x108: {  	[tilespmem:s21], [sflag:$0x2] =	stream.indirect.gather [hbm4b:s4+s20], $0x80, s8, s20, $0xb8;
	[tilespmem:$0x1D400] =	vst v63  }
0x109: {  	_ =	swait.ge [sflag:s22], $0x4000  }
0x10a: {  	[sflag:s22] =	ssyncset.done $0x0  }
0x10b: {  	s8 =	rddreg [dreg:$0x9];
	[sflag:s22] =	ssyncadd.s32 $0xFFFFC000  }
0x10c: {  	[spmem:s2] =	stream.indirect.scatter.add.f32 [tilespmem:s17], [sflag:$0x3], $0x80, s8, s20, $0xb8;
	[tilespmem:$0x1D400] =	vst v63  }
0x10d: {  	_ =	swait.ge [sflag:s23], $0x4000  }
0x10e: {  	[sflag:s23] =	ssyncset.done $0x0  }
0x10f: {  	s8 =	rddreg [dreg:$0xa];
	[sflag:s23] =	ssyncadd.s32 $0xFFFFC000  }
0x110: {  	[tilespmem:s17], [sflag:$0x1] =	stream.indirect.gather [hbm4b:s4+s20], $0x80, s8, s20, $0xb8;
	[tilespmem:$0x1D400] =	vst v63  }
0x111: {  	_ =	swait.ge [sflag:s24], $0x4000  }
0x112: {  	[sflag:s24] =	ssyncset.done $0x0  }
0x113: {  	s8 =	rddreg [dreg:$0xb];
	[sflag:s24] =	ssyncadd.s32 $0xFFFFC000  }
0x114: {  	[spmem:s2] =	stream.indirect.scatter.add.f32 [tilespmem:s21], [sflag:$0x4], $0x80, s8, s20, $0xb8;
	[tilespmem:$0x1D400] =	vst v63  }
0x115: {  	_ =	swait.ge [sflag:s25], $0x4000  }
0x116: {  	[sflag:s25] =	ssyncset.done $0x0  }
0x117: {  	s8 =	rddreg [dreg:$0xc];
	[sflag:s25] =	ssyncadd.s32 $0xFFFFC000  }
0x118: {  	[tilespmem:s21], [sflag:$0x2] =	stream.indirect.gather [hbm4b:s4+s20], $0x80, s8, s20, $0xb8;
	[tilespmem:$0x1D400] =	vst v63  }
0x119: {  	_ =	swait.ge [sflag:s22], $0x4000  }
0x11a: {  	[sflag:s22] =	ssyncset.done $0x0  }
0x11b: {  	s8 =	rddreg [dreg:$0xd];
	[sflag:s22] =	ssyncadd.s32 $0xFFFFC000  }
0x11c: {  	[spmem:s2] =	stream.indirect.scatter.add.f32 [tilespmem:s17], [sflag:$0x3], $0x80, s8, s20, $0xb8;
	[tilespmem:$0x1D400] =	vst v63  }
0x11d: {  	_ =	swait.ge [sflag:s23], $0x4000  }
0x11e: {  	[sflag:s23] =	ssyncset.done $0x0  }
0x11f: {  	s8 =	rddreg [dreg:$0xe];
	[sflag:s23] =	ssyncadd.s32 $0xFFFFC000  }
0x120: {  	[tilespmem:s17], [sflag:$0x1] =	stream.indirect.gather [hbm4b:s4+s20], $0x80, s8, s20, $0xb8;
	[tilespmem:$0x1D400] =	vst v63  }
0x121: {  	_ =	swait.ge [sflag:s24], $0x4000  }
0x122: {  	[sflag:s24] =	ssyncset.done $0x0  }
0x123: {  	s8 =	rddreg [dreg:$0xf];
	[sflag:s24] =	ssyncadd.s32 $0xFFFFC000  }
0x124: {  	[spmem:s2] =	stream.indirect.scatter.add.f32 [tilespmem:s21], [sflag:$0x4], $0x80, s8, s20, $0xb8;
	[tilespmem:$0x1D400] =	vst v63  }
0x125: {  	_ =	swait.ge [sflag:s25], $0x4000  }
0x126: {  	[sflag:s25] =	ssyncset.done $0x0  }
0x127: {  	s8 =	rddreg [dreg:$0x10];
	[sflag:s25] =	ssyncadd.s32 $0xFFFFC000  }
0x128: {  	[tilespmem:s21], [sflag:$0x2] =	stream.indirect.gather [hbm4b:s4+s20], $0x80, s8, s20, $0xb8;
	[tilespmem:$0x1D400] =	vst v63  }
0x129: {  	_ =	swait.ge [sflag:s22], $0x4000  }
0x12a: {  	[sflag:s22] =	ssyncset.done $0x0  }
0x12b: {  	s8 =	rddreg [dreg:$0x11];
	[sflag:s22] =	ssyncadd.s32 $0xFFFFC000  }
0x12c: {  	[spmem:s2] =	stream.indirect.scatter.add.f32 [tilespmem:s17], [sflag:$0x3], $0x80, s8, s20, $0xb8;
	[tilespmem:$0x1D400] =	vst v63  }
0x12d: {  	_ =	swait.ge [sflag:s23], $0x4000  }
0x12e: {  	[sflag:s23] =	ssyncset.done $0x0  }
0x12f: {  	s8 =	rddreg [dreg:$0x12];
	[sflag:s23] =	ssyncadd.s32 $0xFFFFC000  }
0x130: {  	[tilespmem:s17], [sflag:$0x1] =	stream.indirect.gather [hbm4b:s4+s20], $0x80, s8, s20, $0xb8;
	[tilespmem:$0x1D400] =	vst v63  }
0x131: {  	_ =	swait.ge [sflag:s24], $0x4000  }
0x132: {  	[sflag:s24] =	ssyncset.done $0x0  }
0x133: {  	s8 =	rddreg [dreg:$0x13];
	[sflag:s24] =	ssyncadd.s32 $0xFFFFC000  }
0x134: {  	[spmem:s2] =	stream.indirect.scatter.add.f32 [tilespmem:s21], [sflag:$0x4], $0x80, s8, s20, $0xb8;
	[tilespmem:$0x1D400] =	vst v63  }
0x135: {  	_ =	swait.ge [sflag:s25], $0x4000  }
0x136: {  	[sflag:s25] =	ssyncset.done $0x0  }
0x137: {  	s8 =	rddreg [dreg:$0x14];
	[sflag:s25] =	ssyncadd.s32 $0xFFFFC000  }
0x138: {  	[tilespmem:s21], [sflag:$0x2] =	stream.indirect.gather [hbm4b:s4+s20], $0x80, s8, s20, $0xb8;
	[tilespmem:$0x1D400] =	vst v63  }
0x139: {  	_ =	swait.ge [sflag:s22], $0x4000  }
0x13a: {  	[sflag:s22] =	ssyncset.done $0x0  }
0x13b: {  	s8 =	rddreg [dreg:$0x15];
	[sflag:s22] =	ssyncadd.s32 $0xFFFFC000  }
0x13c: {  	[spmem:s2] =	stream.indirect.scatter.add.f32 [tilespmem:s17], [sflag:$0x3], $0x80, s8, s20, $0xb8;
	[tilespmem:$0x1D400] =	vst v63  }
0x13d: {  	_ =	swait.ge [sflag:s23], $0x4000  }
0x13e: {  	[sflag:s23] =	ssyncset.done $0x0  }
0x13f: {  	s8 =	rddreg [dreg:$0x16];
	[sflag:s23] =	ssyncadd.s32 $0xFFFFC000  }
0x140: {  	[tilespmem:s17], [sflag:$0x1] =	stream.indirect.gather [hbm4b:s4+s20], $0x80, s8, s20, $0xb8;
	[tilespmem:$0x1D400] =	vst v63  }
0x141: {  	_ =	swait.ge [sflag:s24], $0x4000  }
0x142: {  	[sflag:s24] =	ssyncset.done $0x0  }
0x143: {  	s8 =	rddreg [dreg:$0x17];
	[sflag:s24] =	ssyncadd.s32 $0xFFFFC000  }
0x144: {  	[spmem:s2] =	stream.indirect.scatter.add.f32 [tilespmem:s21], [sflag:$0x4], $0x80, s8, s20, $0xb8;
	[tilespmem:$0x1D400] =	vst v63  }
0x145: {  	_ =	swait.ge [sflag:s25], $0x4000  }
0x146: {  	[sflag:s25] =	ssyncset.done $0x0  }
0x147: {  	s8 =	rddreg [dreg:$0x18];
	[sflag:s25] =	ssyncadd.s32 $0xFFFFC000  }
0x148: {  	[tilespmem:s21], [sflag:$0x2] =	stream.indirect.gather [hbm4b:s4+s20], $0x80, s8, s20, $0xb8;
	[tilespmem:$0x1D400] =	vst v63  }
0x149: {  	_ =	swait.ge [sflag:s22], $0x4000  }
0x14a: {  	[sflag:s22] =	ssyncset.done $0x0  }
0x14b: {  	s8 =	rddreg [dreg:$0x19];
	[sflag:s22] =	ssyncadd.s32 $0xFFFFC000  }
0x14c: {  	[spmem:s2] =	stream.indirect.scatter.add.f32 [tilespmem:s17], [sflag:$0x3], $0x80, s8, s20, $0xb8;
	[tilespmem:$0x1D400] =	vst v63  }
0x14d: {  	_ =	swait.ge [sflag:s23], $0x4000  }
0x14e: {  	[sflag:s23] =	ssyncset.done $0x0  }
0x14f: {  	s8 =	rddreg [dreg:$0x1a];
	[sflag:s23] =	ssyncadd.s32 $0xFFFFC000  }
0x150: {  	[tilespmem:s17], [sflag:$0x1] =	stream.indirect.gather [hbm4b:s4+s20], $0x80, s8, s20, $0xb8;
	[tilespmem:$0x1D400] =	vst v63  }
0x151: {  	_ =	swait.ge [sflag:s24], $0x4000  }
0x152: {  	[sflag:s24] =	ssyncset.done $0x0  }
0x153: {  	s8 =	simm.s32 $0x14B80;
	[sflag:s24] =	ssyncadd.s32 $0xFFFFC000  }
0x154: {  	[spmem:s2] =	stream.indirect.scatter.add.f32 [tilespmem:s21], [sflag:$0x4], $0x80, s8, s20, $0xb8;
	[tilespmem:$0x1D400] =	vst v63  }
0x155: {  	_ =	swait.ge [sflag:s25], $0x4000  }
0x156: {  	[sflag:s25] =	ssyncset.done $0x0  }
0x157: {  	[sflag:s25] =	ssyncadd.s32 $0xFFFFC000  }
0x158: {  	[tilespmem:s21], [sflag:$0x2] =	stream.indirect.gather [hbm4b:s4+s20], $0x80, s28, s20, $0xb8;
	[tilespmem:$0x1D400] =	vst v63  }
0x159: {  	_ =	swait.ge [sflag:s22], $0x4000  }
0x15a: {  	[sflag:s22] =	ssyncset.done $0x0  }
0x15b: {  	[sflag:s22] =	ssyncadd.s32 $0xFFFFC000  }
0x15c: {  	[spmem:s2] =	stream.indirect.scatter.add.f32 [tilespmem:s17], [sflag:$0x3], $0x80, s29, s20, $0xb8;
	[tilespmem:$0x1D400] =	vst v63  }
0x15d: {  	_ =	swait.ge [sflag:s23], $0x4000  }
0x15e: {  	[sflag:s23] =	ssyncset.done $0x0  }
0x15f: {  	[sflag:s23] =	ssyncadd.s32 $0xFFFFC000  }
0x160: {  	[tilespmem:s17], [sflag:$0x1] =	stream.indirect.gather [hbm4b:s4+s20], $0x80, s30, s20, $0xb8;
	[tilespmem:$0x1D400] =	vst v63  }
0x161: {  	_ =	swait.ge [sflag:s24], $0x4000  }
0x162: {  	[sflag:s24] =	ssyncset.done $0x0  }
0x163: {  	[sflag:s24] =	ssyncadd.s32 $0xFFFFC000  }
0x164: {  	[spmem:s2] =	stream.indirect.scatter.add.f32 [tilespmem:s21], [sflag:$0x4], $0x80, s31, s20, $0xb8;
	[tilespmem:$0x1D400] =	vst v63  }
0x165: {  	_ =	swait.ge [sflag:s25], $0x4000  }
0x166: {  	[sflag:s25] =	ssyncset.done $0x0  }
0x167: {  	[sflag:s25] =	ssyncadd.s32 $0xFFFFC000  }
0x168: {  	[tilespmem:s21], [sflag:$0x2] =	stream.indirect.gather [hbm4b:s4+s20], $0x80, s1, s20, $0xb8;
	[tilespmem:$0x1D400] =	vst v63  }
0x169: {  	_ =	swait.ge [sflag:s22], $0x4000  }
0x16a: {  	[sflag:s22] =	ssyncset.done $0x0  }
0x16b: {  	[sflag:s22] =	ssyncadd.s32 $0xFFFFC000  }
0x16c: {  	[spmem:s2] =	stream.indirect.scatter.add.f32 [tilespmem:s17], [sflag:$0x3], $0x80, s0, s20, $0xb8;
	[tilespmem:$0x1D400] =	vst v63  }
0x16d: {  	_ =	swait.ge [sflag:s23], $0x4000  }
0x16e: {  	[sflag:s23] =	ssyncset.done $0x0  }
0x16f: {  	[sflag:s23] =	ssyncadd.s32 $0xFFFFC000  }
0x170: {  	[tilespmem:s17], [sflag:$0x1] =	stream.indirect.gather [hbm4b:s4+s20], $0x80, s5, s20, $0xb8;
	[tilespmem:$0x1D400] =	vst v63  }
0x171: {  	_ =	swait.ge [sflag:s24], $0x4000  }
0x172: {  	[sflag:s24] =	ssyncset.done $0x0  }
0x173: {  	[sflag:s24] =	ssyncadd.s32 $0xFFFFC000  }
0x174: {  	[spmem:s2] =	stream.indirect.scatter.add.f32 [tilespmem:s21], [sflag:$0x4], $0x80, s11, s20, $0xb8;
	[tilespmem:$0x1D400] =	vst v63  }
0x175: {  	_ =	swait.ge [sflag:s25], $0x4000  }
0x176: {  	[sflag:s25] =	ssyncset.done $0x0  }
0x177: {  	[sflag:s25] =	ssyncadd.s32 $0xFFFFC000  }
0x178: {  	[tilespmem:s21], [sflag:$0x2] =	stream.indirect.gather [hbm4b:s4+s20], $0x80, s12, s20, $0xb8;
	[tilespmem:$0x1D400] =	vst v63  }
0x179: {  	_ =	swait.ge [sflag:s22], $0x4000  }
0x17a: {  	[sflag:s22] =	ssyncset.done $0x0  }
0x17b: {  	[sflag:s22] =	ssyncadd.s32 $0xFFFFC000  }
0x17c: {  	[spmem:s2] =	stream.indirect.scatter.add.f32 [tilespmem:s17], [sflag:$0x3], $0x80, s13, s20, $0xb8;
	[tilespmem:$0x1D400] =	vst v63  }
0x17d: {  	_ =	swait.ge [sflag:s23], $0x4000  }
0x17e: {  	[sflag:s23] =	ssyncset.done $0x0  }
0x17f: {  	[sflag:s23] =	ssyncadd.s32 $0xFFFFC000  }
0x180: {  	[tilespmem:s17], [sflag:$0x1] =	stream.indirect.gather [hbm4b:s4+s20], $0x80, s14, s20, $0xb8;
	[tilespmem:$0x1D400] =	vst v63  }
0x181: {  	_ =	swait.ge [sflag:s24], $0x4000  }
0x182: {  	[sflag:s24] =	ssyncset.done $0x0  }
0x183: {  	[sflag:s24] =	ssyncadd.s32 $0xFFFFC000  }
0x184: {  	[spmem:s2] =	stream.indirect.scatter.add.f32 [tilespmem:s21], [sflag:$0x4], $0x80, s15, s20, $0xb8;
	[tilespmem:$0x1D400] =	vst v63  }
0x185: {  	_ =	swait.ge [sflag:s25], $0x4000  }
0x186: {  	[sflag:s25] =	ssyncset.done $0x0  }
0x187: {  	[sflag:s25] =	ssyncadd.s32 $0xFFFFC000  }
0x188: {  	[tilespmem:s21], [sflag:$0x2] =	stream.indirect.gather [hbm4b:s4+s20], $0x80, s16, s20, $0xb8;
	[tilespmem:$0x1D400] =	vst v63  }
0x189: {  	_ =	swait.ge [sflag:s22], $0x4000  }
0x18a: {  	[sflag:s22] =	ssyncset.done $0x0  }
0x18b: {  	[sflag:s22] =	ssyncadd.s32 $0xFFFFC000  }
0x18c: {  	[spmem:s2] =	stream.indirect.scatter.add.f32 [tilespmem:s17], [sflag:$0x3], $0x80, s6, s20, $0xb8;
	[tilespmem:$0x1D400] =	vst v63  }
0x18d: {  	_ =	swait.ge [sflag:s24], $0x4000  }
0x18e: {  	[sflag:s24] =	ssyncset.done $0x0  }
0x18f: {  	p0 =	sne.s32 s10, $0x780;
	[sflag:s24] =	ssyncadd.s32 $0xFFFFC000  }
0x190: {  	[spmem:s2] =	stream.indirect.scatter.add.f32 [tilespmem:s21], [sflag:$0x4], $0x80, s7, s20, $0xb8;
	[tilespmem:$0x1D400] =	vst v63  }
.Ltmp0:
0x191: {  	_ =	swait.ge [sflag:s23], $0x4000;
	(pc) =	sbr.rel @p0 .LBB2_2-.Ltmp0, $4  }
0x192: {  	[sflag:s23] =	ssyncset.done $0x0  }
0x193: {  	[sflag:s23] =	ssyncadd.s32 $0xFFFFC000  }
0x194: {  	s3 =	smov.u32 s10;
	s10 =	sadd.s32 $0x280, s10;
	_ =	swait.ge [sflag:s25], $0x4000  }
0x195: {  	s9 =	smov.u32 s3;
	s8 =	rddreg [dreg:$0x3];
	[sflag:s25] =	ssyncset.done $0x0  }
0x196: {  	[sflag:s25] =	ssyncadd.s32 $0xFFFFC000;
	s3 =	sadd.s32 s9, s8  }
0x197: {  	[tilespmem:s19], [sflag:$0x5] =	stream.linear.gather [hbm4b:s3+s26], $0x1400, $0x38;
	[tilespmem:$0x1D400] =	vst v63  }
0x198: {  	_ =	swait.ge [sflag:s18], $0x1400  }
0x199: {  	[sflag:s18] =	ssyncset.done $0x0  }
0x19a: {  	[sflag:s18] =	ssyncadd.s32 $0xFFFFEC00  }
0x19b: {  	[tilespmem:s17], [sflag:$0x1] =	stream.indirect.gather [hbm4b:s4+s20], $0x80, s19, s20, $0xb8;
	[tilespmem:$0x1D400] =	vst v63  }
0x19c: {  	s8 =	rddreg [dreg:$0x4]  }
0x19d: {  	[tilespmem:s21], [sflag:$0x2] =	stream.indirect.gather [hbm4b:s4+s20], $0x80, s8, s20, $0xb8;
	[tilespmem:$0x1D400] =	vst v63  }
0x19e: {  	_ =	swait.ge [sflag:s22], $0x4000  }
0x19f: {  	[sflag:s22] =	ssyncset.done $0x0  }
0x1a0: {  	s9 =	rddreg [dreg:$0x5];
	[sflag:s22] =	ssyncadd.s32 $0xFFFFC000  }
0x1a1: {  	[spmem:s2] =	stream.indirect.scatter.add.f32 [tilespmem:s17], [sflag:$0x3], $0x80, s9, s20, $0xb8;
	[tilespmem:$0x1D400] =	vst v63  }
0x1a2: {  	_ =	swait.ge [sflag:s23], $0x4000  }
0x1a3: {  	[sflag:s23] =	ssyncset.done $0x0  }
0x1a4: {  	s10 =	rddreg [dreg:$0x6];
	[sflag:s23] =	ssyncadd.s32 $0xFFFFC000  }
0x1a5: {  	[tilespmem:s17], [sflag:$0x1] =	stream.indirect.gather [hbm4b:s4+s20], $0x80, s10, s20, $0xb8;
	[tilespmem:$0x1D400] =	vst v63  }
0x1a6: {  	_ =	swait.ge [sflag:s24], $0x4000  }
0x1a7: {  	[sflag:s24] =	ssyncset.done $0x0  }
0x1a8: {  	s26 =	rddreg [dreg:$0x7];
	[sflag:s24] =	ssyncadd.s32 $0xFFFFC000  }
0x1a9: {  	[spmem:s2] =	stream.indirect.scatter.add.f32 [tilespmem:s21], [sflag:$0x4], $0x80, s26, s20, $0xb8;
	[tilespmem:$0x1D400] =	vst v63  }
0x1aa: {  	_ =	swait.ge [sflag:s25], $0x4000  }
0x1ab: {  	[sflag:s25] =	ssyncset.done $0x0  }
0x1ac: {  	s8 =	rddreg [dreg:$0x8];
	[sflag:s25] =	ssyncadd.s32 $0xFFFFC000  }
0x1ad: {  	[tilespmem:s21], [sflag:$0x2] =	stream.indirect.gather [hbm4b:s4+s20], $0x80, s8, s20, $0xb8;
	[tilespmem:$0x1D400] =	vst v63  }
0x1ae: {  	_ =	swait.ge [sflag:s22], $0x4000  }
0x1af: {  	[sflag:s22] =	ssyncset.done $0x0  }
0x1b0: {  	s9 =	rddreg [dreg:$0x9];
	[sflag:s22] =	ssyncadd.s32 $0xFFFFC000  }
0x1b1: {  	[spmem:s2] =	stream.indirect.scatter.add.f32 [tilespmem:s17], [sflag:$0x3], $0x80, s9, s20, $0xb8;
	[tilespmem:$0x1D400] =	vst v63  }
0x1b2: {  	_ =	swait.ge [sflag:s23], $0x4000  }
0x1b3: {  	[sflag:s23] =	ssyncset.done $0x0  }
0x1b4: {  	s10 =	rddreg [dreg:$0xa];
	[sflag:s23] =	ssyncadd.s32 $0xFFFFC000  }
0x1b5: {  	[tilespmem:s17], [sflag:$0x1] =	stream.indirect.gather [hbm4b:s4+s20], $0x80, s10, s20, $0xb8;
	[tilespmem:$0x1D400] =	vst v63  }
0x1b6: {  	_ =	swait.ge [sflag:s24], $0x4000  }
0x1b7: {  	[sflag:s24] =	ssyncset.done $0x0  }
0x1b8: {  	s26 =	rddreg [dreg:$0xb];
	[sflag:s24] =	ssyncadd.s32 $0xFFFFC000  }
0x1b9: {  	[spmem:s2] =	stream.indirect.scatter.add.f32 [tilespmem:s21], [sflag:$0x4], $0x80, s26, s20, $0xb8;
	[tilespmem:$0x1D400] =	vst v63  }
0x1ba: {  	_ =	swait.ge [sflag:s25], $0x4000  }
0x1bb: {  	[sflag:s25] =	ssyncset.done $0x0  }
0x1bc: {  	s8 =	rddreg [dreg:$0xc];
	[sflag:s25] =	ssyncadd.s32 $0xFFFFC000  }
0x1bd: {  	[tilespmem:s21], [sflag:$0x2] =	stream.indirect.gather [hbm4b:s4+s20], $0x80, s8, s20, $0xb8;
	[tilespmem:$0x1D400] =	vst v63  }
0x1be: {  	_ =	swait.ge [sflag:s22], $0x4000  }
0x1bf: {  	[sflag:s22] =	ssyncset.done $0x0  }
0x1c0: {  	s9 =	rddreg [dreg:$0xd];
	[sflag:s22] =	ssyncadd.s32 $0xFFFFC000  }
0x1c1: {  	[spmem:s2] =	stream.indirect.scatter.add.f32 [tilespmem:s17], [sflag:$0x3], $0x80, s9, s20, $0xb8;
	[tilespmem:$0x1D400] =	vst v63  }
0x1c2: {  	_ =	swait.ge [sflag:s23], $0x4000  }
0x1c3: {  	[sflag:s23] =	ssyncset.done $0x0  }
0x1c4: {  	s10 =	rddreg [dreg:$0xe];
	[sflag:s23] =	ssyncadd.s32 $0xFFFFC000  }
0x1c5: {  	[tilespmem:s17], [sflag:$0x1] =	stream.indirect.gather [hbm4b:s4+s20], $0x80, s10, s20, $0xb8;
	[tilespmem:$0x1D400] =	vst v63  }
0x1c6: {  	_ =	swait.ge [sflag:s24], $0x4000  }
0x1c7: {  	[sflag:s24] =	ssyncset.done $0x0  }
0x1c8: {  	s26 =	rddreg [dreg:$0xf];
	[sflag:s24] =	ssyncadd.s32 $0xFFFFC000  }
0x1c9: {  	[spmem:s2] =	stream.indirect.scatter.add.f32 [tilespmem:s21], [sflag:$0x4], $0x80, s26, s20, $0xb8;
	[tilespmem:$0x1D400] =	vst v63  }
0x1ca: {  	_ =	swait.ge [sflag:s25], $0x4000  }
0x1cb: {  	[sflag:s25] =	ssyncset.done $0x0  }
0x1cc: {  	s8 =	rddreg [dreg:$0x10];
	[sflag:s25] =	ssyncadd.s32 $0xFFFFC000  }
0x1cd: {  	[tilespmem:s21], [sflag:$0x2] =	stream.indirect.gather [hbm4b:s4+s20], $0x80, s8, s20, $0xb8;
	[tilespmem:$0x1D400] =	vst v63  }
0x1ce: {  	_ =	swait.ge [sflag:s22], $0x4000  }
0x1cf: {  	[sflag:s22] =	ssyncset.done $0x0  }
0x1d0: {  	s9 =	rddreg [dreg:$0x11];
	[sflag:s22] =	ssyncadd.s32 $0xFFFFC000  }
0x1d1: {  	[spmem:s2] =	stream.indirect.scatter.add.f32 [tilespmem:s17], [sflag:$0x3], $0x80, s9, s20, $0xb8;
	[tilespmem:$0x1D400] =	vst v63  }
0x1d2: {  	_ =	swait.ge [sflag:s23], $0x4000  }
0x1d3: {  	[sflag:s23] =	ssyncset.done $0x0  }
0x1d4: {  	s10 =	rddreg [dreg:$0x12];
	[sflag:s23] =	ssyncadd.s32 $0xFFFFC000  }
0x1d5: {  	[tilespmem:s17], [sflag:$0x1] =	stream.indirect.gather [hbm4b:s4+s20], $0x80, s10, s20, $0xb8;
	[tilespmem:$0x1D400] =	vst v63  }
0x1d6: {  	_ =	swait.ge [sflag:s24], $0x4000  }
0x1d7: {  	[sflag:s24] =	ssyncset.done $0x0  }
0x1d8: {  	s26 =	rddreg [dreg:$0x13];
	[sflag:s24] =	ssyncadd.s32 $0xFFFFC000  }
0x1d9: {  	[spmem:s2] =	stream.indirect.scatter.add.f32 [tilespmem:s21], [sflag:$0x4], $0x80, s26, s20, $0xb8;
	[tilespmem:$0x1D400] =	vst v63  }
0x1da: {  	_ =	swait.ge [sflag:s25], $0x4000  }
0x1db: {  	[sflag:s25] =	ssyncset.done $0x0  }
0x1dc: {  	s8 =	rddreg [dreg:$0x14];
	[sflag:s25] =	ssyncadd.s32 $0xFFFFC000  }
0x1dd: {  	[tilespmem:s21], [sflag:$0x2] =	stream.indirect.gather [hbm4b:s4+s20], $0x80, s8, s20, $0xb8;
	[tilespmem:$0x1D400] =	vst v63  }
0x1de: {  	_ =	swait.ge [sflag:s22], $0x4000  }
0x1df: {  	[sflag:s22] =	ssyncset.done $0x0  }
0x1e0: {  	s9 =	rddreg [dreg:$0x15];
	[sflag:s22] =	ssyncadd.s32 $0xFFFFC000  }
0x1e1: {  	[spmem:s2] =	stream.indirect.scatter.add.f32 [tilespmem:s17], [sflag:$0x3], $0x80, s9, s20, $0xb8;
	[tilespmem:$0x1D400] =	vst v63  }
0x1e2: {  	_ =	swait.ge [sflag:s23], $0x4000  }
0x1e3: {  	[sflag:s23] =	ssyncset.done $0x0  }
0x1e4: {  	s10 =	rddreg [dreg:$0x16];
	[sflag:s23] =	ssyncadd.s32 $0xFFFFC000  }
0x1e5: {  	[tilespmem:s17], [sflag:$0x1] =	stream.indirect.gather [hbm4b:s4+s20], $0x80, s10, s20, $0xb8;
	[tilespmem:$0x1D400] =	vst v63  }
0x1e6: {  	_ =	swait.ge [sflag:s24], $0x4000  }
0x1e7: {  	[sflag:s24] =	ssyncset.done $0x0  }
0x1e8: {  	s26 =	rddreg [dreg:$0x17];
	[sflag:s24] =	ssyncadd.s32 $0xFFFFC000  }
0x1e9: {  	[spmem:s2] =	stream.indirect.scatter.add.f32 [tilespmem:s21], [sflag:$0x4], $0x80, s26, s20, $0xb8;
	[tilespmem:$0x1D400] =	vst v63  }
0x1ea: {  	_ =	swait.ge [sflag:s25], $0x4000  }
0x1eb: {  	[sflag:s25] =	ssyncset.done $0x0  }
0x1ec: {  	s8 =	rddreg [dreg:$0x18];
	[sflag:s25] =	ssyncadd.s32 $0xFFFFC000  }
0x1ed: {  	[tilespmem:s21], [sflag:$0x2] =	stream.indirect.gather [hbm4b:s4+s20], $0x80, s8, s20, $0xb8;
	[tilespmem:$0x1D400] =	vst v63  }
0x1ee: {  	_ =	swait.ge [sflag:s22], $0x4000  }
0x1ef: {  	[sflag:s22] =	ssyncset.done $0x0  }
0x1f0: {  	s9 =	rddreg [dreg:$0x19];
	[sflag:s22] =	ssyncadd.s32 $0xFFFFC000  }
0x1f1: {  	[spmem:s2] =	stream.indirect.scatter.add.f32 [tilespmem:s17], [sflag:$0x3], $0x80, s9, s20, $0xb8;
	[tilespmem:$0x1D400] =	vst v63  }
0x1f2: {  	_ =	swait.ge [sflag:s23], $0x4000  }
0x1f3: {  	[sflag:s23] =	ssyncset.done $0x0  }
0x1f4: {  	s10 =	rddreg [dreg:$0x1a];
	[sflag:s23] =	ssyncadd.s32 $0xFFFFC000  }
0x1f5: {  	[tilespmem:s17], [sflag:$0x1] =	stream.indirect.gather [hbm4b:s4+s20], $0x80, s10, s20, $0xb8;
	[tilespmem:$0x1D400] =	vst v63  }
0x1f6: {  	_ =	swait.ge [sflag:s24], $0x4000  }
0x1f7: {  	[sflag:s24] =	ssyncset.done $0x0  }
0x1f8: {  	s26 =	simm.s32 $0x14B80;
	[sflag:s24] =	ssyncadd.s32 $0xFFFFC000  }
0x1f9: {  	[spmem:s2] =	stream.indirect.scatter.add.f32 [tilespmem:s21], [sflag:$0x4], $0x80, s26, s20, $0xb8;
	[tilespmem:$0x1D400] =	vst v63  }
0x1fa: {  	_ =	swait.ge [sflag:s25], $0x4000  }
0x1fb: {  	[sflag:s25] =	ssyncset.done $0x0  }
0x1fc: {  	[sflag:s25] =	ssyncadd.s32 $0xFFFFC000  }
0x1fd: {  	[tilespmem:s21], [sflag:$0x2] =	stream.indirect.gather [hbm4b:s4+s20], $0x80, s28, s20, $0xb8;
	[tilespmem:$0x1D400] =	vst v63  }
0x1fe: {  	_ =	swait.ge [sflag:s22], $0x4000  }
0x1ff: {  	[sflag:s22] =	ssyncset.done $0x0  }
0x200: {  	[sflag:s22] =	ssyncadd.s32 $0xFFFFC000  }
0x201: {  	[spmem:s2] =	stream.indirect.scatter.add.f32 [tilespmem:s17], [sflag:$0x3], $0x80, s29, s20, $0xb8;
	[tilespmem:$0x1D400] =	vst v63  }
0x202: {  	_ =	swait.ge [sflag:s23], $0x4000  }
0x203: {  	[sflag:s23] =	ssyncset.done $0x0  }
0x204: {  	[sflag:s23] =	ssyncadd.s32 $0xFFFFC000  }
0x205: {  	[tilespmem:s17], [sflag:$0x1] =	stream.indirect.gather [hbm4b:s4+s20], $0x80, s30, s20, $0xb8;
	[tilespmem:$0x1D400] =	vst v63  }
0x206: {  	_ =	swait.ge [sflag:s24], $0x4000  }
0x207: {  	[sflag:s24] =	ssyncset.done $0x0  }
0x208: {  	[sflag:s24] =	ssyncadd.s32 $0xFFFFC000  }
0x209: {  	[spmem:s2] =	stream.indirect.scatter.add.f32 [tilespmem:s21], [sflag:$0x4], $0x80, s31, s20, $0xb8;
	[tilespmem:$0x1D400] =	vst v63  }
0x20a: {  	_ =	swait.ge [sflag:s25], $0x4000  }
0x20b: {  	[sflag:s25] =	ssyncset.done $0x0  }
0x20c: {  	[sflag:s25] =	ssyncadd.s32 $0xFFFFC000  }
0x20d: {  	[tilespmem:s21], [sflag:$0x2] =	stream.indirect.gather [hbm4b:s4+s20], $0x80, s1, s20, $0xb8;
	[tilespmem:$0x1D400] =	vst v63  }
0x20e: {  	_ =	swait.ge [sflag:s22], $0x4000  }
0x20f: {  	[sflag:s22] =	ssyncset.done $0x0  }
0x210: {  	[sflag:s22] =	ssyncadd.s32 $0xFFFFC000  }
0x211: {  	[spmem:s2] =	stream.indirect.scatter.add.f32 [tilespmem:s17], [sflag:$0x3], $0x80, s0, s20, $0xb8;
	[tilespmem:$0x1D400] =	vst v63  }
0x212: {  	_ =	swait.ge [sflag:s23], $0x4000  }
0x213: {  	[sflag:s23] =	ssyncset.done $0x0  }
0x214: {  	[sflag:s23] =	ssyncadd.s32 $0xFFFFC000  }
0x215: {  	[tilespmem:s17], [sflag:$0x1] =	stream.indirect.gather [hbm4b:s4+s20], $0x80, s5, s20, $0xb8;
	[tilespmem:$0x1D400] =	vst v63  }
0x216: {  	_ =	swait.ge [sflag:s24], $0x4000  }
0x217: {  	[sflag:s24] =	ssyncset.done $0x0  }
0x218: {  	[sflag:s24] =	ssyncadd.s32 $0xFFFFC000  }
0x219: {  	[spmem:s2] =	stream.indirect.scatter.add.f32 [tilespmem:s21], [sflag:$0x4], $0x80, s11, s20, $0xb8;
	[tilespmem:$0x1D400] =	vst v63  }
0x21a: {  	_ =	swait.ge [sflag:s25], $0x4000  }
0x21b: {  	[sflag:s25] =	ssyncset.done $0x0  }
0x21c: {  	[sflag:s25] =	ssyncadd.s32 $0xFFFFC000  }
0x21d: {  	[tilespmem:s21], [sflag:$0x2] =	stream.indirect.gather [hbm4b:s4+s20], $0x80, s12, s20, $0xb8;
	[tilespmem:$0x1D400] =	vst v63  }
0x21e: {  	_ =	swait.ge [sflag:s22], $0x4000  }
0x21f: {  	[sflag:s22] =	ssyncset.done $0x0  }
0x220: {  	[sflag:s22] =	ssyncadd.s32 $0xFFFFC000  }
0x221: {  	[spmem:s2] =	stream.indirect.scatter.add.f32 [tilespmem:s17], [sflag:$0x3], $0x80, s13, s20, $0xb8;
	[tilespmem:$0x1D400] =	vst v63  }
0x222: {  	_ =	swait.ge [sflag:s23], $0x4000  }
0x223: {  	[sflag:s23] =	ssyncset.done $0x0  }
0x224: {  	[sflag:s23] =	ssyncadd.s32 $0xFFFFC000  }
0x225: {  	[tilespmem:s17], [sflag:$0x1] =	stream.indirect.gather [hbm4b:s4+s20], $0x80, s14, s20, $0xb8;
	[tilespmem:$0x1D400] =	vst v63  }
0x226: {  	_ =	swait.ge [sflag:s24], $0x4000  }
0x227: {  	[sflag:s24] =	ssyncset.done $0x0  }
0x228: {  	[sflag:s24] =	ssyncadd.s32 $0xFFFFC000  }
0x229: {  	[spmem:s2] =	stream.indirect.scatter.add.f32 [tilespmem:s21], [sflag:$0x4], $0x80, s15, s20, $0xb8;
	[tilespmem:$0x1D400] =	vst v63  }
0x22a: {  	_ =	swait.ge [sflag:s25], $0x4000  }
0x22b: {  	[sflag:s25] =	ssyncset.done $0x0  }
0x22c: {  	[sflag:s25] =	ssyncadd.s32 $0xFFFFC000  }
0x22d: {  	[tilespmem:s21], [sflag:$0x2] =	stream.indirect.gather [hbm4b:s4+s20], $0x80, s16, s20, $0xb8;
	[tilespmem:$0x1D400] =	vst v63  }
0x22e: {  	_ =	swait.ge [sflag:s22], $0x4000  }
0x22f: {  	[sflag:s22] =	ssyncset.done $0x0  }
0x230: {  	[sflag:s22] =	ssyncadd.s32 $0xFFFFC000  }
0x231: {  	[spmem:s2] =	stream.indirect.scatter.add.f32 [tilespmem:s17], [sflag:$0x3], $0x80, s6, s20, $0xb8;
	[tilespmem:$0x1D400] =	vst v63  }
0x232: {  	_ =	swait.ge [sflag:s24], $0x4000  }
0x233: {  	[sflag:s24] =	ssyncset.done $0x0  }
0x234: {  	[sflag:s24] =	ssyncadd.s32 $0xFFFFC000  }
0x235: {  	[spmem:s2] =	stream.indirect.scatter.add.f32 [tilespmem:s21], [sflag:$0x4], $0x80, s7, s20, $0xb8;
	[tilespmem:$0x1D400] =	vst v63  }
0x236: {  	_ =	swait.ge [sflag:s23], $0x4000  }
0x237: {  	[sflag:s23] =	ssyncset.done $0x0  }
0x238: {  	[sflag:s23] =	ssyncadd.s32 $0xFFFFC000  }
0x239: {  	_ =	swait.ge [sflag:s25], $0x4000  }
0x23a: {  	[sflag:s25] =	ssyncset.done $0x0  }
0x23b: {  	[sflag:s25] =	ssyncadd.s32 $0xFFFFC000  }
0x23c: {  	[bflag:$0x0] =	sbarrier.arrive $0xFFFF  }
0x23d: {  	s8 =	stileid.u32;
	s10 =	sld [smem:$0x7F8]  }
0x23e: {  	s3 =	sshll.u32 s8, $0x6;
	s9 =	rddreg [dreg:$0x1c]  }
0x23f: {  	s3 =	sor.u32 $0x1C05, s3;
	s8 =	sshrl.u32 s9, $0x3  }
0x240: {  	[hbm:s10], [sflag:s3] =	dma.local [spmem:s8], $0x800  }
0x241: {  	_ =	swait.ge [sflag:s18], $0x800  }
0x242: {  	s10 =	sld [smem:$0x7F9]  }
0x243: {  	[sflag:s18] =	ssyncset.done $0x0;
	s9 =	rddreg [dreg:$0x1d]  }
0x244: {  	[sflag:s18] =	ssyncadd.s32 $0xFFFFF800;
	s26 =	sshrl.u32 s9, $0x3  }
0x245: {  	[hbm:s10], [sflag:s3] =	dma.local [spmem:s26], $0x800  }
0x246: {  	_ =	swait.ge [sflag:s18], $0x800  }
0x247: {  	s26 =	sld [smem:$0x7FA]  }
0x248: {  	[sflag:s18] =	ssyncset.done $0x0;
	s10 =	rddreg [dreg:$0x1e]  }
0x249: {  	[sflag:s18] =	ssyncadd.s32 $0xFFFFF800;
	s8 =	sshrl.u32 s10, $0x3  }
0x24a: {  	[hbm:s26], [sflag:s3] =	dma.local [spmem:s8], $0x800  }
0x24b: {  	_ =	swait.ge [sflag:s18], $0x800  }
0x24c: {  	s26 =	rddreg [dreg:$0x1f]  }
0x24d: {  	s8 =	sshrl.u32 s26, $0x3;
	s26 =	sld [smem:$0x7FB]  }
0x24e: {  	[sflag:s18] =	ssyncset.done $0x0  }
0x24f: {  	[sflag:s18] =	ssyncadd.s32 $0xFFFFF800  }
0x250: {  	[hbm:s26], [sflag:s3] =	dma.local [spmem:s8], $0x800  }
0x251: {  	_ =	swait.ge [sflag:s18], $0x800  }
0x252: {  	s26 =	sld [smem:$0x7F7];
	_ =	sdelay $0x2  }
0x253: {  	s8 =	sshrl.u32 s26, $0x3;
	s26 =	sld [smem:$0x7FC]  }
0x254: {  	[sflag:s18] =	ssyncset.done $0x0  }
0x255: {  	[sflag:s18] =	ssyncadd.s32 $0xFFFFF800  }
0x256: {  	[hbm:s26], [sflag:s3] =	dma.local [spmem:s8], $0x800  }
0x257: {  	s26 =	rddreg [dreg:$0x1c];
	_ =	swait.ge [sflag:s18], $0x800  }
0x258: {  	s3 =	sld [smem:$0x7F6];
	_ =	sdelay $0x2  }
0x259: {  	s8 =	sadd.s32 $0x1, s3;
	s3 =	sld [smem:$0x7FD];
	_ =	sdelay $0x2  }
0x25a: {  	p0 =	sne.s32 s8, s3  }
.Ltmp1:
0x25b: {  	_ = 	snop;
	(pc) =	sbr.rel @p0 .LBB2_1-.Ltmp1, $3  }
0x25c: {  	_ =	sdelay $0x1  }
0x25d: {  	[sflag:s18] =	ssyncset.done $0x0  }
0x25e: {  	[sflag:s18] =	ssyncadd.s32 $0xFFFFF800  }
0x25f: {  	_ =	sfence.sel $0x180000  }
0x260: {  	[bflag:$0x0] =	sbarrier.arrive $0xFFFF  }
0x261: {  	_ =	strace $0x9000004D  }
0x262: {  	s0 =	stileid.u32;
	[bflag:$0x2] =	sbarrier.arrive $0xFFFF  }
0x263: {  	p0 =	sne.s32 s0, $0x0;
	s0 =	rddreg [dreg:$0x2]  }
0x264: {  	s0 =	sadd.s32 @!p0 $0x100000, s0  }
0x265: {  	[sflag:s0] =	ssyncadd.tile.s32 @!p0 $0x1;
	_ =	shalt  }
.Lfunc_end2:
_tile_overlayer_lowered:
.L_overlay_start_2:
0x266: {  	(tag) =	ssettag $0x2  }
0x267: {  	s0 =	rddreg [dreg:$0x0];
	s2 =	stileid.u32  }
0x268: {  	s1 =	rddreg [dreg:$0x1];
	p0 =	sne.s32 s2, $0x0  }
0x269: {  	s3 =	rddreg [dreg:$0x2];
	[bflag:$0x3] =	sbarrier.arrive $0xFFFF;
	s2 =	simm.s32 @!p0 $0x1C05  }
0x26a: {  	[timem:s3], [sflag:s2] =	dma.local @!p0 [hbm:s0], s1  }
0x26b: {  	s0 =	simm.s32 @!p0 $0x5  }
0x26c: {  	_ =	swait.ge @!p0 [sflag:s0], s1  }
0x26d: {  	s1 =	ssub.s32 @!p0 $0x0, s1;
	[sflag:s0] =	ssyncset.done @!p0 $0x0  }
0x26e: {  	[sflag:s0] =	ssyncadd.s32 @!p0 s1  }
0x26f: {  	[bflag:$0x3] =	sbarrier.arrive $0xFFFF  }
0x270: {  	_ =	shalt  }

// kernel: kernel.8.cloned.1.call-start
scs
__scs_entry_jumppad:
0x0: {  	(pc) =	sbr.rel $0x88, $3  }
0x1: {  	(tag) =	ssettag $0x0;
	lr =	simm.s32 $0x1  }
0x2: {  	[smem:$0x3F98] =	sst lr;
	_ =	strace $0xD0000000  }
0x3: {  	_ = 	snop  }
0x4: {  	_ = 	snop  }
0x5: {  	_ = 	snop  }
0x6: {  	_ = 	snop  }
0x7: {  	_ = 	snop  }
__scs_overlays_trampoline_lowered:
0x8: {  	[smem:$0x3FA7] =	sst s0  }
0x9: {  	[smem:$0x3FA8] =	sst s1  }
0xa: {  	[smem:$0x3FA9] =	sst s2  }
0xb: {  	[smem:$0x3FAA] =	sst s3  }
0xc: {  	[smem:$0x3FAB] =	sst s4  }
0xd: {  	[smem:$0x3FAC] =	sst s5  }
0xe: {  	[smem:$0x3FAD] =	sst s6  }
0xf: {  	[smem:$0x3FAE] =	sst s7  }
0x10: {  	[smem:$0x3FAF] =	sst s8  }
0x11: {  	[smem:$0x3FB0] =	sst s9;
	s0 =	simm.s32 @!p0 $0x0  }
0x12: {  	s1 =	sld [smem:$0x3F96];
	s0 =	simm.s32 @p0 $0x1  }
0x13: {  	[smem:$0x3FB1] =	sst s0;
	s0 =	simm.s32 @!p1 $0x0  }
0x14: {  	s2 =	sld [smem:$0x3F95];
	s0 =	simm.s32 @p1 $0x1  }
0x15: {  	[smem:$0x3FB2] =	sst s0;
	s0 =	simm.s32 @!p2 $0x0  }
0x16: {  	s3 =	sld [smem:$0x3FDB];
	s0 =	simm.s32 @p2 $0x1  }
0x17: {  	s4 =	simm.s32 $0x1BF5;
	[smem:$0x3FB4] =	sst s0  }
0x18: {  	s0 =	sld [smem:$0x3F97];
	_ =	swait.ge [sflag:s4], $0x0  }
0x19: {  	s7 =	sld [smem:$0x3F98]  }
0x1a: {  	s8 =	sadd.s32 $0xFFFFE003, lr  }
0x1b: {  	s9 =	sadd.s32 $0xFFFFFEF7, lr;
	s5 =	simm.s32 $0xFFFFFFFF;
	p2 =	slt.u32 s8, $0xFFFFF086  }
0x1c: {  	p1 =	slt.u32 s9, $0xF7A;
	s5 =	simm.s32 @!p2 $0x0  }
0x1d: {  	s5 =	simm.s32 @p1 $0x1;
	p0 =	seq.s32 s7, s2  }
0x1e: {  	s7 =	smul.u32 @!p0 $0xF7A, s2;
	p2 =	seq.s32 @!p0 s5, $0x0  }
0x1f: {  	s9 =	smul.u32 $0xF7A, s1;
	s8 =	simm.s32 @!p0 $0x1BF5;
	p2 =	por !p2, p0  }
0x20: {  	[sflag:s8] =	ssyncset.s32 @!p0 $0xFFFFF086;
	s6 =	sadd.s32 @!p0 s3, s7;
	s7 =	simm.s32 @!p0 $0x108  }
0x21: {  	s3 =	sadd.s32 s3, s9;
	s6 =	sadd.s32 @!p0 $0x88, s6;
	s7 =	simm.s32 @p2 $0x1082  }
0x22: {  	[simem:s7], [sflag:s8] =	dma.local @!p0 [hbm:s6], $0xF7A  }
0x23: {  	s9 =	sor.u32 $0xD0000000, s2;
	s6 =	simm.s32 $0x108;
	_ =	swait.ge @!p0 [sflag:s8], $0x0  }
0x24: {  	s3 =	sadd.s32 $0x88, s3;
	s6 =	simm.s32 @!p1 $0x1082;
	[sflag:s4] =	ssyncset.s32 $0xFFFFF086  }
0x25: {  	[simem:s6], [sflag:s4] =	dma.local [hbm:s3], $0xF7A  }
0x26: {  	[smem:$0x3F98] =	sst s1;
	(tag) =	ssettag s2;
	_ =	strace s9  }
0x27: {  	s1 =	sld [smem:$0x3FA8]  }
0x28: {  	s2 =	sld [smem:$0x3FA9]  }
0x29: {  	s4 =	sld [smem:$0x3FAB]  }
0x2a: {  	p0 =	seq.s32 s5, $0x0;
	s5 =	sld [smem:$0x3FAC]  }
0x2b: {  	s6 =	sld [smem:$0x3FAD]  }
0x2c: {  	s7 =	sld [smem:$0x3FAE]  }
0x2d: {  	s3 =	simm.s32 $0x108;
	s8 =	sld [smem:$0x3FAF]  }
0x2e: {  	s3 =	simm.s32 @!p0 $0x1082;
	s9 =	sld [smem:$0x3FB0]  }
0x2f: {  	lr =	sadd.s32 s0, s3;
	s0 =	sld [smem:$0x3FA7]  }
0x30: {  	s3 =	sld [smem:$0x3FAA]  }
0x31: {  	[smem:$0x3FB3] =	sst s10  }
0x32: {  	s10 =	sld [smem:$0x3FB1];
	_ =	sdelay $0x3  }
0x33: {  	p0 =	seq.s32 s10, $0x1;
	s10 =	sld [smem:$0x3FB3];
	_ =	sdelay $0x3  }
0x34: {  	[smem:$0x3FB3] =	sst s10  }
0x35: {  	s10 =	sld [smem:$0x3FB2];
	_ =	sdelay $0x3  }
0x36: {  	p1 =	seq.s32 s10, $0x1;
	s10 =	sld [smem:$0x3FB3];
	_ =	sdelay $0x3  }
0x37: {  	[smem:$0x3FB3] =	sst s10  }
0x38: {  	s10 =	sld [smem:$0x3FB4]  }
0x39: {  	_ = 	snop;
	(pc) =	sbr.ind lr, $3  }
0x3a: {  	_ = 	snop  }
0x3b: {  	_ = 	snop  }
0x3c: {  	p2 =	seq.s32 s10, $0x1;
	s10 =	sld [smem:$0x3FB3]  }
0x3d: {  	_ =	shalt  }
0x3e: {  	_ =	shalt  }
0x3f: {  	_ =	shalt  }
0x40: {  	_ =	shalt  }
0x41: {  	_ =	shalt  }
0x42: {  	_ =	shalt  }
0x43: {  	_ =	shalt  }
0x44: {  	_ =	shalt  }
0x45: {  	_ =	shalt  }
0x46: {  	_ =	shalt  }
0x47: {  	_ =	shalt  }
0x48: {  	_ =	shalt  }
0x49: {  	_ =	shalt  }
0x4a: {  	_ =	shalt  }
0x4b: {  	_ =	shalt  }
0x4c: {  	_ =	shalt  }
0x4d: {  	_ =	shalt  }
0x4e: {  	_ =	shalt  }
0x4f: {  	_ =	shalt  }
0x50: {  	_ =	shalt  }
0x51: {  	_ =	shalt  }
0x52: {  	_ =	shalt  }
0x53: {  	_ =	shalt  }
0x54: {  	_ =	shalt  }
0x55: {  	_ =	shalt  }
0x56: {  	_ =	shalt  }
0x57: {  	_ =	shalt  }
0x58: {  	_ =	shalt  }
0x59: {  	_ =	shalt  }
0x5a: {  	_ =	shalt  }
0x5b: {  	_ =	shalt  }
0x5c: {  	_ =	shalt  }
0x5d: {  	_ =	shalt  }
0x5e: {  	_ =	shalt  }
0x5f: {  	_ =	shalt  }
0x60: {  	_ =	shalt  }
0x61: {  	_ =	shalt  }
0x62: {  	_ =	shalt  }
0x63: {  	_ =	shalt  }
0x64: {  	_ =	shalt  }
0x65: {  	_ =	shalt  }
0x66: {  	_ =	shalt  }
0x67: {  	_ =	shalt  }
0x68: {  	_ =	shalt  }
0x69: {  	_ =	shalt  }
0x6a: {  	_ =	shalt  }
0x6b: {  	_ =	shalt  }
0x6c: {  	_ =	shalt  }
0x6d: {  	_ =	shalt  }
0x6e: {  	_ =	shalt  }
0x6f: {  	_ =	shalt  }
0x70: {  	_ =	shalt  }
0x71: {  	_ =	shalt  }
0x72: {  	_ =	shalt  }
0x73: {  	_ =	shalt  }
0x74: {  	_ =	shalt  }
0x75: {  	_ =	shalt  }
0x76: {  	_ =	shalt  }
0x77: {  	_ =	shalt  }
0x78: {  	_ =	shalt  }
0x79: {  	_ =	shalt  }
0x7a: {  	_ =	shalt  }
0x7b: {  	_ =	shalt  }
0x7c: {  	_ =	shalt  }
0x7d: {  	_ =	shalt  }
0x7e: {  	_ =	shalt  }
0x7f: {  	_ =	shalt  }
0x80: {  	_ =	shalt  }
0x81: {  	_ =	shalt  }
0x82: {  	_ =	shalt  }
0x83: {  	_ =	shalt  }
0x84: {  	_ =	shalt  }
0x85: {  	_ =	shalt  }
0x86: {  	_ =	shalt  }
0x87: {  	_ =	shalt  }
.Lfunc_end0:
.L_simem_size_0:
called_computation_lowered:
.L_overlay_start_0:
0x88: {  	s2 =	sld [smem:$0x3FD9]  }
0x89: {  	s3 =	sld [smem:$0x3FFE];
	_ =	sdelay $0x1  }
0x8a: {  	s1 =	srdreg.scid  }
0x8b: {  	s0 =	sand.u32 $0x1, s1  }
0x8c: {  	s16 =	sshll.u32 s0, $0xA;
	s2 =	sadd.s32 s3, s2  }
0x8d: {  	s2 =	sadd.s32 s2, s16  }
0x8e: {  	[smem:$0x3FBF] =	sst s2  }
0x8f: {  	_ = 	snop  }
0x90: {  	(tm) =	ssettm $0x1  }
0x91: {  	s17 =	sld [smem:$0x3FFB];
	_ =	sdelay $0x3  }
0x92: {  	_ =	strace s17  }
0x93: {  	s2 =	sld [smem:$0x3FFC];
	_ =	sdelay $0x3  }
0x94: {  	_ =	strace s2  }
0x95: {  	s2 =	sld [smem:$0x3FFD];
	_ =	sdelay $0x3  }
0x96: {  	_ =	strace s2  }
0x97: {  	_ =	strace $0x8FFFFFFF  }
0x98: {  	s18 =	sld [smem:$0x3FDB];
	_ =	sdelay $0x1  }
0x99: {  	s19 =	simm.s32 $_scs_section_size  }
0x9a: {  	s4 =	simm.s32 $_size__tile_overlayer_lowered;
	s5 =	simm.s32 $_tile_overlayer_lowered  }
0x9b: {  	s22 =	simm.s32 $0x1BFF;
	s21 =	sshll.u32 s5, $0x1;
	s2 =	sadd.s32 s19, s18  }
0x9c: {  	s6 =	simm.s32 $0x0;
	s20 =	sshll.u32 s4, $0x1;
	s4 =	sadd.s32 s21, s2  }
0x9d: {  	[timem:s6], [sflag:s22] =	dma.local [hbm:s4], s20  }
0x9e: {  	_ =	swait.ge [sflag:s22], s20  }
0x9f: {  	s3 =	ssub.s32 $0x0, s20;
	[sflag:s22] =	ssyncset.done $0x0  }
0xa0: {  	[sflag:s22] =	ssyncadd.s32 s3;
	_ =	sdelay $0x1  }
0xa1: {  	s23 =	simm.s32 $0x1B8B  }
0xa2: {  	_ =	swait.ge [sflag:s23], $0x1  }
0xa3: {  	[sflag:s23] =	ssyncset.done $0x0  }
0xa4: {  	s25 =	simm.s32 $0x1B8E;
	s24 =	sld [smem:$0x3FFE];
	[sflag:s23] =	ssyncadd.s32 $0xFFFFFFFF  }
0xa5: {  	s26 =	simm.s32 $execute0_lowered;
	[smem:$0x3FD2] =	sst s25  }
0xa6: {  	s4 =	sshll.u32 s26, $0x1;
	_ =	strace $0x80000046;
	[dreg:$0x1] =	wrdreg $0xFFFFFFFF  }
0xa7: {  	s28 =	simm.s32 $_size_execute0_lowered;
	s2 =	sadd.s32 s2, s4;
	[dreg:$0x0] =	wrdreg $0x0  }
0xa8: {  	s4 =	sshll.u32 s28, $0x1;
	[dreg:$0x2] =	wrdreg s2  }
0xa9: {  	[dreg:$0x3] =	wrdreg s4  }
0xaa: {  	[dreg:$0x4] =	wrdreg $0xC0  }
0xab: {  	_ =	task [dreg:s6], $0x5FFFF  }
0xac: {  	[dreg:$0x1] =	wrdreg $0xFFFFFFFF  }
0xad: {  	[dreg:$0x0] =	wrdreg $0x60  }
0xae: {  	[dreg:$0x2] =	wrdreg s24  }
0xaf: {  	[dreg:$0x3] =	wrdreg $0x0  }
0xb0: {  	[dreg:$0x4] =	wrdreg $0x9  }
0xb1: {  	_ =	task.clear_ibuf [dreg:s6], $0x5FFFF;
	_ =	strace $0x90000046  }
0xb2: {  	s29 =	simm.s32 $0x9;
	_ =	strace $0x80000048  }
0xb3: {  	_ =	swait.ge [sflag:s29], $0x1  }
0xb4: {  	[sflag:s29] =	ssyncadd.s32 $0xFFFFFFFF  }
0xb5: {  	_ =	strace $0x90000048  }
0xb6: {  	_ =	sfence  }
0xb7: {  	s30 =	sld [smem:$0x0];
	_ =	sdelay $0x2  }
0xb8: {  	s31 =	sshll.u32 s1, $0xD;
	s1 =	sshrl.u32 s1, $0x2  }
0xb9: {  	s3 =	sand.u32 $0x4000, s31;
	s1 =	sadd.s32 s1, s30  }
0xba: {  	s0 =	sor.u32 s3, s0;
	s1 =	sshll.u32 s1, $0x11  }
0xbb: {  	s0 =	sor.u32 s1, s0  }
0xbc: {  	s0 =	sadd.s32 $0x8F2B, s0  }
0xbd: {  	[sflag:s0] =	ssyncadd.remote.s32 $0x1  }
0xbe: {  	_ =	sfence.sel $0xFFFF  }
0xbf: {  	[dreg:$0x0] =	wrdreg $0xFFFFFFFF;
	(pc) =	sbr.abs _section_cstart, $3  }
0xc0: {  	[dreg:$0x1] =	wrdreg $0xFFFFFFFF  }
0xc1: {  	_ =	task.clear_ibuf [dreg:s6], $0x2FFFF;
	_ =	strace $0x9FFFFFFF  }
0xc2: {  	(tm) =	ssettm $0x7FFFFFFF  }
0xc3: {  	_ =	shalt  }
tec
execute0_lowered:
.L_overlay_start_1:
0x0: {  	(tag) =	ssettag $0x1  }
0x1: {  	s0 =	srdreg.scid  }
0x2: {  	s10 =	stileid.u32;
	s1 =	rddreg [dreg:$0x0]  }
0x3: {  	s2 =	rddreg [dreg:$0x1];
	s19 =	simm.s32 $0x5;
	s20 =	simm.s32 $0x19000  }
0x4: {  	s21 =	simm.s32 $0x80;
	s22 =	simm.s32 $0x14080;
	s23 =	simm.s32 $0x14180  }
0x5: {  	s24 =	simm.s32 $0x14280;
	s28 =	simm.s32 $0x2;
	s29 =	simm.s32 $0x3  }
0x6: {  	s30 =	simm.s32 $0x4;
	s31 =	simm.s32 $0x0;
	s8 =	smul.u32 $0x50000, s10  }
0x7: {  	s0 =	sand.u32 $0x1, s0;
	s3 =	sshll.u32 s10, $0x1;
	s11 =	smul.u32 $0x14000, s10  }
0x8: {  	s4 =	sor.u32 s0, s3;
	s7 =	ssub.s32 $0x2, s0;
	s0 =	smul.u32 $0x140000, s0  }
0x9: {  	s5 =	sadd.s32 $0x17200, s1;
	s3 =	simm.s32 $0x0;
	s4 =	smul.u32 $0xA00, s4  }
0xa: {  	[smem:$0x7FF] =	sst s3;
	s9 =	sshrl.u32 s7, $0x1;
	s25 =	sshrl.u32 s8, $0x2  }
0xb: {  	s12 =	sadd.s32 $0x4000, s11;
	s14 =	sadd.s32 $0x8000, s11;
	s15 =	sadd.s32 $0xC000, s11  }
0xc: {  	s16 =	sadd.s32 $0x10000, s11;
	_ =	strace $0x80000047;
	s17 =	ssub.s32 s7, s9  }
0xd: {  	s7 =	sadd.s32 s25, s2;
	s8 =	sadd.s32 s12, s2;
	s9 =	sadd.s32 s14, s2  }
0xe: {  	s10 =	sadd.s32 s15, s2;
	s13 =	sadd.s32 s11, s0;
	s18 =	sadd.s32 s0, s12  }
0xf: {  	s11 =	sadd.s32 s16, s2;
	s14 =	sadd.s32 s0, s14;
	s15 =	sadd.s32 s0, s15  }
0x10: {  	s0 =	sadd.s32 s0, s16;
	s25 =	simm.s32 $0x14380;
	s6 =	sadd.s32 s4, s1  }
0x11: {  	s4 =	sadd.s32 $0x16A00, s1;
	s1 =	sadd.s32 $0x17A00, s1;
	s13 =	sshrl.u32 s13, $0x3  }
0x12: {  	s26 =	sshrl.u32 s18, $0x3;
	s14 =	sshrl.u32 s14, $0x3;
	s15 =	sshrl.u32 s15, $0x3  }
0x13: {  	s0 =	sshrl.u32 s0, $0x3;
	s17 =	smax.u32 s17, $0x1;
	s6 =	sadd.s32 $0x2A00, s6  }
0x14: {  	s12 =	sadd.s32 s1, s13;
	s13 =	sadd.s32 s1, s26;
	s14 =	sadd.s32 s1, s14  }
0x15: {  	s15 =	sadd.s32 s1, s15;
	s16 =	sadd.s32 s1, s0;
	s26 =	simm.s32 $0x1  }
.LBB2_1:
0x16: {  	s0 =	simm.s32 $0x14000  }
0x17: {  	[tilespmem:s0], [sflag:$0x5] =	stream.linear.gather [hbm4b:s6+s3], $0x5000, $0x38;
	[tilespmem:$0x1D000] =	vst v63  }
0x18: {  	_ =	swait.ge [sflag:s19], $0x5000  }
0x19: {  	[sflag:s19] =	ssyncset.done $0x0  }
0x1a: {  	[sflag:s19] =	ssyncadd.s32 $0xFFFFB000  }
0x1b: {  	[tilespmem:s20], [sflag:$0x5] =	stream.linear.gather [hbm4b:s5+s3], $0x4000, $0x38;
	[tilespmem:$0x1D000] =	vst v63  }
0x1c: {  	_ =	swait.ge [sflag:s19], $0x4000  }
0x1d: {  	[sflag:s19] =	ssyncset.done $0x0  }
0x1e: {  	[sflag:s19] =	ssyncadd.s32 $0xFFFFC000  }
0x1f: {  	[spmem:s7] =	stream.linear.scatter [tilespmem:s20], [sflag:$0x5], $0x4000, $0x38;
	[tilespmem:$0x1D000] =	vst v63  }
0x20: {  	_ =	swait.ge [sflag:s19], $0x4000  }
0x21: {  	[sflag:s19] =	ssyncset.done $0x0  }
0x22: {  	[sflag:s19] =	ssyncadd.s32 $0xFFFFC000  }
0x23: {  	[spmem:s8] =	stream.linear.scatter [tilespmem:s20], [sflag:$0x5], $0x4000, $0x38;
	[tilespmem:$0x1D000] =	vst v63  }
0x24: {  	_ =	swait.ge [sflag:s19], $0x4000  }
0x25: {  	[sflag:s19] =	ssyncset.done $0x0  }
0x26: {  	[sflag:s19] =	ssyncadd.s32 $0xFFFFC000  }
0x27: {  	[spmem:s9] =	stream.linear.scatter [tilespmem:s20], [sflag:$0x5], $0x4000, $0x38;
	[tilespmem:$0x1D000] =	vst v63  }
0x28: {  	_ =	swait.ge [sflag:s19], $0x4000  }
0x29: {  	[sflag:s19] =	ssyncset.done $0x0  }
0x2a: {  	[sflag:s19] =	ssyncadd.s32 $0xFFFFC000  }
0x2b: {  	[spmem:s10] =	stream.linear.scatter [tilespmem:s20], [sflag:$0x5], $0x4000, $0x38;
	[tilespmem:$0x1D000] =	vst v63  }
0x2c: {  	_ =	swait.ge [sflag:s19], $0x4000  }
0x2d: {  	[sflag:s19] =	ssyncset.done $0x0  }
0x2e: {  	[sflag:s19] =	ssyncadd.s32 $0xFFFFC000  }
0x2f: {  	[spmem:s11] =	stream.linear.scatter [tilespmem:s20], [sflag:$0x5], $0x4000, $0x38;
	[tilespmem:$0x1D000] =	vst v63  }
0x30: {  	_ =	swait.ge [sflag:s19], $0x4000  }
0x31: {  	[sflag:s19] =	ssyncset.done $0x0  }
0x32: {  	[sflag:s19] =	ssyncadd.s32 $0xFFFFC000  }
0x33: {  	[tilespmem:s20], [sflag:$0x5] =	stream.linear.gather [hbm4b:s4+s3], $0x4000, $0x38;
	[tilespmem:$0x1D000] =	vst v63  }
0x34: {  	_ =	swait.ge [sflag:s19], $0x4000  }
0x35: {  	[sflag:s19] =	ssyncset.done $0x0  }
0x36: {  	[sflag:s19] =	ssyncadd.s32 $0xFFFFC000  }
0x37: {  	[bflag:$0x0] =	sbarrier.arrive $0xFFFF  }
0x38: {  	[spmem:s2] =	stream.indirect.scatter.add.f32 [tilespmem:s20], [sflag:$0x1], $0x80, s22, s21, $0xb8;
	[tilespmem:$0x1D000] =	vst v63  }
0x39: {  	_ = 	snop  }
0x3a: {  	[spmem:s2] =	stream.indirect.scatter.add.f32 [tilespmem:s20], [sflag:$0x2], $0x80, s23, s21, $0xb8;
	[tilespmem:$0x1D000] =	vst v63  }
0x3b: {  	_ = 	snop  }
0x3c: {  	[spmem:s2] =	stream.indirect.scatter.add.f32 [tilespmem:s20], [sflag:$0x3], $0x80, s24, s21, $0xb8;
	[tilespmem:$0x1D000] =	vst v63  }
0x3d: {  	_ = 	snop  }
0x3e: {  	[spmem:s2] =	stream.indirect.scatter.add.f32 [tilespmem:s20], [sflag:$0x4], $0x80, s25, s21, $0xb8;
	[tilespmem:$0x1D000] =	vst v63  }
0x3f: {  	_ =	swait.ge [sflag:s26], $0x4000  }
0x40: {  	[sflag:s26] =	ssyncset.done $0x0  }
0x41: {  	s18 =	simm.s32 $0x14480;
	[sflag:s26] =	ssyncadd.s32 $0xFFFFC000  }
0x42: {  	[spmem:s2] =	stream.indirect.scatter.add.f32 [tilespmem:s20], [sflag:$0x1], $0x80, s18, s21, $0xb8;
	[tilespmem:$0x1D000] =	vst v63  }
0x43: {  	_ =	swait.ge [sflag:s28], $0x4000  }
0x44: {  	[sflag:s28] =	ssyncset.done $0x0  }
0x45: {  	s1 =	simm.s32 $0x14580;
	[sflag:s28] =	ssyncadd.s32 $0xFFFFC000  }
0x46: {  	[spmem:s2] =	stream.indirect.scatter.add.f32 [tilespmem:s20], [sflag:$0x2], $0x80, s1, s21, $0xb8;
	[tilespmem:$0x1D000] =	vst v63  }
0x47: {  	_ =	swait.ge [sflag:s29], $0x4000  }
0x48: {  	[sflag:s29] =	ssyncset.done $0x0  }
0x49: {  	s18 =	simm.s32 $0x14680;
	[sflag:s29] =	ssyncadd.s32 $0xFFFFC000  }
0x4a: {  	[spmem:s2] =	stream.indirect.scatter.add.f32 [tilespmem:s20], [sflag:$0x3], $0x80, s18, s21, $0xb8;
	[tilespmem:$0x1D000] =	vst v63  }
0x4b: {  	_ =	swait.ge [sflag:s30], $0x4000  }
0x4c: {  	[sflag:s30] =	ssyncset.done $0x0  }
0x4d: {  	s0 =	simm.s32 $0x14780;
	s1 =	simm.s32 $0xFFFEE000;
	[sflag:s30] =	ssyncadd.s32 $0xFFFFC000  }
.LBB2_2:
0x4e: {  	[spmem:s2] =	stream.indirect.scatter.add.f32 [tilespmem:s20], [sflag:$0x4], $0x80, s0, s21, $0xb8;
	[tilespmem:$0x1D000] =	vst v63  }
0x4f: {  	s0 =	smov.u32 s1  }
0x50: {  	p0 =	sne.s32 s1, $0xFFFFF000;
	s1 =	sadd.s32 $0x1000, s1;
	_ =	swait.ge [sflag:s26], $0x4000  }
0x51: {  	s0 =	sshra.s32 s0, $0x2;
	[sflag:s26] =	ssyncset.done $0x0  }
0x52: {  	s18 =	sadd.s32 $0x19080, s0;
	[sflag:s26] =	ssyncadd.s32 $0xFFFFC000  }
0x53: {  	[spmem:s2] =	stream.indirect.scatter.add.f32 [tilespmem:s20], [sflag:$0x1], $0x80, s18, s21, $0xb8;
	[tilespmem:$0x1D000] =	vst v63  }
0x54: {  	_ =	swait.ge [sflag:s28], $0x4000  }
0x55: {  	[sflag:s28] =	ssyncset.done $0x0  }
0x56: {  	s18 =	sadd.s32 $0x19180, s0;
	[sflag:s28] =	ssyncadd.s32 $0xFFFFC000  }
0x57: {  	[spmem:s2] =	stream.indirect.scatter.add.f32 [tilespmem:s20], [sflag:$0x2], $0x80, s18, s21, $0xb8;
	[tilespmem:$0x1D000] =	vst v63  }
0x58: {  	_ =	swait.ge [sflag:s29], $0x4000  }
0x59: {  	[sflag:s29] =	ssyncset.done $0x0  }
.Ltmp0:
0x5a: {  	s18 =	sadd.s32 $0x19280, s0;
	[sflag:s29] =	ssyncadd.s32 $0xFFFFC000;
	(pc) =	sbr.rel @p0 .LBB2_2-.Ltmp0, $4  }
0x5b: {  	[spmem:s2] =	stream.indirect.scatter.add.f32 [tilespmem:s20], [sflag:$0x3], $0x80, s18, s21, $0xb8;
	[tilespmem:$0x1D000] =	vst v63  }
0x5c: {  	_ =	swait.ge [sflag:s30], $0x4000  }
0x5d: {  	[sflag:s30] =	ssyncset.done $0x0  }
0x5e: {  	s0 =	sadd.s32 $0x19380, s0;
	[sflag:s30] =	ssyncadd.s32 $0xFFFFC000  }
0x5f: {  	[spmem:s2] =	stream.indirect.scatter.add.f32 [tilespmem:s20], [sflag:$0x4], $0x80, s0, s21, $0xb8;
	[tilespmem:$0x1D000] =	vst v63  }
0x60: {  	_ =	swait.ge [sflag:s26], $0x4000  }
0x61: {  	[sflag:s26] =	ssyncset.done $0x0  }
0x62: {  	[sflag:s26] =	ssyncadd.s32 $0xFFFFC000  }
0x63: {  	_ =	swait.ge [sflag:s28], $0x4000  }
0x64: {  	[sflag:s28] =	ssyncset.done $0x0  }
0x65: {  	[sflag:s28] =	ssyncadd.s32 $0xFFFFC000  }
0x66: {  	_ =	swait.ge [sflag:s29], $0x4000  }
0x67: {  	[sflag:s29] =	ssyncset.done $0x0  }
0x68: {  	[sflag:s29] =	ssyncadd.s32 $0xFFFFC000  }
0x69: {  	_ =	swait.ge [sflag:s30], $0x4000  }
0x6a: {  	s1 =	stileid.u32;
	[sflag:s30] =	ssyncset.done $0x0  }
0x6b: {  	s0 =	sshll.u32 s1, $0x6;
	[sflag:s30] =	ssyncadd.s32 $0xFFFFC000  }
0x6c: {  	s1 =	sshrl.u32 s7, $0x3;
	s0 =	sor.u32 $0x1C05, s0;
	[bflag:$0x0] =	sbarrier.arrive $0xFFFF  }
0x6d: {  	[hbm:s12], [sflag:s0] =	dma.local [spmem:s1], $0x800  }
0x6e: {  	_ =	swait.ge [sflag:s19], $0x800  }
0x6f: {  	[sflag:s19] =	ssyncset.done $0x0  }
0x70: {  	s18 =	sshrl.u32 s8, $0x3;
	[sflag:s19] =	ssyncadd.s32 $0xFFFFF800  }
0x71: {  	[hbm:s13], [sflag:s0] =	dma.local [spmem:s18], $0x800  }
0x72: {  	_ =	swait.ge [sflag:s19], $0x800  }
0x73: {  	[sflag:s19] =	ssyncset.done $0x0  }
0x74: {  	s18 =	sshrl.u32 s9, $0x3;
	[sflag:s19] =	ssyncadd.s32 $0xFFFFF800  }
0x75: {  	[hbm:s14], [sflag:s0] =	dma.local [spmem:s18], $0x800  }
0x76: {  	_ =	swait.ge [sflag:s19], $0x800  }
0x77: {  	[sflag:s19] =	ssyncset.done $0x0  }
0x78: {  	s18 =	sshrl.u32 s10, $0x3;
	[sflag:s19] =	ssyncadd.s32 $0xFFFFF800  }
0x79: {  	[hbm:s15], [sflag:s0] =	dma.local [spmem:s18], $0x800  }
0x7a: {  	s31 =	sadd.s32 $0x1, s31;
	_ =	swait.ge [sflag:s19], $0x800  }
0x7b: {  	p0 =	sne.s32 s31, s17;
	[sflag:s19] =	ssyncset.done $0x0  }
.Ltmp1:
0x7c: {  	s18 =	sshrl.u32 s11, $0x3;
	[sflag:s19] =	ssyncadd.s32 $0xFFFFF800;
	(pc) =	sbr.rel @p0 .LBB2_1-.Ltmp1, $4  }
0x7d: {  	[hbm:s16], [sflag:s0] =	dma.local [spmem:s18], $0x800  }
0x7e: {  	_ =	swait.ge [sflag:s19], $0x800  }
0x7f: {  	[sflag:s19] =	ssyncset.done $0x0  }
0x80: {  	[sflag:s19] =	ssyncadd.s32 $0xFFFFF800  }
0x81: {  	_ =	sfence.sel $0x180000  }
0x82: {  	[bflag:$0x0] =	sbarrier.arrive $0xFFFF  }
0x83: {  	_ =	strace $0x90000047  }
0x84: {  	s0 =	stileid.u32;
	[bflag:$0x2] =	sbarrier.arrive $0xFFFF  }
0x85: {  	p0 =	sne.s32 s0, $0x0;
	s0 =	rddreg [dreg:$0x2]  }
0x86: {  	s0 =	sadd.s32 @!p0 $0x100000, s0  }
0x87: {  	[sflag:s0] =	ssyncadd.tile.s32 @!p0 $0x1;
	_ =	shalt  }
.Lfunc_end2:
_tile_overlayer_lowered:
.L_overlay_start_2:
0x88: {  	(tag) =	ssettag $0x2  }
0x89: {  	s0 =	rddreg [dreg:$0x0];
	s2 =	stileid.u32  }
0x8a: {  	s1 =	rddreg [dreg:$0x1];
	p0 =	sne.s32 s2, $0x0  }
0x8b: {  	s3 =	rddreg [dreg:$0x2];
	[bflag:$0x3] =	sbarrier.arrive $0xFFFF;
	s2 =	simm.s32 @!p0 $0x1C05  }
0x8c: {  	[timem:s3], [sflag:s2] =	dma.local @!p0 [hbm:s0], s1  }
0x8d: {  	s0 =	simm.s32 @!p0 $0x5  }
0x8e: {  	_ =	swait.ge @!p0 [sflag:s0], s1  }
0x8f: {  	s1 =	ssub.s32 @!p0 $0x0, s1;
	[sflag:s0] =	ssyncset.done @!p0 $0x0  }
0x90: {  	[sflag:s0] =	ssyncadd.s32 @!p0 s1  }
0x91: {  	[bflag:$0x3] =	sbarrier.arrive $0xFFFF  }
0x92: {  	_ =	shalt  }

</sc_bundles>
